<compile_context>
chip_gen: v7x
topology: tpu7x:2x2x1
jax: 0.10.2.dev20260603
libtpu: 0.0.44.dev20260713+nightly
codegen_flags: <defaults>
</compile_context>

<pallas_src>
import functools

import jax
import jax.numpy as jnp
from jax import lax
from jax.experimental import pallas as pl
from jax.experimental.pallas import tpu as pltpu
from jax.experimental.pallas import tpu_sc as plsc

N_NODES = 10000
N_EDGES = 320000
D = 128
N_REL = 6

NC = 2
NS = 16
NW = NC * NS

CHUNK = 64
GROUPS = CHUNK // 16
CHUNKS_PER_W = 158
EPW = CHUNKS_PER_W * CHUNK
E_PAD = NW * EPW
NLANE = 16
KBLK = D // NLANE
IDXB = 3 * CHUNK


def _make_sc_kernel():
    mesh = plsc.VectorSubcoreMesh(
        core_axis_name="c", subcore_axis_name="s",
        num_cores=NC, num_subcores=NS)

    kernel_wrap = functools.partial(
        pl.kernel,
        out_type=jax.ShapeDtypeStruct((E_PAD,), jnp.float32),
        mesh=mesh,
        scratch_types=[
            pltpu.VMEM((IDXB,), jnp.int32),
            pltpu.VMEM((IDXB,), jnp.int32),
            pltpu.VMEM((CHUNK, D), jnp.float32),
            pltpu.VMEM((CHUNK, D), jnp.float32),
            pltpu.VMEM((CHUNK, D), jnp.float32),
            pltpu.VMEM((CHUNK, D), jnp.float32),
            pltpu.VMEM((N_REL * D,), jnp.float32),
            pltpu.VMEM((NLANE, NLANE + 1), jnp.float32),
            pltpu.VMEM((CHUNK,), jnp.float32),
            pltpu.VMEM((CHUNK,), jnp.float32),
            pltpu.SemaphoreType.DMA,
            pltpu.SemaphoreType.DMA,
            pltpu.SemaphoreType.DMA,
            pltpu.SemaphoreType.DMA,
            pltpu.SemaphoreType.DMA,
            pltpu.SemaphoreType.DMA,
            pltpu.VMEM_SHARED((N_NODES, D), jnp.float32),
        ],
        compiler_params=pltpu.CompilerParams(needs_layout_passes=False),
    )

    def distmult(h_hbm, idx_hbm, w_hbm, out_hbm,
                 idx_a, idx_b, rows_sa, rows_ta, rows_sb, rows_tb,
                 w_v, tbuf, out_a, out_b,
                 sem_ra, sem_rb, sem_ia, sem_ib, sem_oa, sem_ob, h_sp):
        cid = lax.axis_index("c")
        sid = lax.axis_index("s")
        wid = sid * NC + cid
        base_w = wid * EPW
        idx_base = wid * CHUNKS_PER_W * IDXB

        pltpu.sync_copy(w_hbm, w_v)

        @pl.when(sid == 0)
        def _stage_h():
            pltpu.sync_copy(h_hbm, h_sp)
        plsc.subcore_barrier()

        def fire_idx(ci, idx_v, sem):
            pltpu.async_copy(
                idx_hbm.at[pl.ds(idx_base + ci * IDXB, IDXB)], idx_v, sem)

        def wait_idx(idx_v, sem):
            pltpu.make_async_copy(
                idx_hbm.at[pl.ds(0, IDXB)], idx_v, sem).wait()

        def fire_rows(idx_v, rows_s, rows_t, sem):
            pltpu.async_copy(h_sp.at[idx_v.at[pl.ds(0, CHUNK)]], rows_s, sem)
            pltpu.async_copy(h_sp.at[idx_v.at[pl.ds(CHUNK, CHUNK)]], rows_t,
                             sem)

        def wait_rows(idx_v, rows_s, rows_t, sem):
            pltpu.make_async_copy(h_sp.at[idx_v.at[pl.ds(0, CHUNK)]],
                                  rows_s, sem).wait()
            pltpu.make_async_copy(h_sp.at[idx_v.at[pl.ds(0, CHUNK)]],
                                  rows_t, sem).wait()

        def fire_out(ci, out_v, sem):
            pltpu.async_copy(out_v, out_hbm.at[pl.ds(base_w + ci * CHUNK,
                                                     CHUNK)], sem)

        def wait_out(out_v, sem):
            pltpu.make_async_copy(out_v, out_hbm.at[pl.ds(0, CHUNK)],
                                  sem).wait()

        iota16 = lax.iota(jnp.int32, NLANE)

        def compute(idx_v, rows_s, rows_t, out_v):
            def group_body(g, _):
                rel_g = idx_v[pl.ds(2 * CHUNK + g * NLANE, NLANE)]
                for e in range(NLANE):
                    r = g * NLANE + e
                    wrow = rel_g[e] * D
                    acc = None
                    for k in range(KBLK):
                        wk = w_v[pl.ds(wrow + k * NLANE, NLANE)]
                        p = (rows_s[r, pl.ds(k * NLANE, NLANE)] *
                             rows_t[r, pl.ds(k * NLANE, NLANE)]) * wk
                        acc = p if acc is None else acc + p
                    tbuf[e, pl.ds(0, NLANE)] = acc
                score = plsc.load_gather(
                    tbuf, [iota16, jnp.zeros((NLANE,), jnp.int32)])
                for k in range(1, NLANE):
                    score = score + plsc.load_gather(
                        tbuf, [iota16, jnp.full((NLANE,), k, jnp.int32)])
                out_v[pl.ds(g * NLANE, NLANE)] = (
                    1.0 / (1.0 + jnp.exp(-score)))
                return 0
            lax.fori_loop(0, GROUPS, group_body, 0)

        fire_idx(0, idx_a, sem_ia)
        fire_idx(1, idx_b, sem_ib)
        wait_idx(idx_a, sem_ia)
        fire_rows(idx_a, rows_sa, rows_ta, sem_ra)
        wait_idx(idx_b, sem_ib)
        fire_rows(idx_b, rows_sb, rows_tb, sem_rb)

        def chunk_pair(j, _):
            ca = 2 * j
            wait_rows(idx_a, rows_sa, rows_ta, sem_ra)

            @pl.when(j > 0)
            def _():
                wait_out(out_a, sem_oa)
            compute(idx_a, rows_sa, rows_ta, out_a)
            fire_out(ca, out_a, sem_oa)

            @pl.when(ca + 2 < CHUNKS_PER_W)
            def _():
                fire_idx(ca + 2, idx_a, sem_ia)

            wait_rows(idx_b, rows_sb, rows_tb, sem_rb)

            @pl.when(j > 0)
            def _():
                wait_out(out_b, sem_ob)
            compute(idx_b, rows_sb, rows_tb, out_b)
            fire_out(ca + 1, out_b, sem_ob)

            @pl.when(ca + 3 < CHUNKS_PER_W)
            def _():
                fire_idx(ca + 3, idx_b, sem_ib)

            @pl.when(ca + 2 < CHUNKS_PER_W)
            def _():
                wait_idx(idx_a, sem_ia)
                fire_rows(idx_a, rows_sa, rows_ta, sem_ra)

            @pl.when(ca + 3 < CHUNKS_PER_W)
            def _():
                wait_idx(idx_b, sem_ib)
                fire_rows(idx_b, rows_sb, rows_tb, sem_rb)
            return 0

        lax.fori_loop(0, CHUNKS_PER_W // 2, chunk_pair, 0)

        wait_out(out_a, sem_oa)
        wait_out(out_b, sem_ob)

    return kernel_wrap(distmult)


_DISTMULT = _make_sc_kernel()


def kernel(h, edge_index, rel_ids, W):
    src = edge_index[0].astype(jnp.int32)
    dst = edge_index[1].astype(jnp.int32)
    rel = rel_ids.astype(jnp.int32)
    pad = E_PAD - N_EDGES
    src = jnp.concatenate([src, jnp.zeros((pad,), jnp.int32)])
    dst = jnp.concatenate([dst, jnp.zeros((pad,), jnp.int32)])
    rel = jnp.concatenate([rel, jnp.zeros((pad,), jnp.int32)])
    packed = jnp.stack([src.reshape(-1, CHUNK), dst.reshape(-1, CHUNK),
                        rel.reshape(-1, CHUNK)], axis=1).reshape(-1)
    w_flat = W.reshape(-1)
    out = _DISTMULT(h, packed, w_flat)
    return out[:N_EDGES]

# --- scband reference (transcript-rebuilt; emitter-appended) ---
"""Pipeline reference for scband-dist-mult-predictor-64501818851540 (READ-ONLY COPY).

The authoritative reference and input builder live on the scoring server;
editing this copy changes nothing except your own understanding.
"""

import jax, jax.numpy as jnp
import numpy as np

N_NODES = 10000
N_EDGES = 320000
D = 128
N_REL = 6

def setup_inputs(seed: int = 0) -> dict:
    key = jax.random.key(seed)
    k1, k2, k3, k4 = jax.random.split(key, 4)
    h = jax.random.normal(k1, (N_NODES, D), dtype=jnp.float32)
    edge_index = jax.random.randint(k2, (2, N_EDGES), 0, N_NODES, dtype=jnp.int64)
    rel_ids = jax.random.randint(k3, (N_EDGES,), 0, N_REL, dtype=jnp.int64)
    # Learned relation embedding table (w_rels in the torch module, one row per dd etype)
    W = jax.random.normal(k4, (N_REL, D), dtype=jnp.float32) * 0.1
    return {"h": h, "edge_index": edge_index, "rel_ids": rel_ids, "W": W}

def reference(h, edge_index, rel_ids, W):
    # DistMultPredictor.apply_edges over all edges of the training etypes, followed by
    # the sigmoid applied in forward(): score_e = sigmoid(sum(h_src * w_rel * h_dst)).
    src = edge_index[0]
    dst = edge_index[1]
    h_u = jnp.take(h, src, axis=0)          # gather src node embeddings [E, D]
    h_v = jnp.take(h, dst, axis=0)          # gather dst node embeddings [E, D]
    h_r = jnp.take(W, rel_ids, axis=0)      # gather per-edge relation embedding [E, D]
    score = jnp.sum(h_u * h_r * h_v, axis=1)  # DistMult trilinear score [E]
    return jax.nn.sigmoid(score)

if __name__ == "__main__":
    import jax
    _d = setup_inputs()
    print(jax.jit(kernel)(*tuple(_d.values())))

</pallas_src>

<mosaic_0001>
#map = affine_map<(d0, d1) -> (0, 0)>
#map1 = affine_map<(d0, d1) -> (0)>
module attributes {stable_mosaic.version = 14 : i64} {
  func.func @distmult(%arg0: i32, %arg1: i32, %arg2: memref<10000x128xf32, #tpu.memory_space<hbm>>, %arg3: memref<970752xi32, #tpu.memory_space<hbm>>, %arg4: memref<768xf32, #tpu.memory_space<hbm>>, %arg5: memref<323584xf32, #tpu.memory_space<hbm>>, %arg6: memref<192xi32, #tpu.memory_space<vmem>>, %arg7: memref<192xi32, #tpu.memory_space<vmem>>, %arg8: memref<64x128xf32, #tpu.memory_space<vmem>>, %arg9: memref<64x128xf32, #tpu.memory_space<vmem>>, %arg10: memref<64x128xf32, #tpu.memory_space<vmem>>, %arg11: memref<64x128xf32, #tpu.memory_space<vmem>>, %arg12: memref<768xf32, #tpu.memory_space<vmem>>, %arg13: memref<16x17xf32, #tpu.memory_space<vmem>>, %arg14: memref<64xf32, #tpu.memory_space<vmem>>, %arg15: memref<64xf32, #tpu.memory_space<vmem>>, %arg16: memref<!tpu.dma_semaphore, #tpu.memory_space<semaphore_mem>>, %arg17: memref<!tpu.dma_semaphore, #tpu.memory_space<semaphore_mem>>, %arg18: memref<!tpu.dma_semaphore, #tpu.memory_space<semaphore_mem>>, %arg19: memref<!tpu.dma_semaphore, #tpu.memory_space<semaphore_mem>>, %arg20: memref<!tpu.dma_semaphore, #tpu.memory_space<semaphore_mem>>, %arg21: memref<!tpu.dma_semaphore, #tpu.memory_space<semaphore_mem>>, %arg22: memref<10000x128xf32, #tpu.memory_space<vmem_shared>>) attributes {dimension_semantics = [#tpu.dimension_semantics<core_parallel>, #tpu.dimension_semantics<subcore_parallel>], iteration_bounds = array<i64: 2, 16>, scalar_prefetch = 0 : i64, scratch_operands = 17 : i64, tpu.core_type = #tpu.core_type<sc_vector_subcore>, window_params = [{transform_indices = #map}, {transform_indices = #map1}, {transform_indices = #map1}, {transform_indices = #map1}]} {
    %mul3A = arith.constant 2 : i32
    %mul3A_0 = arith.muli %arg1, %mul3A : i32
    %add3A = arith.addi %mul3A_0, %arg0 : i32
    %mul3A_1 = arith.constant 10112 : i32
    %mul3A_2 = arith.muli %add3A, %mul3A_1 : i32
    %mul3A_3 = arith.constant 158 : i32
    %mul3A_4 = arith.muli %add3A, %mul3A_3 : i32
    %mul3A_5 = arith.constant 192 : i32
    %mul3A_6 = arith.muli %mul3A_4, %mul3A_5 : i32
    "tpu.region"() ({
      %run_scoped3A = tpu.sem_alloc : memref<!tpu.dma_semaphore, #tpu.memory_space<semaphore_mem>>
      tpu.enqueue_dma source(%arg4 : memref<768xf32, #tpu.memory_space<hbm>>) target(%arg12 : memref<768xf32, #tpu.memory_space<vmem>>) target_semaphore(%run_scoped3A : memref<!tpu.dma_semaphore, #tpu.memory_space<semaphore_mem>>)
      tpu.wait_dma2 semaphore(%run_scoped3A : memref<!tpu.dma_semaphore, #tpu.memory_space<semaphore_mem>>) src(%arg4 : memref<768xf32, #tpu.memory_space<hbm>>) dst(%arg12 : memref<768xf32, #tpu.memory_space<vmem>>)
      tpu.yield
    }) : () -> ()
    %eq3A = arith.constant 0 : i32
    %eq3A_7 = arith.cmpi eq, %arg1, %eq3A : i32
    %convert_element_type3A = arith.extui %eq3A_7 : i1 to i32
    %cond3A = arith.constant 0 : i32
    %cond3A_8 = arith.cmpi ne, %convert_element_type3A, %cond3A : i32
    scf.if %cond3A_8 {
      "tpu.region"() ({
        %run_scoped3A = tpu.sem_alloc : memref<!tpu.dma_semaphore, #tpu.memory_space<semaphore_mem>>
        tpu.enqueue_dma source(%arg2 : memref<10000x128xf32, #tpu.memory_space<hbm>>) target(%arg22 : memref<10000x128xf32, #tpu.memory_space<vmem_shared>>) target_semaphore(%run_scoped3A : memref<!tpu.dma_semaphore, #tpu.memory_space<semaphore_mem>>)
        tpu.wait_dma2 semaphore(%run_scoped3A : memref<!tpu.dma_semaphore, #tpu.memory_space<semaphore_mem>>) src(%arg2 : memref<10000x128xf32, #tpu.memory_space<hbm>>) dst(%arg22 : memref<10000x128xf32, #tpu.memory_space<vmem_shared>>)
        tpu.yield
      }) : () -> ()
    } else {
    }
    %barrier3A = arith.constant 0 : index
    tpu.barrier barrier_id(%barrier3A)
    %iota3A = tpu.iota {dimensions = array<i32: 0>} : vector<16xi32>
    %add3A_9 = arith.constant 0 : i32
    %add3A_10 = arith.addi %mul3A_6, %add3A_9 : i32
    %dma_start3A = tpu.memref_slice %arg3[%add3A_10] : memref<970752xi32, #tpu.memory_space<hbm>> -> memref<192xi32, #tpu.memory_space<hbm>>
    %dma_start3A_11 = tpu.memref_slice %arg3[%add3A_10] : memref<970752xi32, #tpu.memory_space<hbm>> -> memref<192xi32, #tpu.memory_space<hbm>>
    tpu.enqueue_dma source(%dma_start3A_11 : memref<192xi32, #tpu.memory_space<hbm>>) target(%arg6 : memref<192xi32, #tpu.memory_space<vmem>>) target_semaphore(%arg18 : memref<!tpu.dma_semaphore, #tpu.memory_space<semaphore_mem>>)
    %add3A_12 = arith.constant 192 : i32
    %add3A_13 = arith.addi %mul3A_6, %add3A_12 : i32
    %dma_start3A_14 = tpu.memref_slice %arg3[%add3A_13] : memref<970752xi32, #tpu.memory_space<hbm>> -> memref<192xi32, #tpu.memory_space<hbm>>
    %dma_start3A_15 = tpu.memref_slice %arg3[%add3A_13] : memref<970752xi32, #tpu.memory_space<hbm>> -> memref<192xi32, #tpu.memory_space<hbm>>
    tpu.enqueue_dma source(%dma_start3A_15 : memref<192xi32, #tpu.memory_space<hbm>>) target(%arg7 : memref<192xi32, #tpu.memory_space<vmem>>) target_semaphore(%arg19 : memref<!tpu.dma_semaphore, #tpu.memory_space<semaphore_mem>>)
    %dma_wait3A = arith.constant 0 : i32
    %dma_wait3A_16 = tpu.memref_slice %arg3[%dma_wait3A] : memref<970752xi32, #tpu.memory_space<hbm>> -> memref<192xi32, #tpu.memory_space<hbm>>
    %dma_wait3A_17 = arith.constant 0 : i32
    %dma_wait3A_18 = tpu.memref_slice %arg3[%dma_wait3A_17] : memref<970752xi32, #tpu.memory_space<hbm>> -> memref<192xi32, #tpu.memory_space<hbm>>
    tpu.wait_dma2 semaphore(%arg18 : memref<!tpu.dma_semaphore, #tpu.memory_space<semaphore_mem>>) src(%dma_wait3A_18 : memref<192xi32, #tpu.memory_space<hbm>>) dst(%arg6 : memref<192xi32, #tpu.memory_space<vmem>>)
    %dma_start3A_19 = arith.constant 0 : i32
    %dma_start3A_20 = tpu.memref_slice %arg6[%dma_start3A_19] : memref<192xi32, #tpu.memory_space<vmem>> -> memref<64xi32, #tpu.memory_space<vmem>>
    %dma_start3A_21 = arith.constant 0 : i32
    %dma_start3A_22 = arith.constant 0 : i32
    %dma_start3A_23 = tpu.memref_slice %arg22[%dma_start3A_21, %dma_start3A_22] : memref<10000x128xf32, #tpu.memory_space<vmem_shared>> -> memref<10000x128xf32, #tpu.memory_space<vmem_shared>>
    tpu.enqueue_indirect_dma source(%dma_start3A_23 : memref<10000x128xf32, #tpu.memory_space<vmem_shared>>) target(%arg8 : memref<64x128xf32, #tpu.memory_space<vmem>>) offsets(%dma_start3A_20 : memref<64xi32, #tpu.memory_space<vmem>>) semaphore(%arg16 : memref<!tpu.dma_semaphore, #tpu.memory_space<semaphore_mem>>)
    %dma_start3A_24 = arith.constant 64 : i32
    %dma_start3A_25 = tpu.memref_slice %arg6[%dma_start3A_24] : memref<192xi32, #tpu.memory_space<vmem>> -> memref<64xi32, #tpu.memory_space<vmem>>
    %dma_start3A_26 = arith.constant 0 : i32
    %dma_start3A_27 = arith.constant 0 : i32
    %dma_start3A_28 = tpu.memref_slice %arg22[%dma_start3A_26, %dma_start3A_27] : memref<10000x128xf32, #tpu.memory_space<vmem_shared>> -> memref<10000x128xf32, #tpu.memory_space<vmem_shared>>
    tpu.enqueue_indirect_dma source(%dma_start3A_28 : memref<10000x128xf32, #tpu.memory_space<vmem_shared>>) target(%arg9 : memref<64x128xf32, #tpu.memory_space<vmem>>) offsets(%dma_start3A_25 : memref<64xi32, #tpu.memory_space<vmem>>) semaphore(%arg16 : memref<!tpu.dma_semaphore, #tpu.memory_space<semaphore_mem>>)
    %dma_wait3A_29 = arith.constant 0 : i32
    %dma_wait3A_30 = tpu.memref_slice %arg3[%dma_wait3A_29] : memref<970752xi32, #tpu.memory_space<hbm>> -> memref<192xi32, #tpu.memory_space<hbm>>
    %dma_wait3A_31 = arith.constant 0 : i32
    %dma_wait3A_32 = tpu.memref_slice %arg3[%dma_wait3A_31] : memref<970752xi32, #tpu.memory_space<hbm>> -> memref<192xi32, #tpu.memory_space<hbm>>
    tpu.wait_dma2 semaphore(%arg19 : memref<!tpu.dma_semaphore, #tpu.memory_space<semaphore_mem>>) src(%dma_wait3A_32 : memref<192xi32, #tpu.memory_space<hbm>>) dst(%arg7 : memref<192xi32, #tpu.memory_space<vmem>>)
    %dma_start3A_33 = arith.constant 0 : i32
    %dma_start3A_34 = tpu.memref_slice %arg7[%dma_start3A_33] : memref<192xi32, #tpu.memory_space<vmem>> -> memref<64xi32, #tpu.memory_space<vmem>>
    %dma_start3A_35 = arith.constant 0 : i32
    %dma_start3A_36 = arith.constant 0 : i32
    %dma_start3A_37 = tpu.memref_slice %arg22[%dma_start3A_35, %dma_start3A_36] : memref<10000x128xf32, #tpu.memory_space<vmem_shared>> -> memref<10000x128xf32, #tpu.memory_space<vmem_shared>>
    tpu.enqueue_indirect_dma source(%dma_start3A_37 : memref<10000x128xf32, #tpu.memory_space<vmem_shared>>) target(%arg10 : memref<64x128xf32, #tpu.memory_space<vmem>>) offsets(%dma_start3A_34 : memref<64xi32, #tpu.memory_space<vmem>>) semaphore(%arg17 : memref<!tpu.dma_semaphore, #tpu.memory_space<semaphore_mem>>)
    %dma_start3A_38 = arith.constant 64 : i32
    %dma_start3A_39 = tpu.memref_slice %arg7[%dma_start3A_38] : memref<192xi32, #tpu.memory_space<vmem>> -> memref<64xi32, #tpu.memory_space<vmem>>
    %dma_start3A_40 = arith.constant 0 : i32
    %dma_start3A_41 = arith.constant 0 : i32
    %dma_start3A_42 = tpu.memref_slice %arg22[%dma_start3A_40, %dma_start3A_41] : memref<10000x128xf32, #tpu.memory_space<vmem_shared>> -> memref<10000x128xf32, #tpu.memory_space<vmem_shared>>
    tpu.enqueue_indirect_dma source(%dma_start3A_42 : memref<10000x128xf32, #tpu.memory_space<vmem_shared>>) target(%arg11 : memref<64x128xf32, #tpu.memory_space<vmem>>) offsets(%dma_start3A_39 : memref<64xi32, #tpu.memory_space<vmem>>) semaphore(%arg17 : memref<!tpu.dma_semaphore, #tpu.memory_space<semaphore_mem>>)
    %scan3A = arith.constant 0 : i32
    %scan3A_43 = arith.constant 0 : i32
    %scan3A_44 = arith.constant 79 : i32
    %scan3A_45 = arith.addi %scan3A_43, %scan3A_44 : i32
    %scan3A_46 = arith.constant 1 : i32
    %scan3A_47 = scf.for %scan3A_57 = %scan3A_43 to %scan3A_45 step %scan3A_46 iter_args(%scan3A_58 = %scan3A) -> (i32)  : i32 {
      %mul3A_59 = arith.constant 2 : i32
      %mul3A_60 = arith.muli %mul3A_59, %scan3A_57 : i32
      %dma_wait3A_61 = arith.constant 0 : i32
      %dma_wait3A_62 = tpu.memref_slice %arg6[%dma_wait3A_61] : memref<192xi32, #tpu.memory_space<vmem>> -> memref<64xi32, #tpu.memory_space<vmem>>
      %dma_wait3A_63 = arith.constant 0 : i32
      %dma_wait3A_64 = arith.constant 0 : i32
      %dma_wait3A_65 = tpu.memref_slice %arg22[%dma_wait3A_63, %dma_wait3A_64] : memref<10000x128xf32, #tpu.memory_space<vmem_shared>> -> memref<10000x128xf32, #tpu.memory_space<vmem_shared>>
      tpu.wait_indirect_dma semaphore(%arg16 : memref<!tpu.dma_semaphore, #tpu.memory_space<semaphore_mem>>) src(%dma_wait3A_65 : memref<10000x128xf32, #tpu.memory_space<vmem_shared>>) dst(%arg8 : memref<64x128xf32, #tpu.memory_space<vmem>>)
      %dma_wait3A_66 = arith.constant 0 : i32
      %dma_wait3A_67 = tpu.memref_slice %arg6[%dma_wait3A_66] : memref<192xi32, #tpu.memory_space<vmem>> -> memref<64xi32, #tpu.memory_space<vmem>>
      %dma_wait3A_68 = arith.constant 0 : i32
      %dma_wait3A_69 = arith.constant 0 : i32
      %dma_wait3A_70 = tpu.memref_slice %arg22[%dma_wait3A_68, %dma_wait3A_69] : memref<10000x128xf32, #tpu.memory_space<vmem_shared>> -> memref<10000x128xf32, #tpu.memory_space<vmem_shared>>
      tpu.wait_indirect_dma semaphore(%arg16 : memref<!tpu.dma_semaphore, #tpu.memory_space<semaphore_mem>>) src(%dma_wait3A_70 : memref<10000x128xf32, #tpu.memory_space<vmem_shared>>) dst(%arg9 : memref<64x128xf32, #tpu.memory_space<vmem>>)
      %gt3A = arith.constant 0 : i32
      %gt3A_71 = arith.cmpi sgt, %scan3A_57, %gt3A : i32
      %convert_element_type3A_72 = arith.extui %gt3A_71 : i1 to i32
      %cond3A_73 = arith.constant 0 : i32
      %cond3A_74 = arith.cmpi ne, %convert_element_type3A_72, %cond3A_73 : i32
      scf.if %cond3A_74 {
        %dma_wait3A_144 = arith.constant 0 : i32
        %dma_wait3A_145 = tpu.memref_slice %arg5[%dma_wait3A_144] : memref<323584xf32, #tpu.memory_space<hbm>> -> memref<64xf32, #tpu.memory_space<hbm>>
        %dma_wait3A_146 = arith.constant 0 : i32
        %dma_wait3A_147 = tpu.memref_slice %arg5[%dma_wait3A_146] : memref<323584xf32, #tpu.memory_space<hbm>> -> memref<64xf32, #tpu.memory_space<hbm>>
        tpu.wait_dma2 semaphore(%arg20 : memref<!tpu.dma_semaphore, #tpu.memory_space<semaphore_mem>>) src(%arg14 : memref<64xf32, #tpu.memory_space<vmem>>) dst(%dma_wait3A_147 : memref<64xf32, #tpu.memory_space<hbm>>)
      } else {
      }
      %scan3A_75 = arith.constant 0 : i32
      %scan3A_76 = arith.constant 0 : i32
      %scan3A_77 = arith.constant 4 : i32
      %scan3A_78 = arith.addi %scan3A_76, %scan3A_77 : i32
      %scan3A_79 = arith.constant 1 : i32
      %scan3A_80 = scf.for %scan3A_144 = %scan3A_76 to %scan3A_78 step %scan3A_79 iter_args(%scan3A_145 = %scan3A_75) -> (i32)  : i32 {
        %mul3A_146 = arith.constant 16 : i32
        %mul3A_147 = arith.muli %scan3A_144, %mul3A_146 : i32
        %add3A_148 = arith.constant 128 : i32
        %add3A_149 = arith.addi %add3A_148, %mul3A_147 : i32
        %get3A = arith.index_cast %add3A_149 : i32 to index
        %get3A_150 = tpu.vector_load %arg6[%get3A] {strides = array<i32>} : memref<192xi32, #tpu.memory_space<vmem>>, vector<16xi32>,
        %mul3A_151 = arith.constant 16 : i32
        %mul3A_152 = arith.muli %scan3A_144, %mul3A_151 : i32
        %add3A_153 = arith.constant 0 : i32
        %add3A_154 = arith.addi %mul3A_152, %add3A_153 : i32
        %slice3A = vector.extract_strided_slice %get3A_150 {offsets = [0], sizes = [1], strides = [1]} : vector<16xi32> to vector<1xi32>
        %squeeze3A = vector.extract %slice3A[0] : i32 from vector<1xi32>
        %mul3A_155 = arith.constant 128 : i32
        %mul3A_156 = arith.muli %squeeze3A, %mul3A_155 : i32
        %add3A_157 = arith.constant 0 : i32
        %add3A_158 = arith.addi %mul3A_156, %add3A_157 : i32
        %get3A_159 = arith.index_cast %add3A_158 : i32 to index
        %get3A_160 = tpu.vector_load %arg12[%get3A_159] {strides = array<i32>} : memref<768xf32, #tpu.memory_space<vmem>>, vector<16xf32>,
        %get3A_161 = arith.index_cast %add3A_154 : i32 to index
        %get3A_162 = arith.constant 0 : index
        %get3A_163 = tpu.vector_load %arg8[%get3A_161, %get3A_162] {strides = array<i32>} : memref<64x128xf32, #tpu.memory_space<vmem>>, vector<16xf32>,
        %get3A_164 = arith.index_cast %add3A_154 : i32 to index
        %get3A_165 = arith.constant 0 : index
        %get3A_166 = tpu.vector_load %arg9[%get3A_164, %get3A_165] {strides = array<i32>} : memref<64x128xf32, #tpu.memory_space<vmem>>, vector<16xf32>,
        %mul3A_167 = arith.mulf %get3A_163, %get3A_166 : vector<16xf32>
        %mul3A_168 = arith.mulf %mul3A_167, %get3A_160 : vector<16xf32>
        %add3A_169 = arith.constant 16 : i32
        %add3A_170 = arith.addi %mul3A_156, %add3A_169 : i32
        %get3A_171 = arith.index_cast %add3A_170 : i32 to index
        %get3A_172 = tpu.vector_load %arg12[%get3A_171] {strides = array<i32>} : memref<768xf32, #tpu.memory_space<vmem>>, vector<16xf32>,
        %get3A_173 = arith.index_cast %add3A_154 : i32 to index
        %get3A_174 = arith.constant 16 : index
        %get3A_175 = tpu.vector_load %arg8[%get3A_173, %get3A_174] {strides = array<i32>} : memref<64x128xf32, #tpu.memory_space<vmem>>, vector<16xf32>,
        %get3A_176 = arith.index_cast %add3A_154 : i32 to index
        %get3A_177 = arith.constant 16 : index
        %get3A_178 = tpu.vector_load %arg9[%get3A_176, %get3A_177] {strides = array<i32>} : memref<64x128xf32, #tpu.memory_space<vmem>>, vector<16xf32>,
        %mul3A_179 = arith.mulf %get3A_175, %get3A_178 : vector<16xf32>
        %mul3A_180 = arith.mulf %mul3A_179, %get3A_172 : vector<16xf32>
        %add3A_181 = arith.addf %mul3A_168, %mul3A_180 : vector<16xf32>
        %add3A_182 = arith.constant 32 : i32
        %add3A_183 = arith.addi %mul3A_156, %add3A_182 : i32
        %get3A_184 = arith.index_cast %add3A_183 : i32 to index
        %get3A_185 = tpu.vector_load %arg12[%get3A_184] {strides = array<i32>} : memref<768xf32, #tpu.memory_space<vmem>>, vector<16xf32>,
        %get3A_186 = arith.index_cast %add3A_154 : i32 to index
        %get3A_187 = arith.constant 32 : index
        %get3A_188 = tpu.vector_load %arg8[%get3A_186, %get3A_187] {strides = array<i32>} : memref<64x128xf32, #tpu.memory_space<vmem>>, vector<16xf32>,
        %get3A_189 = arith.index_cast %add3A_154 : i32 to index
        %get3A_190 = arith.constant 32 : index
        %get3A_191 = tpu.vector_load %arg9[%get3A_189, %get3A_190] {strides = array<i32>} : memref<64x128xf32, #tpu.memory_space<vmem>>, vector<16xf32>,
        %mul3A_192 = arith.mulf %get3A_188, %get3A_191 : vector<16xf32>
        %mul3A_193 = arith.mulf %mul3A_192, %get3A_185 : vector<16xf32>
        %add3A_194 = arith.addf %add3A_181, %mul3A_193 : vector<16xf32>
        %add3A_195 = arith.constant 48 : i32
        %add3A_196 = arith.addi %mul3A_156, %add3A_195 : i32
        %get3A_197 = arith.index_cast %add3A_196 : i32 to index
        %get3A_198 = tpu.vector_load %arg12[%get3A_197] {strides = array<i32>} : memref<768xf32, #tpu.memory_space<vmem>>, vector<16xf32>,
        %get3A_199 = arith.index_cast %add3A_154 : i32 to index
        %get3A_200 = arith.constant 48 : index
        %get3A_201 = tpu.vector_load %arg8[%get3A_199, %get3A_200] {strides = array<i32>} : memref<64x128xf32, #tpu.memory_space<vmem>>, vector<16xf32>,
        %get3A_202 = arith.index_cast %add3A_154 : i32 to index
        %get3A_203 = arith.constant 48 : index
        %get3A_204 = tpu.vector_load %arg9[%get3A_202, %get3A_203] {strides = array<i32>} : memref<64x128xf32, #tpu.memory_space<vmem>>, vector<16xf32>,
        %mul3A_205 = arith.mulf %get3A_201, %get3A_204 : vector<16xf32>
        %mul3A_206 = arith.mulf %mul3A_205, %get3A_198 : vector<16xf32>
        %add3A_207 = arith.addf %add3A_194, %mul3A_206 : vector<16xf32>
        %add3A_208 = arith.constant 64 : i32
        %add3A_209 = arith.addi %mul3A_156, %add3A_208 : i32
        %get3A_210 = arith.index_cast %add3A_209 : i32 to index
        %get3A_211 = tpu.vector_load %arg12[%get3A_210] {strides = array<i32>} : memref<768xf32, #tpu.memory_space<vmem>>, vector<16xf32>,
        %get3A_212 = arith.index_cast %add3A_154 : i32 to index
        %get3A_213 = arith.constant 64 : index
        %get3A_214 = tpu.vector_load %arg8[%get3A_212, %get3A_213] {strides = array<i32>} : memref<64x128xf32, #tpu.memory_space<vmem>>, vector<16xf32>,
        %get3A_215 = arith.index_cast %add3A_154 : i32 to index
        %get3A_216 = arith.constant 64 : index
        %get3A_217 = tpu.vector_load %arg9[%get3A_215, %get3A_216] {strides = array<i32>} : memref<64x128xf32, #tpu.memory_space<vmem>>, vector<16xf32>,
        %mul3A_218 = arith.mulf %get3A_214, %get3A_217 : vector<16xf32>
        %mul3A_219 = arith.mulf %mul3A_218, %get3A_211 : vector<16xf32>
        %add3A_220 = arith.addf %add3A_207, %mul3A_219 : vector<16xf32>
        %add3A_221 = arith.constant 80 : i32
        %add3A_222 = arith.addi %mul3A_156, %add3A_221 : i32
        %get3A_223 = arith.index_cast %add3A_222 : i32 to index
        %get3A_224 = tpu.vector_load %arg12[%get3A_223] {strides = array<i32>} : memref<768xf32, #tpu.memory_space<vmem>>, vector<16xf32>,
        %get3A_225 = arith.index_cast %add3A_154 : i32 to index
        %get3A_226 = arith.constant 80 : index
        %get3A_227 = tpu.vector_load %arg8[%get3A_225, %get3A_226] {strides = array<i32>} : memref<64x128xf32, #tpu.memory_space<vmem>>, vector<16xf32>,
        %get3A_228 = arith.index_cast %add3A_154 : i32 to index
        %get3A_229 = arith.constant 80 : index
        %get3A_230 = tpu.vector_load %arg9[%get3A_228, %get3A_229] {strides = array<i32>} : memref<64x128xf32, #tpu.memory_space<vmem>>, vector<16xf32>,
        %mul3A_231 = arith.mulf %get3A_227, %get3A_230 : vector<16xf32>
        %mul3A_232 = arith.mulf %mul3A_231, %get3A_224 : vector<16xf32>
        %add3A_233 = arith.addf %add3A_220, %mul3A_232 : vector<16xf32>
        %add3A_234 = arith.constant 96 : i32
        %add3A_235 = arith.addi %mul3A_156, %add3A_234 : i32
        %get3A_236 = arith.index_cast %add3A_235 : i32 to index
        %get3A_237 = tpu.vector_load %arg12[%get3A_236] {strides = array<i32>} : memref<768xf32, #tpu.memory_space<vmem>>, vector<16xf32>,
        %get3A_238 = arith.index_cast %add3A_154 : i32 to index
        %get3A_239 = arith.constant 96 : index
        %get3A_240 = tpu.vector_load %arg8[%get3A_238, %get3A_239] {strides = array<i32>} : memref<64x128xf32, #tpu.memory_space<vmem>>, vector<16xf32>,
        %get3A_241 = arith.index_cast %add3A_154 : i32 to index
        %get3A_242 = arith.constant 96 : index
        %get3A_243 = tpu.vector_load %arg9[%get3A_241, %get3A_242] {strides = array<i32>} : memref<64x128xf32, #tpu.memory_space<vmem>>, vector<16xf32>,
        %mul3A_244 = arith.mulf %get3A_240, %get3A_243 : vector<16xf32>
        %mul3A_245 = arith.mulf %mul3A_244, %get3A_237 : vector<16xf32>
        %add3A_246 = arith.addf %add3A_233, %mul3A_245 : vector<16xf32>
        %add3A_247 = arith.constant 112 : i32
        %add3A_248 = arith.addi %mul3A_156, %add3A_247 : i32
        %get3A_249 = arith.index_cast %add3A_248 : i32 to index
        %get3A_250 = tpu.vector_load %arg12[%get3A_249] {strides = array<i32>} : memref<768xf32, #tpu.memory_space<vmem>>, vector<16xf32>,
        %get3A_251 = arith.index_cast %add3A_154 : i32 to index
        %get3A_252 = arith.constant 112 : index
        %get3A_253 = tpu.vector_load %arg8[%get3A_251, %get3A_252] {strides = array<i32>} : memref<64x128xf32, #tpu.memory_space<vmem>>, vector<16xf32>,
        %get3A_254 = arith.index_cast %add3A_154 : i32 to index
        %get3A_255 = arith.constant 112 : index
        %get3A_256 = tpu.vector_load %arg9[%get3A_254, %get3A_255] {strides = array<i32>} : memref<64x128xf32, #tpu.memory_space<vmem>>, vector<16xf32>,
        %mul3A_257 = arith.mulf %get3A_253, %get3A_256 : vector<16xf32>
        %mul3A_258 = arith.mulf %mul3A_257, %get3A_250 : vector<16xf32>
        %add3A_259 = arith.addf %add3A_246, %mul3A_258 : vector<16xf32>
        %swap3A = arith.constant 0 : i32
        %swap3A_260 = arith.index_cast %swap3A : i32 to index
        %swap3A_261 = arith.constant 0 : index
        %swap3A_262 = tpu.vector_load %arg13[%swap3A_260, %swap3A_261] {strides = array<i32>} : memref<16x17xf32, #tpu.memory_space<vmem>>, vector<16xf32>,
        tpu.vector_store %arg13[%swap3A_260, %swap3A_261], %add3A_259 {strides = array<i32>} : memref<16x17xf32, #tpu.memory_space<vmem>>, vector<16xf32>,
        %mul3A_263 = arith.constant 16 : i32
        %mul3A_264 = arith.muli %scan3A_144, %mul3A_263 : i32
        %add3A_265 = arith.constant 1 : i32
        %add3A_266 = arith.addi %mul3A_264, %add3A_265 : i32
        %slice3A_267 = vector.extract_strided_slice %get3A_150 {offsets = [1], sizes = [1], strides = [1]} : vector<16xi32> to vector<1xi32>
        %squeeze3A_268 = vector.extract %slice3A_267[0] : i32 from vector<1xi32>
        %mul3A_269 = arith.constant 128 : i32
        %mul3A_270 = arith.muli %squeeze3A_268, %mul3A_269 : i32
        %add3A_271 = arith.constant 0 : i32
        %add3A_272 = arith.addi %mul3A_270, %add3A_271 : i32
        %get3A_273 = arith.index_cast %add3A_272 : i32 to index
        %get3A_274 = tpu.vector_load %arg12[%get3A_273] {strides = array<i32>} : memref<768xf32, #tpu.memory_space<vmem>>, vector<16xf32>,
        %get3A_275 = arith.index_cast %add3A_266 : i32 to index
        %get3A_276 = arith.constant 0 : index
        %get3A_277 = tpu.vector_load %arg8[%get3A_275, %get3A_276] {strides = array<i32>} : memref<64x128xf32, #tpu.memory_space<vmem>>, vector<16xf32>,
        %get3A_278 = arith.index_cast %add3A_266 : i32 to index
        %get3A_279 = arith.constant 0 : index
        %get3A_280 = tpu.vector_load %arg9[%get3A_278, %get3A_279] {strides = array<i32>} : memref<64x128xf32, #tpu.memory_space<vmem>>, vector<16xf32>,
        %mul3A_281 = arith.mulf %get3A_277, %get3A_280 : vector<16xf32>
        %mul3A_282 = arith.mulf %mul3A_281, %get3A_274 : vector<16xf32>
        %add3A_283 = arith.constant 16 : i32
        %add3A_284 = arith.addi %mul3A_270, %add3A_283 : i32
        %get3A_285 = arith.index_cast %add3A_284 : i32 to index
        %get3A_286 = tpu.vector_load %arg12[%get3A_285] {strides = array<i32>} : memref<768xf32, #tpu.memory_space<vmem>>, vector<16xf32>,
        %get3A_287 = arith.index_cast %add3A_266 : i32 to index
        %get3A_288 = arith.constant 16 : index
        %get3A_289 = tpu.vector_load %arg8[%get3A_287, %get3A_288] {strides = array<i32>} : memref<64x128xf32, #tpu.memory_space<vmem>>, vector<16xf32>,
        %get3A_290 = arith.index_cast %add3A_266 : i32 to index
        %get3A_291 = arith.constant 16 : index
        %get3A_292 = tpu.vector_load %arg9[%get3A_290, %get3A_291] {strides = array<i32>} : memref<64x128xf32, #tpu.memory_space<vmem>>, vector<16xf32>,
        %mul3A_293 = arith.mulf %get3A_289, %get3A_292 : vector<16xf32>
        %mul3A_294 = arith.mulf %mul3A_293, %get3A_286 : vector<16xf32>
        %add3A_295 = arith.addf %mul3A_282, %mul3A_294 : vector<16xf32>
        %add3A_296 = arith.constant 32 : i32
        %add3A_297 = arith.addi %mul3A_270, %add3A_296 : i32
        %get3A_298 = arith.index_cast %add3A_297 : i32 to index
        %get3A_299 = tpu.vector_load %arg12[%get3A_298] {strides = array<i32>} : memref<768xf32, #tpu.memory_space<vmem>>, vector<16xf32>,
        %get3A_300 = arith.index_cast %add3A_266 : i32 to index
        %get3A_301 = arith.constant 32 : index
        %get3A_302 = tpu.vector_load %arg8[%get3A_300, %get3A_301] {strides = array<i32>} : memref<64x128xf32, #tpu.memory_space<vmem>>, vector<16xf32>,
        %get3A_303 = arith.index_cast %add3A_266 : i32 to index
        %get3A_304 = arith.constant 32 : index
        %get3A_305 = tpu.vector_load %arg9[%get3A_303, %get3A_304] {strides = array<i32>} : memref<64x128xf32, #tpu.memory_space<vmem>>, vector<16xf32>,
        %mul3A_306 = arith.mulf %get3A_302, %get3A_305 : vector<16xf32>
        %mul3A_307 = arith.mulf %mul3A_306, %get3A_299 : vector<16xf32>
        %add3A_308 = arith.addf %add3A_295, %mul3A_307 : vector<16xf32>
        %add3A_309 = arith.constant 48 : i32
        %add3A_310 = arith.addi %mul3A_270, %add3A_309 : i32
        %get3A_311 = arith.index_cast %add3A_310 : i32 to index
        %get3A_312 = tpu.vector_load %arg12[%get3A_311] {strides = array<i32>} : memref<768xf32, #tpu.memory_space<vmem>>, vector<16xf32>,
        %get3A_313 = arith.index_cast %add3A_266 : i32 to index
        %get3A_314 = arith.constant 48 : index
        %get3A_315 = tpu.vector_load %arg8[%get3A_313, %get3A_314] {strides = array<i32>} : memref<64x128xf32, #tpu.memory_space<vmem>>, vector<16xf32>,
        %get3A_316 = arith.index_cast %add3A_266 : i32 to index
        %get3A_317 = arith.constant 48 : index
        %get3A_318 = tpu.vector_load %arg9[%get3A_316, %get3A_317] {strides = array<i32>} : memref<64x128xf32, #tpu.memory_space<vmem>>, vector<16xf32>,
        %mul3A_319 = arith.mulf %get3A_315, %get3A_318 : vector<16xf32>
        %mul3A_320 = arith.mulf %mul3A_319, %get3A_312 : vector<16xf32>
        %add3A_321 = arith.addf %add3A_308, %mul3A_320 : vector<16xf32>
        %add3A_322 = arith.constant 64 : i32
        %add3A_323 = arith.addi %mul3A_270, %add3A_322 : i32
        %get3A_324 = arith.index_cast %add3A_323 : i32 to index
        %get3A_325 = tpu.vector_load %arg12[%get3A_324] {strides = array<i32>} : memref<768xf32, #tpu.memory_space<vmem>>, vector<16xf32>,
        %get3A_326 = arith.index_cast %add3A_266 : i32 to index
        %get3A_327 = arith.constant 64 : index
        %get3A_328 = tpu.vector_load %arg8[%get3A_326, %get3A_327] {strides = array<i32>} : memref<64x128xf32, #tpu.memory_space<vmem>>, vector<16xf32>,
        %get3A_329 = arith.index_cast %add3A_266 : i32 to index
        %get3A_330 = arith.constant 64 : index
        %get3A_331 = tpu.vector_load %arg9[%get3A_329, %get3A_330] {strides = array<i32>} : memref<64x128xf32, #tpu.memory_space<vmem>>, vector<16xf32>,
        %mul3A_332 = arith.mulf %get3A_328, %get3A_331 : vector<16xf32>
        %mul3A_333 = arith.mulf %mul3A_332, %get3A_325 : vector<16xf32>
        %add3A_334 = arith.addf %add3A_321, %mul3A_333 : vector<16xf32>
        %add3A_335 = arith.constant 80 : i32
        %add3A_336 = arith.addi %mul3A_270, %add3A_335 : i32
        %get3A_337 = arith.index_cast %add3A_336 : i32 to index
        %get3A_338 = tpu.vector_load %arg12[%get3A_337] {strides = array<i32>} : memref<768xf32, #tpu.memory_space<vmem>>, vector<16xf32>,
        %get3A_339 = arith.index_cast %add3A_266 : i32 to index
        %get3A_340 = arith.constant 80 : index
        %get3A_341 = tpu.vector_load %arg8[%get3A_339, %get3A_340] {strides = array<i32>} : memref<64x128xf32, #tpu.memory_space<vmem>>, vector<16xf32>,
        %get3A_342 = arith.index_cast %add3A_266 : i32 to index
        %get3A_343 = arith.constant 80 : index
        %get3A_344 = tpu.vector_load %arg9[%get3A_342, %get3A_343] {strides = array<i32>} : memref<64x128xf32, #tpu.memory_space<vmem>>, vector<16xf32>,
        %mul3A_345 = arith.mulf %get3A_341, %get3A_344 : vector<16xf32>
        %mul3A_346 = arith.mulf %mul3A_345, %get3A_338 : vector<16xf32>
        %add3A_347 = arith.addf %add3A_334, %mul3A_346 : vector<16xf32>
        %add3A_348 = arith.constant 96 : i32
        %add3A_349 = arith.addi %mul3A_270, %add3A_348 : i32
        %get3A_350 = arith.index_cast %add3A_349 : i32 to index
        %get3A_351 = tpu.vector_load %arg12[%get3A_350] {strides = array<i32>} : memref<768xf32, #tpu.memory_space<vmem>>, vector<16xf32>,
        %get3A_352 = arith.index_cast %add3A_266 : i32 to index
        %get3A_353 = arith.constant 96 : index
        %get3A_354 = tpu.vector_load %arg8[%get3A_352, %get3A_353] {strides = array<i32>} : memref<64x128xf32, #tpu.memory_space<vmem>>, vector<16xf32>,
        %get3A_355 = arith.index_cast %add3A_266 : i32 to index
        %get3A_356 = arith.constant 96 : index
        %get3A_357 = tpu.vector_load %arg9[%get3A_355, %get3A_356] {strides = array<i32>} : memref<64x128xf32, #tpu.memory_space<vmem>>, vector<16xf32>,
        %mul3A_358 = arith.mulf %get3A_354, %get3A_357 : vector<16xf32>
        %mul3A_359 = arith.mulf %mul3A_358, %get3A_351 : vector<16xf32>
        %add3A_360 = arith.addf %add3A_347, %mul3A_359 : vector<16xf32>
        %add3A_361 = arith.constant 112 : i32
        %add3A_362 = arith.addi %mul3A_270, %add3A_361 : i32
        %get3A_363 = arith.index_cast %add3A_362 : i32 to index
        %get3A_364 = tpu.vector_load %arg12[%get3A_363] {strides = array<i32>} : memref<768xf32, #tpu.memory_space<vmem>>, vector<16xf32>,
        %get3A_365 = arith.index_cast %add3A_266 : i32 to index
        %get3A_366 = arith.constant 112 : index
        %get3A_367 = tpu.vector_load %arg8[%get3A_365, %get3A_366] {strides = array<i32>} : memref<64x128xf32, #tpu.memory_space<vmem>>, vector<16xf32>,
        %get3A_368 = arith.index_cast %add3A_266 : i32 to index
        %get3A_369 = arith.constant 112 : index
        %get3A_370 = tpu.vector_load %arg9[%get3A_368, %get3A_369] {strides = array<i32>} : memref<64x128xf32, #tpu.memory_space<vmem>>, vector<16xf32>,
        %mul3A_371 = arith.mulf %get3A_367, %get3A_370 : vector<16xf32>
        %mul3A_372 = arith.mulf %mul3A_371, %get3A_364 : vector<16xf32>
        %add3A_373 = arith.addf %add3A_360, %mul3A_372 : vector<16xf32>
        %swap3A_374 = arith.constant 1 : i32
        %swap3A_375 = arith.index_cast %swap3A_374 : i32 to index
        %swap3A_376 = arith.constant 0 : index
        %swap3A_377 = tpu.vector_load %arg13[%swap3A_375, %swap3A_376] {strides = array<i32>} : memref<16x17xf32, #tpu.memory_space<vmem>>, vector<16xf32>,
        tpu.vector_store %arg13[%swap3A_375, %swap3A_376], %add3A_373 {strides = array<i32>} : memref<16x17xf32, #tpu.memory_space<vmem>>, vector<16xf32>,
        %mul3A_378 = arith.constant 16 : i32
        %mul3A_379 = arith.muli %scan3A_144, %mul3A_378 : i32
        %add3A_380 = arith.constant 2 : i32
        %add3A_381 = arith.addi %mul3A_379, %add3A_380 : i32
        %slice3A_382 = vector.extract_strided_slice %get3A_150 {offsets = [2], sizes = [1], strides = [1]} : vector<16xi32> to vector<1xi32>
        %squeeze3A_383 = vector.extract %slice3A_382[0] : i32 from vector<1xi32>
        %mul3A_384 = arith.constant 128 : i32
        %mul3A_385 = arith.muli %squeeze3A_383, %mul3A_384 : i32
        %add3A_386 = arith.constant 0 : i32
        %add3A_387 = arith.addi %mul3A_385, %add3A_386 : i32
        %get3A_388 = arith.index_cast %add3A_387 : i32 to index
        %get3A_389 = tpu.vector_load %arg12[%get3A_388] {strides = array<i32>} : memref<768xf32, #tpu.memory_space<vmem>>, vector<16xf32>,
        %get3A_390 = arith.index_cast %add3A_381 : i32 to index
        %get3A_391 = arith.constant 0 : index
        %get3A_392 = tpu.vector_load %arg8[%get3A_390, %get3A_391] {strides = array<i32>} : memref<64x128xf32, #tpu.memory_space<vmem>>, vector<16xf32>,
        %get3A_393 = arith.index_cast %add3A_381 : i32 to index
        %get3A_394 = arith.constant 0 : index
        %get3A_395 = tpu.vector_load %arg9[%get3A_393, %get3A_394] {strides = array<i32>} : memref<64x128xf32, #tpu.memory_space<vmem>>, vector<16xf32>,
        %mul3A_396 = arith.mulf %get3A_392, %get3A_395 : vector<16xf32>
        %mul3A_397 = arith.mulf %mul3A_396, %get3A_389 : vector<16xf32>
        %add3A_398 = arith.constant 16 : i32
        %add3A_399 = arith.addi %mul3A_385, %add3A_398 : i32
        %get3A_400 = arith.index_cast %add3A_399 : i32 to index
        %get3A_401 = tpu.vector_load %arg12[%get3A_400] {strides = array<i32>} : memref<768xf32, #tpu.memory_space<vmem>>, vector<16xf32>,
        %get3A_402 = arith.index_cast %add3A_381 : i32 to index
        %get3A_403 = arith.constant 16 : index
        %get3A_404 = tpu.vector_load %arg8[%get3A_402, %get3A_403] {strides = array<i32>} : memref<64x128xf32, #tpu.memory_space<vmem>>, vector<16xf32>,
        %get3A_405 = arith.index_cast %add3A_381 : i32 to index
        %get3A_406 = arith.constant 16 : index
        %get3A_407 = tpu.vector_load %arg9[%get3A_405, %get3A_406] {strides = array<i32>} : memref<64x128xf32, #tpu.memory_space<vmem>>, vector<16xf32>,
        %mul3A_408 = arith.mulf %get3A_404, %get3A_407 : vector<16xf32>
        %mul3A_409 = arith.mulf %mul3A_408, %get3A_401 : vector<16xf32>
        %add3A_410 = arith.addf %mul3A_397, %mul3A_409 : vector<16xf32>
        %add3A_411 = arith.constant 32 : i32
        %add3A_412 = arith.addi %mul3A_385, %add3A_411 : i32
        %get3A_413 = arith.index_cast %add3A_412 : i32 to index
        %get3A_414 = tpu.vector_load %arg12[%get3A_413] {strides = array<i32>} : memref<768xf32, #tpu.memory_space<vmem>>, vector<16xf32>,
        %get3A_415 = arith.index_cast %add3A_381 : i32 to index
        %get3A_416 = arith.constant 32 : index
        %get3A_417 = tpu.vector_load %arg8[%get3A_415, %get3A_416] {strides = array<i32>} : memref<64x128xf32, #tpu.memory_space<vmem>>, vector<16xf32>,
        %get3A_418 = arith.index_cast %add3A_381 : i32 to index
        %get3A_419 = arith.constant 32 : index
        %get3A_420 = tpu.vector_load %arg9[%get3A_418, %get3A_419] {strides = array<i32>} : memref<64x128xf32, #tpu.memory_space<vmem>>, vector<16xf32>,
        %mul3A_421 = arith.mulf %get3A_417, %get3A_420 : vector<16xf32>
        %mul3A_422 = arith.mulf %mul3A_421, %get3A_414 : vector<16xf32>
        %add3A_423 = arith.addf %add3A_410, %mul3A_422 : vector<16xf32>
        %add3A_424 = arith.constant 48 : i32
        %add3A_425 = arith.addi %mul3A_385, %add3A_424 : i32
        %get3A_426 = arith.index_cast %add3A_425 : i32 to index
        %get3A_427 = tpu.vector_load %arg12[%get3A_426] {strides = array<i32>} : memref<768xf32, #tpu.memory_space<vmem>>, vector<16xf32>,
        %get3A_428 = arith.index_cast %add3A_381 : i32 to index
        %get3A_429 = arith.constant 48 : index
        %get3A_430 = tpu.vector_load %arg8[%get3A_428, %get3A_429] {strides = array<i32>} : memref<64x128xf32, #tpu.memory_space<vmem>>, vector<16xf32>,
        %get3A_431 = arith.index_cast %add3A_381 : i32 to index
        %get3A_432 = arith.constant 48 : index
        %get3A_433 = tpu.vector_load %arg9[%get3A_431, %get3A_432] {strides = array<i32>} : memref<64x128xf32, #tpu.memory_space<vmem>>, vector<16xf32>,
        %mul3A_434 = arith.mulf %get3A_430, %get3A_433 : vector<16xf32>
        %mul3A_435 = arith.mulf %mul3A_434, %get3A_427 : vector<16xf32>
        %add3A_436 = arith.addf %add3A_423, %mul3A_435 : vector<16xf32>
        %add3A_437 = arith.constant 64 : i32
        %add3A_438 = arith.addi %mul3A_385, %add3A_437 : i32
        %get3A_439 = arith.index_cast %add3A_438 : i32 to index
        %get3A_440 = tpu.vector_load %arg12[%get3A_439] {strides = array<i32>} : memref<768xf32, #tpu.memory_space<vmem>>, vector<16xf32>,
        %get3A_441 = arith.index_cast %add3A_381 : i32 to index
        %get3A_442 = arith.constant 64 : index
        %get3A_443 = tpu.vector_load %arg8[%get3A_441, %get3A_442] {strides = array<i32>} : memref<64x128xf32, #tpu.memory_space<vmem>>, vector<16xf32>,
        %get3A_444 = arith.index_cast %add3A_381 : i32 to index
        %get3A_445 = arith.constant 64 : index
        %get3A_446 = tpu.vector_load %arg9[%get3A_444, %get3A_445] {strides = array<i32>} : memref<64x128xf32, #tpu.memory_space<vmem>>, vector<16xf32>,
        %mul3A_447 = arith.mulf %get3A_443, %get3A_446 : vector<16xf32>
        %mul3A_448 = arith.mulf %mul3A_447, %get3A_440 : vector<16xf32>
        %add3A_449 = arith.addf %add3A_436, %mul3A_448 : vector<16xf32>
        %add3A_450 = arith.constant 80 : i32
        %add3A_451 = arith.addi %mul3A_385, %add3A_450 : i32
        %get3A_452 = arith.index_cast %add3A_451 : i32 to index
        %get3A_453 = tpu.vector_load %arg12[%get3A_452] {strides = array<i32>} : memref<768xf32, #tpu.memory_space<vmem>>, vector<16xf32>,
        %get3A_454 = arith.index_cast %add3A_381 : i32 to index
        %get3A_455 = arith.constant 80 : index
        %get3A_456 = tpu.vector_load %arg8[%get3A_454, %get3A_455] {strides = array<i32>} : memref<64x128xf32, #tpu.memory_space<vmem>>, vector<16xf32>,
        %get3A_457 = arith.index_cast %add3A_381 : i32 to index
        %get3A_458 = arith.constant 80 : index
        %get3A_459 = tpu.vector_load %arg9[%get3A_457, %get3A_458] {strides = array<i32>} : memref<64x128xf32, #tpu.memory_space<vmem>>, vector<16xf32>,
        %mul3A_460 = arith.mulf %get3A_456, %get3A_459 : vector<16xf32>
        %mul3A_461 = arith.mulf %mul3A_460, %get3A_453 : vector<16xf32>
        %add3A_462 = arith.addf %add3A_449, %mul3A_461 : vector<16xf32>
        %add3A_463 = arith.constant 96 : i32
        %add3A_464 = arith.addi %mul3A_385, %add3A_463 : i32
        %get3A_465 = arith.index_cast %add3A_464 : i32 to index
        %get3A_466 = tpu.vector_load %arg12[%get3A_465] {strides = array<i32>} : memref<768xf32, #tpu.memory_space<vmem>>, vector<16xf32>,
        %get3A_467 = arith.index_cast %add3A_381 : i32 to index
        %get3A_468 = arith.constant 96 : index
        %get3A_469 = tpu.vector_load %arg8[%get3A_467, %get3A_468] {strides = array<i32>} : memref<64x128xf32, #tpu.memory_space<vmem>>, vector<16xf32>,
        %get3A_470 = arith.index_cast %add3A_381 : i32 to index
        %get3A_471 = arith.constant 96 : index
        %get3A_472 = tpu.vector_load %arg9[%get3A_470, %get3A_471] {strides = array<i32>} : memref<64x128xf32, #tpu.memory_space<vmem>>, vector<16xf32>,
        %mul3A_473 = arith.mulf %get3A_469, %get3A_472 : vector<16xf32>
        %mul3A_474 = arith.mulf %mul3A_473, %get3A_466 : vector<16xf32>
        %add3A_475 = arith.addf %add3A_462, %mul3A_474 : vector<16xf32>
        %add3A_476 = arith.constant 112 : i32
        %add3A_477 = arith.addi %mul3A_385, %add3A_476 : i32
        %get3A_478 = arith.index_cast %add3A_477 : i32 to index
        %get3A_479 = tpu.vector_load %arg12[%get3A_478] {strides = array<i32>} : memref<768xf32, #tpu.memory_space<vmem>>, vector<16xf32>,
        %get3A_480 = arith.index_cast %add3A_381 : i32 to index
        %get3A_481 = arith.constant 112 : index
        %get3A_482 = tpu.vector_load %arg8[%get3A_480, %get3A_481] {strides = array<i32>} : memref<64x128xf32, #tpu.memory_space<vmem>>, vector<16xf32>,
        %get3A_483 = arith.index_cast %add3A_381 : i32 to index
        %get3A_484 = arith.constant 112 : index
        %get3A_485 = tpu.vector_load %arg9[%get3A_483, %get3A_484] {strides = array<i32>} : memref<64x128xf32, #tpu.memory_space<vmem>>, vector<16xf32>,
        %mul3A_486 = arith.mulf %get3A_482, %get3A_485 : vector<16xf32>
        %mul3A_487 = arith.mulf %mul3A_486, %get3A_479 : vector<16xf32>
        %add3A_488 = arith.addf %add3A_475, %mul3A_487 : vector<16xf32>
        %swap3A_489 = arith.constant 2 : i32
        %swap3A_490 = arith.index_cast %swap3A_489 : i32 to index
        %swap3A_491 = arith.constant 0 : index
        %swap3A_492 = tpu.vector_load %arg13[%swap3A_490, %swap3A_491] {strides = array<i32>} : memref<16x17xf32, #tpu.memory_space<vmem>>, vector<16xf32>,
        tpu.vector_store %arg13[%swap3A_490, %swap3A_491], %add3A_488 {strides = array<i32>} : memref<16x17xf32, #tpu.memory_space<vmem>>, vector<16xf32>,
        %mul3A_493 = arith.constant 16 : i32
        %mul3A_494 = arith.muli %scan3A_144, %mul3A_493 : i32
        %add3A_495 = arith.constant 3 : i32
        %add3A_496 = arith.addi %mul3A_494, %add3A_495 : i32
        %slice3A_497 = vector.extract_strided_slice %get3A_150 {offsets = [3], sizes = [1], strides = [1]} : vector<16xi32> to vector<1xi32>
        %squeeze3A_498 = vector.extract %slice3A_497[0] : i32 from vector<1xi32>
        %mul3A_499 = arith.constant 128 : i32
        %mul3A_500 = arith.muli %squeeze3A_498, %mul3A_499 : i32
        %add3A_501 = arith.constant 0 : i32
        %add3A_502 = arith.addi %mul3A_500, %add3A_501 : i32
        %get3A_503 = arith.index_cast %add3A_502 : i32 to index
        %get3A_504 = tpu.vector_load %arg12[%get3A_503] {strides = array<i32>} : memref<768xf32, #tpu.memory_space<vmem>>, vector<16xf32>,
        %get3A_505 = arith.index_cast %add3A_496 : i32 to index
        %get3A_506 = arith.constant 0 : index
        %get3A_507 = tpu.vector_load %arg8[%get3A_505, %get3A_506] {strides = array<i32>} : memref<64x128xf32, #tpu.memory_space<vmem>>, vector<16xf32>,
        %get3A_508 = arith.index_cast %add3A_496 : i32 to index
        %get3A_509 = arith.constant 0 : index
        %get3A_510 = tpu.vector_load %arg9[%get3A_508, %get3A_509] {strides = array<i32>} : memref<64x128xf32, #tpu.memory_space<vmem>>, vector<16xf32>,
        %mul3A_511 = arith.mulf %get3A_507, %get3A_510 : vector<16xf32>
        %mul3A_512 = arith.mulf %mul3A_511, %get3A_504 : vector<16xf32>
        %add3A_513 = arith.constant 16 : i32
        %add3A_514 = arith.addi %mul3A_500, %add3A_513 : i32
        %get3A_515 = arith.index_cast %add3A_514 : i32 to index
        %get3A_516 = tpu.vector_load %arg12[%get3A_515] {strides = array<i32>} : memref<768xf32, #tpu.memory_space<vmem>>, vector<16xf32>,
        %get3A_517 = arith.index_cast %add3A_496 : i32 to index
        %get3A_518 = arith.constant 16 : index
        %get3A_519 = tpu.vector_load %arg8[%get3A_517, %get3A_518] {strides = array<i32>} : memref<64x128xf32, #tpu.memory_space<vmem>>, vector<16xf32>,
        %get3A_520 = arith.index_cast %add3A_496 : i32 to index
        %get3A_521 = arith.constant 16 : index
        %get3A_522 = tpu.vector_load %arg9[%get3A_520, %get3A_521] {strides = array<i32>} : memref<64x128xf32, #tpu.memory_space<vmem>>, vector<16xf32>,
        %mul3A_523 = arith.mulf %get3A_519, %get3A_522 : vector<16xf32>
        %mul3A_524 = arith.mulf %mul3A_523, %get3A_516 : vector<16xf32>
        %add3A_525 = arith.addf %mul3A_512, %mul3A_524 : vector<16xf32>
        %add3A_526 = arith.constant 32 : i32
        %add3A_527 = arith.addi %mul3A_500, %add3A_526 : i32
        %get3A_528 = arith.index_cast %add3A_527 : i32 to index
        %get3A_529 = tpu.vector_load %arg12[%get3A_528] {strides = array<i32>} : memref<768xf32, #tpu.memory_space<vmem>>, vector<16xf32>,
        %get3A_530 = arith.index_cast %add3A_496 : i32 to index
        %get3A_531 = arith.constant 32 : index
        %get3A_532 = tpu.vector_load %arg8[%get3A_530, %get3A_531] {strides = array<i32>} : memref<64x128xf32, #tpu.memory_space<vmem>>, vector<16xf32>,
        %get3A_533 = arith.index_cast %add3A_496 : i32 to index
        %get3A_534 = arith.constant 32 : index
        %get3A_535 = tpu.vector_load %arg9[%get3A_533, %get3A_534] {strides = array<i32>} : memref<64x128xf32, #tpu.memory_space<vmem>>, vector<16xf32>,
        %mul3A_536 = arith.mulf %get3A_532, %get3A_535 : vector<16xf32>
        %mul3A_537 = arith.mulf %mul3A_536, %get3A_529 : vector<16xf32>
        %add3A_538 = arith.addf %add3A_525, %mul3A_537 : vector<16xf32>
        %add3A_539 = arith.constant 48 : i32
        %add3A_540 = arith.addi %mul3A_500, %add3A_539 : i32
        %get3A_541 = arith.index_cast %add3A_540 : i32 to index
        %get3A_542 = tpu.vector_load %arg12[%get3A_541] {strides = array<i32>} : memref<768xf32, #tpu.memory_space<vmem>>, vector<16xf32>,
        %get3A_543 = arith.index_cast %add3A_496 : i32 to index
        %get3A_544 = arith.constant 48 : index
        %get3A_545 = tpu.vector_load %arg8[%get3A_543, %get3A_544] {strides = array<i32>} : memref<64x128xf32, #tpu.memory_space<vmem>>, vector<16xf32>,
        %get3A_546 = arith.index_cast %add3A_496 : i32 to index
        %get3A_547 = arith.constant 48 : index
        %get3A_548 = tpu.vector_load %arg9[%get3A_546, %get3A_547] {strides = array<i32>} : memref<64x128xf32, #tpu.memory_space<vmem>>, vector<16xf32>,
        %mul3A_549 = arith.mulf %get3A_545, %get3A_548 : vector<16xf32>
        %mul3A_550 = arith.mulf %mul3A_549, %get3A_542 : vector<16xf32>
        %add3A_551 = arith.addf %add3A_538, %mul3A_550 : vector<16xf32>
        %add3A_552 = arith.constant 64 : i32
        %add3A_553 = arith.addi %mul3A_500, %add3A_552 : i32
        %get3A_554 = arith.index_cast %add3A_553 : i32 to index
        %get3A_555 = tpu.vector_load %arg12[%get3A_554] {strides = array<i32>} : memref<768xf32, #tpu.memory_space<vmem>>, vector<16xf32>,
        %get3A_556 = arith.index_cast %add3A_496 : i32 to index
        %get3A_557 = arith.constant 64 : index
        %get3A_558 = tpu.vector_load %arg8[%get3A_556, %get3A_557] {strides = array<i32>} : memref<64x128xf32, #tpu.memory_space<vmem>>, vector<16xf32>,
        %get3A_559 = arith.index_cast %add3A_496 : i32 to index
        %get3A_560 = arith.constant 64 : index
        %get3A_561 = tpu.vector_load %arg9[%get3A_559, %get3A_560] {strides = array<i32>} : memref<64x128xf32, #tpu.memory_space<vmem>>, vector<16xf32>,
        %mul3A_562 = arith.mulf %get3A_558, %get3A_561 : vector<16xf32>
        %mul3A_563 = arith.mulf %mul3A_562, %get3A_555 : vector<16xf32>
        %add3A_564 = arith.addf %add3A_551, %mul3A_563 : vector<16xf32>
        %add3A_565 = arith.constant 80 : i32
        %add3A_566 = arith.addi %mul3A_500, %add3A_565 : i32
        %get3A_567 = arith.index_cast %add3A_566 : i32 to index
        %get3A_568 = tpu.vector_load %arg12[%get3A_567] {strides = array<i32>} : memref<768xf32, #tpu.memory_space<vmem>>, vector<16xf32>,
        %get3A_569 = arith.index_cast %add3A_496 : i32 to index
        %get3A_570 = arith.constant 80 : index
        %get3A_571 = tpu.vector_load %arg8[%get3A_569, %get3A_570] {strides = array<i32>} : memref<64x128xf32, #tpu.memory_space<vmem>>, vector<16xf32>,
        %get3A_572 = arith.index_cast %add3A_496 : i32 to index
        %get3A_573 = arith.constant 80 : index
        %get3A_574 = tpu.vector_load %arg9[%get3A_572, %get3A_573] {strides = array<i32>} : memref<64x128xf32, #tpu.memory_space<vmem>>, vector<16xf32>,
        %mul3A_575 = arith.mulf %get3A_571, %get3A_574 : vector<16xf32>
        %mul3A_576 = arith.mulf %mul3A_575, %get3A_568 : vector<16xf32>
        %add3A_577 = arith.addf %add3A_564, %mul3A_576 : vector<16xf32>
        %add3A_578 = arith.constant 96 : i32
        %add3A_579 = arith.addi %mul3A_500, %add3A_578 : i32
        %get3A_580 = arith.index_cast %add3A_579 : i32 to index
        %get3A_581 = tpu.vector_load %arg12[%get3A_580] {strides = array<i32>} : memref<768xf32, #tpu.memory_space<vmem>>, vector<16xf32>,
        %get3A_582 = arith.index_cast %add3A_496 : i32 to index
        %get3A_583 = arith.constant 96 : index
        %get3A_584 = tpu.vector_load %arg8[%get3A_582, %get3A_583] {strides = array<i32>} : memref<64x128xf32, #tpu.memory_space<vmem>>, vector<16xf32>,
        %get3A_585 = arith.index_cast %add3A_496 : i32 to index
        %get3A_586 = arith.constant 96 : index
        %get3A_587 = tpu.vector_load %arg9[%get3A_585, %get3A_586] {strides = array<i32>} : memref<64x128xf32, #tpu.memory_space<vmem>>, vector<16xf32>,
        %mul3A_588 = arith.mulf %get3A_584, %get3A_587 : vector<16xf32>
        %mul3A_589 = arith.mulf %mul3A_588, %get3A_581 : vector<16xf32>
        %add3A_590 = arith.addf %add3A_577, %mul3A_589 : vector<16xf32>
        %add3A_591 = arith.constant 112 : i32
        %add3A_592 = arith.addi %mul3A_500, %add3A_591 : i32
        %get3A_593 = arith.index_cast %add3A_592 : i32 to index
        %get3A_594 = tpu.vector_load %arg12[%get3A_593] {strides = array<i32>} : memref<768xf32, #tpu.memory_space<vmem>>, vector<16xf32>,
        %get3A_595 = arith.index_cast %add3A_496 : i32 to index
        %get3A_596 = arith.constant 112 : index
        %get3A_597 = tpu.vector_load %arg8[%get3A_595, %get3A_596] {strides = array<i32>} : memref<64x128xf32, #tpu.memory_space<vmem>>, vector<16xf32>,
        %get3A_598 = arith.index_cast %add3A_496 : i32 to index
        %get3A_599 = arith.constant 112 : index
        %get3A_600 = tpu.vector_load %arg9[%get3A_598, %get3A_599] {strides = array<i32>} : memref<64x128xf32, #tpu.memory_space<vmem>>, vector<16xf32>,
        %mul3A_601 = arith.mulf %get3A_597, %get3A_600 : vector<16xf32>
        %mul3A_602 = arith.mulf %mul3A_601, %get3A_594 : vector<16xf32>
        %add3A_603 = arith.addf %add3A_590, %mul3A_602 : vector<16xf32>
        %swap3A_604 = arith.constant 3 : i32
        %swap3A_605 = arith.index_cast %swap3A_604 : i32 to index
        %swap3A_606 = arith.constant 0 : index
        %swap3A_607 = tpu.vector_load %arg13[%swap3A_605, %swap3A_606] {strides = array<i32>} : memref<16x17xf32, #tpu.memory_space<vmem>>, vector<16xf32>,
        tpu.vector_store %arg13[%swap3A_605, %swap3A_606], %add3A_603 {strides = array<i32>} : memref<16x17xf32, #tpu.memory_space<vmem>>, vector<16xf32>,
        %mul3A_608 = arith.constant 16 : i32
        %mul3A_609 = arith.muli %scan3A_144, %mul3A_608 : i32
        %add3A_610 = arith.constant 4 : i32
        %add3A_611 = arith.addi %mul3A_609, %add3A_610 : i32
        %slice3A_612 = vector.extract_strided_slice %get3A_150 {offsets = [4], sizes = [1], strides = [1]} : vector<16xi32> to vector<1xi32>
        %squeeze3A_613 = vector.extract %slice3A_612[0] : i32 from vector<1xi32>
        %mul3A_614 = arith.constant 128 : i32
        %mul3A_615 = arith.muli %squeeze3A_613, %mul3A_614 : i32
        %add3A_616 = arith.constant 0 : i32
        %add3A_617 = arith.addi %mul3A_615, %add3A_616 : i32
        %get3A_618 = arith.index_cast %add3A_617 : i32 to index
        %get3A_619 = tpu.vector_load %arg12[%get3A_618] {strides = array<i32>} : memref<768xf32, #tpu.memory_space<vmem>>, vector<16xf32>,
        %get3A_620 = arith.index_cast %add3A_611 : i32 to index
        %get3A_621 = arith.constant 0 : index
        %get3A_622 = tpu.vector_load %arg8[%get3A_620, %get3A_621] {strides = array<i32>} : memref<64x128xf32, #tpu.memory_space<vmem>>, vector<16xf32>,
        %get3A_623 = arith.index_cast %add3A_611 : i32 to index
        %get3A_624 = arith.constant 0 : index
        %get3A_625 = tpu.vector_load %arg9[%get3A_623, %get3A_624] {strides = array<i32>} : memref<64x128xf32, #tpu.memory_space<vmem>>, vector<16xf32>,
        %mul3A_626 = arith.mulf %get3A_622, %get3A_625 : vector<16xf32>
        %mul3A_627 = arith.mulf %mul3A_626, %get3A_619 : vector<16xf32>
        %add3A_628 = arith.constant 16 : i32
        %add3A_629 = arith.addi %mul3A_615, %add3A_628 : i32
        %get3A_630 = arith.index_cast %add3A_629 : i32 to index
        %get3A_631 = tpu.vector_load %arg12[%get3A_630] {strides = array<i32>} : memref<768xf32, #tpu.memory_space<vmem>>, vector<16xf32>,
        %get3A_632 = arith.index_cast %add3A_611 : i32 to index
        %get3A_633 = arith.constant 16 : index
        %get3A_634 = tpu.vector_load %arg8[%get3A_632, %get3A_633] {strides = array<i32>} : memref<64x128xf32, #tpu.memory_space<vmem>>, vector<16xf32>,
        %get3A_635 = arith.index_cast %add3A_611 : i32 to index
        %get3A_636 = arith.constant 16 : index
        %get3A_637 = tpu.vector_load %arg9[%get3A_635, %get3A_636] {strides = array<i32>} : memref<64x128xf32, #tpu.memory_space<vmem>>, vector<16xf32>,
        %mul3A_638 = arith.mulf %get3A_634, %get3A_637 : vector<16xf32>
        %mul3A_639 = arith.mulf %mul3A_638, %get3A_631 : vector<16xf32>
        %add3A_640 = arith.addf %mul3A_627, %mul3A_639 : vector<16xf32>
        %add3A_641 = arith.constant 32 : i32
        %add3A_642 = arith.addi %mul3A_615, %add3A_641 : i32
        %get3A_643 = arith.index_cast %add3A_642 : i32 to index
        %get3A_644 = tpu.vector_load %arg12[%get3A_643] {strides = array<i32>} : memref<768xf32, #tpu.memory_space<vmem>>, vector<16xf32>,
        %get3A_645 = arith.index_cast %add3A_611 : i32 to index
        %get3A_646 = arith.constant 32 : index
        %get3A_647 = tpu.vector_load %arg8[%get3A_645, %get3A_646] {strides = array<i32>} : memref<64x128xf32, #tpu.memory_space<vmem>>, vector<16xf32>,
        %get3A_648 = arith.index_cast %add3A_611 : i32 to index
        %get3A_649 = arith.constant 32 : index
        %get3A_650 = tpu.vector_load %arg9[%get3A_648, %get3A_649] {strides = array<i32>} : memref<64x128xf32, #tpu.memory_space<vmem>>, vector<16xf32>,
        %mul3A_651 = arith.mulf %get3A_647, %get3A_650 : vector<16xf32>
        %mul3A_652 = arith.mulf %mul3A_651, %get3A_644 : vector<16xf32>
        %add3A_653 = arith.addf %add3A_640, %mul3A_652 : vector<16xf32>
        %add3A_654 = arith.constant 48 : i32
        %add3A_655 = arith.addi %mul3A_615, %add3A_654 : i32
        %get3A_656 = arith.index_cast %add3A_655 : i32 to index
        %get3A_657 = tpu.vector_load %arg12[%get3A_656] {strides = array<i32>} : memref<768xf32, #tpu.memory_space<vmem>>, vector<16xf32>,
        %get3A_658 = arith.index_cast %add3A_611 : i32 to index
        %get3A_659 = arith.constant 48 : index
        %get3A_660 = tpu.vector_load %arg8[%get3A_658, %get3A_659] {strides = array<i32>} : memref<64x128xf32, #tpu.memory_space<vmem>>, vector<16xf32>,
        %get3A_661 = arith.index_cast %add3A_611 : i32 to index
        %get3A_662 = arith.constant 48 : index
        %get3A_663 = tpu.vector_load %arg9[%get3A_661, %get3A_662] {strides = array<i32>} : memref<64x128xf32, #tpu.memory_space<vmem>>, vector<16xf32>,
        %mul3A_664 = arith.mulf %get3A_660, %get3A_663 : vector<16xf32>
        %mul3A_665 = arith.mulf %mul3A_664, %get3A_657 : vector<16xf32>
        %add3A_666 = arith.addf %add3A_653, %mul3A_665 : vector<16xf32>
        %add3A_667 = arith.constant 64 : i32
        %add3A_668 = arith.addi %mul3A_615, %add3A_667 : i32
        %get3A_669 = arith.index_cast %add3A_668 : i32 to index
        %get3A_670 = tpu.vector_load %arg12[%get3A_669] {strides = array<i32>} : memref<768xf32, #tpu.memory_space<vmem>>, vector<16xf32>,
        %get3A_671 = arith.index_cast %add3A_611 : i32 to index
        %get3A_672 = arith.constant 64 : index
        %get3A_673 = tpu.vector_load %arg8[%get3A_671, %get3A_672] {strides = array<i32>} : memref<64x128xf32, #tpu.memory_space<vmem>>, vector<16xf32>,
        %get3A_674 = arith.index_cast %add3A_611 : i32 to index
        %get3A_675 = arith.constant 64 : index
        %get3A_676 = tpu.vector_load %arg9[%get3A_674, %get3A_675] {strides = array<i32>} : memref<64x128xf32, #tpu.memory_space<vmem>>, vector<16xf32>,
        %mul3A_677 = arith.mulf %get3A_673, %get3A_676 : vector<16xf32>
        %mul3A_678 = arith.mulf %mul3A_677, %get3A_670 : vector<16xf32>
        %add3A_679 = arith.addf %add3A_666, %mul3A_678 : vector<16xf32>
        %add3A_680 = arith.constant 80 : i32
        %add3A_681 = arith.addi %mul3A_615, %add3A_680 : i32
        %get3A_682 = arith.index_cast %add3A_681 : i32 to index
        %get3A_683 = tpu.vector_load %arg12[%get3A_682] {strides = array<i32>} : memref<768xf32, #tpu.memory_space<vmem>>, vector<16xf32>,
        %get3A_684 = arith.index_cast %add3A_611 : i32 to index
        %get3A_685 = arith.constant 80 : index
        %get3A_686 = tpu.vector_load %arg8[%get3A_684, %get3A_685] {strides = array<i32>} : memref<64x128xf32, #tpu.memory_space<vmem>>, vector<16xf32>,
        %get3A_687 = arith.index_cast %add3A_611 : i32 to index
        %get3A_688 = arith.constant 80 : index
        %get3A_689 = tpu.vector_load %arg9[%get3A_687, %get3A_688] {strides = array<i32>} : memref<64x128xf32, #tpu.memory_space<vmem>>, vector<16xf32>,
        %mul3A_690 = arith.mulf %get3A_686, %get3A_689 : vector<16xf32>
        %mul3A_691 = arith.mulf %mul3A_690, %get3A_683 : vector<16xf32>
        %add3A_692 = arith.addf %add3A_679, %mul3A_691 : vector<16xf32>
        %add3A_693 = arith.constant 96 : i32
        %add3A_694 = arith.addi %mul3A_615, %add3A_693 : i32
        %get3A_695 = arith.index_cast %add3A_694 : i32 to index
        %get3A_696 = tpu.vector_load %arg12[%get3A_695] {strides = array<i32>} : memref<768xf32, #tpu.memory_space<vmem>>, vector<16xf32>,
        %get3A_697 = arith.index_cast %add3A_611 : i32 to index
        %get3A_698 = arith.constant 96 : index
        %get3A_699 = tpu.vector_load %arg8[%get3A_697, %get3A_698] {strides = array<i32>} : memref<64x128xf32, #tpu.memory_space<vmem>>, vector<16xf32>,
        %get3A_700 = arith.index_cast %add3A_611 : i32 to index
        %get3A_701 = arith.constant 96 : index
        %get3A_702 = tpu.vector_load %arg9[%get3A_700, %get3A_701] {strides = array<i32>} : memref<64x128xf32, #tpu.memory_space<vmem>>, vector<16xf32>,
        %mul3A_703 = arith.mulf %get3A_699, %get3A_702 : vector<16xf32>
        %mul3A_704 = arith.mulf %mul3A_703, %get3A_696 : vector<16xf32>
        %add3A_705 = arith.addf %add3A_692, %mul3A_704 : vector<16xf32>
        %add3A_706 = arith.constant 112 : i32
        %add3A_707 = arith.addi %mul3A_615, %add3A_706 : i32
        %get3A_708 = arith.index_cast %add3A_707 : i32 to index
        %get3A_709 = tpu.vector_load %arg12[%get3A_708] {strides = array<i32>} : memref<768xf32, #tpu.memory_space<vmem>>, vector<16xf32>,
        %get3A_710 = arith.index_cast %add3A_611 : i32 to index
        %get3A_711 = arith.constant 112 : index
        %get3A_712 = tpu.vector_load %arg8[%get3A_710, %get3A_711] {strides = array<i32>} : memref<64x128xf32, #tpu.memory_space<vmem>>, vector<16xf32>,
        %get3A_713 = arith.index_cast %add3A_611 : i32 to index
        %get3A_714 = arith.constant 112 : index
        %get3A_715 = tpu.vector_load %arg9[%get3A_713, %get3A_714] {strides = array<i32>} : memref<64x128xf32, #tpu.memory_space<vmem>>, vector<16xf32>,
        %mul3A_716 = arith.mulf %get3A_712, %get3A_715 : vector<16xf32>
        %mul3A_717 = arith.mulf %mul3A_716, %get3A_709 : vector<16xf32>
        %add3A_718 = arith.addf %add3A_705, %mul3A_717 : vector<16xf32>
        %swap3A_719 = arith.constant 4 : i32
        %swap3A_720 = arith.index_cast %swap3A_719 : i32 to index
        %swap3A_721 = arith.constant 0 : index
        %swap3A_722 = tpu.vector_load %arg13[%swap3A_720, %swap3A_721] {strides = array<i32>} : memref<16x17xf32, #tpu.memory_space<vmem>>, vector<16xf32>,
        tpu.vector_store %arg13[%swap3A_720, %swap3A_721], %add3A_718 {strides = array<i32>} : memref<16x17xf32, #tpu.memory_space<vmem>>, vector<16xf32>,
        %mul3A_723 = arith.constant 16 : i32
        %mul3A_724 = arith.muli %scan3A_144, %mul3A_723 : i32
        %add3A_725 = arith.constant 5 : i32
        %add3A_726 = arith.addi %mul3A_724, %add3A_725 : i32
        %slice3A_727 = vector.extract_strided_slice %get3A_150 {offsets = [5], sizes = [1], strides = [1]} : vector<16xi32> to vector<1xi32>
        %squeeze3A_728 = vector.extract %slice3A_727[0] : i32 from vector<1xi32>
        %mul3A_729 = arith.constant 128 : i32
        %mul3A_730 = arith.muli %squeeze3A_728, %mul3A_729 : i32
        %add3A_731 = arith.constant 0 : i32
        %add3A_732 = arith.addi %mul3A_730, %add3A_731 : i32
        %get3A_733 = arith.index_cast %add3A_732 : i32 to index
        %get3A_734 = tpu.vector_load %arg12[%get3A_733] {strides = array<i32>} : memref<768xf32, #tpu.memory_space<vmem>>, vector<16xf32>,
        %get3A_735 = arith.index_cast %add3A_726 : i32 to index
        %get3A_736 = arith.constant 0 : index
        %get3A_737 = tpu.vector_load %arg8[%get3A_735, %get3A_736] {strides = array<i32>} : memref<64x128xf32, #tpu.memory_space<vmem>>, vector<16xf32>,
        %get3A_738 = arith.index_cast %add3A_726 : i32 to index
        %get3A_739 = arith.constant 0 : index
        %get3A_740 = tpu.vector_load %arg9[%get3A_738, %get3A_739] {strides = array<i32>} : memref<64x128xf32, #tpu.memory_space<vmem>>, vector<16xf32>,
        %mul3A_741 = arith.mulf %get3A_737, %get3A_740 : vector<16xf32>
        %mul3A_742 = arith.mulf %mul3A_741, %get3A_734 : vector<16xf32>
        %add3A_743 = arith.constant 16 : i32
        %add3A_744 = arith.addi %mul3A_730, %add3A_743 : i32
        %get3A_745 = arith.index_cast %add3A_744 : i32 to index
        %get3A_746 = tpu.vector_load %arg12[%get3A_745] {strides = array<i32>} : memref<768xf32, #tpu.memory_space<vmem>>, vector<16xf32>,
        %get3A_747 = arith.index_cast %add3A_726 : i32 to index
        %get3A_748 = arith.constant 16 : index
        %get3A_749 = tpu.vector_load %arg8[%get3A_747, %get3A_748] {strides = array<i32>} : memref<64x128xf32, #tpu.memory_space<vmem>>, vector<16xf32>,
        %get3A_750 = arith.index_cast %add3A_726 : i32 to index
        %get3A_751 = arith.constant 16 : index
        %get3A_752 = tpu.vector_load %arg9[%get3A_750, %get3A_751] {strides = array<i32>} : memref<64x128xf32, #tpu.memory_space<vmem>>, vector<16xf32>,
        %mul3A_753 = arith.mulf %get3A_749, %get3A_752 : vector<16xf32>
        %mul3A_754 = arith.mulf %mul3A_753, %get3A_746 : vector<16xf32>
        %add3A_755 = arith.addf %mul3A_742, %mul3A_754 : vector<16xf32>
        %add3A_756 = arith.constant 32 : i32
        %add3A_757 = arith.addi %mul3A_730, %add3A_756 : i32
        %get3A_758 = arith.index_cast %add3A_757 : i32 to index
        %get3A_759 = tpu.vector_load %arg12[%get3A_758] {strides = array<i32>} : memref<768xf32, #tpu.memory_space<vmem>>, vector<16xf32>,
        %get3A_760 = arith.index_cast %add3A_726 : i32 to index
        %get3A_761 = arith.constant 32 : index
        %get3A_762 = tpu.vector_load %arg8[%get3A_760, %get3A_761] {strides = array<i32>} : memref<64x128xf32, #tpu.memory_space<vmem>>, vector<16xf32>,
        %get3A_763 = arith.index_cast %add3A_726 : i32 to index
        %get3A_764 = arith.constant 32 : index
        %get3A_765 = tpu.vector_load %arg9[%get3A_763, %get3A_764] {strides = array<i32>} : memref<64x128xf32, #tpu.memory_space<vmem>>, vector<16xf32>,
        %mul3A_766 = arith.mulf %get3A_762, %get3A_765 : vector<16xf32>
        %mul3A_767 = arith.mulf %mul3A_766, %get3A_759 : vector<16xf32>
        %add3A_768 = arith.addf %add3A_755, %mul3A_767 : vector<16xf32>
        %add3A_769 = arith.constant 48 : i32
        %add3A_770 = arith.addi %mul3A_730, %add3A_769 : i32
        %get3A_771 = arith.index_cast %add3A_770 : i32 to index
        %get3A_772 = tpu.vector_load %arg12[%get3A_771] {strides = array<i32>} : memref<768xf32, #tpu.memory_space<vmem>>, vector<16xf32>,
        %get3A_773 = arith.index_cast %add3A_726 : i32 to index
        %get3A_774 = arith.constant 48 : index
        %get3A_775 = tpu.vector_load %arg8[%get3A_773, %get3A_774] {strides = array<i32>} : memref<64x128xf32, #tpu.memory_space<vmem>>, vector<16xf32>,
        %get3A_776 = arith.index_cast %add3A_726 : i32 to index
        %get3A_777 = arith.constant 48 : index
        %get3A_778 = tpu.vector_load %arg9[%get3A_776, %get3A_777] {strides = array<i32>} : memref<64x128xf32, #tpu.memory_space<vmem>>, vector<16xf32>,
        %mul3A_779 = arith.mulf %get3A_775, %get3A_778 : vector<16xf32>
        %mul3A_780 = arith.mulf %mul3A_779, %get3A_772 : vector<16xf32>
        %add3A_781 = arith.addf %add3A_768, %mul3A_780 : vector<16xf32>
        %add3A_782 = arith.constant 64 : i32
        %add3A_783 = arith.addi %mul3A_730, %add3A_782 : i32
        %get3A_784 = arith.index_cast %add3A_783 : i32 to index
        %get3A_785 = tpu.vector_load %arg12[%get3A_784] {strides = array<i32>} : memref<768xf32, #tpu.memory_space<vmem>>, vector<16xf32>,
        %get3A_786 = arith.index_cast %add3A_726 : i32 to index
        %get3A_787 = arith.constant 64 : index
        %get3A_788 = tpu.vector_load %arg8[%get3A_786, %get3A_787] {strides = array<i32>} : memref<64x128xf32, #tpu.memory_space<vmem>>, vector<16xf32>,
        %get3A_789 = arith.index_cast %add3A_726 : i32 to index
        %get3A_790 = arith.constant 64 : index
        %get3A_791 = tpu.vector_load %arg9[%get3A_789, %get3A_790] {strides = array<i32>} : memref<64x128xf32, #tpu.memory_space<vmem>>, vector<16xf32>,
        %mul3A_792 = arith.mulf %get3A_788, %get3A_791 : vector<16xf32>
        %mul3A_793 = arith.mulf %mul3A_792, %get3A_785 : vector<16xf32>
        %add3A_794 = arith.addf %add3A_781, %mul3A_793 : vector<16xf32>
        %add3A_795 = arith.constant 80 : i32
        %add3A_796 = arith.addi %mul3A_730, %add3A_795 : i32
        %get3A_797 = arith.index_cast %add3A_796 : i32 to index
        %get3A_798 = tpu.vector_load %arg12[%get3A_797] {strides = array<i32>} : memref<768xf32, #tpu.memory_space<vmem>>, vector<16xf32>,
        %get3A_799 = arith.index_cast %add3A_726 : i32 to index
        %get3A_800 = arith.constant 80 : index
        %get3A_801 = tpu.vector_load %arg8[%get3A_799, %get3A_800] {strides = array<i32>} : memref<64x128xf32, #tpu.memory_space<vmem>>, vector<16xf32>,
        %get3A_802 = arith.index_cast %add3A_726 : i32 to index
        %get3A_803 = arith.constant 80 : index
        %get3A_804 = tpu.vector_load %arg9[%get3A_802, %get3A_803] {strides = array<i32>} : memref<64x128xf32, #tpu.memory_space<vmem>>, vector<16xf32>,
        %mul3A_805 = arith.mulf %get3A_801, %get3A_804 : vector<16xf32>
        %mul3A_806 = arith.mulf %mul3A_805, %get3A_798 : vector<16xf32>
        %add3A_807 = arith.addf %add3A_794, %mul3A_806 : vector<16xf32>
        %add3A_808 = arith.constant 96 : i32
        %add3A_809 = arith.addi %mul3A_730, %add3A_808 : i32
        %get3A_810 = arith.index_cast %add3A_809 : i32 to index
        %get3A_811 = tpu.vector_load %arg12[%get3A_810] {strides = array<i32>} : memref<768xf32, #tpu.memory_space<vmem>>, vector<16xf32>,
        %get3A_812 = arith.index_cast %add3A_726 : i32 to index
        %get3A_813 = arith.constant 96 : index
        %get3A_814 = tpu.vector_load %arg8[%get3A_812, %get3A_813] {strides = array<i32>} : memref<64x128xf32, #tpu.memory_space<vmem>>, vector<16xf32>,
        %get3A_815 = arith.index_cast %add3A_726 : i32 to index
        %get3A_816 = arith.constant 96 : index
        %get3A_817 = tpu.vector_load %arg9[%get3A_815, %get3A_816] {strides = array<i32>} : memref<64x128xf32, #tpu.memory_space<vmem>>, vector<16xf32>,
        %mul3A_818 = arith.mulf %get3A_814, %get3A_817 : vector<16xf32>
        %mul3A_819 = arith.mulf %mul3A_818, %get3A_811 : vector<16xf32>
        %add3A_820 = arith.addf %add3A_807, %mul3A_819 : vector<16xf32>
        %add3A_821 = arith.constant 112 : i32
        %add3A_822 = arith.addi %mul3A_730, %add3A_821 : i32
        %get3A_823 = arith.index_cast %add3A_822 : i32 to index
        %get3A_824 = tpu.vector_load %arg12[%get3A_823] {strides = array<i32>} : memref<768xf32, #tpu.memory_space<vmem>>, vector<16xf32>,
        %get3A_825 = arith.index_cast %add3A_726 : i32 to index
        %get3A_826 = arith.constant 112 : index
        %get3A_827 = tpu.vector_load %arg8[%get3A_825, %get3A_826] {strides = array<i32>} : memref<64x128xf32, #tpu.memory_space<vmem>>, vector<16xf32>,
        %get3A_828 = arith.index_cast %add3A_726 : i32 to index
        %get3A_829 = arith.constant 112 : index
        %get3A_830 = tpu.vector_load %arg9[%get3A_828, %get3A_829] {strides = array<i32>} : memref<64x128xf32, #tpu.memory_space<vmem>>, vector<16xf32>,
        %mul3A_831 = arith.mulf %get3A_827, %get3A_830 : vector<16xf32>
        %mul3A_832 = arith.mulf %mul3A_831, %get3A_824 : vector<16xf32>
        %add3A_833 = arith.addf %add3A_820, %mul3A_832 : vector<16xf32>
        %swap3A_834 = arith.constant 5 : i32
        %swap3A_835 = arith.index_cast %swap3A_834 : i32 to index
        %swap3A_836 = arith.constant 0 : index
        %swap3A_837 = tpu.vector_load %arg13[%swap3A_835, %swap3A_836] {strides = array<i32>} : memref<16x17xf32, #tpu.memory_space<vmem>>, vector<16xf32>,
        tpu.vector_store %arg13[%swap3A_835, %swap3A_836], %add3A_833 {strides = array<i32>} : memref<16x17xf32, #tpu.memory_space<vmem>>, vector<16xf32>,
        %mul3A_838 = arith.constant 16 : i32
        %mul3A_839 = arith.muli %scan3A_144, %mul3A_838 : i32
        %add3A_840 = arith.constant 6 : i32
        %add3A_841 = arith.addi %mul3A_839, %add3A_840 : i32
        %slice3A_842 = vector.extract_strided_slice %get3A_150 {offsets = [6], sizes = [1], strides = [1]} : vector<16xi32> to vector<1xi32>
        %squeeze3A_843 = vector.extract %slice3A_842[0] : i32 from vector<1xi32>
        %mul3A_844 = arith.constant 128 : i32
        %mul3A_845 = arith.muli %squeeze3A_843, %mul3A_844 : i32
        %add3A_846 = arith.constant 0 : i32
        %add3A_847 = arith.addi %mul3A_845, %add3A_846 : i32
        %get3A_848 = arith.index_cast %add3A_847 : i32 to index
        %get3A_849 = tpu.vector_load %arg12[%get3A_848] {strides = array<i32>} : memref<768xf32, #tpu.memory_space<vmem>>, vector<16xf32>,
        %get3A_850 = arith.index_cast %add3A_841 : i32 to index
        %get3A_851 = arith.constant 0 : index
        %get3A_852 = tpu.vector_load %arg8[%get3A_850, %get3A_851] {strides = array<i32>} : memref<64x128xf32, #tpu.memory_space<vmem>>, vector<16xf32>,
        %get3A_853 = arith.index_cast %add3A_841 : i32 to index
        %get3A_854 = arith.constant 0 : index
        %get3A_855 = tpu.vector_load %arg9[%get3A_853, %get3A_854] {strides = array<i32>} : memref<64x128xf32, #tpu.memory_space<vmem>>, vector<16xf32>,
        %mul3A_856 = arith.mulf %get3A_852, %get3A_855 : vector<16xf32>
        %mul3A_857 = arith.mulf %mul3A_856, %get3A_849 : vector<16xf32>
        %add3A_858 = arith.constant 16 : i32
        %add3A_859 = arith.addi %mul3A_845, %add3A_858 : i32
        %get3A_860 = arith.index_cast %add3A_859 : i32 to index
        %get3A_861 = tpu.vector_load %arg12[%get3A_860] {strides = array<i32>} : memref<768xf32, #tpu.memory_space<vmem>>, vector<16xf32>,
        %get3A_862 = arith.index_cast %add3A_841 : i32 to index
        %get3A_863 = arith.constant 16 : index
        %get3A_864 = tpu.vector_load %arg8[%get3A_862, %get3A_863] {strides = array<i32>} : memref<64x128xf32, #tpu.memory_space<vmem>>, vector<16xf32>,
        %get3A_865 = arith.index_cast %add3A_841 : i32 to index
        %get3A_866 = arith.constant 16 : index
        %get3A_867 = tpu.vector_load %arg9[%get3A_865, %get3A_866] {strides = array<i32>} : memref<64x128xf32, #tpu.memory_space<vmem>>, vector<16xf32>,
        %mul3A_868 = arith.mulf %get3A_864, %get3A_867 : vector<16xf32>
        %mul3A_869 = arith.mulf %mul3A_868, %get3A_861 : vector<16xf32>
        %add3A_870 = arith.addf %mul3A_857, %mul3A_869 : vector<16xf32>
        %add3A_871 = arith.constant 32 : i32
        %add3A_872 = arith.addi %mul3A_845, %add3A_871 : i32
        %get3A_873 = arith.index_cast %add3A_872 : i32 to index
        %get3A_874 = tpu.vector_load %arg12[%get3A_873] {strides = array<i32>} : memref<768xf32, #tpu.memory_space<vmem>>, vector<16xf32>,
        %get3A_875 = arith.index_cast %add3A_841 : i32 to index
        %get3A_876 = arith.constant 32 : index
        %get3A_877 = tpu.vector_load %arg8[%get3A_875, %get3A_876] {strides = array<i32>} : memref<64x128xf32, #tpu.memory_space<vmem>>, vector<16xf32>,
        %get3A_878 = arith.index_cast %add3A_841 : i32 to index
        %get3A_879 = arith.constant 32 : index
        %get3A_880 = tpu.vector_load %arg9[%get3A_878, %get3A_879] {strides = array<i32>} : memref<64x128xf32, #tpu.memory_space<vmem>>, vector<16xf32>,
        %mul3A_881 = arith.mulf %get3A_877, %get3A_880 : vector<16xf32>
        %mul3A_882 = arith.mulf %mul3A_881, %get3A_874 : vector<16xf32>
        %add3A_883 = arith.addf %add3A_870, %mul3A_882 : vector<16xf32>
        %add3A_884 = arith.constant 48 : i32
        %add3A_885 = arith.addi %mul3A_845, %add3A_884 : i32
        %get3A_886 = arith.index_cast %add3A_885 : i32 to index
        %get3A_887 = tpu.vector_load %arg12[%get3A_886] {strides = array<i32>} : memref<768xf32, #tpu.memory_space<vmem>>, vector<16xf32>,
        %get3A_888 = arith.index_cast %add3A_841 : i32 to index
        %get3A_889 = arith.constant 48 : index
        %get3A_890 = tpu.vector_load %arg8[%get3A_888, %get3A_889] {strides = array<i32>} : memref<64x128xf32, #tpu.memory_space<vmem>>, vector<16xf32>,
        %get3A_891 = arith.index_cast %add3A_841 : i32 to index
        %get3A_892 = arith.constant 48 : index
        %get3A_893 = tpu.vector_load %arg9[%get3A_891, %get3A_892] {strides = array<i32>} : memref<64x128xf32, #tpu.memory_space<vmem>>, vector<16xf32>,
        %mul3A_894 = arith.mulf %get3A_890, %get3A_893 : vector<16xf32>
        %mul3A_895 = arith.mulf %mul3A_894, %get3A_887 : vector<16xf32>
        %add3A_896 = arith.addf %add3A_883, %mul3A_895 : vector<16xf32>
        %add3A_897 = arith.constant 64 : i32
        %add3A_898 = arith.addi %mul3A_845, %add3A_897 : i32
        %get3A_899 = arith.index_cast %add3A_898 : i32 to index
        %get3A_900 = tpu.vector_load %arg12[%get3A_899] {strides = array<i32>} : memref<768xf32, #tpu.memory_space<vmem>>, vector<16xf32>,
        %get3A_901 = arith.index_cast %add3A_841 : i32 to index
        %get3A_902 = arith.constant 64 : index
        %get3A_903 = tpu.vector_load %arg8[%get3A_901, %get3A_902] {strides = array<i32>} : memref<64x128xf32, #tpu.memory_space<vmem>>, vector<16xf32>,
        %get3A_904 = arith.index_cast %add3A_841 : i32 to index
        %get3A_905 = arith.constant 64 : index
        %get3A_906 = tpu.vector_load %arg9[%get3A_904, %get3A_905] {strides = array<i32>} : memref<64x128xf32, #tpu.memory_space<vmem>>, vector<16xf32>,
        %mul3A_907 = arith.mulf %get3A_903, %get3A_906 : vector<16xf32>
        %mul3A_908 = arith.mulf %mul3A_907, %get3A_900 : vector<16xf32>
        %add3A_909 = arith.addf %add3A_896, %mul3A_908 : vector<16xf32>
        %add3A_910 = arith.constant 80 : i32
        %add3A_911 = arith.addi %mul3A_845, %add3A_910 : i32
        %get3A_912 = arith.index_cast %add3A_911 : i32 to index
        %get3A_913 = tpu.vector_load %arg12[%get3A_912] {strides = array<i32>} : memref<768xf32, #tpu.memory_space<vmem>>, vector<16xf32>,
        %get3A_914 = arith.index_cast %add3A_841 : i32 to index
        %get3A_915 = arith.constant 80 : index
        %get3A_916 = tpu.vector_load %arg8[%get3A_914, %get3A_915] {strides = array<i32>} : memref<64x128xf32, #tpu.memory_space<vmem>>, vector<16xf32>,
        %get3A_917 = arith.index_cast %add3A_841 : i32 to index
        %get3A_918 = arith.constant 80 : index
        %get3A_919 = tpu.vector_load %arg9[%get3A_917, %get3A_918] {strides = array<i32>} : memref<64x128xf32, #tpu.memory_space<vmem>>, vector<16xf32>,
        %mul3A_920 = arith.mulf %get3A_916, %get3A_919 : vector<16xf32>
        %mul3A_921 = arith.mulf %mul3A_920, %get3A_913 : vector<16xf32>
        %add3A_922 = arith.addf %add3A_909, %mul3A_921 : vector<16xf32>
        %add3A_923 = arith.constant 96 : i32
        %add3A_924 = arith.addi %mul3A_845, %add3A_923 : i32
        %get3A_925 = arith.index_cast %add3A_924 : i32 to index
        %get3A_926 = tpu.vector_load %arg12[%get3A_925] {strides = array<i32>} : memref<768xf32, #tpu.memory_space<vmem>>, vector<16xf32>,
        %get3A_927 = arith.index_cast %add3A_841 : i32 to index
        %get3A_928 = arith.constant 96 : index
        %get3A_929 = tpu.vector_load %arg8[%get3A_927, %get3A_928] {strides = array<i32>} : memref<64x128xf32, #tpu.memory_space<vmem>>, vector<16xf32>,
        %get3A_930 = arith.index_cast %add3A_841 : i32 to index
        %get3A_931 = arith.constant 96 : index
        %get3A_932 = tpu.vector_load %arg9[%get3A_930, %get3A_931] {strides = array<i32>} : memref<64x128xf32, #tpu.memory_space<vmem>>, vector<16xf32>,
        %mul3A_933 = arith.mulf %get3A_929, %get3A_932 : vector<16xf32>
        %mul3A_934 = arith.mulf %mul3A_933, %get3A_926 : vector<16xf32>
        %add3A_935 = arith.addf %add3A_922, %mul3A_934 : vector<16xf32>
        %add3A_936 = arith.constant 112 : i32
        %add3A_937 = arith.addi %mul3A_845, %add3A_936 : i32
        %get3A_938 = arith.index_cast %add3A_937 : i32 to index
        %get3A_939 = tpu.vector_load %arg12[%get3A_938] {strides = array<i32>} : memref<768xf32, #tpu.memory_space<vmem>>, vector<16xf32>,
        %get3A_940 = arith.index_cast %add3A_841 : i32 to index
        %get3A_941 = arith.constant 112 : index
        %get3A_942 = tpu.vector_load %arg8[%get3A_940, %get3A_941] {strides = array<i32>} : memref<64x128xf32, #tpu.memory_space<vmem>>, vector<16xf32>,
        %get3A_943 = arith.index_cast %add3A_841 : i32 to index
        %get3A_944 = arith.constant 112 : index
        %get3A_945 = tpu.vector_load %arg9[%get3A_943, %get3A_944] {strides = array<i32>} : memref<64x128xf32, #tpu.memory_space<vmem>>, vector<16xf32>,
        %mul3A_946 = arith.mulf %get3A_942, %get3A_945 : vector<16xf32>
        %mul3A_947 = arith.mulf %mul3A_946, %get3A_939 : vector<16xf32>
        %add3A_948 = arith.addf %add3A_935, %mul3A_947 : vector<16xf32>
        %swap3A_949 = arith.constant 6 : i32
        %swap3A_950 = arith.index_cast %swap3A_949 : i32 to index
        %swap3A_951 = arith.constant 0 : index
        %swap3A_952 = tpu.vector_load %arg13[%swap3A_950, %swap3A_951] {strides = array<i32>} : memref<16x17xf32, #tpu.memory_space<vmem>>, vector<16xf32>,
        tpu.vector_store %arg13[%swap3A_950, %swap3A_951], %add3A_948 {strides = array<i32>} : memref<16x17xf32, #tpu.memory_space<vmem>>, vector<16xf32>,
        %mul3A_953 = arith.constant 16 : i32
        %mul3A_954 = arith.muli %scan3A_144, %mul3A_953 : i32
        %add3A_955 = arith.constant 7 : i32
        %add3A_956 = arith.addi %mul3A_954, %add3A_955 : i32
        %slice3A_957 = vector.extract_strided_slice %get3A_150 {offsets = [7], sizes = [1], strides = [1]} : vector<16xi32> to vector<1xi32>
        %squeeze3A_958 = vector.extract %slice3A_957[0] : i32 from vector<1xi32>
        %mul3A_959 = arith.constant 128 : i32
        %mul3A_960 = arith.muli %squeeze3A_958, %mul3A_959 : i32
        %add3A_961 = arith.constant 0 : i32
        %add3A_962 = arith.addi %mul3A_960, %add3A_961 : i32
        %get3A_963 = arith.index_cast %add3A_962 : i32 to index
        %get3A_964 = tpu.vector_load %arg12[%get3A_963] {strides = array<i32>} : memref<768xf32, #tpu.memory_space<vmem>>, vector<16xf32>,
        %get3A_965 = arith.index_cast %add3A_956 : i32 to index
        %get3A_966 = arith.constant 0 : index
        %get3A_967 = tpu.vector_load %arg8[%get3A_965, %get3A_966] {strides = array<i32>} : memref<64x128xf32, #tpu.memory_space<vmem>>, vector<16xf32>,
        %get3A_968 = arith.index_cast %add3A_956 : i32 to index
        %get3A_969 = arith.constant 0 : index
        %get3A_970 = tpu.vector_load %arg9[%get3A_968, %get3A_969] {strides = array<i32>} : memref<64x128xf32, #tpu.memory_space<vmem>>, vector<16xf32>,
        %mul3A_971 = arith.mulf %get3A_967, %get3A_970 : vector<16xf32>
        %mul3A_972 = arith.mulf %mul3A_971, %get3A_964 : vector<16xf32>
        %add3A_973 = arith.constant 16 : i32
        %add3A_974 = arith.addi %mul3A_960, %add3A_973 : i32
        %get3A_975 = arith.index_cast %add3A_974 : i32 to index
        %get3A_976 = tpu.vector_load %arg12[%get3A_975] {strides = array<i32>} : memref<768xf32, #tpu.memory_space<vmem>>, vector<16xf32>,
        %get3A_977 = arith.index_cast %add3A_956 : i32 to index
        %get3A_978 = arith.constant 16 : index
        %get3A_979 = tpu.vector_load %arg8[%get3A_977, %get3A_978] {strides = array<i32>} : memref<64x128xf32, #tpu.memory_space<vmem>>, vector<16xf32>,
        %get3A_980 = arith.index_cast %add3A_956 : i32 to index
        %get3A_981 = arith.constant 16 : index
        %get3A_982 = tpu.vector_load %arg9[%get3A_980, %get3A_981] {strides = array<i32>} : memref<64x128xf32, #tpu.memory_space<vmem>>, vector<16xf32>,
        %mul3A_983 = arith.mulf %get3A_979, %get3A_982 : vector<16xf32>
        %mul3A_984 = arith.mulf %mul3A_983, %get3A_976 : vector<16xf32>
        %add3A_985 = arith.addf %mul3A_972, %mul3A_984 : vector<16xf32>
        %add3A_986 = arith.constant 32 : i32
        %add3A_987 = arith.addi %mul3A_960, %add3A_986 : i32
        %get3A_988 = arith.index_cast %add3A_987 : i32 to index
        %get3A_989 = tpu.vector_load %arg12[%get3A_988] {strides = array<i32>} : memref<768xf32, #tpu.memory_space<vmem>>, vector<16xf32>,
        %get3A_990 = arith.index_cast %add3A_956 : i32 to index
        %get3A_991 = arith.constant 32 : index
        %get3A_992 = tpu.vector_load %arg8[%get3A_990, %get3A_991] {strides = array<i32>} : memref<64x128xf32, #tpu.memory_space<vmem>>, vector<16xf32>,
        %get3A_993 = arith.index_cast %add3A_956 : i32 to index
        %get3A_994 = arith.constant 32 : index
        %get3A_995 = tpu.vector_load %arg9[%get3A_993, %get3A_994] {strides = array<i32>} : memref<64x128xf32, #tpu.memory_space<vmem>>, vector<16xf32>,
        %mul3A_996 = arith.mulf %get3A_992, %get3A_995 : vector<16xf32>
        %mul3A_997 = arith.mulf %mul3A_996, %get3A_989 : vector<16xf32>
        %add3A_998 = arith.addf %add3A_985, %mul3A_997 : vector<16xf32>
        %add3A_999 = arith.constant 48 : i32
        %add3A_1000 = arith.addi %mul3A_960, %add3A_999 : i32
        %get3A_1001 = arith.index_cast %add3A_1000 : i32 to index
        %get3A_1002 = tpu.vector_load %arg12[%get3A_1001] {strides = array<i32>} : memref<768xf32, #tpu.memory_space<vmem>>, vector<16xf32>,
        %get3A_1003 = arith.index_cast %add3A_956 : i32 to index
        %get3A_1004 = arith.constant 48 : index
        %get3A_1005 = tpu.vector_load %arg8[%get3A_1003, %get3A_1004] {strides = array<i32>} : memref<64x128xf32, #tpu.memory_space<vmem>>, vector<16xf32>,
        %get3A_1006 = arith.index_cast %add3A_956 : i32 to index
        %get3A_1007 = arith.constant 48 : index
        %get3A_1008 = tpu.vector_load %arg9[%get3A_1006, %get3A_1007] {strides = array<i32>} : memref<64x128xf32, #tpu.memory_space<vmem>>, vector<16xf32>,
        %mul3A_1009 = arith.mulf %get3A_1005, %get3A_1008 : vector<16xf32>
        %mul3A_1010 = arith.mulf %mul3A_1009, %get3A_1002 : vector<16xf32>
        %add3A_1011 = arith.addf %add3A_998, %mul3A_1010 : vector<16xf32>
        %add3A_1012 = arith.constant 64 : i32
        %add3A_1013 = arith.addi %mul3A_960, %add3A_1012 : i32
        %get3A_1014 = arith.index_cast %add3A_1013 : i32 to index
        %get3A_1015 = tpu.vector_load %arg12[%get3A_1014] {strides = array<i32>} : memref<768xf32, #tpu.memory_space<vmem>>, vector<16xf32>,
        %get3A_1016 = arith.index_cast %add3A_956 : i32 to index
        %get3A_1017 = arith.constant 64 : index
        %get3A_1018 = tpu.vector_load %arg8[%get3A_1016, %get3A_1017] {strides = array<i32>} : memref<64x128xf32, #tpu.memory_space<vmem>>, vector<16xf32>,
        %get3A_1019 = arith.index_cast %add3A_956 : i32 to index
        %get3A_1020 = arith.constant 64 : index
        %get3A_1021 = tpu.vector_load %arg9[%get3A_1019, %get3A_1020] {strides = array<i32>} : memref<64x128xf32, #tpu.memory_space<vmem>>, vector<16xf32>,
        %mul3A_1022 = arith.mulf %get3A_1018, %get3A_1021 : vector<16xf32>
        %mul3A_1023 = arith.mulf %mul3A_1022, %get3A_1015 : vector<16xf32>
        %add3A_1024 = arith.addf %add3A_1011, %mul3A_1023 : vector<16xf32>
        %add3A_1025 = arith.constant 80 : i32
        %add3A_1026 = arith.addi %mul3A_960, %add3A_1025 : i32
        %get3A_1027 = arith.index_cast %add3A_1026 : i32 to index
        %get3A_1028 = tpu.vector_load %arg12[%get3A_1027] {strides = array<i32>} : memref<768xf32, #tpu.memory_space<vmem>>, vector<16xf32>,
        %get3A_1029 = arith.index_cast %add3A_956 : i32 to index
        %get3A_1030 = arith.constant 80 : index
        %get3A_1031 = tpu.vector_load %arg8[%get3A_1029, %get3A_1030] {strides = array<i32>} : memref<64x128xf32, #tpu.memory_space<vmem>>, vector<16xf32>,
        %get3A_1032 = arith.index_cast %add3A_956 : i32 to index
        %get3A_1033 = arith.constant 80 : index
        %get3A_1034 = tpu.vector_load %arg9[%get3A_1032, %get3A_1033] {strides = array<i32>} : memref<64x128xf32, #tpu.memory_space<vmem>>, vector<16xf32>,
        %mul3A_1035 = arith.mulf %get3A_1031, %get3A_1034 : vector<16xf32>
        %mul3A_1036 = arith.mulf %mul3A_1035, %get3A_1028 : vector<16xf32>
        %add3A_1037 = arith.addf %add3A_1024, %mul3A_1036 : vector<16xf32>
        %add3A_1038 = arith.constant 96 : i32
        %add3A_1039 = arith.addi %mul3A_960, %add3A_1038 : i32
        %get3A_1040 = arith.index_cast %add3A_1039 : i32 to index
        %get3A_1041 = tpu.vector_load %arg12[%get3A_1040] {strides = array<i32>} : memref<768xf32, #tpu.memory_space<vmem>>, vector<16xf32>,
        %get3A_1042 = arith.index_cast %add3A_956 : i32 to index
        %get3A_1043 = arith.constant 96 : index
        %get3A_1044 = tpu.vector_load %arg8[%get3A_1042, %get3A_1043] {strides = array<i32>} : memref<64x128xf32, #tpu.memory_space<vmem>>, vector<16xf32>,
        %get3A_1045 = arith.index_cast %add3A_956 : i32 to index
        %get3A_1046 = arith.constant 96 : index
        %get3A_1047 = tpu.vector_load %arg9[%get3A_1045, %get3A_1046] {strides = array<i32>} : memref<64x128xf32, #tpu.memory_space<vmem>>, vector<16xf32>,
        %mul3A_1048 = arith.mulf %get3A_1044, %get3A_1047 : vector<16xf32>
        %mul3A_1049 = arith.mulf %mul3A_1048, %get3A_1041 : vector<16xf32>
        %add3A_1050 = arith.addf %add3A_1037, %mul3A_1049 : vector<16xf32>
        %add3A_1051 = arith.constant 112 : i32
        %add3A_1052 = arith.addi %mul3A_960, %add3A_1051 : i32
        %get3A_1053 = arith.index_cast %add3A_1052 : i32 to index
        %get3A_1054 = tpu.vector_load %arg12[%get3A_1053] {strides = array<i32>} : memref<768xf32, #tpu.memory_space<vmem>>, vector<16xf32>,
        %get3A_1055 = arith.index_cast %add3A_956 : i32 to index
        %get3A_1056 = arith.constant 112 : index
        %get3A_1057 = tpu.vector_load %arg8[%get3A_1055, %get3A_1056] {strides = array<i32>} : memref<64x128xf32, #tpu.memory_space<vmem>>, vector<16xf32>,
        %get3A_1058 = arith.index_cast %add3A_956 : i32 to index
        %get3A_1059 = arith.constant 112 : index
        %get3A_1060 = tpu.vector_load %arg9[%get3A_1058, %get3A_1059] {strides = array<i32>} : memref<64x128xf32, #tpu.memory_space<vmem>>, vector<16xf32>,
        %mul3A_1061 = arith.mulf %get3A_1057, %get3A_1060 : vector<16xf32>
        %mul3A_1062 = arith.mulf %mul3A_1061, %get3A_1054 : vector<16xf32>
        %add3A_1063 = arith.addf %add3A_1050, %mul3A_1062 : vector<16xf32>
        %swap3A_1064 = arith.constant 7 : i32
        %swap3A_1065 = arith.index_cast %swap3A_1064 : i32 to index
        %swap3A_1066 = arith.constant 0 : index
        %swap3A_1067 = tpu.vector_load %arg13[%swap3A_1065, %swap3A_1066] {strides = array<i32>} : memref<16x17xf32, #tpu.memory_space<vmem>>, vector<16xf32>,
        tpu.vector_store %arg13[%swap3A_1065, %swap3A_1066], %add3A_1063 {strides = array<i32>} : memref<16x17xf32, #tpu.memory_space<vmem>>, vector<16xf32>,
        %mul3A_1068 = arith.constant 16 : i32
        %mul3A_1069 = arith.muli %scan3A_144, %mul3A_1068 : i32
        %add3A_1070 = arith.constant 8 : i32
        %add3A_1071 = arith.addi %mul3A_1069, %add3A_1070 : i32
        %slice3A_1072 = vector.extract_strided_slice %get3A_150 {offsets = [8], sizes = [1], strides = [1]} : vector<16xi32> to vector<1xi32>
        %squeeze3A_1073 = vector.extract %slice3A_1072[0] : i32 from vector<1xi32>
        %mul3A_1074 = arith.constant 128 : i32
        %mul3A_1075 = arith.muli %squeeze3A_1073, %mul3A_1074 : i32
        %add3A_1076 = arith.constant 0 : i32
        %add3A_1077 = arith.addi %mul3A_1075, %add3A_1076 : i32
        %get3A_1078 = arith.index_cast %add3A_1077 : i32 to index
        %get3A_1079 = tpu.vector_load %arg12[%get3A_1078] {strides = array<i32>} : memref<768xf32, #tpu.memory_space<vmem>>, vector<16xf32>,
        %get3A_1080 = arith.index_cast %add3A_1071 : i32 to index
        %get3A_1081 = arith.constant 0 : index
        %get3A_1082 = tpu.vector_load %arg8[%get3A_1080, %get3A_1081] {strides = array<i32>} : memref<64x128xf32, #tpu.memory_space<vmem>>, vector<16xf32>,
        %get3A_1083 = arith.index_cast %add3A_1071 : i32 to index
        %get3A_1084 = arith.constant 0 : index
        %get3A_1085 = tpu.vector_load %arg9[%get3A_1083, %get3A_1084] {strides = array<i32>} : memref<64x128xf32, #tpu.memory_space<vmem>>, vector<16xf32>,
        %mul3A_1086 = arith.mulf %get3A_1082, %get3A_1085 : vector<16xf32>
        %mul3A_1087 = arith.mulf %mul3A_1086, %get3A_1079 : vector<16xf32>
        %add3A_1088 = arith.constant 16 : i32
        %add3A_1089 = arith.addi %mul3A_1075, %add3A_1088 : i32
        %get3A_1090 = arith.index_cast %add3A_1089 : i32 to index
        %get3A_1091 = tpu.vector_load %arg12[%get3A_1090] {strides = array<i32>} : memref<768xf32, #tpu.memory_space<vmem>>, vector<16xf32>,
        %get3A_1092 = arith.index_cast %add3A_1071 : i32 to index
        %get3A_1093 = arith.constant 16 : index
        %get3A_1094 = tpu.vector_load %arg8[%get3A_1092, %get3A_1093] {strides = array<i32>} : memref<64x128xf32, #tpu.memory_space<vmem>>, vector<16xf32>,
        %get3A_1095 = arith.index_cast %add3A_1071 : i32 to index
        %get3A_1096 = arith.constant 16 : index
        %get3A_1097 = tpu.vector_load %arg9[%get3A_1095, %get3A_1096] {strides = array<i32>} : memref<64x128xf32, #tpu.memory_space<vmem>>, vector<16xf32>,
        %mul3A_1098 = arith.mulf %get3A_1094, %get3A_1097 : vector<16xf32>
        %mul3A_1099 = arith.mulf %mul3A_1098, %get3A_1091 : vector<16xf32>
        %add3A_1100 = arith.addf %mul3A_1087, %mul3A_1099 : vector<16xf32>
        %add3A_1101 = arith.constant 32 : i32
        %add3A_1102 = arith.addi %mul3A_1075, %add3A_1101 : i32
        %get3A_1103 = arith.index_cast %add3A_1102 : i32 to index
        %get3A_1104 = tpu.vector_load %arg12[%get3A_1103] {strides = array<i32>} : memref<768xf32, #tpu.memory_space<vmem>>, vector<16xf32>,
        %get3A_1105 = arith.index_cast %add3A_1071 : i32 to index
        %get3A_1106 = arith.constant 32 : index
        %get3A_1107 = tpu.vector_load %arg8[%get3A_1105, %get3A_1106] {strides = array<i32>} : memref<64x128xf32, #tpu.memory_space<vmem>>, vector<16xf32>,
        %get3A_1108 = arith.index_cast %add3A_1071 : i32 to index
        %get3A_1109 = arith.constant 32 : index
        %get3A_1110 = tpu.vector_load %arg9[%get3A_1108, %get3A_1109] {strides = array<i32>} : memref<64x128xf32, #tpu.memory_space<vmem>>, vector<16xf32>,
        %mul3A_1111 = arith.mulf %get3A_1107, %get3A_1110 : vector<16xf32>
        %mul3A_1112 = arith.mulf %mul3A_1111, %get3A_1104 : vector<16xf32>
        %add3A_1113 = arith.addf %add3A_1100, %mul3A_1112 : vector<16xf32>
        %add3A_1114 = arith.constant 48 : i32
        %add3A_1115 = arith.addi %mul3A_1075, %add3A_1114 : i32
        %get3A_1116 = arith.index_cast %add3A_1115 : i32 to index
        %get3A_1117 = tpu.vector_load %arg12[%get3A_1116] {strides = array<i32>} : memref<768xf32, #tpu.memory_space<vmem>>, vector<16xf32>,
        %get3A_1118 = arith.index_cast %add3A_1071 : i32 to index
        %get3A_1119 = arith.constant 48 : index
        %get3A_1120 = tpu.vector_load %arg8[%get3A_1118, %get3A_1119] {strides = array<i32>} : memref<64x128xf32, #tpu.memory_space<vmem>>, vector<16xf32>,
        %get3A_1121 = arith.index_cast %add3A_1071 : i32 to index
        %get3A_1122 = arith.constant 48 : index
        %get3A_1123 = tpu.vector_load %arg9[%get3A_1121, %get3A_1122] {strides = array<i32>} : memref<64x128xf32, #tpu.memory_space<vmem>>, vector<16xf32>,
        %mul3A_1124 = arith.mulf %get3A_1120, %get3A_1123 : vector<16xf32>
        %mul3A_1125 = arith.mulf %mul3A_1124, %get3A_1117 : vector<16xf32>
        %add3A_1126 = arith.addf %add3A_1113, %mul3A_1125 : vector<16xf32>
        %add3A_1127 = arith.constant 64 : i32
        %add3A_1128 = arith.addi %mul3A_1075, %add3A_1127 : i32
        %get3A_1129 = arith.index_cast %add3A_1128 : i32 to index
        %get3A_1130 = tpu.vector_load %arg12[%get3A_1129] {strides = array<i32>} : memref<768xf32, #tpu.memory_space<vmem>>, vector<16xf32>,
        %get3A_1131 = arith.index_cast %add3A_1071 : i32 to index
        %get3A_1132 = arith.constant 64 : index
        %get3A_1133 = tpu.vector_load %arg8[%get3A_1131, %get3A_1132] {strides = array<i32>} : memref<64x128xf32, #tpu.memory_space<vmem>>, vector<16xf32>,
        %get3A_1134 = arith.index_cast %add3A_1071 : i32 to index
        %get3A_1135 = arith.constant 64 : index
        %get3A_1136 = tpu.vector_load %arg9[%get3A_1134, %get3A_1135] {strides = array<i32>} : memref<64x128xf32, #tpu.memory_space<vmem>>, vector<16xf32>,
        %mul3A_1137 = arith.mulf %get3A_1133, %get3A_1136 : vector<16xf32>
        %mul3A_1138 = arith.mulf %mul3A_1137, %get3A_1130 : vector<16xf32>
        %add3A_1139 = arith.addf %add3A_1126, %mul3A_1138 : vector<16xf32>
        %add3A_1140 = arith.constant 80 : i32
        %add3A_1141 = arith.addi %mul3A_1075, %add3A_1140 : i32
        %get3A_1142 = arith.index_cast %add3A_1141 : i32 to index
        %get3A_1143 = tpu.vector_load %arg12[%get3A_1142] {strides = array<i32>} : memref<768xf32, #tpu.memory_space<vmem>>, vector<16xf32>,
        %get3A_1144 = arith.index_cast %add3A_1071 : i32 to index
        %get3A_1145 = arith.constant 80 : index
        %get3A_1146 = tpu.vector_load %arg8[%get3A_1144, %get3A_1145] {strides = array<i32>} : memref<64x128xf32, #tpu.memory_space<vmem>>, vector<16xf32>,
        %get3A_1147 = arith.index_cast %add3A_1071 : i32 to index
        %get3A_1148 = arith.constant 80 : index
        %get3A_1149 = tpu.vector_load %arg9[%get3A_1147, %get3A_1148] {strides = array<i32>} : memref<64x128xf32, #tpu.memory_space<vmem>>, vector<16xf32>,
        %mul3A_1150 = arith.mulf %get3A_1146, %get3A_1149 : vector<16xf32>
        %mul3A_1151 = arith.mulf %mul3A_1150, %get3A_1143 : vector<16xf32>
        %add3A_1152 = arith.addf %add3A_1139, %mul3A_1151 : vector<16xf32>
        %add3A_1153 = arith.constant 96 : i32
        %add3A_1154 = arith.addi %mul3A_1075, %add3A_1153 : i32
        %get3A_1155 = arith.index_cast %add3A_1154 : i32 to index
        %get3A_1156 = tpu.vector_load %arg12[%get3A_1155] {strides = array<i32>} : memref<768xf32, #tpu.memory_space<vmem>>, vector<16xf32>,
        %get3A_1157 = arith.index_cast %add3A_1071 : i32 to index
        %get3A_1158 = arith.constant 96 : index
        %get3A_1159 = tpu.vector_load %arg8[%get3A_1157, %get3A_1158] {strides = array<i32>} : memref<64x128xf32, #tpu.memory_space<vmem>>, vector<16xf32>,
        %get3A_1160 = arith.index_cast %add3A_1071 : i32 to index
        %get3A_1161 = arith.constant 96 : index
        %get3A_1162 = tpu.vector_load %arg9[%get3A_1160, %get3A_1161] {strides = array<i32>} : memref<64x128xf32, #tpu.memory_space<vmem>>, vector<16xf32>,
        %mul3A_1163 = arith.mulf %get3A_1159, %get3A_1162 : vector<16xf32>
        %mul3A_1164 = arith.mulf %mul3A_1163, %get3A_1156 : vector<16xf32>
        %add3A_1165 = arith.addf %add3A_1152, %mul3A_1164 : vector<16xf32>
        %add3A_1166 = arith.constant 112 : i32
        %add3A_1167 = arith.addi %mul3A_1075, %add3A_1166 : i32
        %get3A_1168 = arith.index_cast %add3A_1167 : i32 to index
        %get3A_1169 = tpu.vector_load %arg12[%get3A_1168] {strides = array<i32>} : memref<768xf32, #tpu.memory_space<vmem>>, vector<16xf32>,
        %get3A_1170 = arith.index_cast %add3A_1071 : i32 to index
        %get3A_1171 = arith.constant 112 : index
        %get3A_1172 = tpu.vector_load %arg8[%get3A_1170, %get3A_1171] {strides = array<i32>} : memref<64x128xf32, #tpu.memory_space<vmem>>, vector<16xf32>,
        %get3A_1173 = arith.index_cast %add3A_1071 : i32 to index
        %get3A_1174 = arith.constant 112 : index
        %get3A_1175 = tpu.vector_load %arg9[%get3A_1173, %get3A_1174] {strides = array<i32>} : memref<64x128xf32, #tpu.memory_space<vmem>>, vector<16xf32>,
        %mul3A_1176 = arith.mulf %get3A_1172, %get3A_1175 : vector<16xf32>
        %mul3A_1177 = arith.mulf %mul3A_1176, %get3A_1169 : vector<16xf32>
        %add3A_1178 = arith.addf %add3A_1165, %mul3A_1177 : vector<16xf32>
        %swap3A_1179 = arith.constant 8 : i32
        %swap3A_1180 = arith.index_cast %swap3A_1179 : i32 to index
        %swap3A_1181 = arith.constant 0 : index
        %swap3A_1182 = tpu.vector_load %arg13[%swap3A_1180, %swap3A_1181] {strides = array<i32>} : memref<16x17xf32, #tpu.memory_space<vmem>>, vector<16xf32>,
        tpu.vector_store %arg13[%swap3A_1180, %swap3A_1181], %add3A_1178 {strides = array<i32>} : memref<16x17xf32, #tpu.memory_space<vmem>>, vector<16xf32>,
        %mul3A_1183 = arith.constant 16 : i32
        %mul3A_1184 = arith.muli %scan3A_144, %mul3A_1183 : i32
        %add3A_1185 = arith.constant 9 : i32
        %add3A_1186 = arith.addi %mul3A_1184, %add3A_1185 : i32
        %slice3A_1187 = vector.extract_strided_slice %get3A_150 {offsets = [9], sizes = [1], strides = [1]} : vector<16xi32> to vector<1xi32>
        %squeeze3A_1188 = vector.extract %slice3A_1187[0] : i32 from vector<1xi32>
        %mul3A_1189 = arith.constant 128 : i32
        %mul3A_1190 = arith.muli %squeeze3A_1188, %mul3A_1189 : i32
        %add3A_1191 = arith.constant 0 : i32
        %add3A_1192 = arith.addi %mul3A_1190, %add3A_1191 : i32
        %get3A_1193 = arith.index_cast %add3A_1192 : i32 to index
        %get3A_1194 = tpu.vector_load %arg12[%get3A_1193] {strides = array<i32>} : memref<768xf32, #tpu.memory_space<vmem>>, vector<16xf32>,
        %get3A_1195 = arith.index_cast %add3A_1186 : i32 to index
        %get3A_1196 = arith.constant 0 : index
        %get3A_1197 = tpu.vector_load %arg8[%get3A_1195, %get3A_1196] {strides = array<i32>} : memref<64x128xf32, #tpu.memory_space<vmem>>, vector<16xf32>,
        %get3A_1198 = arith.index_cast %add3A_1186 : i32 to index
        %get3A_1199 = arith.constant 0 : index
        %get3A_1200 = tpu.vector_load %arg9[%get3A_1198, %get3A_1199] {strides = array<i32>} : memref<64x128xf32, #tpu.memory_space<vmem>>, vector<16xf32>,
        %mul3A_1201 = arith.mulf %get3A_1197, %get3A_1200 : vector<16xf32>
        %mul3A_1202 = arith.mulf %mul3A_1201, %get3A_1194 : vector<16xf32>
        %add3A_1203 = arith.constant 16 : i32
        %add3A_1204 = arith.addi %mul3A_1190, %add3A_1203 : i32
        %get3A_1205 = arith.index_cast %add3A_1204 : i32 to index
        %get3A_1206 = tpu.vector_load %arg12[%get3A_1205] {strides = array<i32>} : memref<768xf32, #tpu.memory_space<vmem>>, vector<16xf32>,
        %get3A_1207 = arith.index_cast %add3A_1186 : i32 to index
        %get3A_1208 = arith.constant 16 : index
        %get3A_1209 = tpu.vector_load %arg8[%get3A_1207, %get3A_1208] {strides = array<i32>} : memref<64x128xf32, #tpu.memory_space<vmem>>, vector<16xf32>,
        %get3A_1210 = arith.index_cast %add3A_1186 : i32 to index
        %get3A_1211 = arith.constant 16 : index
        %get3A_1212 = tpu.vector_load %arg9[%get3A_1210, %get3A_1211] {strides = array<i32>} : memref<64x128xf32, #tpu.memory_space<vmem>>, vector<16xf32>,
        %mul3A_1213 = arith.mulf %get3A_1209, %get3A_1212 : vector<16xf32>
        %mul3A_1214 = arith.mulf %mul3A_1213, %get3A_1206 : vector<16xf32>
        %add3A_1215 = arith.addf %mul3A_1202, %mul3A_1214 : vector<16xf32>
        %add3A_1216 = arith.constant 32 : i32
        %add3A_1217 = arith.addi %mul3A_1190, %add3A_1216 : i32
        %get3A_1218 = arith.index_cast %add3A_1217 : i32 to index
        %get3A_1219 = tpu.vector_load %arg12[%get3A_1218] {strides = array<i32>} : memref<768xf32, #tpu.memory_space<vmem>>, vector<16xf32>,
        %get3A_1220 = arith.index_cast %add3A_1186 : i32 to index
        %get3A_1221 = arith.constant 32 : index
        %get3A_1222 = tpu.vector_load %arg8[%get3A_1220, %get3A_1221] {strides = array<i32>} : memref<64x128xf32, #tpu.memory_space<vmem>>, vector<16xf32>,
        %get3A_1223 = arith.index_cast %add3A_1186 : i32 to index
        %get3A_1224 = arith.constant 32 : index
        %get3A_1225 = tpu.vector_load %arg9[%get3A_1223, %get3A_1224] {strides = array<i32>} : memref<64x128xf32, #tpu.memory_space<vmem>>, vector<16xf32>,
        %mul3A_1226 = arith.mulf %get3A_1222, %get3A_1225 : vector<16xf32>
        %mul3A_1227 = arith.mulf %mul3A_1226, %get3A_1219 : vector<16xf32>
        %add3A_1228 = arith.addf %add3A_1215, %mul3A_1227 : vector<16xf32>
        %add3A_1229 = arith.constant 48 : i32
        %add3A_1230 = arith.addi %mul3A_1190, %add3A_1229 : i32
        %get3A_1231 = arith.index_cast %add3A_1230 : i32 to index
        %get3A_1232 = tpu.vector_load %arg12[%get3A_1231] {strides = array<i32>} : memref<768xf32, #tpu.memory_space<vmem>>, vector<16xf32>,
        %get3A_1233 = arith.index_cast %add3A_1186 : i32 to index
        %get3A_1234 = arith.constant 48 : index
        %get3A_1235 = tpu.vector_load %arg8[%get3A_1233, %get3A_1234] {strides = array<i32>} : memref<64x128xf32, #tpu.memory_space<vmem>>, vector<16xf32>,
        %get3A_1236 = arith.index_cast %add3A_1186 : i32 to index
        %get3A_1237 = arith.constant 48 : index
        %get3A_1238 = tpu.vector_load %arg9[%get3A_1236, %get3A_1237] {strides = array<i32>} : memref<64x128xf32, #tpu.memory_space<vmem>>, vector<16xf32>,
        %mul3A_1239 = arith.mulf %get3A_1235, %get3A_1238 : vector<16xf32>
        %mul3A_1240 = arith.mulf %mul3A_1239, %get3A_1232 : vector<16xf32>
        %add3A_1241 = arith.addf %add3A_1228, %mul3A_1240 : vector<16xf32>
        %add3A_1242 = arith.constant 64 : i32
        %add3A_1243 = arith.addi %mul3A_1190, %add3A_1242 : i32
        %get3A_1244 = arith.index_cast %add3A_1243 : i32 to index
        %get3A_1245 = tpu.vector_load %arg12[%get3A_1244] {strides = array<i32>} : memref<768xf32, #tpu.memory_space<vmem>>, vector<16xf32>,
        %get3A_1246 = arith.index_cast %add3A_1186 : i32 to index
        %get3A_1247 = arith.constant 64 : index
        %get3A_1248 = tpu.vector_load %arg8[%get3A_1246, %get3A_1247] {strides = array<i32>} : memref<64x128xf32, #tpu.memory_space<vmem>>, vector<16xf32>,
        %get3A_1249 = arith.index_cast %add3A_1186 : i32 to index
        %get3A_1250 = arith.constant 64 : index
        %get3A_1251 = tpu.vector_load %arg9[%get3A_1249, %get3A_1250] {strides = array<i32>} : memref<64x128xf32, #tpu.memory_space<vmem>>, vector<16xf32>,
        %mul3A_1252 = arith.mulf %get3A_1248, %get3A_1251 : vector<16xf32>
        %mul3A_1253 = arith.mulf %mul3A_1252, %get3A_1245 : vector<16xf32>
        %add3A_1254 = arith.addf %add3A_1241, %mul3A_1253 : vector<16xf32>
        %add3A_1255 = arith.constant 80 : i32
        %add3A_1256 = arith.addi %mul3A_1190, %add3A_1255 : i32
        %get3A_1257 = arith.index_cast %add3A_1256 : i32 to index
        %get3A_1258 = tpu.vector_load %arg12[%get3A_1257] {strides = array<i32>} : memref<768xf32, #tpu.memory_space<vmem>>, vector<16xf32>,
        %get3A_1259 = arith.index_cast %add3A_1186 : i32 to index
        %get3A_1260 = arith.constant 80 : index
        %get3A_1261 = tpu.vector_load %arg8[%get3A_1259, %get3A_1260] {strides = array<i32>} : memref<64x128xf32, #tpu.memory_space<vmem>>, vector<16xf32>,
        %get3A_1262 = arith.index_cast %add3A_1186 : i32 to index
        %get3A_1263 = arith.constant 80 : index
        %get3A_1264 = tpu.vector_load %arg9[%get3A_1262, %get3A_1263] {strides = array<i32>} : memref<64x128xf32, #tpu.memory_space<vmem>>, vector<16xf32>,
        %mul3A_1265 = arith.mulf %get3A_1261, %get3A_1264 : vector<16xf32>
        %mul3A_1266 = arith.mulf %mul3A_1265, %get3A_1258 : vector<16xf32>
        %add3A_1267 = arith.addf %add3A_1254, %mul3A_1266 : vector<16xf32>
        %add3A_1268 = arith.constant 96 : i32
        %add3A_1269 = arith.addi %mul3A_1190, %add3A_1268 : i32
        %get3A_1270 = arith.index_cast %add3A_1269 : i32 to index
        %get3A_1271 = tpu.vector_load %arg12[%get3A_1270] {strides = array<i32>} : memref<768xf32, #tpu.memory_space<vmem>>, vector<16xf32>,
        %get3A_1272 = arith.index_cast %add3A_1186 : i32 to index
        %get3A_1273 = arith.constant 96 : index
        %get3A_1274 = tpu.vector_load %arg8[%get3A_1272, %get3A_1273] {strides = array<i32>} : memref<64x128xf32, #tpu.memory_space<vmem>>, vector<16xf32>,
        %get3A_1275 = arith.index_cast %add3A_1186 : i32 to index
        %get3A_1276 = arith.constant 96 : index
        %get3A_1277 = tpu.vector_load %arg9[%get3A_1275, %get3A_1276] {strides = array<i32>} : memref<64x128xf32, #tpu.memory_space<vmem>>, vector<16xf32>,
        %mul3A_1278 = arith.mulf %get3A_1274, %get3A_1277 : vector<16xf32>
        %mul3A_1279 = arith.mulf %mul3A_1278, %get3A_1271 : vector<16xf32>
        %add3A_1280 = arith.addf %add3A_1267, %mul3A_1279 : vector<16xf32>
        %add3A_1281 = arith.constant 112 : i32
        %add3A_1282 = arith.addi %mul3A_1190, %add3A_1281 : i32
        %get3A_1283 = arith.index_cast %add3A_1282 : i32 to index
        %get3A_1284 = tpu.vector_load %arg12[%get3A_1283] {strides = array<i32>} : memref<768xf32, #tpu.memory_space<vmem>>, vector<16xf32>,
        %get3A_1285 = arith.index_cast %add3A_1186 : i32 to index
        %get3A_1286 = arith.constant 112 : index
        %get3A_1287 = tpu.vector_load %arg8[%get3A_1285, %get3A_1286] {strides = array<i32>} : memref<64x128xf32, #tpu.memory_space<vmem>>, vector<16xf32>,
        %get3A_1288 = arith.index_cast %add3A_1186 : i32 to index
        %get3A_1289 = arith.constant 112 : index
        %get3A_1290 = tpu.vector_load %arg9[%get3A_1288, %get3A_1289] {strides = array<i32>} : memref<64x128xf32, #tpu.memory_space<vmem>>, vector<16xf32>,
        %mul3A_1291 = arith.mulf %get3A_1287, %get3A_1290 : vector<16xf32>
        %mul3A_1292 = arith.mulf %mul3A_1291, %get3A_1284 : vector<16xf32>
        %add3A_1293 = arith.addf %add3A_1280, %mul3A_1292 : vector<16xf32>
        %swap3A_1294 = arith.constant 9 : i32
        %swap3A_1295 = arith.index_cast %swap3A_1294 : i32 to index
        %swap3A_1296 = arith.constant 0 : index
        %swap3A_1297 = tpu.vector_load %arg13[%swap3A_1295, %swap3A_1296] {strides = array<i32>} : memref<16x17xf32, #tpu.memory_space<vmem>>, vector<16xf32>,
        tpu.vector_store %arg13[%swap3A_1295, %swap3A_1296], %add3A_1293 {strides = array<i32>} : memref<16x17xf32, #tpu.memory_space<vmem>>, vector<16xf32>,
        %mul3A_1298 = arith.constant 16 : i32
        %mul3A_1299 = arith.muli %scan3A_144, %mul3A_1298 : i32
        %add3A_1300 = arith.constant 10 : i32
        %add3A_1301 = arith.addi %mul3A_1299, %add3A_1300 : i32
        %slice3A_1302 = vector.extract_strided_slice %get3A_150 {offsets = [10], sizes = [1], strides = [1]} : vector<16xi32> to vector<1xi32>
        %squeeze3A_1303 = vector.extract %slice3A_1302[0] : i32 from vector<1xi32>
        %mul3A_1304 = arith.constant 128 : i32
        %mul3A_1305 = arith.muli %squeeze3A_1303, %mul3A_1304 : i32
        %add3A_1306 = arith.constant 0 : i32
        %add3A_1307 = arith.addi %mul3A_1305, %add3A_1306 : i32
        %get3A_1308 = arith.index_cast %add3A_1307 : i32 to index
        %get3A_1309 = tpu.vector_load %arg12[%get3A_1308] {strides = array<i32>} : memref<768xf32, #tpu.memory_space<vmem>>, vector<16xf32>,
        %get3A_1310 = arith.index_cast %add3A_1301 : i32 to index
        %get3A_1311 = arith.constant 0 : index
        %get3A_1312 = tpu.vector_load %arg8[%get3A_1310, %get3A_1311] {strides = array<i32>} : memref<64x128xf32, #tpu.memory_space<vmem>>, vector<16xf32>,
        %get3A_1313 = arith.index_cast %add3A_1301 : i32 to index
        %get3A_1314 = arith.constant 0 : index
        %get3A_1315 = tpu.vector_load %arg9[%get3A_1313, %get3A_1314] {strides = array<i32>} : memref<64x128xf32, #tpu.memory_space<vmem>>, vector<16xf32>,
        %mul3A_1316 = arith.mulf %get3A_1312, %get3A_1315 : vector<16xf32>
        %mul3A_1317 = arith.mulf %mul3A_1316, %get3A_1309 : vector<16xf32>
        %add3A_1318 = arith.constant 16 : i32
        %add3A_1319 = arith.addi %mul3A_1305, %add3A_1318 : i32
        %get3A_1320 = arith.index_cast %add3A_1319 : i32 to index
        %get3A_1321 = tpu.vector_load %arg12[%get3A_1320] {strides = array<i32>} : memref<768xf32, #tpu.memory_space<vmem>>, vector<16xf32>,
        %get3A_1322 = arith.index_cast %add3A_1301 : i32 to index
        %get3A_1323 = arith.constant 16 : index
        %get3A_1324 = tpu.vector_load %arg8[%get3A_1322, %get3A_1323] {strides = array<i32>} : memref<64x128xf32, #tpu.memory_space<vmem>>, vector<16xf32>,
        %get3A_1325 = arith.index_cast %add3A_1301 : i32 to index
        %get3A_1326 = arith.constant 16 : index
        %get3A_1327 = tpu.vector_load %arg9[%get3A_1325, %get3A_1326] {strides = array<i32>} : memref<64x128xf32, #tpu.memory_space<vmem>>, vector<16xf32>,
        %mul3A_1328 = arith.mulf %get3A_1324, %get3A_1327 : vector<16xf32>
        %mul3A_1329 = arith.mulf %mul3A_1328, %get3A_1321 : vector<16xf32>
        %add3A_1330 = arith.addf %mul3A_1317, %mul3A_1329 : vector<16xf32>
        %add3A_1331 = arith.constant 32 : i32
        %add3A_1332 = arith.addi %mul3A_1305, %add3A_1331 : i32
        %get3A_1333 = arith.index_cast %add3A_1332 : i32 to index
        %get3A_1334 = tpu.vector_load %arg12[%get3A_1333] {strides = array<i32>} : memref<768xf32, #tpu.memory_space<vmem>>, vector<16xf32>,
        %get3A_1335 = arith.index_cast %add3A_1301 : i32 to index
        %get3A_1336 = arith.constant 32 : index
        %get3A_1337 = tpu.vector_load %arg8[%get3A_1335, %get3A_1336] {strides = array<i32>} : memref<64x128xf32, #tpu.memory_space<vmem>>, vector<16xf32>,
        %get3A_1338 = arith.index_cast %add3A_1301 : i32 to index
        %get3A_1339 = arith.constant 32 : index
        %get3A_1340 = tpu.vector_load %arg9[%get3A_1338, %get3A_1339] {strides = array<i32>} : memref<64x128xf32, #tpu.memory_space<vmem>>, vector<16xf32>,
        %mul3A_1341 = arith.mulf %get3A_1337, %get3A_1340 : vector<16xf32>
        %mul3A_1342 = arith.mulf %mul3A_1341, %get3A_1334 : vector<16xf32>
        %add3A_1343 = arith.addf %add3A_1330, %mul3A_1342 : vector<16xf32>
        %add3A_1344 = arith.constant 48 : i32
        %add3A_1345 = arith.addi %mul3A_1305, %add3A_1344 : i32
        %get3A_1346 = arith.index_cast %add3A_1345 : i32 to index
        %get3A_1347 = tpu.vector_load %arg12[%get3A_1346] {strides = array<i32>} : memref<768xf32, #tpu.memory_space<vmem>>, vector<16xf32>,
        %get3A_1348 = arith.index_cast %add3A_1301 : i32 to index
        %get3A_1349 = arith.constant 48 : index
        %get3A_1350 = tpu.vector_load %arg8[%get3A_1348, %get3A_1349] {strides = array<i32>} : memref<64x128xf32, #tpu.memory_space<vmem>>, vector<16xf32>,
        %get3A_1351 = arith.index_cast %add3A_1301 : i32 to index
        %get3A_1352 = arith.constant 48 : index
        %get3A_1353 = tpu.vector_load %arg9[%get3A_1351, %get3A_1352] {strides = array<i32>} : memref<64x128xf32, #tpu.memory_space<vmem>>, vector<16xf32>,
        %mul3A_1354 = arith.mulf %get3A_1350, %get3A_1353 : vector<16xf32>
        %mul3A_1355 = arith.mulf %mul3A_1354, %get3A_1347 : vector<16xf32>
        %add3A_1356 = arith.addf %add3A_1343, %mul3A_1355 : vector<16xf32>
        %add3A_1357 = arith.constant 64 : i32
        %add3A_1358 = arith.addi %mul3A_1305, %add3A_1357 : i32
        %get3A_1359 = arith.index_cast %add3A_1358 : i32 to index
        %get3A_1360 = tpu.vector_load %arg12[%get3A_1359] {strides = array<i32>} : memref<768xf32, #tpu.memory_space<vmem>>, vector<16xf32>,
        %get3A_1361 = arith.index_cast %add3A_1301 : i32 to index
        %get3A_1362 = arith.constant 64 : index
        %get3A_1363 = tpu.vector_load %arg8[%get3A_1361, %get3A_1362] {strides = array<i32>} : memref<64x128xf32, #tpu.memory_space<vmem>>, vector<16xf32>,
        %get3A_1364 = arith.index_cast %add3A_1301 : i32 to index
        %get3A_1365 = arith.constant 64 : index
        %get3A_1366 = tpu.vector_load %arg9[%get3A_1364, %get3A_1365] {strides = array<i32>} : memref<64x128xf32, #tpu.memory_space<vmem>>, vector<16xf32>,
        %mul3A_1367 = arith.mulf %get3A_1363, %get3A_1366 : vector<16xf32>
        %mul3A_1368 = arith.mulf %mul3A_1367, %get3A_1360 : vector<16xf32>
        %add3A_1369 = arith.addf %add3A_1356, %mul3A_1368 : vector<16xf32>
        %add3A_1370 = arith.constant 80 : i32
        %add3A_1371 = arith.addi %mul3A_1305, %add3A_1370 : i32
        %get3A_1372 = arith.index_cast %add3A_1371 : i32 to index
        %get3A_1373 = tpu.vector_load %arg12[%get3A_1372] {strides = array<i32>} : memref<768xf32, #tpu.memory_space<vmem>>, vector<16xf32>,
        %get3A_1374 = arith.index_cast %add3A_1301 : i32 to index
        %get3A_1375 = arith.constant 80 : index
        %get3A_1376 = tpu.vector_load %arg8[%get3A_1374, %get3A_1375] {strides = array<i32>} : memref<64x128xf32, #tpu.memory_space<vmem>>, vector<16xf32>,
        %get3A_1377 = arith.index_cast %add3A_1301 : i32 to index
        %get3A_1378 = arith.constant 80 : index
        %get3A_1379 = tpu.vector_load %arg9[%get3A_1377, %get3A_1378] {strides = array<i32>} : memref<64x128xf32, #tpu.memory_space<vmem>>, vector<16xf32>,
        %mul3A_1380 = arith.mulf %get3A_1376, %get3A_1379 : vector<16xf32>
        %mul3A_1381 = arith.mulf %mul3A_1380, %get3A_1373 : vector<16xf32>
        %add3A_1382 = arith.addf %add3A_1369, %mul3A_1381 : vector<16xf32>
        %add3A_1383 = arith.constant 96 : i32
        %add3A_1384 = arith.addi %mul3A_1305, %add3A_1383 : i32
        %get3A_1385 = arith.index_cast %add3A_1384 : i32 to index
        %get3A_1386 = tpu.vector_load %arg12[%get3A_1385] {strides = array<i32>} : memref<768xf32, #tpu.memory_space<vmem>>, vector<16xf32>,
        %get3A_1387 = arith.index_cast %add3A_1301 : i32 to index
        %get3A_1388 = arith.constant 96 : index
        %get3A_1389 = tpu.vector_load %arg8[%get3A_1387, %get3A_1388] {strides = array<i32>} : memref<64x128xf32, #tpu.memory_space<vmem>>, vector<16xf32>,
        %get3A_1390 = arith.index_cast %add3A_1301 : i32 to index
        %get3A_1391 = arith.constant 96 : index
        %get3A_1392 = tpu.vector_load %arg9[%get3A_1390, %get3A_1391] {strides = array<i32>} : memref<64x128xf32, #tpu.memory_space<vmem>>, vector<16xf32>,
        %mul3A_1393 = arith.mulf %get3A_1389, %get3A_1392 : vector<16xf32>
        %mul3A_1394 = arith.mulf %mul3A_1393, %get3A_1386 : vector<16xf32>
        %add3A_1395 = arith.addf %add3A_1382, %mul3A_1394 : vector<16xf32>
        %add3A_1396 = arith.constant 112 : i32
        %add3A_1397 = arith.addi %mul3A_1305, %add3A_1396 : i32
        %get3A_1398 = arith.index_cast %add3A_1397 : i32 to index
        %get3A_1399 = tpu.vector_load %arg12[%get3A_1398] {strides = array<i32>} : memref<768xf32, #tpu.memory_space<vmem>>, vector<16xf32>,
        %get3A_1400 = arith.index_cast %add3A_1301 : i32 to index
        %get3A_1401 = arith.constant 112 : index
        %get3A_1402 = tpu.vector_load %arg8[%get3A_1400, %get3A_1401] {strides = array<i32>} : memref<64x128xf32, #tpu.memory_space<vmem>>, vector<16xf32>,
        %get3A_1403 = arith.index_cast %add3A_1301 : i32 to index
        %get3A_1404 = arith.constant 112 : index
        %get3A_1405 = tpu.vector_load %arg9[%get3A_1403, %get3A_1404] {strides = array<i32>} : memref<64x128xf32, #tpu.memory_space<vmem>>, vector<16xf32>,
        %mul3A_1406 = arith.mulf %get3A_1402, %get3A_1405 : vector<16xf32>
        %mul3A_1407 = arith.mulf %mul3A_1406, %get3A_1399 : vector<16xf32>
        %add3A_1408 = arith.addf %add3A_1395, %mul3A_1407 : vector<16xf32>
        %swap3A_1409 = arith.constant 10 : i32
        %swap3A_1410 = arith.index_cast %swap3A_1409 : i32 to index
        %swap3A_1411 = arith.constant 0 : index
        %swap3A_1412 = tpu.vector_load %arg13[%swap3A_1410, %swap3A_1411] {strides = array<i32>} : memref<16x17xf32, #tpu.memory_space<vmem>>, vector<16xf32>,
        tpu.vector_store %arg13[%swap3A_1410, %swap3A_1411], %add3A_1408 {strides = array<i32>} : memref<16x17xf32, #tpu.memory_space<vmem>>, vector<16xf32>,
        %mul3A_1413 = arith.constant 16 : i32
        %mul3A_1414 = arith.muli %scan3A_144, %mul3A_1413 : i32
        %add3A_1415 = arith.constant 11 : i32
        %add3A_1416 = arith.addi %mul3A_1414, %add3A_1415 : i32
        %slice3A_1417 = vector.extract_strided_slice %get3A_150 {offsets = [11], sizes = [1], strides = [1]} : vector<16xi32> to vector<1xi32>
        %squeeze3A_1418 = vector.extract %slice3A_1417[0] : i32 from vector<1xi32>
        %mul3A_1419 = arith.constant 128 : i32
        %mul3A_1420 = arith.muli %squeeze3A_1418, %mul3A_1419 : i32
        %add3A_1421 = arith.constant 0 : i32
        %add3A_1422 = arith.addi %mul3A_1420, %add3A_1421 : i32
        %get3A_1423 = arith.index_cast %add3A_1422 : i32 to index
        %get3A_1424 = tpu.vector_load %arg12[%get3A_1423] {strides = array<i32>} : memref<768xf32, #tpu.memory_space<vmem>>, vector<16xf32>,
        %get3A_1425 = arith.index_cast %add3A_1416 : i32 to index
        %get3A_1426 = arith.constant 0 : index
        %get3A_1427 = tpu.vector_load %arg8[%get3A_1425, %get3A_1426] {strides = array<i32>} : memref<64x128xf32, #tpu.memory_space<vmem>>, vector<16xf32>,
        %get3A_1428 = arith.index_cast %add3A_1416 : i32 to index
        %get3A_1429 = arith.constant 0 : index
        %get3A_1430 = tpu.vector_load %arg9[%get3A_1428, %get3A_1429] {strides = array<i32>} : memref<64x128xf32, #tpu.memory_space<vmem>>, vector<16xf32>,
        %mul3A_1431 = arith.mulf %get3A_1427, %get3A_1430 : vector<16xf32>
        %mul3A_1432 = arith.mulf %mul3A_1431, %get3A_1424 : vector<16xf32>
        %add3A_1433 = arith.constant 16 : i32
        %add3A_1434 = arith.addi %mul3A_1420, %add3A_1433 : i32
        %get3A_1435 = arith.index_cast %add3A_1434 : i32 to index
        %get3A_1436 = tpu.vector_load %arg12[%get3A_1435] {strides = array<i32>} : memref<768xf32, #tpu.memory_space<vmem>>, vector<16xf32>,
        %get3A_1437 = arith.index_cast %add3A_1416 : i32 to index
        %get3A_1438 = arith.constant 16 : index
        %get3A_1439 = tpu.vector_load %arg8[%get3A_1437, %get3A_1438] {strides = array<i32>} : memref<64x128xf32, #tpu.memory_space<vmem>>, vector<16xf32>,
        %get3A_1440 = arith.index_cast %add3A_1416 : i32 to index
        %get3A_1441 = arith.constant 16 : index
        %get3A_1442 = tpu.vector_load %arg9[%get3A_1440, %get3A_1441] {strides = array<i32>} : memref<64x128xf32, #tpu.memory_space<vmem>>, vector<16xf32>,
        %mul3A_1443 = arith.mulf %get3A_1439, %get3A_1442 : vector<16xf32>
        %mul3A_1444 = arith.mulf %mul3A_1443, %get3A_1436 : vector<16xf32>
        %add3A_1445 = arith.addf %mul3A_1432, %mul3A_1444 : vector<16xf32>
        %add3A_1446 = arith.constant 32 : i32
        %add3A_1447 = arith.addi %mul3A_1420, %add3A_1446 : i32
        %get3A_1448 = arith.index_cast %add3A_1447 : i32 to index
        %get3A_1449 = tpu.vector_load %arg12[%get3A_1448] {strides = array<i32>} : memref<768xf32, #tpu.memory_space<vmem>>, vector<16xf32>,
        %get3A_1450 = arith.index_cast %add3A_1416 : i32 to index
        %get3A_1451 = arith.constant 32 : index
        %get3A_1452 = tpu.vector_load %arg8[%get3A_1450, %get3A_1451] {strides = array<i32>} : memref<64x128xf32, #tpu.memory_space<vmem>>, vector<16xf32>,
        %get3A_1453 = arith.index_cast %add3A_1416 : i32 to index
        %get3A_1454 = arith.constant 32 : index
        %get3A_1455 = tpu.vector_load %arg9[%get3A_1453, %get3A_1454] {strides = array<i32>} : memref<64x128xf32, #tpu.memory_space<vmem>>, vector<16xf32>,
        %mul3A_1456 = arith.mulf %get3A_1452, %get3A_1455 : vector<16xf32>
        %mul3A_1457 = arith.mulf %mul3A_1456, %get3A_1449 : vector<16xf32>
        %add3A_1458 = arith.addf %add3A_1445, %mul3A_1457 : vector<16xf32>
        %add3A_1459 = arith.constant 48 : i32
        %add3A_1460 = arith.addi %mul3A_1420, %add3A_1459 : i32
        %get3A_1461 = arith.index_cast %add3A_1460 : i32 to index
        %get3A_1462 = tpu.vector_load %arg12[%get3A_1461] {strides = array<i32>} : memref<768xf32, #tpu.memory_space<vmem>>, vector<16xf32>,
        %get3A_1463 = arith.index_cast %add3A_1416 : i32 to index
        %get3A_1464 = arith.constant 48 : index
        %get3A_1465 = tpu.vector_load %arg8[%get3A_1463, %get3A_1464] {strides = array<i32>} : memref<64x128xf32, #tpu.memory_space<vmem>>, vector<16xf32>,
        %get3A_1466 = arith.index_cast %add3A_1416 : i32 to index
        %get3A_1467 = arith.constant 48 : index
        %get3A_1468 = tpu.vector_load %arg9[%get3A_1466, %get3A_1467] {strides = array<i32>} : memref<64x128xf32, #tpu.memory_space<vmem>>, vector<16xf32>,
        %mul3A_1469 = arith.mulf %get3A_1465, %get3A_1468 : vector<16xf32>
        %mul3A_1470 = arith.mulf %mul3A_1469, %get3A_1462 : vector<16xf32>
        %add3A_1471 = arith.addf %add3A_1458, %mul3A_1470 : vector<16xf32>
        %add3A_1472 = arith.constant 64 : i32
        %add3A_1473 = arith.addi %mul3A_1420, %add3A_1472 : i32
        %get3A_1474 = arith.index_cast %add3A_1473 : i32 to index
        %get3A_1475 = tpu.vector_load %arg12[%get3A_1474] {strides = array<i32>} : memref<768xf32, #tpu.memory_space<vmem>>, vector<16xf32>,
        %get3A_1476 = arith.index_cast %add3A_1416 : i32 to index
        %get3A_1477 = arith.constant 64 : index
        %get3A_1478 = tpu.vector_load %arg8[%get3A_1476, %get3A_1477] {strides = array<i32>} : memref<64x128xf32, #tpu.memory_space<vmem>>, vector<16xf32>,
        %get3A_1479 = arith.index_cast %add3A_1416 : i32 to index
        %get3A_1480 = arith.constant 64 : index
        %get3A_1481 = tpu.vector_load %arg9[%get3A_1479, %get3A_1480] {strides = array<i32>} : memref<64x128xf32, #tpu.memory_space<vmem>>, vector<16xf32>,
        %mul3A_1482 = arith.mulf %get3A_1478, %get3A_1481 : vector<16xf32>
        %mul3A_1483 = arith.mulf %mul3A_1482, %get3A_1475 : vector<16xf32>
        %add3A_1484 = arith.addf %add3A_1471, %mul3A_1483 : vector<16xf32>
        %add3A_1485 = arith.constant 80 : i32
        %add3A_1486 = arith.addi %mul3A_1420, %add3A_1485 : i32
        %get3A_1487 = arith.index_cast %add3A_1486 : i32 to index
        %get3A_1488 = tpu.vector_load %arg12[%get3A_1487] {strides = array<i32>} : memref<768xf32, #tpu.memory_space<vmem>>, vector<16xf32>,
        %get3A_1489 = arith.index_cast %add3A_1416 : i32 to index
        %get3A_1490 = arith.constant 80 : index
        %get3A_1491 = tpu.vector_load %arg8[%get3A_1489, %get3A_1490] {strides = array<i32>} : memref<64x128xf32, #tpu.memory_space<vmem>>, vector<16xf32>,
        %get3A_1492 = arith.index_cast %add3A_1416 : i32 to index
        %get3A_1493 = arith.constant 80 : index
        %get3A_1494 = tpu.vector_load %arg9[%get3A_1492, %get3A_1493] {strides = array<i32>} : memref<64x128xf32, #tpu.memory_space<vmem>>, vector<16xf32>,
        %mul3A_1495 = arith.mulf %get3A_1491, %get3A_1494 : vector<16xf32>
        %mul3A_1496 = arith.mulf %mul3A_1495, %get3A_1488 : vector<16xf32>
        %add3A_1497 = arith.addf %add3A_1484, %mul3A_1496 : vector<16xf32>
        %add3A_1498 = arith.constant 96 : i32
        %add3A_1499 = arith.addi %mul3A_1420, %add3A_1498 : i32
        %get3A_1500 = arith.index_cast %add3A_1499 : i32 to index
        %get3A_1501 = tpu.vector_load %arg12[%get3A_1500] {strides = array<i32>} : memref<768xf32, #tpu.memory_space<vmem>>, vector<16xf32>,
        %get3A_1502 = arith.index_cast %add3A_1416 : i32 to index
        %get3A_1503 = arith.constant 96 : index
        %get3A_1504 = tpu.vector_load %arg8[%get3A_1502, %get3A_1503] {strides = array<i32>} : memref<64x128xf32, #tpu.memory_space<vmem>>, vector<16xf32>,
        %get3A_1505 = arith.index_cast %add3A_1416 : i32 to index
        %get3A_1506 = arith.constant 96 : index
        %get3A_1507 = tpu.vector_load %arg9[%get3A_1505, %get3A_1506] {strides = array<i32>} : memref<64x128xf32, #tpu.memory_space<vmem>>, vector<16xf32>,
        %mul3A_1508 = arith.mulf %get3A_1504, %get3A_1507 : vector<16xf32>
        %mul3A_1509 = arith.mulf %mul3A_1508, %get3A_1501 : vector<16xf32>
        %add3A_1510 = arith.addf %add3A_1497, %mul3A_1509 : vector<16xf32>
        %add3A_1511 = arith.constant 112 : i32
        %add3A_1512 = arith.addi %mul3A_1420, %add3A_1511 : i32
        %get3A_1513 = arith.index_cast %add3A_1512 : i32 to index
        %get3A_1514 = tpu.vector_load %arg12[%get3A_1513] {strides = array<i32>} : memref<768xf32, #tpu.memory_space<vmem>>, vector<16xf32>,
        %get3A_1515 = arith.index_cast %add3A_1416 : i32 to index
        %get3A_1516 = arith.constant 112 : index
        %get3A_1517 = tpu.vector_load %arg8[%get3A_1515, %get3A_1516] {strides = array<i32>} : memref<64x128xf32, #tpu.memory_space<vmem>>, vector<16xf32>,
        %get3A_1518 = arith.index_cast %add3A_1416 : i32 to index
        %get3A_1519 = arith.constant 112 : index
        %get3A_1520 = tpu.vector_load %arg9[%get3A_1518, %get3A_1519] {strides = array<i32>} : memref<64x128xf32, #tpu.memory_space<vmem>>, vector<16xf32>,
        %mul3A_1521 = arith.mulf %get3A_1517, %get3A_1520 : vector<16xf32>
        %mul3A_1522 = arith.mulf %mul3A_1521, %get3A_1514 : vector<16xf32>
        %add3A_1523 = arith.addf %add3A_1510, %mul3A_1522 : vector<16xf32>
        %swap3A_1524 = arith.constant 11 : i32
        %swap3A_1525 = arith.index_cast %swap3A_1524 : i32 to index
        %swap3A_1526 = arith.constant 0 : index
        %swap3A_1527 = tpu.vector_load %arg13[%swap3A_1525, %swap3A_1526] {strides = array<i32>} : memref<16x17xf32, #tpu.memory_space<vmem>>, vector<16xf32>,
        tpu.vector_store %arg13[%swap3A_1525, %swap3A_1526], %add3A_1523 {strides = array<i32>} : memref<16x17xf32, #tpu.memory_space<vmem>>, vector<16xf32>,
        %mul3A_1528 = arith.constant 16 : i32
        %mul3A_1529 = arith.muli %scan3A_144, %mul3A_1528 : i32
        %add3A_1530 = arith.constant 12 : i32
        %add3A_1531 = arith.addi %mul3A_1529, %add3A_1530 : i32
        %slice3A_1532 = vector.extract_strided_slice %get3A_150 {offsets = [12], sizes = [1], strides = [1]} : vector<16xi32> to vector<1xi32>
        %squeeze3A_1533 = vector.extract %slice3A_1532[0] : i32 from vector<1xi32>
        %mul3A_1534 = arith.constant 128 : i32
        %mul3A_1535 = arith.muli %squeeze3A_1533, %mul3A_1534 : i32
        %add3A_1536 = arith.constant 0 : i32
        %add3A_1537 = arith.addi %mul3A_1535, %add3A_1536 : i32
        %get3A_1538 = arith.index_cast %add3A_1537 : i32 to index
        %get3A_1539 = tpu.vector_load %arg12[%get3A_1538] {strides = array<i32>} : memref<768xf32, #tpu.memory_space<vmem>>, vector<16xf32>,
        %get3A_1540 = arith.index_cast %add3A_1531 : i32 to index
        %get3A_1541 = arith.constant 0 : index
        %get3A_1542 = tpu.vector_load %arg8[%get3A_1540, %get3A_1541] {strides = array<i32>} : memref<64x128xf32, #tpu.memory_space<vmem>>, vector<16xf32>,
        %get3A_1543 = arith.index_cast %add3A_1531 : i32 to index
        %get3A_1544 = arith.constant 0 : index
        %get3A_1545 = tpu.vector_load %arg9[%get3A_1543, %get3A_1544] {strides = array<i32>} : memref<64x128xf32, #tpu.memory_space<vmem>>, vector<16xf32>,
        %mul3A_1546 = arith.mulf %get3A_1542, %get3A_1545 : vector<16xf32>
        %mul3A_1547 = arith.mulf %mul3A_1546, %get3A_1539 : vector<16xf32>
        %add3A_1548 = arith.constant 16 : i32
        %add3A_1549 = arith.addi %mul3A_1535, %add3A_1548 : i32
        %get3A_1550 = arith.index_cast %add3A_1549 : i32 to index
        %get3A_1551 = tpu.vector_load %arg12[%get3A_1550] {strides = array<i32>} : memref<768xf32, #tpu.memory_space<vmem>>, vector<16xf32>,
        %get3A_1552 = arith.index_cast %add3A_1531 : i32 to index
        %get3A_1553 = arith.constant 16 : index
        %get3A_1554 = tpu.vector_load %arg8[%get3A_1552, %get3A_1553] {strides = array<i32>} : memref<64x128xf32, #tpu.memory_space<vmem>>, vector<16xf32>,
        %get3A_1555 = arith.index_cast %add3A_1531 : i32 to index
        %get3A_1556 = arith.constant 16 : index
        %get3A_1557 = tpu.vector_load %arg9[%get3A_1555, %get3A_1556] {strides = array<i32>} : memref<64x128xf32, #tpu.memory_space<vmem>>, vector<16xf32>,
        %mul3A_1558 = arith.mulf %get3A_1554, %get3A_1557 : vector<16xf32>
        %mul3A_1559 = arith.mulf %mul3A_1558, %get3A_1551 : vector<16xf32>
        %add3A_1560 = arith.addf %mul3A_1547, %mul3A_1559 : vector<16xf32>
        %add3A_1561 = arith.constant 32 : i32
        %add3A_1562 = arith.addi %mul3A_1535, %add3A_1561 : i32
        %get3A_1563 = arith.index_cast %add3A_1562 : i32 to index
        %get3A_1564 = tpu.vector_load %arg12[%get3A_1563] {strides = array<i32>} : memref<768xf32, #tpu.memory_space<vmem>>, vector<16xf32>,
        %get3A_1565 = arith.index_cast %add3A_1531 : i32 to index
        %get3A_1566 = arith.constant 32 : index
        %get3A_1567 = tpu.vector_load %arg8[%get3A_1565, %get3A_1566] {strides = array<i32>} : memref<64x128xf32, #tpu.memory_space<vmem>>, vector<16xf32>,
        %get3A_1568 = arith.index_cast %add3A_1531 : i32 to index
        %get3A_1569 = arith.constant 32 : index
        %get3A_1570 = tpu.vector_load %arg9[%get3A_1568, %get3A_1569] {strides = array<i32>} : memref<64x128xf32, #tpu.memory_space<vmem>>, vector<16xf32>,
        %mul3A_1571 = arith.mulf %get3A_1567, %get3A_1570 : vector<16xf32>
        %mul3A_1572 = arith.mulf %mul3A_1571, %get3A_1564 : vector<16xf32>
        %add3A_1573 = arith.addf %add3A_1560, %mul3A_1572 : vector<16xf32>
        %add3A_1574 = arith.constant 48 : i32
        %add3A_1575 = arith.addi %mul3A_1535, %add3A_1574 : i32
        %get3A_1576 = arith.index_cast %add3A_1575 : i32 to index
        %get3A_1577 = tpu.vector_load %arg12[%get3A_1576] {strides = array<i32>} : memref<768xf32, #tpu.memory_space<vmem>>, vector<16xf32>,
        %get3A_1578 = arith.index_cast %add3A_1531 : i32 to index
        %get3A_1579 = arith.constant 48 : index
        %get3A_1580 = tpu.vector_load %arg8[%get3A_1578, %get3A_1579] {strides = array<i32>} : memref<64x128xf32, #tpu.memory_space<vmem>>, vector<16xf32>,
        %get3A_1581 = arith.index_cast %add3A_1531 : i32 to index
        %get3A_1582 = arith.constant 48 : index
        %get3A_1583 = tpu.vector_load %arg9[%get3A_1581, %get3A_1582] {strides = array<i32>} : memref<64x128xf32, #tpu.memory_space<vmem>>, vector<16xf32>,
        %mul3A_1584 = arith.mulf %get3A_1580, %get3A_1583 : vector<16xf32>
        %mul3A_1585 = arith.mulf %mul3A_1584, %get3A_1577 : vector<16xf32>
        %add3A_1586 = arith.addf %add3A_1573, %mul3A_1585 : vector<16xf32>
        %add3A_1587 = arith.constant 64 : i32
        %add3A_1588 = arith.addi %mul3A_1535, %add3A_1587 : i32
        %get3A_1589 = arith.index_cast %add3A_1588 : i32 to index
        %get3A_1590 = tpu.vector_load %arg12[%get3A_1589] {strides = array<i32>} : memref<768xf32, #tpu.memory_space<vmem>>, vector<16xf32>,
        %get3A_1591 = arith.index_cast %add3A_1531 : i32 to index
        %get3A_1592 = arith.constant 64 : index
        %get3A_1593 = tpu.vector_load %arg8[%get3A_1591, %get3A_1592] {strides = array<i32>} : memref<64x128xf32, #tpu.memory_space<vmem>>, vector<16xf32>,
        %get3A_1594 = arith.index_cast %add3A_1531 : i32 to index
        %get3A_1595 = arith.constant 64 : index
        %get3A_1596 = tpu.vector_load %arg9[%get3A_1594, %get3A_1595] {strides = array<i32>} : memref<64x128xf32, #tpu.memory_space<vmem>>, vector<16xf32>,
        %mul3A_1597 = arith.mulf %get3A_1593, %get3A_1596 : vector<16xf32>
        %mul3A_1598 = arith.mulf %mul3A_1597, %get3A_1590 : vector<16xf32>
        %add3A_1599 = arith.addf %add3A_1586, %mul3A_1598 : vector<16xf32>
        %add3A_1600 = arith.constant 80 : i32
        %add3A_1601 = arith.addi %mul3A_1535, %add3A_1600 : i32
        %get3A_1602 = arith.index_cast %add3A_1601 : i32 to index
        %get3A_1603 = tpu.vector_load %arg12[%get3A_1602] {strides = array<i32>} : memref<768xf32, #tpu.memory_space<vmem>>, vector<16xf32>,
        %get3A_1604 = arith.index_cast %add3A_1531 : i32 to index
        %get3A_1605 = arith.constant 80 : index
        %get3A_1606 = tpu.vector_load %arg8[%get3A_1604, %get3A_1605] {strides = array<i32>} : memref<64x128xf32, #tpu.memory_space<vmem>>, vector<16xf32>,
        %get3A_1607 = arith.index_cast %add3A_1531 : i32 to index
        %get3A_1608 = arith.constant 80 : index
        %get3A_1609 = tpu.vector_load %arg9[%get3A_1607, %get3A_1608] {strides = array<i32>} : memref<64x128xf32, #tpu.memory_space<vmem>>, vector<16xf32>,
        %mul3A_1610 = arith.mulf %get3A_1606, %get3A_1609 : vector<16xf32>
        %mul3A_1611 = arith.mulf %mul3A_1610, %get3A_1603 : vector<16xf32>
        %add3A_1612 = arith.addf %add3A_1599, %mul3A_1611 : vector<16xf32>
        %add3A_1613 = arith.constant 96 : i32
        %add3A_1614 = arith.addi %mul3A_1535, %add3A_1613 : i32
        %get3A_1615 = arith.index_cast %add3A_1614 : i32 to index
        %get3A_1616 = tpu.vector_load %arg12[%get3A_1615] {strides = array<i32>} : memref<768xf32, #tpu.memory_space<vmem>>, vector<16xf32>,
        %get3A_1617 = arith.index_cast %add3A_1531 : i32 to index
        %get3A_1618 = arith.constant 96 : index
        %get3A_1619 = tpu.vector_load %arg8[%get3A_1617, %get3A_1618] {strides = array<i32>} : memref<64x128xf32, #tpu.memory_space<vmem>>, vector<16xf32>,
        %get3A_1620 = arith.index_cast %add3A_1531 : i32 to index
        %get3A_1621 = arith.constant 96 : index
        %get3A_1622 = tpu.vector_load %arg9[%get3A_1620, %get3A_1621] {strides = array<i32>} : memref<64x128xf32, #tpu.memory_space<vmem>>, vector<16xf32>,
        %mul3A_1623 = arith.mulf %get3A_1619, %get3A_1622 : vector<16xf32>
        %mul3A_1624 = arith.mulf %mul3A_1623, %get3A_1616 : vector<16xf32>
        %add3A_1625 = arith.addf %add3A_1612, %mul3A_1624 : vector<16xf32>
        %add3A_1626 = arith.constant 112 : i32
        %add3A_1627 = arith.addi %mul3A_1535, %add3A_1626 : i32
        %get3A_1628 = arith.index_cast %add3A_1627 : i32 to index
        %get3A_1629 = tpu.vector_load %arg12[%get3A_1628] {strides = array<i32>} : memref<768xf32, #tpu.memory_space<vmem>>, vector<16xf32>,
        %get3A_1630 = arith.index_cast %add3A_1531 : i32 to index
        %get3A_1631 = arith.constant 112 : index
        %get3A_1632 = tpu.vector_load %arg8[%get3A_1630, %get3A_1631] {strides = array<i32>} : memref<64x128xf32, #tpu.memory_space<vmem>>, vector<16xf32>,
        %get3A_1633 = arith.index_cast %add3A_1531 : i32 to index
        %get3A_1634 = arith.constant 112 : index
        %get3A_1635 = tpu.vector_load %arg9[%get3A_1633, %get3A_1634] {strides = array<i32>} : memref<64x128xf32, #tpu.memory_space<vmem>>, vector<16xf32>,
        %mul3A_1636 = arith.mulf %get3A_1632, %get3A_1635 : vector<16xf32>
        %mul3A_1637 = arith.mulf %mul3A_1636, %get3A_1629 : vector<16xf32>
        %add3A_1638 = arith.addf %add3A_1625, %mul3A_1637 : vector<16xf32>
        %swap3A_1639 = arith.constant 12 : i32
        %swap3A_1640 = arith.index_cast %swap3A_1639 : i32 to index
        %swap3A_1641 = arith.constant 0 : index
        %swap3A_1642 = tpu.vector_load %arg13[%swap3A_1640, %swap3A_1641] {strides = array<i32>} : memref<16x17xf32, #tpu.memory_space<vmem>>, vector<16xf32>,
        tpu.vector_store %arg13[%swap3A_1640, %swap3A_1641], %add3A_1638 {strides = array<i32>} : memref<16x17xf32, #tpu.memory_space<vmem>>, vector<16xf32>,
        %mul3A_1643 = arith.constant 16 : i32
        %mul3A_1644 = arith.muli %scan3A_144, %mul3A_1643 : i32
        %add3A_1645 = arith.constant 13 : i32
        %add3A_1646 = arith.addi %mul3A_1644, %add3A_1645 : i32
        %slice3A_1647 = vector.extract_strided_slice %get3A_150 {offsets = [13], sizes = [1], strides = [1]} : vector<16xi32> to vector<1xi32>
        %squeeze3A_1648 = vector.extract %slice3A_1647[0] : i32 from vector<1xi32>
        %mul3A_1649 = arith.constant 128 : i32
        %mul3A_1650 = arith.muli %squeeze3A_1648, %mul3A_1649 : i32
        %add3A_1651 = arith.constant 0 : i32
        %add3A_1652 = arith.addi %mul3A_1650, %add3A_1651 : i32
        %get3A_1653 = arith.index_cast %add3A_1652 : i32 to index
        %get3A_1654 = tpu.vector_load %arg12[%get3A_1653] {strides = array<i32>} : memref<768xf32, #tpu.memory_space<vmem>>, vector<16xf32>,
        %get3A_1655 = arith.index_cast %add3A_1646 : i32 to index
        %get3A_1656 = arith.constant 0 : index
        %get3A_1657 = tpu.vector_load %arg8[%get3A_1655, %get3A_1656] {strides = array<i32>} : memref<64x128xf32, #tpu.memory_space<vmem>>, vector<16xf32>,
        %get3A_1658 = arith.index_cast %add3A_1646 : i32 to index
        %get3A_1659 = arith.constant 0 : index
        %get3A_1660 = tpu.vector_load %arg9[%get3A_1658, %get3A_1659] {strides = array<i32>} : memref<64x128xf32, #tpu.memory_space<vmem>>, vector<16xf32>,
        %mul3A_1661 = arith.mulf %get3A_1657, %get3A_1660 : vector<16xf32>
        %mul3A_1662 = arith.mulf %mul3A_1661, %get3A_1654 : vector<16xf32>
        %add3A_1663 = arith.constant 16 : i32
        %add3A_1664 = arith.addi %mul3A_1650, %add3A_1663 : i32
        %get3A_1665 = arith.index_cast %add3A_1664 : i32 to index
        %get3A_1666 = tpu.vector_load %arg12[%get3A_1665] {strides = array<i32>} : memref<768xf32, #tpu.memory_space<vmem>>, vector<16xf32>,
        %get3A_1667 = arith.index_cast %add3A_1646 : i32 to index
        %get3A_1668 = arith.constant 16 : index
        %get3A_1669 = tpu.vector_load %arg8[%get3A_1667, %get3A_1668] {strides = array<i32>} : memref<64x128xf32, #tpu.memory_space<vmem>>, vector<16xf32>,
        %get3A_1670 = arith.index_cast %add3A_1646 : i32 to index
        %get3A_1671 = arith.constant 16 : index
        %get3A_1672 = tpu.vector_load %arg9[%get3A_1670, %get3A_1671] {strides = array<i32>} : memref<64x128xf32, #tpu.memory_space<vmem>>, vector<16xf32>,
        %mul3A_1673 = arith.mulf %get3A_1669, %get3A_1672 : vector<16xf32>
        %mul3A_1674 = arith.mulf %mul3A_1673, %get3A_1666 : vector<16xf32>
        %add3A_1675 = arith.addf %mul3A_1662, %mul3A_1674 : vector<16xf32>
        %add3A_1676 = arith.constant 32 : i32
        %add3A_1677 = arith.addi %mul3A_1650, %add3A_1676 : i32
        %get3A_1678 = arith.index_cast %add3A_1677 : i32 to index
        %get3A_1679 = tpu.vector_load %arg12[%get3A_1678] {strides = array<i32>} : memref<768xf32, #tpu.memory_space<vmem>>, vector<16xf32>,
        %get3A_1680 = arith.index_cast %add3A_1646 : i32 to index
        %get3A_1681 = arith.constant 32 : index
        %get3A_1682 = tpu.vector_load %arg8[%get3A_1680, %get3A_1681] {strides = array<i32>} : memref<64x128xf32, #tpu.memory_space<vmem>>, vector<16xf32>,
        %get3A_1683 = arith.index_cast %add3A_1646 : i32 to index
        %get3A_1684 = arith.constant 32 : index
        %get3A_1685 = tpu.vector_load %arg9[%get3A_1683, %get3A_1684] {strides = array<i32>} : memref<64x128xf32, #tpu.memory_space<vmem>>, vector<16xf32>,
        %mul3A_1686 = arith.mulf %get3A_1682, %get3A_1685 : vector<16xf32>
        %mul3A_1687 = arith.mulf %mul3A_1686, %get3A_1679 : vector<16xf32>
        %add3A_1688 = arith.addf %add3A_1675, %mul3A_1687 : vector<16xf32>
        %add3A_1689 = arith.constant 48 : i32
        %add3A_1690 = arith.addi %mul3A_1650, %add3A_1689 : i32
        %get3A_1691 = arith.index_cast %add3A_1690 : i32 to index
        %get3A_1692 = tpu.vector_load %arg12[%get3A_1691] {strides = array<i32>} : memref<768xf32, #tpu.memory_space<vmem>>, vector<16xf32>,
        %get3A_1693 = arith.index_cast %add3A_1646 : i32 to index
        %get3A_1694 = arith.constant 48 : index
        %get3A_1695 = tpu.vector_load %arg8[%get3A_1693, %get3A_1694] {strides = array<i32>} : memref<64x128xf32, #tpu.memory_space<vmem>>, vector<16xf32>,
        %get3A_1696 = arith.index_cast %add3A_1646 : i32 to index
        %get3A_1697 = arith.constant 48 : index
        %get3A_1698 = tpu.vector_load %arg9[%get3A_1696, %get3A_1697] {strides = array<i32>} : memref<64x128xf32, #tpu.memory_space<vmem>>, vector<16xf32>,
        %mul3A_1699 = arith.mulf %get3A_1695, %get3A_1698 : vector<16xf32>
        %mul3A_1700 = arith.mulf %mul3A_1699, %get3A_1692 : vector<16xf32>
        %add3A_1701 = arith.addf %add3A_1688, %mul3A_1700 : vector<16xf32>
        %add3A_1702 = arith.constant 64 : i32
        %add3A_1703 = arith.addi %mul3A_1650, %add3A_1702 : i32
        %get3A_1704 = arith.index_cast %add3A_1703 : i32 to index
        %get3A_1705 = tpu.vector_load %arg12[%get3A_1704] {strides = array<i32>} : memref<768xf32, #tpu.memory_space<vmem>>, vector<16xf32>,
        %get3A_1706 = arith.index_cast %add3A_1646 : i32 to index
        %get3A_1707 = arith.constant 64 : index
        %get3A_1708 = tpu.vector_load %arg8[%get3A_1706, %get3A_1707] {strides = array<i32>} : memref<64x128xf32, #tpu.memory_space<vmem>>, vector<16xf32>,
        %get3A_1709 = arith.index_cast %add3A_1646 : i32 to index
        %get3A_1710 = arith.constant 64 : index
        %get3A_1711 = tpu.vector_load %arg9[%get3A_1709, %get3A_1710] {strides = array<i32>} : memref<64x128xf32, #tpu.memory_space<vmem>>, vector<16xf32>,
        %mul3A_1712 = arith.mulf %get3A_1708, %get3A_1711 : vector<16xf32>
        %mul3A_1713 = arith.mulf %mul3A_1712, %get3A_1705 : vector<16xf32>
        %add3A_1714 = arith.addf %add3A_1701, %mul3A_1713 : vector<16xf32>
        %add3A_1715 = arith.constant 80 : i32
        %add3A_1716 = arith.addi %mul3A_1650, %add3A_1715 : i32
        %get3A_1717 = arith.index_cast %add3A_1716 : i32 to index
        %get3A_1718 = tpu.vector_load %arg12[%get3A_1717] {strides = array<i32>} : memref<768xf32, #tpu.memory_space<vmem>>, vector<16xf32>,
        %get3A_1719 = arith.index_cast %add3A_1646 : i32 to index
        %get3A_1720 = arith.constant 80 : index
        %get3A_1721 = tpu.vector_load %arg8[%get3A_1719, %get3A_1720] {strides = array<i32>} : memref<64x128xf32, #tpu.memory_space<vmem>>, vector<16xf32>,
        %get3A_1722 = arith.index_cast %add3A_1646 : i32 to index
        %get3A_1723 = arith.constant 80 : index
        %get3A_1724 = tpu.vector_load %arg9[%get3A_1722, %get3A_1723] {strides = array<i32>} : memref<64x128xf32, #tpu.memory_space<vmem>>, vector<16xf32>,
        %mul3A_1725 = arith.mulf %get3A_1721, %get3A_1724 : vector<16xf32>
        %mul3A_1726 = arith.mulf %mul3A_1725, %get3A_1718 : vector<16xf32>
        %add3A_1727 = arith.addf %add3A_1714, %mul3A_1726 : vector<16xf32>
        %add3A_1728 = arith.constant 96 : i32
        %add3A_1729 = arith.addi %mul3A_1650, %add3A_1728 : i32
        %get3A_1730 = arith.index_cast %add3A_1729 : i32 to index
        %get3A_1731 = tpu.vector_load %arg12[%get3A_1730] {strides = array<i32>} : memref<768xf32, #tpu.memory_space<vmem>>, vector<16xf32>,
        %get3A_1732 = arith.index_cast %add3A_1646 : i32 to index
        %get3A_1733 = arith.constant 96 : index
        %get3A_1734 = tpu.vector_load %arg8[%get3A_1732, %get3A_1733] {strides = array<i32>} : memref<64x128xf32, #tpu.memory_space<vmem>>, vector<16xf32>,
        %get3A_1735 = arith.index_cast %add3A_1646 : i32 to index
        %get3A_1736 = arith.constant 96 : index
        %get3A_1737 = tpu.vector_load %arg9[%get3A_1735, %get3A_1736] {strides = array<i32>} : memref<64x128xf32, #tpu.memory_space<vmem>>, vector<16xf32>,
        %mul3A_1738 = arith.mulf %get3A_1734, %get3A_1737 : vector<16xf32>
        %mul3A_1739 = arith.mulf %mul3A_1738, %get3A_1731 : vector<16xf32>
        %add3A_1740 = arith.addf %add3A_1727, %mul3A_1739 : vector<16xf32>
        %add3A_1741 = arith.constant 112 : i32
        %add3A_1742 = arith.addi %mul3A_1650, %add3A_1741 : i32
        %get3A_1743 = arith.index_cast %add3A_1742 : i32 to index
        %get3A_1744 = tpu.vector_load %arg12[%get3A_1743] {strides = array<i32>} : memref<768xf32, #tpu.memory_space<vmem>>, vector<16xf32>,
        %get3A_1745 = arith.index_cast %add3A_1646 : i32 to index
        %get3A_1746 = arith.constant 112 : index
        %get3A_1747 = tpu.vector_load %arg8[%get3A_1745, %get3A_1746] {strides = array<i32>} : memref<64x128xf32, #tpu.memory_space<vmem>>, vector<16xf32>,
        %get3A_1748 = arith.index_cast %add3A_1646 : i32 to index
        %get3A_1749 = arith.constant 112 : index
        %get3A_1750 = tpu.vector_load %arg9[%get3A_1748, %get3A_1749] {strides = array<i32>} : memref<64x128xf32, #tpu.memory_space<vmem>>, vector<16xf32>,
        %mul3A_1751 = arith.mulf %get3A_1747, %get3A_1750 : vector<16xf32>
        %mul3A_1752 = arith.mulf %mul3A_1751, %get3A_1744 : vector<16xf32>
        %add3A_1753 = arith.addf %add3A_1740, %mul3A_1752 : vector<16xf32>
        %swap3A_1754 = arith.constant 13 : i32
        %swap3A_1755 = arith.index_cast %swap3A_1754 : i32 to index
        %swap3A_1756 = arith.constant 0 : index
        %swap3A_1757 = tpu.vector_load %arg13[%swap3A_1755, %swap3A_1756] {strides = array<i32>} : memref<16x17xf32, #tpu.memory_space<vmem>>, vector<16xf32>,
        tpu.vector_store %arg13[%swap3A_1755, %swap3A_1756], %add3A_1753 {strides = array<i32>} : memref<16x17xf32, #tpu.memory_space<vmem>>, vector<16xf32>,
        %mul3A_1758 = arith.constant 16 : i32
        %mul3A_1759 = arith.muli %scan3A_144, %mul3A_1758 : i32
        %add3A_1760 = arith.constant 14 : i32
        %add3A_1761 = arith.addi %mul3A_1759, %add3A_1760 : i32
        %slice3A_1762 = vector.extract_strided_slice %get3A_150 {offsets = [14], sizes = [1], strides = [1]} : vector<16xi32> to vector<1xi32>
        %squeeze3A_1763 = vector.extract %slice3A_1762[0] : i32 from vector<1xi32>
        %mul3A_1764 = arith.constant 128 : i32
        %mul3A_1765 = arith.muli %squeeze3A_1763, %mul3A_1764 : i32
        %add3A_1766 = arith.constant 0 : i32
        %add3A_1767 = arith.addi %mul3A_1765, %add3A_1766 : i32
        %get3A_1768 = arith.index_cast %add3A_1767 : i32 to index
        %get3A_1769 = tpu.vector_load %arg12[%get3A_1768] {strides = array<i32>} : memref<768xf32, #tpu.memory_space<vmem>>, vector<16xf32>,
        %get3A_1770 = arith.index_cast %add3A_1761 : i32 to index
        %get3A_1771 = arith.constant 0 : index
        %get3A_1772 = tpu.vector_load %arg8[%get3A_1770, %get3A_1771] {strides = array<i32>} : memref<64x128xf32, #tpu.memory_space<vmem>>, vector<16xf32>,
        %get3A_1773 = arith.index_cast %add3A_1761 : i32 to index
        %get3A_1774 = arith.constant 0 : index
        %get3A_1775 = tpu.vector_load %arg9[%get3A_1773, %get3A_1774] {strides = array<i32>} : memref<64x128xf32, #tpu.memory_space<vmem>>, vector<16xf32>,
        %mul3A_1776 = arith.mulf %get3A_1772, %get3A_1775 : vector<16xf32>
        %mul3A_1777 = arith.mulf %mul3A_1776, %get3A_1769 : vector<16xf32>
        %add3A_1778 = arith.constant 16 : i32
        %add3A_1779 = arith.addi %mul3A_1765, %add3A_1778 : i32
        %get3A_1780 = arith.index_cast %add3A_1779 : i32 to index
        %get3A_1781 = tpu.vector_load %arg12[%get3A_1780] {strides = array<i32>} : memref<768xf32, #tpu.memory_space<vmem>>, vector<16xf32>,
        %get3A_1782 = arith.index_cast %add3A_1761 : i32 to index
        %get3A_1783 = arith.constant 16 : index
        %get3A_1784 = tpu.vector_load %arg8[%get3A_1782, %get3A_1783] {strides = array<i32>} : memref<64x128xf32, #tpu.memory_space<vmem>>, vector<16xf32>,
        %get3A_1785 = arith.index_cast %add3A_1761 : i32 to index
        %get3A_1786 = arith.constant 16 : index
        %get3A_1787 = tpu.vector_load %arg9[%get3A_1785, %get3A_1786] {strides = array<i32>} : memref<64x128xf32, #tpu.memory_space<vmem>>, vector<16xf32>,
        %mul3A_1788 = arith.mulf %get3A_1784, %get3A_1787 : vector<16xf32>
        %mul3A_1789 = arith.mulf %mul3A_1788, %get3A_1781 : vector<16xf32>
        %add3A_1790 = arith.addf %mul3A_1777, %mul3A_1789 : vector<16xf32>
        %add3A_1791 = arith.constant 32 : i32
        %add3A_1792 = arith.addi %mul3A_1765, %add3A_1791 : i32
        %get3A_1793 = arith.index_cast %add3A_1792 : i32 to index
        %get3A_1794 = tpu.vector_load %arg12[%get3A_1793] {strides = array<i32>} : memref<768xf32, #tpu.memory_space<vmem>>, vector<16xf32>,
        %get3A_1795 = arith.index_cast %add3A_1761 : i32 to index
        %get3A_1796 = arith.constant 32 : index
        %get3A_1797 = tpu.vector_load %arg8[%get3A_1795, %get3A_1796] {strides = array<i32>} : memref<64x128xf32, #tpu.memory_space<vmem>>, vector<16xf32>,
        %get3A_1798 = arith.index_cast %add3A_1761 : i32 to index
        %get3A_1799 = arith.constant 32 : index
        %get3A_1800 = tpu.vector_load %arg9[%get3A_1798, %get3A_1799] {strides = array<i32>} : memref<64x128xf32, #tpu.memory_space<vmem>>, vector<16xf32>,
        %mul3A_1801 = arith.mulf %get3A_1797, %get3A_1800 : vector<16xf32>
        %mul3A_1802 = arith.mulf %mul3A_1801, %get3A_1794 : vector<16xf32>
        %add3A_1803 = arith.addf %add3A_1790, %mul3A_1802 : vector<16xf32>
        %add3A_1804 = arith.constant 48 : i32
        %add3A_1805 = arith.addi %mul3A_1765, %add3A_1804 : i32
        %get3A_1806 = arith.index_cast %add3A_1805 : i32 to index
        %get3A_1807 = tpu.vector_load %arg12[%get3A_1806] {strides = array<i32>} : memref<768xf32, #tpu.memory_space<vmem>>, vector<16xf32>,
        %get3A_1808 = arith.index_cast %add3A_1761 : i32 to index
        %get3A_1809 = arith.constant 48 : index
        %get3A_1810 = tpu.vector_load %arg8[%get3A_1808, %get3A_1809] {strides = array<i32>} : memref<64x128xf32, #tpu.memory_space<vmem>>, vector<16xf32>,
        %get3A_1811 = arith.index_cast %add3A_1761 : i32 to index
        %get3A_1812 = arith.constant 48 : index
        %get3A_1813 = tpu.vector_load %arg9[%get3A_1811, %get3A_1812] {strides = array<i32>} : memref<64x128xf32, #tpu.memory_space<vmem>>, vector<16xf32>,
        %mul3A_1814 = arith.mulf %get3A_1810, %get3A_1813 : vector<16xf32>
        %mul3A_1815 = arith.mulf %mul3A_1814, %get3A_1807 : vector<16xf32>
        %add3A_1816 = arith.addf %add3A_1803, %mul3A_1815 : vector<16xf32>
        %add3A_1817 = arith.constant 64 : i32
        %add3A_1818 = arith.addi %mul3A_1765, %add3A_1817 : i32
        %get3A_1819 = arith.index_cast %add3A_1818 : i32 to index
        %get3A_1820 = tpu.vector_load %arg12[%get3A_1819] {strides = array<i32>} : memref<768xf32, #tpu.memory_space<vmem>>, vector<16xf32>,
        %get3A_1821 = arith.index_cast %add3A_1761 : i32 to index
        %get3A_1822 = arith.constant 64 : index
        %get3A_1823 = tpu.vector_load %arg8[%get3A_1821, %get3A_1822] {strides = array<i32>} : memref<64x128xf32, #tpu.memory_space<vmem>>, vector<16xf32>,
        %get3A_1824 = arith.index_cast %add3A_1761 : i32 to index
        %get3A_1825 = arith.constant 64 : index
        %get3A_1826 = tpu.vector_load %arg9[%get3A_1824, %get3A_1825] {strides = array<i32>} : memref<64x128xf32, #tpu.memory_space<vmem>>, vector<16xf32>,
        %mul3A_1827 = arith.mulf %get3A_1823, %get3A_1826 : vector<16xf32>
        %mul3A_1828 = arith.mulf %mul3A_1827, %get3A_1820 : vector<16xf32>
        %add3A_1829 = arith.addf %add3A_1816, %mul3A_1828 : vector<16xf32>
        %add3A_1830 = arith.constant 80 : i32
        %add3A_1831 = arith.addi %mul3A_1765, %add3A_1830 : i32
        %get3A_1832 = arith.index_cast %add3A_1831 : i32 to index
        %get3A_1833 = tpu.vector_load %arg12[%get3A_1832] {strides = array<i32>} : memref<768xf32, #tpu.memory_space<vmem>>, vector<16xf32>,
        %get3A_1834 = arith.index_cast %add3A_1761 : i32 to index
        %get3A_1835 = arith.constant 80 : index
        %get3A_1836 = tpu.vector_load %arg8[%get3A_1834, %get3A_1835] {strides = array<i32>} : memref<64x128xf32, #tpu.memory_space<vmem>>, vector<16xf32>,
        %get3A_1837 = arith.index_cast %add3A_1761 : i32 to index
        %get3A_1838 = arith.constant 80 : index
        %get3A_1839 = tpu.vector_load %arg9[%get3A_1837, %get3A_1838] {strides = array<i32>} : memref<64x128xf32, #tpu.memory_space<vmem>>, vector<16xf32>,
        %mul3A_1840 = arith.mulf %get3A_1836, %get3A_1839 : vector<16xf32>
        %mul3A_1841 = arith.mulf %mul3A_1840, %get3A_1833 : vector<16xf32>
        %add3A_1842 = arith.addf %add3A_1829, %mul3A_1841 : vector<16xf32>
        %add3A_1843 = arith.constant 96 : i32
        %add3A_1844 = arith.addi %mul3A_1765, %add3A_1843 : i32
        %get3A_1845 = arith.index_cast %add3A_1844 : i32 to index
        %get3A_1846 = tpu.vector_load %arg12[%get3A_1845] {strides = array<i32>} : memref<768xf32, #tpu.memory_space<vmem>>, vector<16xf32>,
        %get3A_1847 = arith.index_cast %add3A_1761 : i32 to index
        %get3A_1848 = arith.constant 96 : index
        %get3A_1849 = tpu.vector_load %arg8[%get3A_1847, %get3A_1848] {strides = array<i32>} : memref<64x128xf32, #tpu.memory_space<vmem>>, vector<16xf32>,
        %get3A_1850 = arith.index_cast %add3A_1761 : i32 to index
        %get3A_1851 = arith.constant 96 : index
        %get3A_1852 = tpu.vector_load %arg9[%get3A_1850, %get3A_1851] {strides = array<i32>} : memref<64x128xf32, #tpu.memory_space<vmem>>, vector<16xf32>,
        %mul3A_1853 = arith.mulf %get3A_1849, %get3A_1852 : vector<16xf32>
        %mul3A_1854 = arith.mulf %mul3A_1853, %get3A_1846 : vector<16xf32>
        %add3A_1855 = arith.addf %add3A_1842, %mul3A_1854 : vector<16xf32>
        %add3A_1856 = arith.constant 112 : i32
        %add3A_1857 = arith.addi %mul3A_1765, %add3A_1856 : i32
        %get3A_1858 = arith.index_cast %add3A_1857 : i32 to index
        %get3A_1859 = tpu.vector_load %arg12[%get3A_1858] {strides = array<i32>} : memref<768xf32, #tpu.memory_space<vmem>>, vector<16xf32>,
        %get3A_1860 = arith.index_cast %add3A_1761 : i32 to index
        %get3A_1861 = arith.constant 112 : index
        %get3A_1862 = tpu.vector_load %arg8[%get3A_1860, %get3A_1861] {strides = array<i32>} : memref<64x128xf32, #tpu.memory_space<vmem>>, vector<16xf32>,
        %get3A_1863 = arith.index_cast %add3A_1761 : i32 to index
        %get3A_1864 = arith.constant 112 : index
        %get3A_1865 = tpu.vector_load %arg9[%get3A_1863, %get3A_1864] {strides = array<i32>} : memref<64x128xf32, #tpu.memory_space<vmem>>, vector<16xf32>,
        %mul3A_1866 = arith.mulf %get3A_1862, %get3A_1865 : vector<16xf32>
        %mul3A_1867 = arith.mulf %mul3A_1866, %get3A_1859 : vector<16xf32>
        %add3A_1868 = arith.addf %add3A_1855, %mul3A_1867 : vector<16xf32>
        %swap3A_1869 = arith.constant 14 : i32
        %swap3A_1870 = arith.index_cast %swap3A_1869 : i32 to index
        %swap3A_1871 = arith.constant 0 : index
        %swap3A_1872 = tpu.vector_load %arg13[%swap3A_1870, %swap3A_1871] {strides = array<i32>} : memref<16x17xf32, #tpu.memory_space<vmem>>, vector<16xf32>,
        tpu.vector_store %arg13[%swap3A_1870, %swap3A_1871], %add3A_1868 {strides = array<i32>} : memref<16x17xf32, #tpu.memory_space<vmem>>, vector<16xf32>,
        %mul3A_1873 = arith.constant 16 : i32
        %mul3A_1874 = arith.muli %scan3A_144, %mul3A_1873 : i32
        %add3A_1875 = arith.constant 15 : i32
        %add3A_1876 = arith.addi %mul3A_1874, %add3A_1875 : i32
        %slice3A_1877 = vector.extract_strided_slice %get3A_150 {offsets = [15], sizes = [1], strides = [1]} : vector<16xi32> to vector<1xi32>
        %squeeze3A_1878 = vector.extract %slice3A_1877[0] : i32 from vector<1xi32>
        %mul3A_1879 = arith.constant 128 : i32
        %mul3A_1880 = arith.muli %squeeze3A_1878, %mul3A_1879 : i32
        %add3A_1881 = arith.constant 0 : i32
        %add3A_1882 = arith.addi %mul3A_1880, %add3A_1881 : i32
        %get3A_1883 = arith.index_cast %add3A_1882 : i32 to index
        %get3A_1884 = tpu.vector_load %arg12[%get3A_1883] {strides = array<i32>} : memref<768xf32, #tpu.memory_space<vmem>>, vector<16xf32>,
        %get3A_1885 = arith.index_cast %add3A_1876 : i32 to index
        %get3A_1886 = arith.constant 0 : index
        %get3A_1887 = tpu.vector_load %arg8[%get3A_1885, %get3A_1886] {strides = array<i32>} : memref<64x128xf32, #tpu.memory_space<vmem>>, vector<16xf32>,
        %get3A_1888 = arith.index_cast %add3A_1876 : i32 to index
        %get3A_1889 = arith.constant 0 : index
        %get3A_1890 = tpu.vector_load %arg9[%get3A_1888, %get3A_1889] {strides = array<i32>} : memref<64x128xf32, #tpu.memory_space<vmem>>, vector<16xf32>,
        %mul3A_1891 = arith.mulf %get3A_1887, %get3A_1890 : vector<16xf32>
        %mul3A_1892 = arith.mulf %mul3A_1891, %get3A_1884 : vector<16xf32>
        %add3A_1893 = arith.constant 16 : i32
        %add3A_1894 = arith.addi %mul3A_1880, %add3A_1893 : i32
        %get3A_1895 = arith.index_cast %add3A_1894 : i32 to index
        %get3A_1896 = tpu.vector_load %arg12[%get3A_1895] {strides = array<i32>} : memref<768xf32, #tpu.memory_space<vmem>>, vector<16xf32>,
        %get3A_1897 = arith.index_cast %add3A_1876 : i32 to index
        %get3A_1898 = arith.constant 16 : index
        %get3A_1899 = tpu.vector_load %arg8[%get3A_1897, %get3A_1898] {strides = array<i32>} : memref<64x128xf32, #tpu.memory_space<vmem>>, vector<16xf32>,
        %get3A_1900 = arith.index_cast %add3A_1876 : i32 to index
        %get3A_1901 = arith.constant 16 : index
        %get3A_1902 = tpu.vector_load %arg9[%get3A_1900, %get3A_1901] {strides = array<i32>} : memref<64x128xf32, #tpu.memory_space<vmem>>, vector<16xf32>,
        %mul3A_1903 = arith.mulf %get3A_1899, %get3A_1902 : vector<16xf32>
        %mul3A_1904 = arith.mulf %mul3A_1903, %get3A_1896 : vector<16xf32>
        %add3A_1905 = arith.addf %mul3A_1892, %mul3A_1904 : vector<16xf32>
        %add3A_1906 = arith.constant 32 : i32
        %add3A_1907 = arith.addi %mul3A_1880, %add3A_1906 : i32
        %get3A_1908 = arith.index_cast %add3A_1907 : i32 to index
        %get3A_1909 = tpu.vector_load %arg12[%get3A_1908] {strides = array<i32>} : memref<768xf32, #tpu.memory_space<vmem>>, vector<16xf32>,
        %get3A_1910 = arith.index_cast %add3A_1876 : i32 to index
        %get3A_1911 = arith.constant 32 : index
        %get3A_1912 = tpu.vector_load %arg8[%get3A_1910, %get3A_1911] {strides = array<i32>} : memref<64x128xf32, #tpu.memory_space<vmem>>, vector<16xf32>,
        %get3A_1913 = arith.index_cast %add3A_1876 : i32 to index
        %get3A_1914 = arith.constant 32 : index
        %get3A_1915 = tpu.vector_load %arg9[%get3A_1913, %get3A_1914] {strides = array<i32>} : memref<64x128xf32, #tpu.memory_space<vmem>>, vector<16xf32>,
        %mul3A_1916 = arith.mulf %get3A_1912, %get3A_1915 : vector<16xf32>
        %mul3A_1917 = arith.mulf %mul3A_1916, %get3A_1909 : vector<16xf32>
        %add3A_1918 = arith.addf %add3A_1905, %mul3A_1917 : vector<16xf32>
        %add3A_1919 = arith.constant 48 : i32
        %add3A_1920 = arith.addi %mul3A_1880, %add3A_1919 : i32
        %get3A_1921 = arith.index_cast %add3A_1920 : i32 to index
        %get3A_1922 = tpu.vector_load %arg12[%get3A_1921] {strides = array<i32>} : memref<768xf32, #tpu.memory_space<vmem>>, vector<16xf32>,
        %get3A_1923 = arith.index_cast %add3A_1876 : i32 to index
        %get3A_1924 = arith.constant 48 : index
        %get3A_1925 = tpu.vector_load %arg8[%get3A_1923, %get3A_1924] {strides = array<i32>} : memref<64x128xf32, #tpu.memory_space<vmem>>, vector<16xf32>,
        %get3A_1926 = arith.index_cast %add3A_1876 : i32 to index
        %get3A_1927 = arith.constant 48 : index
        %get3A_1928 = tpu.vector_load %arg9[%get3A_1926, %get3A_1927] {strides = array<i32>} : memref<64x128xf32, #tpu.memory_space<vmem>>, vector<16xf32>,
        %mul3A_1929 = arith.mulf %get3A_1925, %get3A_1928 : vector<16xf32>
        %mul3A_1930 = arith.mulf %mul3A_1929, %get3A_1922 : vector<16xf32>
        %add3A_1931 = arith.addf %add3A_1918, %mul3A_1930 : vector<16xf32>
        %add3A_1932 = arith.constant 64 : i32
        %add3A_1933 = arith.addi %mul3A_1880, %add3A_1932 : i32
        %get3A_1934 = arith.index_cast %add3A_1933 : i32 to index
        %get3A_1935 = tpu.vector_load %arg12[%get3A_1934] {strides = array<i32>} : memref<768xf32, #tpu.memory_space<vmem>>, vector<16xf32>,
        %get3A_1936 = arith.index_cast %add3A_1876 : i32 to index
        %get3A_1937 = arith.constant 64 : index
        %get3A_1938 = tpu.vector_load %arg8[%get3A_1936, %get3A_1937] {strides = array<i32>} : memref<64x128xf32, #tpu.memory_space<vmem>>, vector<16xf32>,
        %get3A_1939 = arith.index_cast %add3A_1876 : i32 to index
        %get3A_1940 = arith.constant 64 : index
        %get3A_1941 = tpu.vector_load %arg9[%get3A_1939, %get3A_1940] {strides = array<i32>} : memref<64x128xf32, #tpu.memory_space<vmem>>, vector<16xf32>,
        %mul3A_1942 = arith.mulf %get3A_1938, %get3A_1941 : vector<16xf32>
        %mul3A_1943 = arith.mulf %mul3A_1942, %get3A_1935 : vector<16xf32>
        %add3A_1944 = arith.addf %add3A_1931, %mul3A_1943 : vector<16xf32>
        %add3A_1945 = arith.constant 80 : i32
        %add3A_1946 = arith.addi %mul3A_1880, %add3A_1945 : i32
        %get3A_1947 = arith.index_cast %add3A_1946 : i32 to index
        %get3A_1948 = tpu.vector_load %arg12[%get3A_1947] {strides = array<i32>} : memref<768xf32, #tpu.memory_space<vmem>>, vector<16xf32>,
        %get3A_1949 = arith.index_cast %add3A_1876 : i32 to index
        %get3A_1950 = arith.constant 80 : index
        %get3A_1951 = tpu.vector_load %arg8[%get3A_1949, %get3A_1950] {strides = array<i32>} : memref<64x128xf32, #tpu.memory_space<vmem>>, vector<16xf32>,
        %get3A_1952 = arith.index_cast %add3A_1876 : i32 to index
        %get3A_1953 = arith.constant 80 : index
        %get3A_1954 = tpu.vector_load %arg9[%get3A_1952, %get3A_1953] {strides = array<i32>} : memref<64x128xf32, #tpu.memory_space<vmem>>, vector<16xf32>,
        %mul3A_1955 = arith.mulf %get3A_1951, %get3A_1954 : vector<16xf32>
        %mul3A_1956 = arith.mulf %mul3A_1955, %get3A_1948 : vector<16xf32>
        %add3A_1957 = arith.addf %add3A_1944, %mul3A_1956 : vector<16xf32>
        %add3A_1958 = arith.constant 96 : i32
        %add3A_1959 = arith.addi %mul3A_1880, %add3A_1958 : i32
        %get3A_1960 = arith.index_cast %add3A_1959 : i32 to index
        %get3A_1961 = tpu.vector_load %arg12[%get3A_1960] {strides = array<i32>} : memref<768xf32, #tpu.memory_space<vmem>>, vector<16xf32>,
        %get3A_1962 = arith.index_cast %add3A_1876 : i32 to index
        %get3A_1963 = arith.constant 96 : index
        %get3A_1964 = tpu.vector_load %arg8[%get3A_1962, %get3A_1963] {strides = array<i32>} : memref<64x128xf32, #tpu.memory_space<vmem>>, vector<16xf32>,
        %get3A_1965 = arith.index_cast %add3A_1876 : i32 to index
        %get3A_1966 = arith.constant 96 : index
        %get3A_1967 = tpu.vector_load %arg9[%get3A_1965, %get3A_1966] {strides = array<i32>} : memref<64x128xf32, #tpu.memory_space<vmem>>, vector<16xf32>,
        %mul3A_1968 = arith.mulf %get3A_1964, %get3A_1967 : vector<16xf32>
        %mul3A_1969 = arith.mulf %mul3A_1968, %get3A_1961 : vector<16xf32>
        %add3A_1970 = arith.addf %add3A_1957, %mul3A_1969 : vector<16xf32>
        %add3A_1971 = arith.constant 112 : i32
        %add3A_1972 = arith.addi %mul3A_1880, %add3A_1971 : i32
        %get3A_1973 = arith.index_cast %add3A_1972 : i32 to index
        %get3A_1974 = tpu.vector_load %arg12[%get3A_1973] {strides = array<i32>} : memref<768xf32, #tpu.memory_space<vmem>>, vector<16xf32>,
        %get3A_1975 = arith.index_cast %add3A_1876 : i32 to index
        %get3A_1976 = arith.constant 112 : index
        %get3A_1977 = tpu.vector_load %arg8[%get3A_1975, %get3A_1976] {strides = array<i32>} : memref<64x128xf32, #tpu.memory_space<vmem>>, vector<16xf32>,
        %get3A_1978 = arith.index_cast %add3A_1876 : i32 to index
        %get3A_1979 = arith.constant 112 : index
        %get3A_1980 = tpu.vector_load %arg9[%get3A_1978, %get3A_1979] {strides = array<i32>} : memref<64x128xf32, #tpu.memory_space<vmem>>, vector<16xf32>,
        %mul3A_1981 = arith.mulf %get3A_1977, %get3A_1980 : vector<16xf32>
        %mul3A_1982 = arith.mulf %mul3A_1981, %get3A_1974 : vector<16xf32>
        %add3A_1983 = arith.addf %add3A_1970, %mul3A_1982 : vector<16xf32>
        %swap3A_1984 = arith.constant 15 : i32
        %swap3A_1985 = arith.index_cast %swap3A_1984 : i32 to index
        %swap3A_1986 = arith.constant 0 : index
        %swap3A_1987 = tpu.vector_load %arg13[%swap3A_1985, %swap3A_1986] {strides = array<i32>} : memref<16x17xf32, #tpu.memory_space<vmem>>, vector<16xf32>,
        tpu.vector_store %arg13[%swap3A_1985, %swap3A_1986], %add3A_1983 {strides = array<i32>} : memref<16x17xf32, #tpu.memory_space<vmem>>, vector<16xf32>,
        %broadcast_in_dim3A = arith.constant 0 : i32
        %broadcast_in_dim3A_1988 = vector.broadcast %broadcast_in_dim3A : i32 to vector<16xi32>
        %gather3A = tpu.vector_load_idx %arg13[%iota3A, %broadcast_in_dim3A_1988] : memref<16x17xf32, #tpu.memory_space<vmem>>[vector<16xi32>, vector<16xi32>], vector<16xf32>,
        %broadcast_in_dim3A_1989 = arith.constant 1 : i32
        %broadcast_in_dim3A_1990 = vector.broadcast %broadcast_in_dim3A_1989 : i32 to vector<16xi32>
        %gather3A_1991 = tpu.vector_load_idx %arg13[%iota3A, %broadcast_in_dim3A_1990] : memref<16x17xf32, #tpu.memory_space<vmem>>[vector<16xi32>, vector<16xi32>], vector<16xf32>,
        %add3A_1992 = arith.addf %gather3A, %gather3A_1991 : vector<16xf32>
        %broadcast_in_dim3A_1993 = arith.constant 2 : i32
        %broadcast_in_dim3A_1994 = vector.broadcast %broadcast_in_dim3A_1993 : i32 to vector<16xi32>
        %gather3A_1995 = tpu.vector_load_idx %arg13[%iota3A, %broadcast_in_dim3A_1994] : memref<16x17xf32, #tpu.memory_space<vmem>>[vector<16xi32>, vector<16xi32>], vector<16xf32>,
        %add3A_1996 = arith.addf %add3A_1992, %gather3A_1995 : vector<16xf32>
        %broadcast_in_dim3A_1997 = arith.constant 3 : i32
        %broadcast_in_dim3A_1998 = vector.broadcast %broadcast_in_dim3A_1997 : i32 to vector<16xi32>
        %gather3A_1999 = tpu.vector_load_idx %arg13[%iota3A, %broadcast_in_dim3A_1998] : memref<16x17xf32, #tpu.memory_space<vmem>>[vector<16xi32>, vector<16xi32>], vector<16xf32>,
        %add3A_2000 = arith.addf %add3A_1996, %gather3A_1999 : vector<16xf32>
        %broadcast_in_dim3A_2001 = arith.constant 4 : i32
        %broadcast_in_dim3A_2002 = vector.broadcast %broadcast_in_dim3A_2001 : i32 to vector<16xi32>
        %gather3A_2003 = tpu.vector_load_idx %arg13[%iota3A, %broadcast_in_dim3A_2002] : memref<16x17xf32, #tpu.memory_space<vmem>>[vector<16xi32>, vector<16xi32>], vector<16xf32>,
        %add3A_2004 = arith.addf %add3A_2000, %gather3A_2003 : vector<16xf32>
        %broadcast_in_dim3A_2005 = arith.constant 5 : i32
        %broadcast_in_dim3A_2006 = vector.broadcast %broadcast_in_dim3A_2005 : i32 to vector<16xi32>
        %gather3A_2007 = tpu.vector_load_idx %arg13[%iota3A, %broadcast_in_dim3A_2006] : memref<16x17xf32, #tpu.memory_space<vmem>>[vector<16xi32>, vector<16xi32>], vector<16xf32>,
        %add3A_2008 = arith.addf %add3A_2004, %gather3A_2007 : vector<16xf32>
        %broadcast_in_dim3A_2009 = arith.constant 6 : i32
        %broadcast_in_dim3A_2010 = vector.broadcast %broadcast_in_dim3A_2009 : i32 to vector<16xi32>
        %gather3A_2011 = tpu.vector_load_idx %arg13[%iota3A, %broadcast_in_dim3A_2010] : memref<16x17xf32, #tpu.memory_space<vmem>>[vector<16xi32>, vector<16xi32>], vector<16xf32>,
        %add3A_2012 = arith.addf %add3A_2008, %gather3A_2011 : vector<16xf32>
        %broadcast_in_dim3A_2013 = arith.constant 7 : i32
        %broadcast_in_dim3A_2014 = vector.broadcast %broadcast_in_dim3A_2013 : i32 to vector<16xi32>
        %gather3A_2015 = tpu.vector_load_idx %arg13[%iota3A, %broadcast_in_dim3A_2014] : memref<16x17xf32, #tpu.memory_space<vmem>>[vector<16xi32>, vector<16xi32>], vector<16xf32>,
        %add3A_2016 = arith.addf %add3A_2012, %gather3A_2015 : vector<16xf32>
        %broadcast_in_dim3A_2017 = arith.constant 8 : i32
        %broadcast_in_dim3A_2018 = vector.broadcast %broadcast_in_dim3A_2017 : i32 to vector<16xi32>
        %gather3A_2019 = tpu.vector_load_idx %arg13[%iota3A, %broadcast_in_dim3A_2018] : memref<16x17xf32, #tpu.memory_space<vmem>>[vector<16xi32>, vector<16xi32>], vector<16xf32>,
        %add3A_2020 = arith.addf %add3A_2016, %gather3A_2019 : vector<16xf32>
        %broadcast_in_dim3A_2021 = arith.constant 9 : i32
        %broadcast_in_dim3A_2022 = vector.broadcast %broadcast_in_dim3A_2021 : i32 to vector<16xi32>
        %gather3A_2023 = tpu.vector_load_idx %arg13[%iota3A, %broadcast_in_dim3A_2022] : memref<16x17xf32, #tpu.memory_space<vmem>>[vector<16xi32>, vector<16xi32>], vector<16xf32>,
        %add3A_2024 = arith.addf %add3A_2020, %gather3A_2023 : vector<16xf32>
        %broadcast_in_dim3A_2025 = arith.constant 10 : i32
        %broadcast_in_dim3A_2026 = vector.broadcast %broadcast_in_dim3A_2025 : i32 to vector<16xi32>
        %gather3A_2027 = tpu.vector_load_idx %arg13[%iota3A, %broadcast_in_dim3A_2026] : memref<16x17xf32, #tpu.memory_space<vmem>>[vector<16xi32>, vector<16xi32>], vector<16xf32>,
        %add3A_2028 = arith.addf %add3A_2024, %gather3A_2027 : vector<16xf32>
        %broadcast_in_dim3A_2029 = arith.constant 11 : i32
        %broadcast_in_dim3A_2030 = vector.broadcast %broadcast_in_dim3A_2029 : i32 to vector<16xi32>
        %gather3A_2031 = tpu.vector_load_idx %arg13[%iota3A, %broadcast_in_dim3A_2030] : memref<16x17xf32, #tpu.memory_space<vmem>>[vector<16xi32>, vector<16xi32>], vector<16xf32>,
        %add3A_2032 = arith.addf %add3A_2028, %gather3A_2031 : vector<16xf32>
        %broadcast_in_dim3A_2033 = arith.constant 12 : i32
        %broadcast_in_dim3A_2034 = vector.broadcast %broadcast_in_dim3A_2033 : i32 to vector<16xi32>
        %gather3A_2035 = tpu.vector_load_idx %arg13[%iota3A, %broadcast_in_dim3A_2034] : memref<16x17xf32, #tpu.memory_space<vmem>>[vector<16xi32>, vector<16xi32>], vector<16xf32>,
        %add3A_2036 = arith.addf %add3A_2032, %gather3A_2035 : vector<16xf32>
        %broadcast_in_dim3A_2037 = arith.constant 13 : i32
        %broadcast_in_dim3A_2038 = vector.broadcast %broadcast_in_dim3A_2037 : i32 to vector<16xi32>
        %gather3A_2039 = tpu.vector_load_idx %arg13[%iota3A, %broadcast_in_dim3A_2038] : memref<16x17xf32, #tpu.memory_space<vmem>>[vector<16xi32>, vector<16xi32>], vector<16xf32>,
        %add3A_2040 = arith.addf %add3A_2036, %gather3A_2039 : vector<16xf32>
        %broadcast_in_dim3A_2041 = arith.constant 14 : i32
        %broadcast_in_dim3A_2042 = vector.broadcast %broadcast_in_dim3A_2041 : i32 to vector<16xi32>
        %gather3A_2043 = tpu.vector_load_idx %arg13[%iota3A, %broadcast_in_dim3A_2042] : memref<16x17xf32, #tpu.memory_space<vmem>>[vector<16xi32>, vector<16xi32>], vector<16xf32>,
        %add3A_2044 = arith.addf %add3A_2040, %gather3A_2043 : vector<16xf32>
        %broadcast_in_dim3A_2045 = arith.constant 15 : i32
        %broadcast_in_dim3A_2046 = vector.broadcast %broadcast_in_dim3A_2045 : i32 to vector<16xi32>
        %gather3A_2047 = tpu.vector_load_idx %arg13[%iota3A, %broadcast_in_dim3A_2046] : memref<16x17xf32, #tpu.memory_space<vmem>>[vector<16xi32>, vector<16xi32>], vector<16xf32>,
        %add3A_2048 = arith.addf %add3A_2044, %gather3A_2047 : vector<16xf32>
        %neg3A = arith.constant 0.000000e+00 : f32
        %neg3A_2049 = vector.broadcast %neg3A : f32 to vector<16xf32>
        %neg3A_2050 = arith.subf %neg3A_2049, %add3A_2048 : vector<16xf32>
        %exp3A = math.exp %neg3A_2050 : vector<16xf32>
        %add3A_2051 = arith.constant 1.000000e+00 : f32
        %add3A_2052 = vector.broadcast %add3A_2051 : f32 to vector<16xf32>
        %add3A_2053 = arith.addf %add3A_2052, %exp3A : vector<16xf32>
        %div3A = arith.constant 1.000000e+00 : f32
        %div3A_2054 = vector.broadcast %div3A : f32 to vector<16xf32>
        %div3A_2055 = arith.divf %div3A_2054, %add3A_2053 : vector<16xf32>
        %mul3A_2056 = arith.constant 16 : i32
        %mul3A_2057 = arith.muli %scan3A_144, %mul3A_2056 : i32
        %swap3A_2058 = arith.index_cast %mul3A_2057 : i32 to index
        %swap3A_2059 = tpu.vector_load %arg14[%swap3A_2058] {strides = array<i32>} : memref<64xf32, #tpu.memory_space<vmem>>, vector<16xf32>,
        tpu.vector_store %arg14[%swap3A_2058], %div3A_2055 {strides = array<i32>} : memref<64xf32, #tpu.memory_space<vmem>>, vector<16xf32>,
        %scan3A_2060 = arith.constant 0 : i32
        scf.yield %scan3A_2060 : i32
      }
      %scan3A_81 = arith.constant 4 : i32
      %mul3A_82 = arith.constant 64 : i32
      %mul3A_83 = arith.muli %mul3A_60, %mul3A_82 : i32
      %add3A_84 = arith.addi %mul3A_2, %mul3A_83 : i32
      %dma_start3A_85 = tpu.memref_slice %arg5[%add3A_84] : memref<323584xf32, #tpu.memory_space<hbm>> -> memref<64xf32, #tpu.memory_space<hbm>>
      %dma_start3A_86 = tpu.memref_slice %arg5[%add3A_84] : memref<323584xf32, #tpu.memory_space<hbm>> -> memref<64xf32, #tpu.memory_space<hbm>>
      tpu.enqueue_dma source(%arg14 : memref<64xf32, #tpu.memory_space<vmem>>) target(%dma_start3A_86 : memref<64xf32, #tpu.memory_space<hbm>>) target_semaphore(%arg20 : memref<!tpu.dma_semaphore, #tpu.memory_space<semaphore_mem>>)
      %add3A_87 = arith.constant 2 : i32
      %add3A_88 = arith.addi %mul3A_60, %add3A_87 : i32
      %lt3A = arith.constant 158 : i32
      %lt3A_89 = arith.cmpi slt, %add3A_88, %lt3A : i32
      %convert_element_type3A_90 = arith.extui %lt3A_89 : i1 to i32
      %cond3A_91 = arith.constant 0 : i32
      %cond3A_92 = arith.cmpi ne, %convert_element_type3A_90, %cond3A_91 : i32
      scf.if %cond3A_92 {
        %add3A_144 = arith.constant 2 : i32
        %add3A_145 = arith.addi %mul3A_60, %add3A_144 : i32
        %mul3A_146 = arith.constant 192 : i32
        %mul3A_147 = arith.muli %add3A_145, %mul3A_146 : i32
        %add3A_148 = arith.addi %mul3A_6, %mul3A_147 : i32
        %dma_start3A_149 = tpu.memref_slice %arg3[%add3A_148] : memref<970752xi32, #tpu.memory_space<hbm>> -> memref<192xi32, #tpu.memory_space<hbm>>
        %dma_start3A_150 = tpu.memref_slice %arg3[%add3A_148] : memref<970752xi32, #tpu.memory_space<hbm>> -> memref<192xi32, #tpu.memory_space<hbm>>
        tpu.enqueue_dma source(%dma_start3A_150 : memref<192xi32, #tpu.memory_space<hbm>>) target(%arg6 : memref<192xi32, #tpu.memory_space<vmem>>) target_semaphore(%arg18 : memref<!tpu.dma_semaphore, #tpu.memory_space<semaphore_mem>>)
      } else {
      }
      %dma_wait3A_93 = arith.constant 0 : i32
      %dma_wait3A_94 = tpu.memref_slice %arg7[%dma_wait3A_93] : memref<192xi32, #tpu.memory_space<vmem>> -> memref<64xi32, #tpu.memory_space<vmem>>
      %dma_wait3A_95 = arith.constant 0 : i32
      %dma_wait3A_96 = arith.constant 0 : i32
      %dma_wait3A_97 = tpu.memref_slice %arg22[%dma_wait3A_95, %dma_wait3A_96] : memref<10000x128xf32, #tpu.memory_space<vmem_shared>> -> memref<10000x128xf32, #tpu.memory_space<vmem_shared>>
      tpu.wait_indirect_dma semaphore(%arg17 : memref<!tpu.dma_semaphore, #tpu.memory_space<semaphore_mem>>) src(%dma_wait3A_97 : memref<10000x128xf32, #tpu.memory_space<vmem_shared>>) dst(%arg10 : memref<64x128xf32, #tpu.memory_space<vmem>>)
      %dma_wait3A_98 = arith.constant 0 : i32
      %dma_wait3A_99 = tpu.memref_slice %arg7[%dma_wait3A_98] : memref<192xi32, #tpu.memory_space<vmem>> -> memref<64xi32, #tpu.memory_space<vmem>>
      %dma_wait3A_100 = arith.constant 0 : i32
      %dma_wait3A_101 = arith.constant 0 : i32
      %dma_wait3A_102 = tpu.memref_slice %arg22[%dma_wait3A_100, %dma_wait3A_101] : memref<10000x128xf32, #tpu.memory_space<vmem_shared>> -> memref<10000x128xf32, #tpu.memory_space<vmem_shared>>
      tpu.wait_indirect_dma semaphore(%arg17 : memref<!tpu.dma_semaphore, #tpu.memory_space<semaphore_mem>>) src(%dma_wait3A_102 : memref<10000x128xf32, #tpu.memory_space<vmem_shared>>) dst(%arg11 : memref<64x128xf32, #tpu.memory_space<vmem>>)
      %gt3A_103 = arith.constant 0 : i32
      %gt3A_104 = arith.cmpi sgt, %scan3A_57, %gt3A_103 : i32
      %convert_element_type3A_105 = arith.extui %gt3A_104 : i1 to i32
      %cond3A_106 = arith.constant 0 : i32
      %cond3A_107 = arith.cmpi ne, %convert_element_type3A_105, %cond3A_106 : i32
      scf.if %cond3A_107 {
        %dma_wait3A_144 = arith.constant 0 : i32
        %dma_wait3A_145 = tpu.memref_slice %arg5[%dma_wait3A_144] : memref<323584xf32, #tpu.memory_space<hbm>> -> memref<64xf32, #tpu.memory_space<hbm>>
        %dma_wait3A_146 = arith.constant 0 : i32
        %dma_wait3A_147 = tpu.memref_slice %arg5[%dma_wait3A_146] : memref<323584xf32, #tpu.memory_space<hbm>> -> memref<64xf32, #tpu.memory_space<hbm>>
        tpu.wait_dma2 semaphore(%arg21 : memref<!tpu.dma_semaphore, #tpu.memory_space<semaphore_mem>>) src(%arg15 : memref<64xf32, #tpu.memory_space<vmem>>) dst(%dma_wait3A_147 : memref<64xf32, #tpu.memory_space<hbm>>)
      } else {
      }
      %scan3A_108 = arith.constant 0 : i32
      %scan3A_109 = arith.constant 0 : i32
      %scan3A_110 = arith.constant 4 : i32
      %scan3A_111 = arith.addi %scan3A_109, %scan3A_110 : i32
      %scan3A_112 = arith.constant 1 : i32
      %scan3A_113 = scf.for %scan3A_144 = %scan3A_109 to %scan3A_111 step %scan3A_112 iter_args(%scan3A_145 = %scan3A_108) -> (i32)  : i32 {
        %mul3A_146 = arith.constant 16 : i32
        %mul3A_147 = arith.muli %scan3A_144, %mul3A_146 : i32
        %add3A_148 = arith.constant 128 : i32
        %add3A_149 = arith.addi %add3A_148, %mul3A_147 : i32
        %get3A = arith.index_cast %add3A_149 : i32 to index
        %get3A_150 = tpu.vector_load %arg7[%get3A] {strides = array<i32>} : memref<192xi32, #tpu.memory_space<vmem>>, vector<16xi32>,
        %mul3A_151 = arith.constant 16 : i32
        %mul3A_152 = arith.muli %scan3A_144, %mul3A_151 : i32
        %add3A_153 = arith.constant 0 : i32
        %add3A_154 = arith.addi %mul3A_152, %add3A_153 : i32
        %slice3A = vector.extract_strided_slice %get3A_150 {offsets = [0], sizes = [1], strides = [1]} : vector<16xi32> to vector<1xi32>
        %squeeze3A = vector.extract %slice3A[0] : i32 from vector<1xi32>
        %mul3A_155 = arith.constant 128 : i32
        %mul3A_156 = arith.muli %squeeze3A, %mul3A_155 : i32
        %add3A_157 = arith.constant 0 : i32
        %add3A_158 = arith.addi %mul3A_156, %add3A_157 : i32
        %get3A_159 = arith.index_cast %add3A_158 : i32 to index
        %get3A_160 = tpu.vector_load %arg12[%get3A_159] {strides = array<i32>} : memref<768xf32, #tpu.memory_space<vmem>>, vector<16xf32>,
        %get3A_161 = arith.index_cast %add3A_154 : i32 to index
        %get3A_162 = arith.constant 0 : index
        %get3A_163 = tpu.vector_load %arg10[%get3A_161, %get3A_162] {strides = array<i32>} : memref<64x128xf32, #tpu.memory_space<vmem>>, vector<16xf32>,
        %get3A_164 = arith.index_cast %add3A_154 : i32 to index
        %get3A_165 = arith.constant 0 : index
        %get3A_166 = tpu.vector_load %arg11[%get3A_164, %get3A_165] {strides = array<i32>} : memref<64x128xf32, #tpu.memory_space<vmem>>, vector<16xf32>,
        %mul3A_167 = arith.mulf %get3A_163, %get3A_166 : vector<16xf32>
        %mul3A_168 = arith.mulf %mul3A_167, %get3A_160 : vector<16xf32>
        %add3A_169 = arith.constant 16 : i32
        %add3A_170 = arith.addi %mul3A_156, %add3A_169 : i32
        %get3A_171 = arith.index_cast %add3A_170 : i32 to index
        %get3A_172 = tpu.vector_load %arg12[%get3A_171] {strides = array<i32>} : memref<768xf32, #tpu.memory_space<vmem>>, vector<16xf32>,
        %get3A_173 = arith.index_cast %add3A_154 : i32 to index
        %get3A_174 = arith.constant 16 : index
        %get3A_175 = tpu.vector_load %arg10[%get3A_173, %get3A_174] {strides = array<i32>} : memref<64x128xf32, #tpu.memory_space<vmem>>, vector<16xf32>,
        %get3A_176 = arith.index_cast %add3A_154 : i32 to index
        %get3A_177 = arith.constant 16 : index
        %get3A_178 = tpu.vector_load %arg11[%get3A_176, %get3A_177] {strides = array<i32>} : memref<64x128xf32, #tpu.memory_space<vmem>>, vector<16xf32>,
        %mul3A_179 = arith.mulf %get3A_175, %get3A_178 : vector<16xf32>
        %mul3A_180 = arith.mulf %mul3A_179, %get3A_172 : vector<16xf32>
        %add3A_181 = arith.addf %mul3A_168, %mul3A_180 : vector<16xf32>
        %add3A_182 = arith.constant 32 : i32
        %add3A_183 = arith.addi %mul3A_156, %add3A_182 : i32
        %get3A_184 = arith.index_cast %add3A_183 : i32 to index
        %get3A_185 = tpu.vector_load %arg12[%get3A_184] {strides = array<i32>} : memref<768xf32, #tpu.memory_space<vmem>>, vector<16xf32>,
        %get3A_186 = arith.index_cast %add3A_154 : i32 to index
        %get3A_187 = arith.constant 32 : index
        %get3A_188 = tpu.vector_load %arg10[%get3A_186, %get3A_187] {strides = array<i32>} : memref<64x128xf32, #tpu.memory_space<vmem>>, vector<16xf32>,
        %get3A_189 = arith.index_cast %add3A_154 : i32 to index
        %get3A_190 = arith.constant 32 : index
        %get3A_191 = tpu.vector_load %arg11[%get3A_189, %get3A_190] {strides = array<i32>} : memref<64x128xf32, #tpu.memory_space<vmem>>, vector<16xf32>,
        %mul3A_192 = arith.mulf %get3A_188, %get3A_191 : vector<16xf32>
        %mul3A_193 = arith.mulf %mul3A_192, %get3A_185 : vector<16xf32>
        %add3A_194 = arith.addf %add3A_181, %mul3A_193 : vector<16xf32>
        %add3A_195 = arith.constant 48 : i32
        %add3A_196 = arith.addi %mul3A_156, %add3A_195 : i32
        %get3A_197 = arith.index_cast %add3A_196 : i32 to index
        %get3A_198 = tpu.vector_load %arg12[%get3A_197] {strides = array<i32>} : memref<768xf32, #tpu.memory_space<vmem>>, vector<16xf32>,
        %get3A_199 = arith.index_cast %add3A_154 : i32 to index
        %get3A_200 = arith.constant 48 : index
        %get3A_201 = tpu.vector_load %arg10[%get3A_199, %get3A_200] {strides = array<i32>} : memref<64x128xf32, #tpu.memory_space<vmem>>, vector<16xf32>,
        %get3A_202 = arith.index_cast %add3A_154 : i32 to index
        %get3A_203 = arith.constant 48 : index
        %get3A_204 = tpu.vector_load %arg11[%get3A_202, %get3A_203] {strides = array<i32>} : memref<64x128xf32, #tpu.memory_space<vmem>>, vector<16xf32>,
        %mul3A_205 = arith.mulf %get3A_201, %get3A_204 : vector<16xf32>
        %mul3A_206 = arith.mulf %mul3A_205, %get3A_198 : vector<16xf32>
        %add3A_207 = arith.addf %add3A_194, %mul3A_206 : vector<16xf32>
        %add3A_208 = arith.constant 64 : i32
        %add3A_209 = arith.addi %mul3A_156, %add3A_208 : i32
        %get3A_210 = arith.index_cast %add3A_209 : i32 to index
        %get3A_211 = tpu.vector_load %arg12[%get3A_210] {strides = array<i32>} : memref<768xf32, #tpu.memory_space<vmem>>, vector<16xf32>,
        %get3A_212 = arith.index_cast %add3A_154 : i32 to index
        %get3A_213 = arith.constant 64 : index
        %get3A_214 = tpu.vector_load %arg10[%get3A_212, %get3A_213] {strides = array<i32>} : memref<64x128xf32, #tpu.memory_space<vmem>>, vector<16xf32>,
        %get3A_215 = arith.index_cast %add3A_154 : i32 to index
        %get3A_216 = arith.constant 64 : index
        %get3A_217 = tpu.vector_load %arg11[%get3A_215, %get3A_216] {strides = array<i32>} : memref<64x128xf32, #tpu.memory_space<vmem>>, vector<16xf32>,
        %mul3A_218 = arith.mulf %get3A_214, %get3A_217 : vector<16xf32>
        %mul3A_219 = arith.mulf %mul3A_218, %get3A_211 : vector<16xf32>
        %add3A_220 = arith.addf %add3A_207, %mul3A_219 : vector<16xf32>
        %add3A_221 = arith.constant 80 : i32
        %add3A_222 = arith.addi %mul3A_156, %add3A_221 : i32
        %get3A_223 = arith.index_cast %add3A_222 : i32 to index
        %get3A_224 = tpu.vector_load %arg12[%get3A_223] {strides = array<i32>} : memref<768xf32, #tpu.memory_space<vmem>>, vector<16xf32>,
        %get3A_225 = arith.index_cast %add3A_154 : i32 to index
        %get3A_226 = arith.constant 80 : index
        %get3A_227 = tpu.vector_load %arg10[%get3A_225, %get3A_226] {strides = array<i32>} : memref<64x128xf32, #tpu.memory_space<vmem>>, vector<16xf32>,
        %get3A_228 = arith.index_cast %add3A_154 : i32 to index
        %get3A_229 = arith.constant 80 : index
        %get3A_230 = tpu.vector_load %arg11[%get3A_228, %get3A_229] {strides = array<i32>} : memref<64x128xf32, #tpu.memory_space<vmem>>, vector<16xf32>,
        %mul3A_231 = arith.mulf %get3A_227, %get3A_230 : vector<16xf32>
        %mul3A_232 = arith.mulf %mul3A_231, %get3A_224 : vector<16xf32>
        %add3A_233 = arith.addf %add3A_220, %mul3A_232 : vector<16xf32>
        %add3A_234 = arith.constant 96 : i32
        %add3A_235 = arith.addi %mul3A_156, %add3A_234 : i32
        %get3A_236 = arith.index_cast %add3A_235 : i32 to index
        %get3A_237 = tpu.vector_load %arg12[%get3A_236] {strides = array<i32>} : memref<768xf32, #tpu.memory_space<vmem>>, vector<16xf32>,
        %get3A_238 = arith.index_cast %add3A_154 : i32 to index
        %get3A_239 = arith.constant 96 : index
        %get3A_240 = tpu.vector_load %arg10[%get3A_238, %get3A_239] {strides = array<i32>} : memref<64x128xf32, #tpu.memory_space<vmem>>, vector<16xf32>,
        %get3A_241 = arith.index_cast %add3A_154 : i32 to index
        %get3A_242 = arith.constant 96 : index
        %get3A_243 = tpu.vector_load %arg11[%get3A_241, %get3A_242] {strides = array<i32>} : memref<64x128xf32, #tpu.memory_space<vmem>>, vector<16xf32>,
        %mul3A_244 = arith.mulf %get3A_240, %get3A_243 : vector<16xf32>
        %mul3A_245 = arith.mulf %mul3A_244, %get3A_237 : vector<16xf32>
        %add3A_246 = arith.addf %add3A_233, %mul3A_245 : vector<16xf32>
        %add3A_247 = arith.constant 112 : i32
        %add3A_248 = arith.addi %mul3A_156, %add3A_247 : i32
        %get3A_249 = arith.index_cast %add3A_248 : i32 to index
        %get3A_250 = tpu.vector_load %arg12[%get3A_249] {strides = array<i32>} : memref<768xf32, #tpu.memory_space<vmem>>, vector<16xf32>,
        %get3A_251 = arith.index_cast %add3A_154 : i32 to index
        %get3A_252 = arith.constant 112 : index
        %get3A_253 = tpu.vector_load %arg10[%get3A_251, %get3A_252] {strides = array<i32>} : memref<64x128xf32, #tpu.memory_space<vmem>>, vector<16xf32>,
        %get3A_254 = arith.index_cast %add3A_154 : i32 to index
        %get3A_255 = arith.constant 112 : index
        %get3A_256 = tpu.vector_load %arg11[%get3A_254, %get3A_255] {strides = array<i32>} : memref<64x128xf32, #tpu.memory_space<vmem>>, vector<16xf32>,
        %mul3A_257 = arith.mulf %get3A_253, %get3A_256 : vector<16xf32>
        %mul3A_258 = arith.mulf %mul3A_257, %get3A_250 : vector<16xf32>
        %add3A_259 = arith.addf %add3A_246, %mul3A_258 : vector<16xf32>
        %swap3A = arith.constant 0 : i32
        %swap3A_260 = arith.index_cast %swap3A : i32 to index
        %swap3A_261 = arith.constant 0 : index
        %swap3A_262 = tpu.vector_load %arg13[%swap3A_260, %swap3A_261] {strides = array<i32>} : memref<16x17xf32, #tpu.memory_space<vmem>>, vector<16xf32>,
        tpu.vector_store %arg13[%swap3A_260, %swap3A_261], %add3A_259 {strides = array<i32>} : memref<16x17xf32, #tpu.memory_space<vmem>>, vector<16xf32>,
        %mul3A_263 = arith.constant 16 : i32
        %mul3A_264 = arith.muli %scan3A_144, %mul3A_263 : i32
        %add3A_265 = arith.constant 1 : i32
        %add3A_266 = arith.addi %mul3A_264, %add3A_265 : i32
        %slice3A_267 = vector.extract_strided_slice %get3A_150 {offsets = [1], sizes = [1], strides = [1]} : vector<16xi32> to vector<1xi32>
        %squeeze3A_268 = vector.extract %slice3A_267[0] : i32 from vector<1xi32>
        %mul3A_269 = arith.constant 128 : i32
        %mul3A_270 = arith.muli %squeeze3A_268, %mul3A_269 : i32
        %add3A_271 = arith.constant 0 : i32
        %add3A_272 = arith.addi %mul3A_270, %add3A_271 : i32
        %get3A_273 = arith.index_cast %add3A_272 : i32 to index
        %get3A_274 = tpu.vector_load %arg12[%get3A_273] {strides = array<i32>} : memref<768xf32, #tpu.memory_space<vmem>>, vector<16xf32>,
        %get3A_275 = arith.index_cast %add3A_266 : i32 to index
        %get3A_276 = arith.constant 0 : index
        %get3A_277 = tpu.vector_load %arg10[%get3A_275, %get3A_276] {strides = array<i32>} : memref<64x128xf32, #tpu.memory_space<vmem>>, vector<16xf32>,
        %get3A_278 = arith.index_cast %add3A_266 : i32 to index
        %get3A_279 = arith.constant 0 : index
        %get3A_280 = tpu.vector_load %arg11[%get3A_278, %get3A_279] {strides = array<i32>} : memref<64x128xf32, #tpu.memory_space<vmem>>, vector<16xf32>,
        %mul3A_281 = arith.mulf %get3A_277, %get3A_280 : vector<16xf32>
        %mul3A_282 = arith.mulf %mul3A_281, %get3A_274 : vector<16xf32>
        %add3A_283 = arith.constant 16 : i32
        %add3A_284 = arith.addi %mul3A_270, %add3A_283 : i32
        %get3A_285 = arith.index_cast %add3A_284 : i32 to index
        %get3A_286 = tpu.vector_load %arg12[%get3A_285] {strides = array<i32>} : memref<768xf32, #tpu.memory_space<vmem>>, vector<16xf32>,
        %get3A_287 = arith.index_cast %add3A_266 : i32 to index
        %get3A_288 = arith.constant 16 : index
        %get3A_289 = tpu.vector_load %arg10[%get3A_287, %get3A_288] {strides = array<i32>} : memref<64x128xf32, #tpu.memory_space<vmem>>, vector<16xf32>,
        %get3A_290 = arith.index_cast %add3A_266 : i32 to index
        %get3A_291 = arith.constant 16 : index
        %get3A_292 = tpu.vector_load %arg11[%get3A_290, %get3A_291] {strides = array<i32>} : memref<64x128xf32, #tpu.memory_space<vmem>>, vector<16xf32>,
        %mul3A_293 = arith.mulf %get3A_289, %get3A_292 : vector<16xf32>
        %mul3A_294 = arith.mulf %mul3A_293, %get3A_286 : vector<16xf32>
        %add3A_295 = arith.addf %mul3A_282, %mul3A_294 : vector<16xf32>
        %add3A_296 = arith.constant 32 : i32
        %add3A_297 = arith.addi %mul3A_270, %add3A_296 : i32
        %get3A_298 = arith.index_cast %add3A_297 : i32 to index
        %get3A_299 = tpu.vector_load %arg12[%get3A_298] {strides = array<i32>} : memref<768xf32, #tpu.memory_space<vmem>>, vector<16xf32>,
        %get3A_300 = arith.index_cast %add3A_266 : i32 to index
        %get3A_301 = arith.constant 32 : index
        %get3A_302 = tpu.vector_load %arg10[%get3A_300, %get3A_301] {strides = array<i32>} : memref<64x128xf32, #tpu.memory_space<vmem>>, vector<16xf32>,
        %get3A_303 = arith.index_cast %add3A_266 : i32 to index
        %get3A_304 = arith.constant 32 : index
        %get3A_305 = tpu.vector_load %arg11[%get3A_303, %get3A_304] {strides = array<i32>} : memref<64x128xf32, #tpu.memory_space<vmem>>, vector<16xf32>,
        %mul3A_306 = arith.mulf %get3A_302, %get3A_305 : vector<16xf32>
        %mul3A_307 = arith.mulf %mul3A_306, %get3A_299 : vector<16xf32>
        %add3A_308 = arith.addf %add3A_295, %mul3A_307 : vector<16xf32>
        %add3A_309 = arith.constant 48 : i32
        %add3A_310 = arith.addi %mul3A_270, %add3A_309 : i32
        %get3A_311 = arith.index_cast %add3A_310 : i32 to index
        %get3A_312 = tpu.vector_load %arg12[%get3A_311] {strides = array<i32>} : memref<768xf32, #tpu.memory_space<vmem>>, vector<16xf32>,
        %get3A_313 = arith.index_cast %add3A_266 : i32 to index
        %get3A_314 = arith.constant 48 : index
        %get3A_315 = tpu.vector_load %arg10[%get3A_313, %get3A_314] {strides = array<i32>} : memref<64x128xf32, #tpu.memory_space<vmem>>, vector<16xf32>,
        %get3A_316 = arith.index_cast %add3A_266 : i32 to index
        %get3A_317 = arith.constant 48 : index
        %get3A_318 = tpu.vector_load %arg11[%get3A_316, %get3A_317] {strides = array<i32>} : memref<64x128xf32, #tpu.memory_space<vmem>>, vector<16xf32>,
        %mul3A_319 = arith.mulf %get3A_315, %get3A_318 : vector<16xf32>
        %mul3A_320 = arith.mulf %mul3A_319, %get3A_312 : vector<16xf32>
        %add3A_321 = arith.addf %add3A_308, %mul3A_320 : vector<16xf32>
        %add3A_322 = arith.constant 64 : i32
        %add3A_323 = arith.addi %mul3A_270, %add3A_322 : i32
        %get3A_324 = arith.index_cast %add3A_323 : i32 to index
        %get3A_325 = tpu.vector_load %arg12[%get3A_324] {strides = array<i32>} : memref<768xf32, #tpu.memory_space<vmem>>, vector<16xf32>,
        %get3A_326 = arith.index_cast %add3A_266 : i32 to index
        %get3A_327 = arith.constant 64 : index
        %get3A_328 = tpu.vector_load %arg10[%get3A_326, %get3A_327] {strides = array<i32>} : memref<64x128xf32, #tpu.memory_space<vmem>>, vector<16xf32>,
        %get3A_329 = arith.index_cast %add3A_266 : i32 to index
        %get3A_330 = arith.constant 64 : index
        %get3A_331 = tpu.vector_load %arg11[%get3A_329, %get3A_330] {strides = array<i32>} : memref<64x128xf32, #tpu.memory_space<vmem>>, vector<16xf32>,
        %mul3A_332 = arith.mulf %get3A_328, %get3A_331 : vector<16xf32>
        %mul3A_333 = arith.mulf %mul3A_332, %get3A_325 : vector<16xf32>
        %add3A_334 = arith.addf %add3A_321, %mul3A_333 : vector<16xf32>
        %add3A_335 = arith.constant 80 : i32
        %add3A_336 = arith.addi %mul3A_270, %add3A_335 : i32
        %get3A_337 = arith.index_cast %add3A_336 : i32 to index
        %get3A_338 = tpu.vector_load %arg12[%get3A_337] {strides = array<i32>} : memref<768xf32, #tpu.memory_space<vmem>>, vector<16xf32>,
        %get3A_339 = arith.index_cast %add3A_266 : i32 to index
        %get3A_340 = arith.constant 80 : index
        %get3A_341 = tpu.vector_load %arg10[%get3A_339, %get3A_340] {strides = array<i32>} : memref<64x128xf32, #tpu.memory_space<vmem>>, vector<16xf32>,
        %get3A_342 = arith.index_cast %add3A_266 : i32 to index
        %get3A_343 = arith.constant 80 : index
        %get3A_344 = tpu.vector_load %arg11[%get3A_342, %get3A_343] {strides = array<i32>} : memref<64x128xf32, #tpu.memory_space<vmem>>, vector<16xf32>,
        %mul3A_345 = arith.mulf %get3A_341, %get3A_344 : vector<16xf32>
        %mul3A_346 = arith.mulf %mul3A_345, %get3A_338 : vector<16xf32>
        %add3A_347 = arith.addf %add3A_334, %mul3A_346 : vector<16xf32>
        %add3A_348 = arith.constant 96 : i32
        %add3A_349 = arith.addi %mul3A_270, %add3A_348 : i32
        %get3A_350 = arith.index_cast %add3A_349 : i32 to index
        %get3A_351 = tpu.vector_load %arg12[%get3A_350] {strides = array<i32>} : memref<768xf32, #tpu.memory_space<vmem>>, vector<16xf32>,
        %get3A_352 = arith.index_cast %add3A_266 : i32 to index
        %get3A_353 = arith.constant 96 : index
        %get3A_354 = tpu.vector_load %arg10[%get3A_352, %get3A_353] {strides = array<i32>} : memref<64x128xf32, #tpu.memory_space<vmem>>, vector<16xf32>,
        %get3A_355 = arith.index_cast %add3A_266 : i32 to index
        %get3A_356 = arith.constant 96 : index
        %get3A_357 = tpu.vector_load %arg11[%get3A_355, %get3A_356] {strides = array<i32>} : memref<64x128xf32, #tpu.memory_space<vmem>>, vector<16xf32>,
        %mul3A_358 = arith.mulf %get3A_354, %get3A_357 : vector<16xf32>
        %mul3A_359 = arith.mulf %mul3A_358, %get3A_351 : vector<16xf32>
        %add3A_360 = arith.addf %add3A_347, %mul3A_359 : vector<16xf32>
        %add3A_361 = arith.constant 112 : i32
        %add3A_362 = arith.addi %mul3A_270, %add3A_361 : i32
        %get3A_363 = arith.index_cast %add3A_362 : i32 to index
        %get3A_364 = tpu.vector_load %arg12[%get3A_363] {strides = array<i32>} : memref<768xf32, #tpu.memory_space<vmem>>, vector<16xf32>,
        %get3A_365 = arith.index_cast %add3A_266 : i32 to index
        %get3A_366 = arith.constant 112 : index
        %get3A_367 = tpu.vector_load %arg10[%get3A_365, %get3A_366] {strides = array<i32>} : memref<64x128xf32, #tpu.memory_space<vmem>>, vector<16xf32>,
        %get3A_368 = arith.index_cast %add3A_266 : i32 to index
        %get3A_369 = arith.constant 112 : index
        %get3A_370 = tpu.vector_load %arg11[%get3A_368, %get3A_369] {strides = array<i32>} : memref<64x128xf32, #tpu.memory_space<vmem>>, vector<16xf32>,
        %mul3A_371 = arith.mulf %get3A_367, %get3A_370 : vector<16xf32>
        %mul3A_372 = arith.mulf %mul3A_371, %get3A_364 : vector<16xf32>
        %add3A_373 = arith.addf %add3A_360, %mul3A_372 : vector<16xf32>
        %swap3A_374 = arith.constant 1 : i32
        %swap3A_375 = arith.index_cast %swap3A_374 : i32 to index
        %swap3A_376 = arith.constant 0 : index
        %swap3A_377 = tpu.vector_load %arg13[%swap3A_375, %swap3A_376] {strides = array<i32>} : memref<16x17xf32, #tpu.memory_space<vmem>>, vector<16xf32>,
        tpu.vector_store %arg13[%swap3A_375, %swap3A_376], %add3A_373 {strides = array<i32>} : memref<16x17xf32, #tpu.memory_space<vmem>>, vector<16xf32>,
        %mul3A_378 = arith.constant 16 : i32
        %mul3A_379 = arith.muli %scan3A_144, %mul3A_378 : i32
        %add3A_380 = arith.constant 2 : i32
        %add3A_381 = arith.addi %mul3A_379, %add3A_380 : i32
        %slice3A_382 = vector.extract_strided_slice %get3A_150 {offsets = [2], sizes = [1], strides = [1]} : vector<16xi32> to vector<1xi32>
        %squeeze3A_383 = vector.extract %slice3A_382[0] : i32 from vector<1xi32>
        %mul3A_384 = arith.constant 128 : i32
        %mul3A_385 = arith.muli %squeeze3A_383, %mul3A_384 : i32
        %add3A_386 = arith.constant 0 : i32
        %add3A_387 = arith.addi %mul3A_385, %add3A_386 : i32
        %get3A_388 = arith.index_cast %add3A_387 : i32 to index
        %get3A_389 = tpu.vector_load %arg12[%get3A_388] {strides = array<i32>} : memref<768xf32, #tpu.memory_space<vmem>>, vector<16xf32>,
        %get3A_390 = arith.index_cast %add3A_381 : i32 to index
        %get3A_391 = arith.constant 0 : index
        %get3A_392 = tpu.vector_load %arg10[%get3A_390, %get3A_391] {strides = array<i32>} : memref<64x128xf32, #tpu.memory_space<vmem>>, vector<16xf32>,
        %get3A_393 = arith.index_cast %add3A_381 : i32 to index
        %get3A_394 = arith.constant 0 : index
        %get3A_395 = tpu.vector_load %arg11[%get3A_393, %get3A_394] {strides = array<i32>} : memref<64x128xf32, #tpu.memory_space<vmem>>, vector<16xf32>,
        %mul3A_396 = arith.mulf %get3A_392, %get3A_395 : vector<16xf32>
        %mul3A_397 = arith.mulf %mul3A_396, %get3A_389 : vector<16xf32>
        %add3A_398 = arith.constant 16 : i32
        %add3A_399 = arith.addi %mul3A_385, %add3A_398 : i32
        %get3A_400 = arith.index_cast %add3A_399 : i32 to index
        %get3A_401 = tpu.vector_load %arg12[%get3A_400] {strides = array<i32>} : memref<768xf32, #tpu.memory_space<vmem>>, vector<16xf32>,
        %get3A_402 = arith.index_cast %add3A_381 : i32 to index
        %get3A_403 = arith.constant 16 : index
        %get3A_404 = tpu.vector_load %arg10[%get3A_402, %get3A_403] {strides = array<i32>} : memref<64x128xf32, #tpu.memory_space<vmem>>, vector<16xf32>,
        %get3A_405 = arith.index_cast %add3A_381 : i32 to index
        %get3A_406 = arith.constant 16 : index
        %get3A_407 = tpu.vector_load %arg11[%get3A_405, %get3A_406] {strides = array<i32>} : memref<64x128xf32, #tpu.memory_space<vmem>>, vector<16xf32>,
        %mul3A_408 = arith.mulf %get3A_404, %get3A_407 : vector<16xf32>
        %mul3A_409 = arith.mulf %mul3A_408, %get3A_401 : vector<16xf32>
        %add3A_410 = arith.addf %mul3A_397, %mul3A_409 : vector<16xf32>
        %add3A_411 = arith.constant 32 : i32
        %add3A_412 = arith.addi %mul3A_385, %add3A_411 : i32
        %get3A_413 = arith.index_cast %add3A_412 : i32 to index
        %get3A_414 = tpu.vector_load %arg12[%get3A_413] {strides = array<i32>} : memref<768xf32, #tpu.memory_space<vmem>>, vector<16xf32>,
        %get3A_415 = arith.index_cast %add3A_381 : i32 to index
        %get3A_416 = arith.constant 32 : index
        %get3A_417 = tpu.vector_load %arg10[%get3A_415, %get3A_416] {strides = array<i32>} : memref<64x128xf32, #tpu.memory_space<vmem>>, vector<16xf32>,
        %get3A_418 = arith.index_cast %add3A_381 : i32 to index
        %get3A_419 = arith.constant 32 : index
        %get3A_420 = tpu.vector_load %arg11[%get3A_418, %get3A_419] {strides = array<i32>} : memref<64x128xf32, #tpu.memory_space<vmem>>, vector<16xf32>,
        %mul3A_421 = arith.mulf %get3A_417, %get3A_420 : vector<16xf32>
        %mul3A_422 = arith.mulf %mul3A_421, %get3A_414 : vector<16xf32>
        %add3A_423 = arith.addf %add3A_410, %mul3A_422 : vector<16xf32>
        %add3A_424 = arith.constant 48 : i32
        %add3A_425 = arith.addi %mul3A_385, %add3A_424 : i32
        %get3A_426 = arith.index_cast %add3A_425 : i32 to index
        %get3A_427 = tpu.vector_load %arg12[%get3A_426] {strides = array<i32>} : memref<768xf32, #tpu.memory_space<vmem>>, vector<16xf32>,
        %get3A_428 = arith.index_cast %add3A_381 : i32 to index
        %get3A_429 = arith.constant 48 : index
        %get3A_430 = tpu.vector_load %arg10[%get3A_428, %get3A_429] {strides = array<i32>} : memref<64x128xf32, #tpu.memory_space<vmem>>, vector<16xf32>,
        %get3A_431 = arith.index_cast %add3A_381 : i32 to index
        %get3A_432 = arith.constant 48 : index
        %get3A_433 = tpu.vector_load %arg11[%get3A_431, %get3A_432] {strides = array<i32>} : memref<64x128xf32, #tpu.memory_space<vmem>>, vector<16xf32>,
        %mul3A_434 = arith.mulf %get3A_430, %get3A_433 : vector<16xf32>
        %mul3A_435 = arith.mulf %mul3A_434, %get3A_427 : vector<16xf32>
        %add3A_436 = arith.addf %add3A_423, %mul3A_435 : vector<16xf32>
        %add3A_437 = arith.constant 64 : i32
        %add3A_438 = arith.addi %mul3A_385, %add3A_437 : i32
        %get3A_439 = arith.index_cast %add3A_438 : i32 to index
        %get3A_440 = tpu.vector_load %arg12[%get3A_439] {strides = array<i32>} : memref<768xf32, #tpu.memory_space<vmem>>, vector<16xf32>,
        %get3A_441 = arith.index_cast %add3A_381 : i32 to index
        %get3A_442 = arith.constant 64 : index
        %get3A_443 = tpu.vector_load %arg10[%get3A_441, %get3A_442] {strides = array<i32>} : memref<64x128xf32, #tpu.memory_space<vmem>>, vector<16xf32>,
        %get3A_444 = arith.index_cast %add3A_381 : i32 to index
        %get3A_445 = arith.constant 64 : index
        %get3A_446 = tpu.vector_load %arg11[%get3A_444, %get3A_445] {strides = array<i32>} : memref<64x128xf32, #tpu.memory_space<vmem>>, vector<16xf32>,
        %mul3A_447 = arith.mulf %get3A_443, %get3A_446 : vector<16xf32>
        %mul3A_448 = arith.mulf %mul3A_447, %get3A_440 : vector<16xf32>
        %add3A_449 = arith.addf %add3A_436, %mul3A_448 : vector<16xf32>
        %add3A_450 = arith.constant 80 : i32
        %add3A_451 = arith.addi %mul3A_385, %add3A_450 : i32
        %get3A_452 = arith.index_cast %add3A_451 : i32 to index
        %get3A_453 = tpu.vector_load %arg12[%get3A_452] {strides = array<i32>} : memref<768xf32, #tpu.memory_space<vmem>>, vector<16xf32>,
        %get3A_454 = arith.index_cast %add3A_381 : i32 to index
        %get3A_455 = arith.constant 80 : index
        %get3A_456 = tpu.vector_load %arg10[%get3A_454, %get3A_455] {strides = array<i32>} : memref<64x128xf32, #tpu.memory_space<vmem>>, vector<16xf32>,
        %get3A_457 = arith.index_cast %add3A_381 : i32 to index
        %get3A_458 = arith.constant 80 : index
        %get3A_459 = tpu.vector_load %arg11[%get3A_457, %get3A_458] {strides = array<i32>} : memref<64x128xf32, #tpu.memory_space<vmem>>, vector<16xf32>,
        %mul3A_460 = arith.mulf %get3A_456, %get3A_459 : vector<16xf32>
        %mul3A_461 = arith.mulf %mul3A_460, %get3A_453 : vector<16xf32>
        %add3A_462 = arith.addf %add3A_449, %mul3A_461 : vector<16xf32>
        %add3A_463 = arith.constant 96 : i32
        %add3A_464 = arith.addi %mul3A_385, %add3A_463 : i32
        %get3A_465 = arith.index_cast %add3A_464 : i32 to index
        %get3A_466 = tpu.vector_load %arg12[%get3A_465] {strides = array<i32>} : memref<768xf32, #tpu.memory_space<vmem>>, vector<16xf32>,
        %get3A_467 = arith.index_cast %add3A_381 : i32 to index
        %get3A_468 = arith.constant 96 : index
        %get3A_469 = tpu.vector_load %arg10[%get3A_467, %get3A_468] {strides = array<i32>} : memref<64x128xf32, #tpu.memory_space<vmem>>, vector<16xf32>,
        %get3A_470 = arith.index_cast %add3A_381 : i32 to index
        %get3A_471 = arith.constant 96 : index
        %get3A_472 = tpu.vector_load %arg11[%get3A_470, %get3A_471] {strides = array<i32>} : memref<64x128xf32, #tpu.memory_space<vmem>>, vector<16xf32>,
        %mul3A_473 = arith.mulf %get3A_469, %get3A_472 : vector<16xf32>
        %mul3A_474 = arith.mulf %mul3A_473, %get3A_466 : vector<16xf32>
        %add3A_475 = arith.addf %add3A_462, %mul3A_474 : vector<16xf32>
        %add3A_476 = arith.constant 112 : i32
        %add3A_477 = arith.addi %mul3A_385, %add3A_476 : i32
        %get3A_478 = arith.index_cast %add3A_477 : i32 to index
        %get3A_479 = tpu.vector_load %arg12[%get3A_478] {strides = array<i32>} : memref<768xf32, #tpu.memory_space<vmem>>, vector<16xf32>,
        %get3A_480 = arith.index_cast %add3A_381 : i32 to index
        %get3A_481 = arith.constant 112 : index
        %get3A_482 = tpu.vector_load %arg10[%get3A_480, %get3A_481] {strides = array<i32>} : memref<64x128xf32, #tpu.memory_space<vmem>>, vector<16xf32>,
        %get3A_483 = arith.index_cast %add3A_381 : i32 to index
        %get3A_484 = arith.constant 112 : index
        %get3A_485 = tpu.vector_load %arg11[%get3A_483, %get3A_484] {strides = array<i32>} : memref<64x128xf32, #tpu.memory_space<vmem>>, vector<16xf32>,
        %mul3A_486 = arith.mulf %get3A_482, %get3A_485 : vector<16xf32>
        %mul3A_487 = arith.mulf %mul3A_486, %get3A_479 : vector<16xf32>
        %add3A_488 = arith.addf %add3A_475, %mul3A_487 : vector<16xf32>
        %swap3A_489 = arith.constant 2 : i32
        %swap3A_490 = arith.index_cast %swap3A_489 : i32 to index
        %swap3A_491 = arith.constant 0 : index
        %swap3A_492 = tpu.vector_load %arg13[%swap3A_490, %swap3A_491] {strides = array<i32>} : memref<16x17xf32, #tpu.memory_space<vmem>>, vector<16xf32>,
        tpu.vector_store %arg13[%swap3A_490, %swap3A_491], %add3A_488 {strides = array<i32>} : memref<16x17xf32, #tpu.memory_space<vmem>>, vector<16xf32>,
        %mul3A_493 = arith.constant 16 : i32
        %mul3A_494 = arith.muli %scan3A_144, %mul3A_493 : i32
        %add3A_495 = arith.constant 3 : i32
        %add3A_496 = arith.addi %mul3A_494, %add3A_495 : i32
        %slice3A_497 = vector.extract_strided_slice %get3A_150 {offsets = [3], sizes = [1], strides = [1]} : vector<16xi32> to vector<1xi32>
        %squeeze3A_498 = vector.extract %slice3A_497[0] : i32 from vector<1xi32>
        %mul3A_499 = arith.constant 128 : i32
        %mul3A_500 = arith.muli %squeeze3A_498, %mul3A_499 : i32
        %add3A_501 = arith.constant 0 : i32
        %add3A_502 = arith.addi %mul3A_500, %add3A_501 : i32
        %get3A_503 = arith.index_cast %add3A_502 : i32 to index
        %get3A_504 = tpu.vector_load %arg12[%get3A_503] {strides = array<i32>} : memref<768xf32, #tpu.memory_space<vmem>>, vector<16xf32>,
        %get3A_505 = arith.index_cast %add3A_496 : i32 to index
        %get3A_506 = arith.constant 0 : index
        %get3A_507 = tpu.vector_load %arg10[%get3A_505, %get3A_506] {strides = array<i32>} : memref<64x128xf32, #tpu.memory_space<vmem>>, vector<16xf32>,
        %get3A_508 = arith.index_cast %add3A_496 : i32 to index
        %get3A_509 = arith.constant 0 : index
        %get3A_510 = tpu.vector_load %arg11[%get3A_508, %get3A_509] {strides = array<i32>} : memref<64x128xf32, #tpu.memory_space<vmem>>, vector<16xf32>,
        %mul3A_511 = arith.mulf %get3A_507, %get3A_510 : vector<16xf32>
        %mul3A_512 = arith.mulf %mul3A_511, %get3A_504 : vector<16xf32>
        %add3A_513 = arith.constant 16 : i32
        %add3A_514 = arith.addi %mul3A_500, %add3A_513 : i32
        %get3A_515 = arith.index_cast %add3A_514 : i32 to index
        %get3A_516 = tpu.vector_load %arg12[%get3A_515] {strides = array<i32>} : memref<768xf32, #tpu.memory_space<vmem>>, vector<16xf32>,
        %get3A_517 = arith.index_cast %add3A_496 : i32 to index
        %get3A_518 = arith.constant 16 : index
        %get3A_519 = tpu.vector_load %arg10[%get3A_517, %get3A_518] {strides = array<i32>} : memref<64x128xf32, #tpu.memory_space<vmem>>, vector<16xf32>,
        %get3A_520 = arith.index_cast %add3A_496 : i32 to index
        %get3A_521 = arith.constant 16 : index
        %get3A_522 = tpu.vector_load %arg11[%get3A_520, %get3A_521] {strides = array<i32>} : memref<64x128xf32, #tpu.memory_space<vmem>>, vector<16xf32>,
        %mul3A_523 = arith.mulf %get3A_519, %get3A_522 : vector<16xf32>
        %mul3A_524 = arith.mulf %mul3A_523, %get3A_516 : vector<16xf32>
        %add3A_525 = arith.addf %mul3A_512, %mul3A_524 : vector<16xf32>
        %add3A_526 = arith.constant 32 : i32
        %add3A_527 = arith.addi %mul3A_500, %add3A_526 : i32
        %get3A_528 = arith.index_cast %add3A_527 : i32 to index
        %get3A_529 = tpu.vector_load %arg12[%get3A_528] {strides = array<i32>} : memref<768xf32, #tpu.memory_space<vmem>>, vector<16xf32>,
        %get3A_530 = arith.index_cast %add3A_496 : i32 to index
        %get3A_531 = arith.constant 32 : index
        %get3A_532 = tpu.vector_load %arg10[%get3A_530, %get3A_531] {strides = array<i32>} : memref<64x128xf32, #tpu.memory_space<vmem>>, vector<16xf32>,
        %get3A_533 = arith.index_cast %add3A_496 : i32 to index
        %get3A_534 = arith.constant 32 : index
        %get3A_535 = tpu.vector_load %arg11[%get3A_533, %get3A_534] {strides = array<i32>} : memref<64x128xf32, #tpu.memory_space<vmem>>, vector<16xf32>,
        %mul3A_536 = arith.mulf %get3A_532, %get3A_535 : vector<16xf32>
        %mul3A_537 = arith.mulf %mul3A_536, %get3A_529 : vector<16xf32>
        %add3A_538 = arith.addf %add3A_525, %mul3A_537 : vector<16xf32>
        %add3A_539 = arith.constant 48 : i32
        %add3A_540 = arith.addi %mul3A_500, %add3A_539 : i32
        %get3A_541 = arith.index_cast %add3A_540 : i32 to index
        %get3A_542 = tpu.vector_load %arg12[%get3A_541] {strides = array<i32>} : memref<768xf32, #tpu.memory_space<vmem>>, vector<16xf32>,
        %get3A_543 = arith.index_cast %add3A_496 : i32 to index
        %get3A_544 = arith.constant 48 : index
        %get3A_545 = tpu.vector_load %arg10[%get3A_543, %get3A_544] {strides = array<i32>} : memref<64x128xf32, #tpu.memory_space<vmem>>, vector<16xf32>,
        %get3A_546 = arith.index_cast %add3A_496 : i32 to index
        %get3A_547 = arith.constant 48 : index
        %get3A_548 = tpu.vector_load %arg11[%get3A_546, %get3A_547] {strides = array<i32>} : memref<64x128xf32, #tpu.memory_space<vmem>>, vector<16xf32>,
        %mul3A_549 = arith.mulf %get3A_545, %get3A_548 : vector<16xf32>
        %mul3A_550 = arith.mulf %mul3A_549, %get3A_542 : vector<16xf32>
        %add3A_551 = arith.addf %add3A_538, %mul3A_550 : vector<16xf32>
        %add3A_552 = arith.constant 64 : i32
        %add3A_553 = arith.addi %mul3A_500, %add3A_552 : i32
        %get3A_554 = arith.index_cast %add3A_553 : i32 to index
        %get3A_555 = tpu.vector_load %arg12[%get3A_554] {strides = array<i32>} : memref<768xf32, #tpu.memory_space<vmem>>, vector<16xf32>,
        %get3A_556 = arith.index_cast %add3A_496 : i32 to index
        %get3A_557 = arith.constant 64 : index
        %get3A_558 = tpu.vector_load %arg10[%get3A_556, %get3A_557] {strides = array<i32>} : memref<64x128xf32, #tpu.memory_space<vmem>>, vector<16xf32>,
        %get3A_559 = arith.index_cast %add3A_496 : i32 to index
        %get3A_560 = arith.constant 64 : index
        %get3A_561 = tpu.vector_load %arg11[%get3A_559, %get3A_560] {strides = array<i32>} : memref<64x128xf32, #tpu.memory_space<vmem>>, vector<16xf32>,
        %mul3A_562 = arith.mulf %get3A_558, %get3A_561 : vector<16xf32>
        %mul3A_563 = arith.mulf %mul3A_562, %get3A_555 : vector<16xf32>
        %add3A_564 = arith.addf %add3A_551, %mul3A_563 : vector<16xf32>
        %add3A_565 = arith.constant 80 : i32
        %add3A_566 = arith.addi %mul3A_500, %add3A_565 : i32
        %get3A_567 = arith.index_cast %add3A_566 : i32 to index
        %get3A_568 = tpu.vector_load %arg12[%get3A_567] {strides = array<i32>} : memref<768xf32, #tpu.memory_space<vmem>>, vector<16xf32>,
        %get3A_569 = arith.index_cast %add3A_496 : i32 to index
        %get3A_570 = arith.constant 80 : index
        %get3A_571 = tpu.vector_load %arg10[%get3A_569, %get3A_570] {strides = array<i32>} : memref<64x128xf32, #tpu.memory_space<vmem>>, vector<16xf32>,
        %get3A_572 = arith.index_cast %add3A_496 : i32 to index
        %get3A_573 = arith.constant 80 : index
        %get3A_574 = tpu.vector_load %arg11[%get3A_572, %get3A_573] {strides = array<i32>} : memref<64x128xf32, #tpu.memory_space<vmem>>, vector<16xf32>,
        %mul3A_575 = arith.mulf %get3A_571, %get3A_574 : vector<16xf32>
        %mul3A_576 = arith.mulf %mul3A_575, %get3A_568 : vector<16xf32>
        %add3A_577 = arith.addf %add3A_564, %mul3A_576 : vector<16xf32>
        %add3A_578 = arith.constant 96 : i32
        %add3A_579 = arith.addi %mul3A_500, %add3A_578 : i32
        %get3A_580 = arith.index_cast %add3A_579 : i32 to index
        %get3A_581 = tpu.vector_load %arg12[%get3A_580] {strides = array<i32>} : memref<768xf32, #tpu.memory_space<vmem>>, vector<16xf32>,
        %get3A_582 = arith.index_cast %add3A_496 : i32 to index
        %get3A_583 = arith.constant 96 : index
        %get3A_584 = tpu.vector_load %arg10[%get3A_582, %get3A_583] {strides = array<i32>} : memref<64x128xf32, #tpu.memory_space<vmem>>, vector<16xf32>,
        %get3A_585 = arith.index_cast %add3A_496 : i32 to index
        %get3A_586 = arith.constant 96 : index
        %get3A_587 = tpu.vector_load %arg11[%get3A_585, %get3A_586] {strides = array<i32>} : memref<64x128xf32, #tpu.memory_space<vmem>>, vector<16xf32>,
        %mul3A_588 = arith.mulf %get3A_584, %get3A_587 : vector<16xf32>
        %mul3A_589 = arith.mulf %mul3A_588, %get3A_581 : vector<16xf32>
        %add3A_590 = arith.addf %add3A_577, %mul3A_589 : vector<16xf32>
        %add3A_591 = arith.constant 112 : i32
        %add3A_592 = arith.addi %mul3A_500, %add3A_591 : i32
        %get3A_593 = arith.index_cast %add3A_592 : i32 to index
        %get3A_594 = tpu.vector_load %arg12[%get3A_593] {strides = array<i32>} : memref<768xf32, #tpu.memory_space<vmem>>, vector<16xf32>,
        %get3A_595 = arith.index_cast %add3A_496 : i32 to index
        %get3A_596 = arith.constant 112 : index
        %get3A_597 = tpu.vector_load %arg10[%get3A_595, %get3A_596] {strides = array<i32>} : memref<64x128xf32, #tpu.memory_space<vmem>>, vector<16xf32>,
        %get3A_598 = arith.index_cast %add3A_496 : i32 to index
        %get3A_599 = arith.constant 112 : index
        %get3A_600 = tpu.vector_load %arg11[%get3A_598, %get3A_599] {strides = array<i32>} : memref<64x128xf32, #tpu.memory_space<vmem>>, vector<16xf32>,
        %mul3A_601 = arith.mulf %get3A_597, %get3A_600 : vector<16xf32>
        %mul3A_602 = arith.mulf %mul3A_601, %get3A_594 : vector<16xf32>
        %add3A_603 = arith.addf %add3A_590, %mul3A_602 : vector<16xf32>
        %swap3A_604 = arith.constant 3 : i32
        %swap3A_605 = arith.index_cast %swap3A_604 : i32 to index
        %swap3A_606 = arith.constant 0 : index
        %swap3A_607 = tpu.vector_load %arg13[%swap3A_605, %swap3A_606] {strides = array<i32>} : memref<16x17xf32, #tpu.memory_space<vmem>>, vector<16xf32>,
        tpu.vector_store %arg13[%swap3A_605, %swap3A_606], %add3A_603 {strides = array<i32>} : memref<16x17xf32, #tpu.memory_space<vmem>>, vector<16xf32>,
        %mul3A_608 = arith.constant 16 : i32
        %mul3A_609 = arith.muli %scan3A_144, %mul3A_608 : i32
        %add3A_610 = arith.constant 4 : i32
        %add3A_611 = arith.addi %mul3A_609, %add3A_610 : i32
        %slice3A_612 = vector.extract_strided_slice %get3A_150 {offsets = [4], sizes = [1], strides = [1]} : vector<16xi32> to vector<1xi32>
        %squeeze3A_613 = vector.extract %slice3A_612[0] : i32 from vector<1xi32>
        %mul3A_614 = arith.constant 128 : i32
        %mul3A_615 = arith.muli %squeeze3A_613, %mul3A_614 : i32
        %add3A_616 = arith.constant 0 : i32
        %add3A_617 = arith.addi %mul3A_615, %add3A_616 : i32
        %get3A_618 = arith.index_cast %add3A_617 : i32 to index
        %get3A_619 = tpu.vector_load %arg12[%get3A_618] {strides = array<i32>} : memref<768xf32, #tpu.memory_space<vmem>>, vector<16xf32>,
        %get3A_620 = arith.index_cast %add3A_611 : i32 to index
        %get3A_621 = arith.constant 0 : index
        %get3A_622 = tpu.vector_load %arg10[%get3A_620, %get3A_621] {strides = array<i32>} : memref<64x128xf32, #tpu.memory_space<vmem>>, vector<16xf32>,
        %get3A_623 = arith.index_cast %add3A_611 : i32 to index
        %get3A_624 = arith.constant 0 : index
        %get3A_625 = tpu.vector_load %arg11[%get3A_623, %get3A_624] {strides = array<i32>} : memref<64x128xf32, #tpu.memory_space<vmem>>, vector<16xf32>,
        %mul3A_626 = arith.mulf %get3A_622, %get3A_625 : vector<16xf32>
        %mul3A_627 = arith.mulf %mul3A_626, %get3A_619 : vector<16xf32>
        %add3A_628 = arith.constant 16 : i32
        %add3A_629 = arith.addi %mul3A_615, %add3A_628 : i32
        %get3A_630 = arith.index_cast %add3A_629 : i32 to index
        %get3A_631 = tpu.vector_load %arg12[%get3A_630] {strides = array<i32>} : memref<768xf32, #tpu.memory_space<vmem>>, vector<16xf32>,
        %get3A_632 = arith.index_cast %add3A_611 : i32 to index
        %get3A_633 = arith.constant 16 : index
        %get3A_634 = tpu.vector_load %arg10[%get3A_632, %get3A_633] {strides = array<i32>} : memref<64x128xf32, #tpu.memory_space<vmem>>, vector<16xf32>,
        %get3A_635 = arith.index_cast %add3A_611 : i32 to index
        %get3A_636 = arith.constant 16 : index
        %get3A_637 = tpu.vector_load %arg11[%get3A_635, %get3A_636] {strides = array<i32>} : memref<64x128xf32, #tpu.memory_space<vmem>>, vector<16xf32>,
        %mul3A_638 = arith.mulf %get3A_634, %get3A_637 : vector<16xf32>
        %mul3A_639 = arith.mulf %mul3A_638, %get3A_631 : vector<16xf32>
        %add3A_640 = arith.addf %mul3A_627, %mul3A_639 : vector<16xf32>
        %add3A_641 = arith.constant 32 : i32
        %add3A_642 = arith.addi %mul3A_615, %add3A_641 : i32
        %get3A_643 = arith.index_cast %add3A_642 : i32 to index
        %get3A_644 = tpu.vector_load %arg12[%get3A_643] {strides = array<i32>} : memref<768xf32, #tpu.memory_space<vmem>>, vector<16xf32>,
        %get3A_645 = arith.index_cast %add3A_611 : i32 to index
        %get3A_646 = arith.constant 32 : index
        %get3A_647 = tpu.vector_load %arg10[%get3A_645, %get3A_646] {strides = array<i32>} : memref<64x128xf32, #tpu.memory_space<vmem>>, vector<16xf32>,
        %get3A_648 = arith.index_cast %add3A_611 : i32 to index
        %get3A_649 = arith.constant 32 : index
        %get3A_650 = tpu.vector_load %arg11[%get3A_648, %get3A_649] {strides = array<i32>} : memref<64x128xf32, #tpu.memory_space<vmem>>, vector<16xf32>,
        %mul3A_651 = arith.mulf %get3A_647, %get3A_650 : vector<16xf32>
        %mul3A_652 = arith.mulf %mul3A_651, %get3A_644 : vector<16xf32>
        %add3A_653 = arith.addf %add3A_640, %mul3A_652 : vector<16xf32>
        %add3A_654 = arith.constant 48 : i32
        %add3A_655 = arith.addi %mul3A_615, %add3A_654 : i32
        %get3A_656 = arith.index_cast %add3A_655 : i32 to index
        %get3A_657 = tpu.vector_load %arg12[%get3A_656] {strides = array<i32>} : memref<768xf32, #tpu.memory_space<vmem>>, vector<16xf32>,
        %get3A_658 = arith.index_cast %add3A_611 : i32 to index
        %get3A_659 = arith.constant 48 : index
        %get3A_660 = tpu.vector_load %arg10[%get3A_658, %get3A_659] {strides = array<i32>} : memref<64x128xf32, #tpu.memory_space<vmem>>, vector<16xf32>,
        %get3A_661 = arith.index_cast %add3A_611 : i32 to index
        %get3A_662 = arith.constant 48 : index
        %get3A_663 = tpu.vector_load %arg11[%get3A_661, %get3A_662] {strides = array<i32>} : memref<64x128xf32, #tpu.memory_space<vmem>>, vector<16xf32>,
        %mul3A_664 = arith.mulf %get3A_660, %get3A_663 : vector<16xf32>
        %mul3A_665 = arith.mulf %mul3A_664, %get3A_657 : vector<16xf32>
        %add3A_666 = arith.addf %add3A_653, %mul3A_665 : vector<16xf32>
        %add3A_667 = arith.constant 64 : i32
        %add3A_668 = arith.addi %mul3A_615, %add3A_667 : i32
        %get3A_669 = arith.index_cast %add3A_668 : i32 to index
        %get3A_670 = tpu.vector_load %arg12[%get3A_669] {strides = array<i32>} : memref<768xf32, #tpu.memory_space<vmem>>, vector<16xf32>,
        %get3A_671 = arith.index_cast %add3A_611 : i32 to index
        %get3A_672 = arith.constant 64 : index
        %get3A_673 = tpu.vector_load %arg10[%get3A_671, %get3A_672] {strides = array<i32>} : memref<64x128xf32, #tpu.memory_space<vmem>>, vector<16xf32>,
        %get3A_674 = arith.index_cast %add3A_611 : i32 to index
        %get3A_675 = arith.constant 64 : index
        %get3A_676 = tpu.vector_load %arg11[%get3A_674, %get3A_675] {strides = array<i32>} : memref<64x128xf32, #tpu.memory_space<vmem>>, vector<16xf32>,
        %mul3A_677 = arith.mulf %get3A_673, %get3A_676 : vector<16xf32>
        %mul3A_678 = arith.mulf %mul3A_677, %get3A_670 : vector<16xf32>
        %add3A_679 = arith.addf %add3A_666, %mul3A_678 : vector<16xf32>
        %add3A_680 = arith.constant 80 : i32
        %add3A_681 = arith.addi %mul3A_615, %add3A_680 : i32
        %get3A_682 = arith.index_cast %add3A_681 : i32 to index
        %get3A_683 = tpu.vector_load %arg12[%get3A_682] {strides = array<i32>} : memref<768xf32, #tpu.memory_space<vmem>>, vector<16xf32>,
        %get3A_684 = arith.index_cast %add3A_611 : i32 to index
        %get3A_685 = arith.constant 80 : index
        %get3A_686 = tpu.vector_load %arg10[%get3A_684, %get3A_685] {strides = array<i32>} : memref<64x128xf32, #tpu.memory_space<vmem>>, vector<16xf32>,
        %get3A_687 = arith.index_cast %add3A_611 : i32 to index
        %get3A_688 = arith.constant 80 : index
        %get3A_689 = tpu.vector_load %arg11[%get3A_687, %get3A_688] {strides = array<i32>} : memref<64x128xf32, #tpu.memory_space<vmem>>, vector<16xf32>,
        %mul3A_690 = arith.mulf %get3A_686, %get3A_689 : vector<16xf32>
        %mul3A_691 = arith.mulf %mul3A_690, %get3A_683 : vector<16xf32>
        %add3A_692 = arith.addf %add3A_679, %mul3A_691 : vector<16xf32>
        %add3A_693 = arith.constant 96 : i32
        %add3A_694 = arith.addi %mul3A_615, %add3A_693 : i32
        %get3A_695 = arith.index_cast %add3A_694 : i32 to index
        %get3A_696 = tpu.vector_load %arg12[%get3A_695] {strides = array<i32>} : memref<768xf32, #tpu.memory_space<vmem>>, vector<16xf32>,
        %get3A_697 = arith.index_cast %add3A_611 : i32 to index
        %get3A_698 = arith.constant 96 : index
        %get3A_699 = tpu.vector_load %arg10[%get3A_697, %get3A_698] {strides = array<i32>} : memref<64x128xf32, #tpu.memory_space<vmem>>, vector<16xf32>,
        %get3A_700 = arith.index_cast %add3A_611 : i32 to index
        %get3A_701 = arith.constant 96 : index
        %get3A_702 = tpu.vector_load %arg11[%get3A_700, %get3A_701] {strides = array<i32>} : memref<64x128xf32, #tpu.memory_space<vmem>>, vector<16xf32>,
        %mul3A_703 = arith.mulf %get3A_699, %get3A_702 : vector<16xf32>
        %mul3A_704 = arith.mulf %mul3A_703, %get3A_696 : vector<16xf32>
        %add3A_705 = arith.addf %add3A_692, %mul3A_704 : vector<16xf32>
        %add3A_706 = arith.constant 112 : i32
        %add3A_707 = arith.addi %mul3A_615, %add3A_706 : i32
        %get3A_708 = arith.index_cast %add3A_707 : i32 to index
        %get3A_709 = tpu.vector_load %arg12[%get3A_708] {strides = array<i32>} : memref<768xf32, #tpu.memory_space<vmem>>, vector<16xf32>,
        %get3A_710 = arith.index_cast %add3A_611 : i32 to index
        %get3A_711 = arith.constant 112 : index
        %get3A_712 = tpu.vector_load %arg10[%get3A_710, %get3A_711] {strides = array<i32>} : memref<64x128xf32, #tpu.memory_space<vmem>>, vector<16xf32>,
        %get3A_713 = arith.index_cast %add3A_611 : i32 to index
        %get3A_714 = arith.constant 112 : index
        %get3A_715 = tpu.vector_load %arg11[%get3A_713, %get3A_714] {strides = array<i32>} : memref<64x128xf32, #tpu.memory_space<vmem>>, vector<16xf32>,
        %mul3A_716 = arith.mulf %get3A_712, %get3A_715 : vector<16xf32>
        %mul3A_717 = arith.mulf %mul3A_716, %get3A_709 : vector<16xf32>
        %add3A_718 = arith.addf %add3A_705, %mul3A_717 : vector<16xf32>
        %swap3A_719 = arith.constant 4 : i32
        %swap3A_720 = arith.index_cast %swap3A_719 : i32 to index
        %swap3A_721 = arith.constant 0 : index
        %swap3A_722 = tpu.vector_load %arg13[%swap3A_720, %swap3A_721] {strides = array<i32>} : memref<16x17xf32, #tpu.memory_space<vmem>>, vector<16xf32>,
        tpu.vector_store %arg13[%swap3A_720, %swap3A_721], %add3A_718 {strides = array<i32>} : memref<16x17xf32, #tpu.memory_space<vmem>>, vector<16xf32>,
        %mul3A_723 = arith.constant 16 : i32
        %mul3A_724 = arith.muli %scan3A_144, %mul3A_723 : i32
        %add3A_725 = arith.constant 5 : i32
        %add3A_726 = arith.addi %mul3A_724, %add3A_725 : i32
        %slice3A_727 = vector.extract_strided_slice %get3A_150 {offsets = [5], sizes = [1], strides = [1]} : vector<16xi32> to vector<1xi32>
        %squeeze3A_728 = vector.extract %slice3A_727[0] : i32 from vector<1xi32>
        %mul3A_729 = arith.constant 128 : i32
        %mul3A_730 = arith.muli %squeeze3A_728, %mul3A_729 : i32
        %add3A_731 = arith.constant 0 : i32
        %add3A_732 = arith.addi %mul3A_730, %add3A_731 : i32
        %get3A_733 = arith.index_cast %add3A_732 : i32 to index
        %get3A_734 = tpu.vector_load %arg12[%get3A_733] {strides = array<i32>} : memref<768xf32, #tpu.memory_space<vmem>>, vector<16xf32>,
        %get3A_735 = arith.index_cast %add3A_726 : i32 to index
        %get3A_736 = arith.constant 0 : index
        %get3A_737 = tpu.vector_load %arg10[%get3A_735, %get3A_736] {strides = array<i32>} : memref<64x128xf32, #tpu.memory_space<vmem>>, vector<16xf32>,
        %get3A_738 = arith.index_cast %add3A_726 : i32 to index
        %get3A_739 = arith.constant 0 : index
        %get3A_740 = tpu.vector_load %arg11[%get3A_738, %get3A_739] {strides = array<i32>} : memref<64x128xf32, #tpu.memory_space<vmem>>, vector<16xf32>,
        %mul3A_741 = arith.mulf %get3A_737, %get3A_740 : vector<16xf32>
        %mul3A_742 = arith.mulf %mul3A_741, %get3A_734 : vector<16xf32>
        %add3A_743 = arith.constant 16 : i32
        %add3A_744 = arith.addi %mul3A_730, %add3A_743 : i32
        %get3A_745 = arith.index_cast %add3A_744 : i32 to index
        %get3A_746 = tpu.vector_load %arg12[%get3A_745] {strides = array<i32>} : memref<768xf32, #tpu.memory_space<vmem>>, vector<16xf32>,
        %get3A_747 = arith.index_cast %add3A_726 : i32 to index
        %get3A_748 = arith.constant 16 : index
        %get3A_749 = tpu.vector_load %arg10[%get3A_747, %get3A_748] {strides = array<i32>} : memref<64x128xf32, #tpu.memory_space<vmem>>, vector<16xf32>,
        %get3A_750 = arith.index_cast %add3A_726 : i32 to index
        %get3A_751 = arith.constant 16 : index
        %get3A_752 = tpu.vector_load %arg11[%get3A_750, %get3A_751] {strides = array<i32>} : memref<64x128xf32, #tpu.memory_space<vmem>>, vector<16xf32>,
        %mul3A_753 = arith.mulf %get3A_749, %get3A_752 : vector<16xf32>
        %mul3A_754 = arith.mulf %mul3A_753, %get3A_746 : vector<16xf32>
        %add3A_755 = arith.addf %mul3A_742, %mul3A_754 : vector<16xf32>
        %add3A_756 = arith.constant 32 : i32
        %add3A_757 = arith.addi %mul3A_730, %add3A_756 : i32
        %get3A_758 = arith.index_cast %add3A_757 : i32 to index
        %get3A_759 = tpu.vector_load %arg12[%get3A_758] {strides = array<i32>} : memref<768xf32, #tpu.memory_space<vmem>>, vector<16xf32>,
        %get3A_760 = arith.index_cast %add3A_726 : i32 to index
        %get3A_761 = arith.constant 32 : index
        %get3A_762 = tpu.vector_load %arg10[%get3A_760, %get3A_761] {strides = array<i32>} : memref<64x128xf32, #tpu.memory_space<vmem>>, vector<16xf32>,
        %get3A_763 = arith.index_cast %add3A_726 : i32 to index
        %get3A_764 = arith.constant 32 : index
        %get3A_765 = tpu.vector_load %arg11[%get3A_763, %get3A_764] {strides = array<i32>} : memref<64x128xf32, #tpu.memory_space<vmem>>, vector<16xf32>,
        %mul3A_766 = arith.mulf %get3A_762, %get3A_765 : vector<16xf32>
        %mul3A_767 = arith.mulf %mul3A_766, %get3A_759 : vector<16xf32>
        %add3A_768 = arith.addf %add3A_755, %mul3A_767 : vector<16xf32>
        %add3A_769 = arith.constant 48 : i32
        %add3A_770 = arith.addi %mul3A_730, %add3A_769 : i32
        %get3A_771 = arith.index_cast %add3A_770 : i32 to index
        %get3A_772 = tpu.vector_load %arg12[%get3A_771] {strides = array<i32>} : memref<768xf32, #tpu.memory_space<vmem>>, vector<16xf32>,
        %get3A_773 = arith.index_cast %add3A_726 : i32 to index
        %get3A_774 = arith.constant 48 : index
        %get3A_775 = tpu.vector_load %arg10[%get3A_773, %get3A_774] {strides = array<i32>} : memref<64x128xf32, #tpu.memory_space<vmem>>, vector<16xf32>,
        %get3A_776 = arith.index_cast %add3A_726 : i32 to index
        %get3A_777 = arith.constant 48 : index
        %get3A_778 = tpu.vector_load %arg11[%get3A_776, %get3A_777] {strides = array<i32>} : memref<64x128xf32, #tpu.memory_space<vmem>>, vector<16xf32>,
        %mul3A_779 = arith.mulf %get3A_775, %get3A_778 : vector<16xf32>
        %mul3A_780 = arith.mulf %mul3A_779, %get3A_772 : vector<16xf32>
        %add3A_781 = arith.addf %add3A_768, %mul3A_780 : vector<16xf32>
        %add3A_782 = arith.constant 64 : i32
        %add3A_783 = arith.addi %mul3A_730, %add3A_782 : i32
        %get3A_784 = arith.index_cast %add3A_783 : i32 to index
        %get3A_785 = tpu.vector_load %arg12[%get3A_784] {strides = array<i32>} : memref<768xf32, #tpu.memory_space<vmem>>, vector<16xf32>,
        %get3A_786 = arith.index_cast %add3A_726 : i32 to index
        %get3A_787 = arith.constant 64 : index
        %get3A_788 = tpu.vector_load %arg10[%get3A_786, %get3A_787] {strides = array<i32>} : memref<64x128xf32, #tpu.memory_space<vmem>>, vector<16xf32>,
        %get3A_789 = arith.index_cast %add3A_726 : i32 to index
        %get3A_790 = arith.constant 64 : index
        %get3A_791 = tpu.vector_load %arg11[%get3A_789, %get3A_790] {strides = array<i32>} : memref<64x128xf32, #tpu.memory_space<vmem>>, vector<16xf32>,
        %mul3A_792 = arith.mulf %get3A_788, %get3A_791 : vector<16xf32>
        %mul3A_793 = arith.mulf %mul3A_792, %get3A_785 : vector<16xf32>
        %add3A_794 = arith.addf %add3A_781, %mul3A_793 : vector<16xf32>
        %add3A_795 = arith.constant 80 : i32
        %add3A_796 = arith.addi %mul3A_730, %add3A_795 : i32
        %get3A_797 = arith.index_cast %add3A_796 : i32 to index
        %get3A_798 = tpu.vector_load %arg12[%get3A_797] {strides = array<i32>} : memref<768xf32, #tpu.memory_space<vmem>>, vector<16xf32>,
        %get3A_799 = arith.index_cast %add3A_726 : i32 to index
        %get3A_800 = arith.constant 80 : index
        %get3A_801 = tpu.vector_load %arg10[%get3A_799, %get3A_800] {strides = array<i32>} : memref<64x128xf32, #tpu.memory_space<vmem>>, vector<16xf32>,
        %get3A_802 = arith.index_cast %add3A_726 : i32 to index
        %get3A_803 = arith.constant 80 : index
        %get3A_804 = tpu.vector_load %arg11[%get3A_802, %get3A_803] {strides = array<i32>} : memref<64x128xf32, #tpu.memory_space<vmem>>, vector<16xf32>,
        %mul3A_805 = arith.mulf %get3A_801, %get3A_804 : vector<16xf32>
        %mul3A_806 = arith.mulf %mul3A_805, %get3A_798 : vector<16xf32>
        %add3A_807 = arith.addf %add3A_794, %mul3A_806 : vector<16xf32>
        %add3A_808 = arith.constant 96 : i32
        %add3A_809 = arith.addi %mul3A_730, %add3A_808 : i32
        %get3A_810 = arith.index_cast %add3A_809 : i32 to index
        %get3A_811 = tpu.vector_load %arg12[%get3A_810] {strides = array<i32>} : memref<768xf32, #tpu.memory_space<vmem>>, vector<16xf32>,
        %get3A_812 = arith.index_cast %add3A_726 : i32 to index
        %get3A_813 = arith.constant 96 : index
        %get3A_814 = tpu.vector_load %arg10[%get3A_812, %get3A_813] {strides = array<i32>} : memref<64x128xf32, #tpu.memory_space<vmem>>, vector<16xf32>,
        %get3A_815 = arith.index_cast %add3A_726 : i32 to index
        %get3A_816 = arith.constant 96 : index
        %get3A_817 = tpu.vector_load %arg11[%get3A_815, %get3A_816] {strides = array<i32>} : memref<64x128xf32, #tpu.memory_space<vmem>>, vector<16xf32>,
        %mul3A_818 = arith.mulf %get3A_814, %get3A_817 : vector<16xf32>
        %mul3A_819 = arith.mulf %mul3A_818, %get3A_811 : vector<16xf32>
        %add3A_820 = arith.addf %add3A_807, %mul3A_819 : vector<16xf32>
        %add3A_821 = arith.constant 112 : i32
        %add3A_822 = arith.addi %mul3A_730, %add3A_821 : i32
        %get3A_823 = arith.index_cast %add3A_822 : i32 to index
        %get3A_824 = tpu.vector_load %arg12[%get3A_823] {strides = array<i32>} : memref<768xf32, #tpu.memory_space<vmem>>, vector<16xf32>,
        %get3A_825 = arith.index_cast %add3A_726 : i32 to index
        %get3A_826 = arith.constant 112 : index
        %get3A_827 = tpu.vector_load %arg10[%get3A_825, %get3A_826] {strides = array<i32>} : memref<64x128xf32, #tpu.memory_space<vmem>>, vector<16xf32>,
        %get3A_828 = arith.index_cast %add3A_726 : i32 to index
        %get3A_829 = arith.constant 112 : index
        %get3A_830 = tpu.vector_load %arg11[%get3A_828, %get3A_829] {strides = array<i32>} : memref<64x128xf32, #tpu.memory_space<vmem>>, vector<16xf32>,
        %mul3A_831 = arith.mulf %get3A_827, %get3A_830 : vector<16xf32>
        %mul3A_832 = arith.mulf %mul3A_831, %get3A_824 : vector<16xf32>
        %add3A_833 = arith.addf %add3A_820, %mul3A_832 : vector<16xf32>
        %swap3A_834 = arith.constant 5 : i32
        %swap3A_835 = arith.index_cast %swap3A_834 : i32 to index
        %swap3A_836 = arith.constant 0 : index
        %swap3A_837 = tpu.vector_load %arg13[%swap3A_835, %swap3A_836] {strides = array<i32>} : memref<16x17xf32, #tpu.memory_space<vmem>>, vector<16xf32>,
        tpu.vector_store %arg13[%swap3A_835, %swap3A_836], %add3A_833 {strides = array<i32>} : memref<16x17xf32, #tpu.memory_space<vmem>>, vector<16xf32>,
        %mul3A_838 = arith.constant 16 : i32
        %mul3A_839 = arith.muli %scan3A_144, %mul3A_838 : i32
        %add3A_840 = arith.constant 6 : i32
        %add3A_841 = arith.addi %mul3A_839, %add3A_840 : i32
        %slice3A_842 = vector.extract_strided_slice %get3A_150 {offsets = [6], sizes = [1], strides = [1]} : vector<16xi32> to vector<1xi32>
        %squeeze3A_843 = vector.extract %slice3A_842[0] : i32 from vector<1xi32>
        %mul3A_844 = arith.constant 128 : i32
        %mul3A_845 = arith.muli %squeeze3A_843, %mul3A_844 : i32
        %add3A_846 = arith.constant 0 : i32
        %add3A_847 = arith.addi %mul3A_845, %add3A_846 : i32
        %get3A_848 = arith.index_cast %add3A_847 : i32 to index
        %get3A_849 = tpu.vector_load %arg12[%get3A_848] {strides = array<i32>} : memref<768xf32, #tpu.memory_space<vmem>>, vector<16xf32>,
        %get3A_850 = arith.index_cast %add3A_841 : i32 to index
        %get3A_851 = arith.constant 0 : index
        %get3A_852 = tpu.vector_load %arg10[%get3A_850, %get3A_851] {strides = array<i32>} : memref<64x128xf32, #tpu.memory_space<vmem>>, vector<16xf32>,
        %get3A_853 = arith.index_cast %add3A_841 : i32 to index
        %get3A_854 = arith.constant 0 : index
        %get3A_855 = tpu.vector_load %arg11[%get3A_853, %get3A_854] {strides = array<i32>} : memref<64x128xf32, #tpu.memory_space<vmem>>, vector<16xf32>,
        %mul3A_856 = arith.mulf %get3A_852, %get3A_855 : vector<16xf32>
        %mul3A_857 = arith.mulf %mul3A_856, %get3A_849 : vector<16xf32>
        %add3A_858 = arith.constant 16 : i32
        %add3A_859 = arith.addi %mul3A_845, %add3A_858 : i32
        %get3A_860 = arith.index_cast %add3A_859 : i32 to index
        %get3A_861 = tpu.vector_load %arg12[%get3A_860] {strides = array<i32>} : memref<768xf32, #tpu.memory_space<vmem>>, vector<16xf32>,
        %get3A_862 = arith.index_cast %add3A_841 : i32 to index
        %get3A_863 = arith.constant 16 : index
        %get3A_864 = tpu.vector_load %arg10[%get3A_862, %get3A_863] {strides = array<i32>} : memref<64x128xf32, #tpu.memory_space<vmem>>, vector<16xf32>,
        %get3A_865 = arith.index_cast %add3A_841 : i32 to index
        %get3A_866 = arith.constant 16 : index
        %get3A_867 = tpu.vector_load %arg11[%get3A_865, %get3A_866] {strides = array<i32>} : memref<64x128xf32, #tpu.memory_space<vmem>>, vector<16xf32>,
        %mul3A_868 = arith.mulf %get3A_864, %get3A_867 : vector<16xf32>
        %mul3A_869 = arith.mulf %mul3A_868, %get3A_861 : vector<16xf32>
        %add3A_870 = arith.addf %mul3A_857, %mul3A_869 : vector<16xf32>
        %add3A_871 = arith.constant 32 : i32
        %add3A_872 = arith.addi %mul3A_845, %add3A_871 : i32
        %get3A_873 = arith.index_cast %add3A_872 : i32 to index
        %get3A_874 = tpu.vector_load %arg12[%get3A_873] {strides = array<i32>} : memref<768xf32, #tpu.memory_space<vmem>>, vector<16xf32>,
        %get3A_875 = arith.index_cast %add3A_841 : i32 to index
        %get3A_876 = arith.constant 32 : index
        %get3A_877 = tpu.vector_load %arg10[%get3A_875, %get3A_876] {strides = array<i32>} : memref<64x128xf32, #tpu.memory_space<vmem>>, vector<16xf32>,
        %get3A_878 = arith.index_cast %add3A_841 : i32 to index
        %get3A_879 = arith.constant 32 : index
        %get3A_880 = tpu.vector_load %arg11[%get3A_878, %get3A_879] {strides = array<i32>} : memref<64x128xf32, #tpu.memory_space<vmem>>, vector<16xf32>,
        %mul3A_881 = arith.mulf %get3A_877, %get3A_880 : vector<16xf32>
        %mul3A_882 = arith.mulf %mul3A_881, %get3A_874 : vector<16xf32>
        %add3A_883 = arith.addf %add3A_870, %mul3A_882 : vector<16xf32>
        %add3A_884 = arith.constant 48 : i32
        %add3A_885 = arith.addi %mul3A_845, %add3A_884 : i32
        %get3A_886 = arith.index_cast %add3A_885 : i32 to index
        %get3A_887 = tpu.vector_load %arg12[%get3A_886] {strides = array<i32>} : memref<768xf32, #tpu.memory_space<vmem>>, vector<16xf32>,
        %get3A_888 = arith.index_cast %add3A_841 : i32 to index
        %get3A_889 = arith.constant 48 : index
        %get3A_890 = tpu.vector_load %arg10[%get3A_888, %get3A_889] {strides = array<i32>} : memref<64x128xf32, #tpu.memory_space<vmem>>, vector<16xf32>,
        %get3A_891 = arith.index_cast %add3A_841 : i32 to index
        %get3A_892 = arith.constant 48 : index
        %get3A_893 = tpu.vector_load %arg11[%get3A_891, %get3A_892] {strides = array<i32>} : memref<64x128xf32, #tpu.memory_space<vmem>>, vector<16xf32>,
        %mul3A_894 = arith.mulf %get3A_890, %get3A_893 : vector<16xf32>
        %mul3A_895 = arith.mulf %mul3A_894, %get3A_887 : vector<16xf32>
        %add3A_896 = arith.addf %add3A_883, %mul3A_895 : vector<16xf32>
        %add3A_897 = arith.constant 64 : i32
        %add3A_898 = arith.addi %mul3A_845, %add3A_897 : i32
        %get3A_899 = arith.index_cast %add3A_898 : i32 to index
        %get3A_900 = tpu.vector_load %arg12[%get3A_899] {strides = array<i32>} : memref<768xf32, #tpu.memory_space<vmem>>, vector<16xf32>,
        %get3A_901 = arith.index_cast %add3A_841 : i32 to index
        %get3A_902 = arith.constant 64 : index
        %get3A_903 = tpu.vector_load %arg10[%get3A_901, %get3A_902] {strides = array<i32>} : memref<64x128xf32, #tpu.memory_space<vmem>>, vector<16xf32>,
        %get3A_904 = arith.index_cast %add3A_841 : i32 to index
        %get3A_905 = arith.constant 64 : index
        %get3A_906 = tpu.vector_load %arg11[%get3A_904, %get3A_905] {strides = array<i32>} : memref<64x128xf32, #tpu.memory_space<vmem>>, vector<16xf32>,
        %mul3A_907 = arith.mulf %get3A_903, %get3A_906 : vector<16xf32>
        %mul3A_908 = arith.mulf %mul3A_907, %get3A_900 : vector<16xf32>
        %add3A_909 = arith.addf %add3A_896, %mul3A_908 : vector<16xf32>
        %add3A_910 = arith.constant 80 : i32
        %add3A_911 = arith.addi %mul3A_845, %add3A_910 : i32
        %get3A_912 = arith.index_cast %add3A_911 : i32 to index
        %get3A_913 = tpu.vector_load %arg12[%get3A_912] {strides = array<i32>} : memref<768xf32, #tpu.memory_space<vmem>>, vector<16xf32>,
        %get3A_914 = arith.index_cast %add3A_841 : i32 to index
        %get3A_915 = arith.constant 80 : index
        %get3A_916 = tpu.vector_load %arg10[%get3A_914, %get3A_915] {strides = array<i32>} : memref<64x128xf32, #tpu.memory_space<vmem>>, vector<16xf32>,
        %get3A_917 = arith.index_cast %add3A_841 : i32 to index
        %get3A_918 = arith.constant 80 : index
        %get3A_919 = tpu.vector_load %arg11[%get3A_917, %get3A_918] {strides = array<i32>} : memref<64x128xf32, #tpu.memory_space<vmem>>, vector<16xf32>,
        %mul3A_920 = arith.mulf %get3A_916, %get3A_919 : vector<16xf32>
        %mul3A_921 = arith.mulf %mul3A_920, %get3A_913 : vector<16xf32>
        %add3A_922 = arith.addf %add3A_909, %mul3A_921 : vector<16xf32>
        %add3A_923 = arith.constant 96 : i32
        %add3A_924 = arith.addi %mul3A_845, %add3A_923 : i32
        %get3A_925 = arith.index_cast %add3A_924 : i32 to index
        %get3A_926 = tpu.vector_load %arg12[%get3A_925] {strides = array<i32>} : memref<768xf32, #tpu.memory_space<vmem>>, vector<16xf32>,
        %get3A_927 = arith.index_cast %add3A_841 : i32 to index
        %get3A_928 = arith.constant 96 : index
        %get3A_929 = tpu.vector_load %arg10[%get3A_927, %get3A_928] {strides = array<i32>} : memref<64x128xf32, #tpu.memory_space<vmem>>, vector<16xf32>,
        %get3A_930 = arith.index_cast %add3A_841 : i32 to index
        %get3A_931 = arith.constant 96 : index
        %get3A_932 = tpu.vector_load %arg11[%get3A_930, %get3A_931] {strides = array<i32>} : memref<64x128xf32, #tpu.memory_space<vmem>>, vector<16xf32>,
        %mul3A_933 = arith.mulf %get3A_929, %get3A_932 : vector<16xf32>
        %mul3A_934 = arith.mulf %mul3A_933, %get3A_926 : vector<16xf32>
        %add3A_935 = arith.addf %add3A_922, %mul3A_934 : vector<16xf32>
        %add3A_936 = arith.constant 112 : i32
        %add3A_937 = arith.addi %mul3A_845, %add3A_936 : i32
        %get3A_938 = arith.index_cast %add3A_937 : i32 to index
        %get3A_939 = tpu.vector_load %arg12[%get3A_938] {strides = array<i32>} : memref<768xf32, #tpu.memory_space<vmem>>, vector<16xf32>,
        %get3A_940 = arith.index_cast %add3A_841 : i32 to index
        %get3A_941 = arith.constant 112 : index
        %get3A_942 = tpu.vector_load %arg10[%get3A_940, %get3A_941] {strides = array<i32>} : memref<64x128xf32, #tpu.memory_space<vmem>>, vector<16xf32>,
        %get3A_943 = arith.index_cast %add3A_841 : i32 to index
        %get3A_944 = arith.constant 112 : index
        %get3A_945 = tpu.vector_load %arg11[%get3A_943, %get3A_944] {strides = array<i32>} : memref<64x128xf32, #tpu.memory_space<vmem>>, vector<16xf32>,
        %mul3A_946 = arith.mulf %get3A_942, %get3A_945 : vector<16xf32>
        %mul3A_947 = arith.mulf %mul3A_946, %get3A_939 : vector<16xf32>
        %add3A_948 = arith.addf %add3A_935, %mul3A_947 : vector<16xf32>
        %swap3A_949 = arith.constant 6 : i32
        %swap3A_950 = arith.index_cast %swap3A_949 : i32 to index
        %swap3A_951 = arith.constant 0 : index
        %swap3A_952 = tpu.vector_load %arg13[%swap3A_950, %swap3A_951] {strides = array<i32>} : memref<16x17xf32, #tpu.memory_space<vmem>>, vector<16xf32>,
        tpu.vector_store %arg13[%swap3A_950, %swap3A_951], %add3A_948 {strides = array<i32>} : memref<16x17xf32, #tpu.memory_space<vmem>>, vector<16xf32>,
        %mul3A_953 = arith.constant 16 : i32
        %mul3A_954 = arith.muli %scan3A_144, %mul3A_953 : i32
        %add3A_955 = arith.constant 7 : i32
        %add3A_956 = arith.addi %mul3A_954, %add3A_955 : i32
        %slice3A_957 = vector.extract_strided_slice %get3A_150 {offsets = [7], sizes = [1], strides = [1]} : vector<16xi32> to vector<1xi32>
        %squeeze3A_958 = vector.extract %slice3A_957[0] : i32 from vector<1xi32>
        %mul3A_959 = arith.constant 128 : i32
        %mul3A_960 = arith.muli %squeeze3A_958, %mul3A_959 : i32
        %add3A_961 = arith.constant 0 : i32
        %add3A_962 = arith.addi %mul3A_960, %add3A_961 : i32
        %get3A_963 = arith.index_cast %add3A_962 : i32 to index
        %get3A_964 = tpu.vector_load %arg12[%get3A_963] {strides = array<i32>} : memref<768xf32, #tpu.memory_space<vmem>>, vector<16xf32>,
        %get3A_965 = arith.index_cast %add3A_956 : i32 to index
        %get3A_966 = arith.constant 0 : index
        %get3A_967 = tpu.vector_load %arg10[%get3A_965, %get3A_966] {strides = array<i32>} : memref<64x128xf32, #tpu.memory_space<vmem>>, vector<16xf32>,
        %get3A_968 = arith.index_cast %add3A_956 : i32 to index
        %get3A_969 = arith.constant 0 : index
        %get3A_970 = tpu.vector_load %arg11[%get3A_968, %get3A_969] {strides = array<i32>} : memref<64x128xf32, #tpu.memory_space<vmem>>, vector<16xf32>,
        %mul3A_971 = arith.mulf %get3A_967, %get3A_970 : vector<16xf32>
        %mul3A_972 = arith.mulf %mul3A_971, %get3A_964 : vector<16xf32>
        %add3A_973 = arith.constant 16 : i32
        %add3A_974 = arith.addi %mul3A_960, %add3A_973 : i32
        %get3A_975 = arith.index_cast %add3A_974 : i32 to index
        %get3A_976 = tpu.vector_load %arg12[%get3A_975] {strides = array<i32>} : memref<768xf32, #tpu.memory_space<vmem>>, vector<16xf32>,
        %get3A_977 = arith.index_cast %add3A_956 : i32 to index
        %get3A_978 = arith.constant 16 : index
        %get3A_979 = tpu.vector_load %arg10[%get3A_977, %get3A_978] {strides = array<i32>} : memref<64x128xf32, #tpu.memory_space<vmem>>, vector<16xf32>,
        %get3A_980 = arith.index_cast %add3A_956 : i32 to index
        %get3A_981 = arith.constant 16 : index
        %get3A_982 = tpu.vector_load %arg11[%get3A_980, %get3A_981] {strides = array<i32>} : memref<64x128xf32, #tpu.memory_space<vmem>>, vector<16xf32>,
        %mul3A_983 = arith.mulf %get3A_979, %get3A_982 : vector<16xf32>
        %mul3A_984 = arith.mulf %mul3A_983, %get3A_976 : vector<16xf32>
        %add3A_985 = arith.addf %mul3A_972, %mul3A_984 : vector<16xf32>
        %add3A_986 = arith.constant 32 : i32
        %add3A_987 = arith.addi %mul3A_960, %add3A_986 : i32
        %get3A_988 = arith.index_cast %add3A_987 : i32 to index
        %get3A_989 = tpu.vector_load %arg12[%get3A_988] {strides = array<i32>} : memref<768xf32, #tpu.memory_space<vmem>>, vector<16xf32>,
        %get3A_990 = arith.index_cast %add3A_956 : i32 to index
        %get3A_991 = arith.constant 32 : index
        %get3A_992 = tpu.vector_load %arg10[%get3A_990, %get3A_991] {strides = array<i32>} : memref<64x128xf32, #tpu.memory_space<vmem>>, vector<16xf32>,
        %get3A_993 = arith.index_cast %add3A_956 : i32 to index
        %get3A_994 = arith.constant 32 : index
        %get3A_995 = tpu.vector_load %arg11[%get3A_993, %get3A_994] {strides = array<i32>} : memref<64x128xf32, #tpu.memory_space<vmem>>, vector<16xf32>,
        %mul3A_996 = arith.mulf %get3A_992, %get3A_995 : vector<16xf32>
        %mul3A_997 = arith.mulf %mul3A_996, %get3A_989 : vector<16xf32>
        %add3A_998 = arith.addf %add3A_985, %mul3A_997 : vector<16xf32>
        %add3A_999 = arith.constant 48 : i32
        %add3A_1000 = arith.addi %mul3A_960, %add3A_999 : i32
        %get3A_1001 = arith.index_cast %add3A_1000 : i32 to index
        %get3A_1002 = tpu.vector_load %arg12[%get3A_1001] {strides = array<i32>} : memref<768xf32, #tpu.memory_space<vmem>>, vector<16xf32>,
        %get3A_1003 = arith.index_cast %add3A_956 : i32 to index
        %get3A_1004 = arith.constant 48 : index
        %get3A_1005 = tpu.vector_load %arg10[%get3A_1003, %get3A_1004] {strides = array<i32>} : memref<64x128xf32, #tpu.memory_space<vmem>>, vector<16xf32>,
        %get3A_1006 = arith.index_cast %add3A_956 : i32 to index
        %get3A_1007 = arith.constant 48 : index
        %get3A_1008 = tpu.vector_load %arg11[%get3A_1006, %get3A_1007] {strides = array<i32>} : memref<64x128xf32, #tpu.memory_space<vmem>>, vector<16xf32>,
        %mul3A_1009 = arith.mulf %get3A_1005, %get3A_1008 : vector<16xf32>
        %mul3A_1010 = arith.mulf %mul3A_1009, %get3A_1002 : vector<16xf32>
        %add3A_1011 = arith.addf %add3A_998, %mul3A_1010 : vector<16xf32>
        %add3A_1012 = arith.constant 64 : i32
        %add3A_1013 = arith.addi %mul3A_960, %add3A_1012 : i32
        %get3A_1014 = arith.index_cast %add3A_1013 : i32 to index
        %get3A_1015 = tpu.vector_load %arg12[%get3A_1014] {strides = array<i32>} : memref<768xf32, #tpu.memory_space<vmem>>, vector<16xf32>,
        %get3A_1016 = arith.index_cast %add3A_956 : i32 to index
        %get3A_1017 = arith.constant 64 : index
        %get3A_1018 = tpu.vector_load %arg10[%get3A_1016, %get3A_1017] {strides = array<i32>} : memref<64x128xf32, #tpu.memory_space<vmem>>, vector<16xf32>,
        %get3A_1019 = arith.index_cast %add3A_956 : i32 to index
        %get3A_1020 = arith.constant 64 : index
        %get3A_1021 = tpu.vector_load %arg11[%get3A_1019, %get3A_1020] {strides = array<i32>} : memref<64x128xf32, #tpu.memory_space<vmem>>, vector<16xf32>,
        %mul3A_1022 = arith.mulf %get3A_1018, %get3A_1021 : vector<16xf32>
        %mul3A_1023 = arith.mulf %mul3A_1022, %get3A_1015 : vector<16xf32>
        %add3A_1024 = arith.addf %add3A_1011, %mul3A_1023 : vector<16xf32>
        %add3A_1025 = arith.constant 80 : i32
        %add3A_1026 = arith.addi %mul3A_960, %add3A_1025 : i32
        %get3A_1027 = arith.index_cast %add3A_1026 : i32 to index
        %get3A_1028 = tpu.vector_load %arg12[%get3A_1027] {strides = array<i32>} : memref<768xf32, #tpu.memory_space<vmem>>, vector<16xf32>,
        %get3A_1029 = arith.index_cast %add3A_956 : i32 to index
        %get3A_1030 = arith.constant 80 : index
        %get3A_1031 = tpu.vector_load %arg10[%get3A_1029, %get3A_1030] {strides = array<i32>} : memref<64x128xf32, #tpu.memory_space<vmem>>, vector<16xf32>,
        %get3A_1032 = arith.index_cast %add3A_956 : i32 to index
        %get3A_1033 = arith.constant 80 : index
        %get3A_1034 = tpu.vector_load %arg11[%get3A_1032, %get3A_1033] {strides = array<i32>} : memref<64x128xf32, #tpu.memory_space<vmem>>, vector<16xf32>,
        %mul3A_1035 = arith.mulf %get3A_1031, %get3A_1034 : vector<16xf32>
        %mul3A_1036 = arith.mulf %mul3A_1035, %get3A_1028 : vector<16xf32>
        %add3A_1037 = arith.addf %add3A_1024, %mul3A_1036 : vector<16xf32>
        %add3A_1038 = arith.constant 96 : i32
        %add3A_1039 = arith.addi %mul3A_960, %add3A_1038 : i32
        %get3A_1040 = arith.index_cast %add3A_1039 : i32 to index
        %get3A_1041 = tpu.vector_load %arg12[%get3A_1040] {strides = array<i32>} : memref<768xf32, #tpu.memory_space<vmem>>, vector<16xf32>,
        %get3A_1042 = arith.index_cast %add3A_956 : i32 to index
        %get3A_1043 = arith.constant 96 : index
        %get3A_1044 = tpu.vector_load %arg10[%get3A_1042, %get3A_1043] {strides = array<i32>} : memref<64x128xf32, #tpu.memory_space<vmem>>, vector<16xf32>,
        %get3A_1045 = arith.index_cast %add3A_956 : i32 to index
        %get3A_1046 = arith.constant 96 : index
        %get3A_1047 = tpu.vector_load %arg11[%get3A_1045, %get3A_1046] {strides = array<i32>} : memref<64x128xf32, #tpu.memory_space<vmem>>, vector<16xf32>,
        %mul3A_1048 = arith.mulf %get3A_1044, %get3A_1047 : vector<16xf32>
        %mul3A_1049 = arith.mulf %mul3A_1048, %get3A_1041 : vector<16xf32>
        %add3A_1050 = arith.addf %add3A_1037, %mul3A_1049 : vector<16xf32>
        %add3A_1051 = arith.constant 112 : i32
        %add3A_1052 = arith.addi %mul3A_960, %add3A_1051 : i32
        %get3A_1053 = arith.index_cast %add3A_1052 : i32 to index
        %get3A_1054 = tpu.vector_load %arg12[%get3A_1053] {strides = array<i32>} : memref<768xf32, #tpu.memory_space<vmem>>, vector<16xf32>,
        %get3A_1055 = arith.index_cast %add3A_956 : i32 to index
        %get3A_1056 = arith.constant 112 : index
        %get3A_1057 = tpu.vector_load %arg10[%get3A_1055, %get3A_1056] {strides = array<i32>} : memref<64x128xf32, #tpu.memory_space<vmem>>, vector<16xf32>,
        %get3A_1058 = arith.index_cast %add3A_956 : i32 to index
        %get3A_1059 = arith.constant 112 : index
        %get3A_1060 = tpu.vector_load %arg11[%get3A_1058, %get3A_1059] {strides = array<i32>} : memref<64x128xf32, #tpu.memory_space<vmem>>, vector<16xf32>,
        %mul3A_1061 = arith.mulf %get3A_1057, %get3A_1060 : vector<16xf32>
        %mul3A_1062 = arith.mulf %mul3A_1061, %get3A_1054 : vector<16xf32>
        %add3A_1063 = arith.addf %add3A_1050, %mul3A_1062 : vector<16xf32>
        %swap3A_1064 = arith.constant 7 : i32
        %swap3A_1065 = arith.index_cast %swap3A_1064 : i32 to index
        %swap3A_1066 = arith.constant 0 : index
        %swap3A_1067 = tpu.vector_load %arg13[%swap3A_1065, %swap3A_1066] {strides = array<i32>} : memref<16x17xf32, #tpu.memory_space<vmem>>, vector<16xf32>,
        tpu.vector_store %arg13[%swap3A_1065, %swap3A_1066], %add3A_1063 {strides = array<i32>} : memref<16x17xf32, #tpu.memory_space<vmem>>, vector<16xf32>,
        %mul3A_1068 = arith.constant 16 : i32
        %mul3A_1069 = arith.muli %scan3A_144, %mul3A_1068 : i32
        %add3A_1070 = arith.constant 8 : i32
        %add3A_1071 = arith.addi %mul3A_1069, %add3A_1070 : i32
        %slice3A_1072 = vector.extract_strided_slice %get3A_150 {offsets = [8], sizes = [1], strides = [1]} : vector<16xi32> to vector<1xi32>
        %squeeze3A_1073 = vector.extract %slice3A_1072[0] : i32 from vector<1xi32>
        %mul3A_1074 = arith.constant 128 : i32
        %mul3A_1075 = arith.muli %squeeze3A_1073, %mul3A_1074 : i32
        %add3A_1076 = arith.constant 0 : i32
        %add3A_1077 = arith.addi %mul3A_1075, %add3A_1076 : i32
        %get3A_1078 = arith.index_cast %add3A_1077 : i32 to index
        %get3A_1079 = tpu.vector_load %arg12[%get3A_1078] {strides = array<i32>} : memref<768xf32, #tpu.memory_space<vmem>>, vector<16xf32>,
        %get3A_1080 = arith.index_cast %add3A_1071 : i32 to index
        %get3A_1081 = arith.constant 0 : index
        %get3A_1082 = tpu.vector_load %arg10[%get3A_1080, %get3A_1081] {strides = array<i32>} : memref<64x128xf32, #tpu.memory_space<vmem>>, vector<16xf32>,
        %get3A_1083 = arith.index_cast %add3A_1071 : i32 to index
        %get3A_1084 = arith.constant 0 : index
        %get3A_1085 = tpu.vector_load %arg11[%get3A_1083, %get3A_1084] {strides = array<i32>} : memref<64x128xf32, #tpu.memory_space<vmem>>, vector<16xf32>,
        %mul3A_1086 = arith.mulf %get3A_1082, %get3A_1085 : vector<16xf32>
        %mul3A_1087 = arith.mulf %mul3A_1086, %get3A_1079 : vector<16xf32>
        %add3A_1088 = arith.constant 16 : i32
        %add3A_1089 = arith.addi %mul3A_1075, %add3A_1088 : i32
        %get3A_1090 = arith.index_cast %add3A_1089 : i32 to index
        %get3A_1091 = tpu.vector_load %arg12[%get3A_1090] {strides = array<i32>} : memref<768xf32, #tpu.memory_space<vmem>>, vector<16xf32>,
        %get3A_1092 = arith.index_cast %add3A_1071 : i32 to index
        %get3A_1093 = arith.constant 16 : index
        %get3A_1094 = tpu.vector_load %arg10[%get3A_1092, %get3A_1093] {strides = array<i32>} : memref<64x128xf32, #tpu.memory_space<vmem>>, vector<16xf32>,
        %get3A_1095 = arith.index_cast %add3A_1071 : i32 to index
        %get3A_1096 = arith.constant 16 : index
        %get3A_1097 = tpu.vector_load %arg11[%get3A_1095, %get3A_1096] {strides = array<i32>} : memref<64x128xf32, #tpu.memory_space<vmem>>, vector<16xf32>,
        %mul3A_1098 = arith.mulf %get3A_1094, %get3A_1097 : vector<16xf32>
        %mul3A_1099 = arith.mulf %mul3A_1098, %get3A_1091 : vector<16xf32>
        %add3A_1100 = arith.addf %mul3A_1087, %mul3A_1099 : vector<16xf32>
        %add3A_1101 = arith.constant 32 : i32
        %add3A_1102 = arith.addi %mul3A_1075, %add3A_1101 : i32
        %get3A_1103 = arith.index_cast %add3A_1102 : i32 to index
        %get3A_1104 = tpu.vector_load %arg12[%get3A_1103] {strides = array<i32>} : memref<768xf32, #tpu.memory_space<vmem>>, vector<16xf32>,
        %get3A_1105 = arith.index_cast %add3A_1071 : i32 to index
        %get3A_1106 = arith.constant 32 : index
        %get3A_1107 = tpu.vector_load %arg10[%get3A_1105, %get3A_1106] {strides = array<i32>} : memref<64x128xf32, #tpu.memory_space<vmem>>, vector<16xf32>,
        %get3A_1108 = arith.index_cast %add3A_1071 : i32 to index
        %get3A_1109 = arith.constant 32 : index
        %get3A_1110 = tpu.vector_load %arg11[%get3A_1108, %get3A_1109] {strides = array<i32>} : memref<64x128xf32, #tpu.memory_space<vmem>>, vector<16xf32>,
        %mul3A_1111 = arith.mulf %get3A_1107, %get3A_1110 : vector<16xf32>
        %mul3A_1112 = arith.mulf %mul3A_1111, %get3A_1104 : vector<16xf32>
        %add3A_1113 = arith.addf %add3A_1100, %mul3A_1112 : vector<16xf32>
        %add3A_1114 = arith.constant 48 : i32
        %add3A_1115 = arith.addi %mul3A_1075, %add3A_1114 : i32
        %get3A_1116 = arith.index_cast %add3A_1115 : i32 to index
        %get3A_1117 = tpu.vector_load %arg12[%get3A_1116] {strides = array<i32>} : memref<768xf32, #tpu.memory_space<vmem>>, vector<16xf32>,
        %get3A_1118 = arith.index_cast %add3A_1071 : i32 to index
        %get3A_1119 = arith.constant 48 : index
        %get3A_1120 = tpu.vector_load %arg10[%get3A_1118, %get3A_1119] {strides = array<i32>} : memref<64x128xf32, #tpu.memory_space<vmem>>, vector<16xf32>,
        %get3A_1121 = arith.index_cast %add3A_1071 : i32 to index
        %get3A_1122 = arith.constant 48 : index
        %get3A_1123 = tpu.vector_load %arg11[%get3A_1121, %get3A_1122] {strides = array<i32>} : memref<64x128xf32, #tpu.memory_space<vmem>>, vector<16xf32>,
        %mul3A_1124 = arith.mulf %get3A_1120, %get3A_1123 : vector<16xf32>
        %mul3A_1125 = arith.mulf %mul3A_1124, %get3A_1117 : vector<16xf32>
        %add3A_1126 = arith.addf %add3A_1113, %mul3A_1125 : vector<16xf32>
        %add3A_1127 = arith.constant 64 : i32
        %add3A_1128 = arith.addi %mul3A_1075, %add3A_1127 : i32
        %get3A_1129 = arith.index_cast %add3A_1128 : i32 to index
        %get3A_1130 = tpu.vector_load %arg12[%get3A_1129] {strides = array<i32>} : memref<768xf32, #tpu.memory_space<vmem>>, vector<16xf32>,
        %get3A_1131 = arith.index_cast %add3A_1071 : i32 to index
        %get3A_1132 = arith.constant 64 : index
        %get3A_1133 = tpu.vector_load %arg10[%get3A_1131, %get3A_1132] {strides = array<i32>} : memref<64x128xf32, #tpu.memory_space<vmem>>, vector<16xf32>,
        %get3A_1134 = arith.index_cast %add3A_1071 : i32 to index
        %get3A_1135 = arith.constant 64 : index
        %get3A_1136 = tpu.vector_load %arg11[%get3A_1134, %get3A_1135] {strides = array<i32>} : memref<64x128xf32, #tpu.memory_space<vmem>>, vector<16xf32>,
        %mul3A_1137 = arith.mulf %get3A_1133, %get3A_1136 : vector<16xf32>
        %mul3A_1138 = arith.mulf %mul3A_1137, %get3A_1130 : vector<16xf32>
        %add3A_1139 = arith.addf %add3A_1126, %mul3A_1138 : vector<16xf32>
        %add3A_1140 = arith.constant 80 : i32
        %add3A_1141 = arith.addi %mul3A_1075, %add3A_1140 : i32
        %get3A_1142 = arith.index_cast %add3A_1141 : i32 to index
        %get3A_1143 = tpu.vector_load %arg12[%get3A_1142] {strides = array<i32>} : memref<768xf32, #tpu.memory_space<vmem>>, vector<16xf32>,
        %get3A_1144 = arith.index_cast %add3A_1071 : i32 to index
        %get3A_1145 = arith.constant 80 : index
        %get3A_1146 = tpu.vector_load %arg10[%get3A_1144, %get3A_1145] {strides = array<i32>} : memref<64x128xf32, #tpu.memory_space<vmem>>, vector<16xf32>,
        %get3A_1147 = arith.index_cast %add3A_1071 : i32 to index
        %get3A_1148 = arith.constant 80 : index
        %get3A_1149 = tpu.vector_load %arg11[%get3A_1147, %get3A_1148] {strides = array<i32>} : memref<64x128xf32, #tpu.memory_space<vmem>>, vector<16xf32>,
        %mul3A_1150 = arith.mulf %get3A_1146, %get3A_1149 : vector<16xf32>
        %mul3A_1151 = arith.mulf %mul3A_1150, %get3A_1143 : vector<16xf32>
        %add3A_1152 = arith.addf %add3A_1139, %mul3A_1151 : vector<16xf32>
        %add3A_1153 = arith.constant 96 : i32
        %add3A_1154 = arith.addi %mul3A_1075, %add3A_1153 : i32
        %get3A_1155 = arith.index_cast %add3A_1154 : i32 to index
        %get3A_1156 = tpu.vector_load %arg12[%get3A_1155] {strides = array<i32>} : memref<768xf32, #tpu.memory_space<vmem>>, vector<16xf32>,
        %get3A_1157 = arith.index_cast %add3A_1071 : i32 to index
        %get3A_1158 = arith.constant 96 : index
        %get3A_1159 = tpu.vector_load %arg10[%get3A_1157, %get3A_1158] {strides = array<i32>} : memref<64x128xf32, #tpu.memory_space<vmem>>, vector<16xf32>,
        %get3A_1160 = arith.index_cast %add3A_1071 : i32 to index
        %get3A_1161 = arith.constant 96 : index
        %get3A_1162 = tpu.vector_load %arg11[%get3A_1160, %get3A_1161] {strides = array<i32>} : memref<64x128xf32, #tpu.memory_space<vmem>>, vector<16xf32>,
        %mul3A_1163 = arith.mulf %get3A_1159, %get3A_1162 : vector<16xf32>
        %mul3A_1164 = arith.mulf %mul3A_1163, %get3A_1156 : vector<16xf32>
        %add3A_1165 = arith.addf %add3A_1152, %mul3A_1164 : vector<16xf32>
        %add3A_1166 = arith.constant 112 : i32
        %add3A_1167 = arith.addi %mul3A_1075, %add3A_1166 : i32
        %get3A_1168 = arith.index_cast %add3A_1167 : i32 to index
        %get3A_1169 = tpu.vector_load %arg12[%get3A_1168] {strides = array<i32>} : memref<768xf32, #tpu.memory_space<vmem>>, vector<16xf32>,
        %get3A_1170 = arith.index_cast %add3A_1071 : i32 to index
        %get3A_1171 = arith.constant 112 : index
        %get3A_1172 = tpu.vector_load %arg10[%get3A_1170, %get3A_1171] {strides = array<i32>} : memref<64x128xf32, #tpu.memory_space<vmem>>, vector<16xf32>,
        %get3A_1173 = arith.index_cast %add3A_1071 : i32 to index
        %get3A_1174 = arith.constant 112 : index
        %get3A_1175 = tpu.vector_load %arg11[%get3A_1173, %get3A_1174] {strides = array<i32>} : memref<64x128xf32, #tpu.memory_space<vmem>>, vector<16xf32>,
        %mul3A_1176 = arith.mulf %get3A_1172, %get3A_1175 : vector<16xf32>
        %mul3A_1177 = arith.mulf %mul3A_1176, %get3A_1169 : vector<16xf32>
        %add3A_1178 = arith.addf %add3A_1165, %mul3A_1177 : vector<16xf32>
        %swap3A_1179 = arith.constant 8 : i32
        %swap3A_1180 = arith.index_cast %swap3A_1179 : i32 to index
        %swap3A_1181 = arith.constant 0 : index
        %swap3A_1182 = tpu.vector_load %arg13[%swap3A_1180, %swap3A_1181] {strides = array<i32>} : memref<16x17xf32, #tpu.memory_space<vmem>>, vector<16xf32>,
        tpu.vector_store %arg13[%swap3A_1180, %swap3A_1181], %add3A_1178 {strides = array<i32>} : memref<16x17xf32, #tpu.memory_space<vmem>>, vector<16xf32>,
        %mul3A_1183 = arith.constant 16 : i32
        %mul3A_1184 = arith.muli %scan3A_144, %mul3A_1183 : i32
        %add3A_1185 = arith.constant 9 : i32
        %add3A_1186 = arith.addi %mul3A_1184, %add3A_1185 : i32
        %slice3A_1187 = vector.extract_strided_slice %get3A_150 {offsets = [9], sizes = [1], strides = [1]} : vector<16xi32> to vector<1xi32>
        %squeeze3A_1188 = vector.extract %slice3A_1187[0] : i32 from vector<1xi32>
        %mul3A_1189 = arith.constant 128 : i32
        %mul3A_1190 = arith.muli %squeeze3A_1188, %mul3A_1189 : i32
        %add3A_1191 = arith.constant 0 : i32
        %add3A_1192 = arith.addi %mul3A_1190, %add3A_1191 : i32
        %get3A_1193 = arith.index_cast %add3A_1192 : i32 to index
        %get3A_1194 = tpu.vector_load %arg12[%get3A_1193] {strides = array<i32>} : memref<768xf32, #tpu.memory_space<vmem>>, vector<16xf32>,
        %get3A_1195 = arith.index_cast %add3A_1186 : i32 to index
        %get3A_1196 = arith.constant 0 : index
        %get3A_1197 = tpu.vector_load %arg10[%get3A_1195, %get3A_1196] {strides = array<i32>} : memref<64x128xf32, #tpu.memory_space<vmem>>, vector<16xf32>,
        %get3A_1198 = arith.index_cast %add3A_1186 : i32 to index
        %get3A_1199 = arith.constant 0 : index
        %get3A_1200 = tpu.vector_load %arg11[%get3A_1198, %get3A_1199] {strides = array<i32>} : memref<64x128xf32, #tpu.memory_space<vmem>>, vector<16xf32>,
        %mul3A_1201 = arith.mulf %get3A_1197, %get3A_1200 : vector<16xf32>
        %mul3A_1202 = arith.mulf %mul3A_1201, %get3A_1194 : vector<16xf32>
        %add3A_1203 = arith.constant 16 : i32
        %add3A_1204 = arith.addi %mul3A_1190, %add3A_1203 : i32
        %get3A_1205 = arith.index_cast %add3A_1204 : i32 to index
        %get3A_1206 = tpu.vector_load %arg12[%get3A_1205] {strides = array<i32>} : memref<768xf32, #tpu.memory_space<vmem>>, vector<16xf32>,
        %get3A_1207 = arith.index_cast %add3A_1186 : i32 to index
        %get3A_1208 = arith.constant 16 : index
        %get3A_1209 = tpu.vector_load %arg10[%get3A_1207, %get3A_1208] {strides = array<i32>} : memref<64x128xf32, #tpu.memory_space<vmem>>, vector<16xf32>,
        %get3A_1210 = arith.index_cast %add3A_1186 : i32 to index
        %get3A_1211 = arith.constant 16 : index
        %get3A_1212 = tpu.vector_load %arg11[%get3A_1210, %get3A_1211] {strides = array<i32>} : memref<64x128xf32, #tpu.memory_space<vmem>>, vector<16xf32>,
        %mul3A_1213 = arith.mulf %get3A_1209, %get3A_1212 : vector<16xf32>
        %mul3A_1214 = arith.mulf %mul3A_1213, %get3A_1206 : vector<16xf32>
        %add3A_1215 = arith.addf %mul3A_1202, %mul3A_1214 : vector<16xf32>
        %add3A_1216 = arith.constant 32 : i32
        %add3A_1217 = arith.addi %mul3A_1190, %add3A_1216 : i32
        %get3A_1218 = arith.index_cast %add3A_1217 : i32 to index
        %get3A_1219 = tpu.vector_load %arg12[%get3A_1218] {strides = array<i32>} : memref<768xf32, #tpu.memory_space<vmem>>, vector<16xf32>,
        %get3A_1220 = arith.index_cast %add3A_1186 : i32 to index
        %get3A_1221 = arith.constant 32 : index
        %get3A_1222 = tpu.vector_load %arg10[%get3A_1220, %get3A_1221] {strides = array<i32>} : memref<64x128xf32, #tpu.memory_space<vmem>>, vector<16xf32>,
        %get3A_1223 = arith.index_cast %add3A_1186 : i32 to index
        %get3A_1224 = arith.constant 32 : index
        %get3A_1225 = tpu.vector_load %arg11[%get3A_1223, %get3A_1224] {strides = array<i32>} : memref<64x128xf32, #tpu.memory_space<vmem>>, vector<16xf32>,
        %mul3A_1226 = arith.mulf %get3A_1222, %get3A_1225 : vector<16xf32>
        %mul3A_1227 = arith.mulf %mul3A_1226, %get3A_1219 : vector<16xf32>
        %add3A_1228 = arith.addf %add3A_1215, %mul3A_1227 : vector<16xf32>
        %add3A_1229 = arith.constant 48 : i32
        %add3A_1230 = arith.addi %mul3A_1190, %add3A_1229 : i32
        %get3A_1231 = arith.index_cast %add3A_1230 : i32 to index
        %get3A_1232 = tpu.vector_load %arg12[%get3A_1231] {strides = array<i32>} : memref<768xf32, #tpu.memory_space<vmem>>, vector<16xf32>,
        %get3A_1233 = arith.index_cast %add3A_1186 : i32 to index
        %get3A_1234 = arith.constant 48 : index
        %get3A_1235 = tpu.vector_load %arg10[%get3A_1233, %get3A_1234] {strides = array<i32>} : memref<64x128xf32, #tpu.memory_space<vmem>>, vector<16xf32>,
        %get3A_1236 = arith.index_cast %add3A_1186 : i32 to index
        %get3A_1237 = arith.constant 48 : index
        %get3A_1238 = tpu.vector_load %arg11[%get3A_1236, %get3A_1237] {strides = array<i32>} : memref<64x128xf32, #tpu.memory_space<vmem>>, vector<16xf32>,
        %mul3A_1239 = arith.mulf %get3A_1235, %get3A_1238 : vector<16xf32>
        %mul3A_1240 = arith.mulf %mul3A_1239, %get3A_1232 : vector<16xf32>
        %add3A_1241 = arith.addf %add3A_1228, %mul3A_1240 : vector<16xf32>
        %add3A_1242 = arith.constant 64 : i32
        %add3A_1243 = arith.addi %mul3A_1190, %add3A_1242 : i32
        %get3A_1244 = arith.index_cast %add3A_1243 : i32 to index
        %get3A_1245 = tpu.vector_load %arg12[%get3A_1244] {strides = array<i32>} : memref<768xf32, #tpu.memory_space<vmem>>, vector<16xf32>,
        %get3A_1246 = arith.index_cast %add3A_1186 : i32 to index
        %get3A_1247 = arith.constant 64 : index
        %get3A_1248 = tpu.vector_load %arg10[%get3A_1246, %get3A_1247] {strides = array<i32>} : memref<64x128xf32, #tpu.memory_space<vmem>>, vector<16xf32>,
        %get3A_1249 = arith.index_cast %add3A_1186 : i32 to index
        %get3A_1250 = arith.constant 64 : index
        %get3A_1251 = tpu.vector_load %arg11[%get3A_1249, %get3A_1250] {strides = array<i32>} : memref<64x128xf32, #tpu.memory_space<vmem>>, vector<16xf32>,
        %mul3A_1252 = arith.mulf %get3A_1248, %get3A_1251 : vector<16xf32>
        %mul3A_1253 = arith.mulf %mul3A_1252, %get3A_1245 : vector<16xf32>
        %add3A_1254 = arith.addf %add3A_1241, %mul3A_1253 : vector<16xf32>
        %add3A_1255 = arith.constant 80 : i32
        %add3A_1256 = arith.addi %mul3A_1190, %add3A_1255 : i32
        %get3A_1257 = arith.index_cast %add3A_1256 : i32 to index
        %get3A_1258 = tpu.vector_load %arg12[%get3A_1257] {strides = array<i32>} : memref<768xf32, #tpu.memory_space<vmem>>, vector<16xf32>,
        %get3A_1259 = arith.index_cast %add3A_1186 : i32 to index
        %get3A_1260 = arith.constant 80 : index
        %get3A_1261 = tpu.vector_load %arg10[%get3A_1259, %get3A_1260] {strides = array<i32>} : memref<64x128xf32, #tpu.memory_space<vmem>>, vector<16xf32>,
        %get3A_1262 = arith.index_cast %add3A_1186 : i32 to index
        %get3A_1263 = arith.constant 80 : index
        %get3A_1264 = tpu.vector_load %arg11[%get3A_1262, %get3A_1263] {strides = array<i32>} : memref<64x128xf32, #tpu.memory_space<vmem>>, vector<16xf32>,
        %mul3A_1265 = arith.mulf %get3A_1261, %get3A_1264 : vector<16xf32>
        %mul3A_1266 = arith.mulf %mul3A_1265, %get3A_1258 : vector<16xf32>
        %add3A_1267 = arith.addf %add3A_1254, %mul3A_1266 : vector<16xf32>
        %add3A_1268 = arith.constant 96 : i32
        %add3A_1269 = arith.addi %mul3A_1190, %add3A_1268 : i32
        %get3A_1270 = arith.index_cast %add3A_1269 : i32 to index
        %get3A_1271 = tpu.vector_load %arg12[%get3A_1270] {strides = array<i32>} : memref<768xf32, #tpu.memory_space<vmem>>, vector<16xf32>,
        %get3A_1272 = arith.index_cast %add3A_1186 : i32 to index
        %get3A_1273 = arith.constant 96 : index
        %get3A_1274 = tpu.vector_load %arg10[%get3A_1272, %get3A_1273] {strides = array<i32>} : memref<64x128xf32, #tpu.memory_space<vmem>>, vector<16xf32>,
        %get3A_1275 = arith.index_cast %add3A_1186 : i32 to index
        %get3A_1276 = arith.constant 96 : index
        %get3A_1277 = tpu.vector_load %arg11[%get3A_1275, %get3A_1276] {strides = array<i32>} : memref<64x128xf32, #tpu.memory_space<vmem>>, vector<16xf32>,
        %mul3A_1278 = arith.mulf %get3A_1274, %get3A_1277 : vector<16xf32>
        %mul3A_1279 = arith.mulf %mul3A_1278, %get3A_1271 : vector<16xf32>
        %add3A_1280 = arith.addf %add3A_1267, %mul3A_1279 : vector<16xf32>
        %add3A_1281 = arith.constant 112 : i32
        %add3A_1282 = arith.addi %mul3A_1190, %add3A_1281 : i32
        %get3A_1283 = arith.index_cast %add3A_1282 : i32 to index
        %get3A_1284 = tpu.vector_load %arg12[%get3A_1283] {strides = array<i32>} : memref<768xf32, #tpu.memory_space<vmem>>, vector<16xf32>,
        %get3A_1285 = arith.index_cast %add3A_1186 : i32 to index
        %get3A_1286 = arith.constant 112 : index
        %get3A_1287 = tpu.vector_load %arg10[%get3A_1285, %get3A_1286] {strides = array<i32>} : memref<64x128xf32, #tpu.memory_space<vmem>>, vector<16xf32>,
        %get3A_1288 = arith.index_cast %add3A_1186 : i32 to index
        %get3A_1289 = arith.constant 112 : index
        %get3A_1290 = tpu.vector_load %arg11[%get3A_1288, %get3A_1289] {strides = array<i32>} : memref<64x128xf32, #tpu.memory_space<vmem>>, vector<16xf32>,
        %mul3A_1291 = arith.mulf %get3A_1287, %get3A_1290 : vector<16xf32>
        %mul3A_1292 = arith.mulf %mul3A_1291, %get3A_1284 : vector<16xf32>
        %add3A_1293 = arith.addf %add3A_1280, %mul3A_1292 : vector<16xf32>
        %swap3A_1294 = arith.constant 9 : i32
        %swap3A_1295 = arith.index_cast %swap3A_1294 : i32 to index
        %swap3A_1296 = arith.constant 0 : index
        %swap3A_1297 = tpu.vector_load %arg13[%swap3A_1295, %swap3A_1296] {strides = array<i32>} : memref<16x17xf32, #tpu.memory_space<vmem>>, vector<16xf32>,
        tpu.vector_store %arg13[%swap3A_1295, %swap3A_1296], %add3A_1293 {strides = array<i32>} : memref<16x17xf32, #tpu.memory_space<vmem>>, vector<16xf32>,
        %mul3A_1298 = arith.constant 16 : i32
        %mul3A_1299 = arith.muli %scan3A_144, %mul3A_1298 : i32
        %add3A_1300 = arith.constant 10 : i32
        %add3A_1301 = arith.addi %mul3A_1299, %add3A_1300 : i32
        %slice3A_1302 = vector.extract_strided_slice %get3A_150 {offsets = [10], sizes = [1], strides = [1]} : vector<16xi32> to vector<1xi32>
        %squeeze3A_1303 = vector.extract %slice3A_1302[0] : i32 from vector<1xi32>
        %mul3A_1304 = arith.constant 128 : i32
        %mul3A_1305 = arith.muli %squeeze3A_1303, %mul3A_1304 : i32
        %add3A_1306 = arith.constant 0 : i32
        %add3A_1307 = arith.addi %mul3A_1305, %add3A_1306 : i32
        %get3A_1308 = arith.index_cast %add3A_1307 : i32 to index
        %get3A_1309 = tpu.vector_load %arg12[%get3A_1308] {strides = array<i32>} : memref<768xf32, #tpu.memory_space<vmem>>, vector<16xf32>,
        %get3A_1310 = arith.index_cast %add3A_1301 : i32 to index
        %get3A_1311 = arith.constant 0 : index
        %get3A_1312 = tpu.vector_load %arg10[%get3A_1310, %get3A_1311] {strides = array<i32>} : memref<64x128xf32, #tpu.memory_space<vmem>>, vector<16xf32>,
        %get3A_1313 = arith.index_cast %add3A_1301 : i32 to index
        %get3A_1314 = arith.constant 0 : index
        %get3A_1315 = tpu.vector_load %arg11[%get3A_1313, %get3A_1314] {strides = array<i32>} : memref<64x128xf32, #tpu.memory_space<vmem>>, vector<16xf32>,
        %mul3A_1316 = arith.mulf %get3A_1312, %get3A_1315 : vector<16xf32>
        %mul3A_1317 = arith.mulf %mul3A_1316, %get3A_1309 : vector<16xf32>
        %add3A_1318 = arith.constant 16 : i32
        %add3A_1319 = arith.addi %mul3A_1305, %add3A_1318 : i32
        %get3A_1320 = arith.index_cast %add3A_1319 : i32 to index
        %get3A_1321 = tpu.vector_load %arg12[%get3A_1320] {strides = array<i32>} : memref<768xf32, #tpu.memory_space<vmem>>, vector<16xf32>,
        %get3A_1322 = arith.index_cast %add3A_1301 : i32 to index
        %get3A_1323 = arith.constant 16 : index
        %get3A_1324 = tpu.vector_load %arg10[%get3A_1322, %get3A_1323] {strides = array<i32>} : memref<64x128xf32, #tpu.memory_space<vmem>>, vector<16xf32>,
        %get3A_1325 = arith.index_cast %add3A_1301 : i32 to index
        %get3A_1326 = arith.constant 16 : index
        %get3A_1327 = tpu.vector_load %arg11[%get3A_1325, %get3A_1326] {strides = array<i32>} : memref<64x128xf32, #tpu.memory_space<vmem>>, vector<16xf32>,
        %mul3A_1328 = arith.mulf %get3A_1324, %get3A_1327 : vector<16xf32>
        %mul3A_1329 = arith.mulf %mul3A_1328, %get3A_1321 : vector<16xf32>
        %add3A_1330 = arith.addf %mul3A_1317, %mul3A_1329 : vector<16xf32>
        %add3A_1331 = arith.constant 32 : i32
        %add3A_1332 = arith.addi %mul3A_1305, %add3A_1331 : i32
        %get3A_1333 = arith.index_cast %add3A_1332 : i32 to index
        %get3A_1334 = tpu.vector_load %arg12[%get3A_1333] {strides = array<i32>} : memref<768xf32, #tpu.memory_space<vmem>>, vector<16xf32>,
        %get3A_1335 = arith.index_cast %add3A_1301 : i32 to index
        %get3A_1336 = arith.constant 32 : index
        %get3A_1337 = tpu.vector_load %arg10[%get3A_1335, %get3A_1336] {strides = array<i32>} : memref<64x128xf32, #tpu.memory_space<vmem>>, vector<16xf32>,
        %get3A_1338 = arith.index_cast %add3A_1301 : i32 to index
        %get3A_1339 = arith.constant 32 : index
        %get3A_1340 = tpu.vector_load %arg11[%get3A_1338, %get3A_1339] {strides = array<i32>} : memref<64x128xf32, #tpu.memory_space<vmem>>, vector<16xf32>,
        %mul3A_1341 = arith.mulf %get3A_1337, %get3A_1340 : vector<16xf32>
        %mul3A_1342 = arith.mulf %mul3A_1341, %get3A_1334 : vector<16xf32>
        %add3A_1343 = arith.addf %add3A_1330, %mul3A_1342 : vector<16xf32>
        %add3A_1344 = arith.constant 48 : i32
        %add3A_1345 = arith.addi %mul3A_1305, %add3A_1344 : i32
        %get3A_1346 = arith.index_cast %add3A_1345 : i32 to index
        %get3A_1347 = tpu.vector_load %arg12[%get3A_1346] {strides = array<i32>} : memref<768xf32, #tpu.memory_space<vmem>>, vector<16xf32>,
        %get3A_1348 = arith.index_cast %add3A_1301 : i32 to index
        %get3A_1349 = arith.constant 48 : index
        %get3A_1350 = tpu.vector_load %arg10[%get3A_1348, %get3A_1349] {strides = array<i32>} : memref<64x128xf32, #tpu.memory_space<vmem>>, vector<16xf32>,
        %get3A_1351 = arith.index_cast %add3A_1301 : i32 to index
        %get3A_1352 = arith.constant 48 : index
        %get3A_1353 = tpu.vector_load %arg11[%get3A_1351, %get3A_1352] {strides = array<i32>} : memref<64x128xf32, #tpu.memory_space<vmem>>, vector<16xf32>,
        %mul3A_1354 = arith.mulf %get3A_1350, %get3A_1353 : vector<16xf32>
        %mul3A_1355 = arith.mulf %mul3A_1354, %get3A_1347 : vector<16xf32>
        %add3A_1356 = arith.addf %add3A_1343, %mul3A_1355 : vector<16xf32>
        %add3A_1357 = arith.constant 64 : i32
        %add3A_1358 = arith.addi %mul3A_1305, %add3A_1357 : i32
        %get3A_1359 = arith.index_cast %add3A_1358 : i32 to index
        %get3A_1360 = tpu.vector_load %arg12[%get3A_1359] {strides = array<i32>} : memref<768xf32, #tpu.memory_space<vmem>>, vector<16xf32>,
        %get3A_1361 = arith.index_cast %add3A_1301 : i32 to index
        %get3A_1362 = arith.constant 64 : index
        %get3A_1363 = tpu.vector_load %arg10[%get3A_1361, %get3A_1362] {strides = array<i32>} : memref<64x128xf32, #tpu.memory_space<vmem>>, vector<16xf32>,
        %get3A_1364 = arith.index_cast %add3A_1301 : i32 to index
        %get3A_1365 = arith.constant 64 : index
        %get3A_1366 = tpu.vector_load %arg11[%get3A_1364, %get3A_1365] {strides = array<i32>} : memref<64x128xf32, #tpu.memory_space<vmem>>, vector<16xf32>,
        %mul3A_1367 = arith.mulf %get3A_1363, %get3A_1366 : vector<16xf32>
        %mul3A_1368 = arith.mulf %mul3A_1367, %get3A_1360 : vector<16xf32>
        %add3A_1369 = arith.addf %add3A_1356, %mul3A_1368 : vector<16xf32>
        %add3A_1370 = arith.constant 80 : i32
        %add3A_1371 = arith.addi %mul3A_1305, %add3A_1370 : i32
        %get3A_1372 = arith.index_cast %add3A_1371 : i32 to index
        %get3A_1373 = tpu.vector_load %arg12[%get3A_1372] {strides = array<i32>} : memref<768xf32, #tpu.memory_space<vmem>>, vector<16xf32>,
        %get3A_1374 = arith.index_cast %add3A_1301 : i32 to index
        %get3A_1375 = arith.constant 80 : index
        %get3A_1376 = tpu.vector_load %arg10[%get3A_1374, %get3A_1375] {strides = array<i32>} : memref<64x128xf32, #tpu.memory_space<vmem>>, vector<16xf32>,
        %get3A_1377 = arith.index_cast %add3A_1301 : i32 to index
        %get3A_1378 = arith.constant 80 : index
        %get3A_1379 = tpu.vector_load %arg11[%get3A_1377, %get3A_1378] {strides = array<i32>} : memref<64x128xf32, #tpu.memory_space<vmem>>, vector<16xf32>,
        %mul3A_1380 = arith.mulf %get3A_1376, %get3A_1379 : vector<16xf32>
        %mul3A_1381 = arith.mulf %mul3A_1380, %get3A_1373 : vector<16xf32>
        %add3A_1382 = arith.addf %add3A_1369, %mul3A_1381 : vector<16xf32>
        %add3A_1383 = arith.constant 96 : i32
        %add3A_1384 = arith.addi %mul3A_1305, %add3A_1383 : i32
        %get3A_1385 = arith.index_cast %add3A_1384 : i32 to index
        %get3A_1386 = tpu.vector_load %arg12[%get3A_1385] {strides = array<i32>} : memref<768xf32, #tpu.memory_space<vmem>>, vector<16xf32>,
        %get3A_1387 = arith.index_cast %add3A_1301 : i32 to index
        %get3A_1388 = arith.constant 96 : index
        %get3A_1389 = tpu.vector_load %arg10[%get3A_1387, %get3A_1388] {strides = array<i32>} : memref<64x128xf32, #tpu.memory_space<vmem>>, vector<16xf32>,
        %get3A_1390 = arith.index_cast %add3A_1301 : i32 to index
        %get3A_1391 = arith.constant 96 : index
        %get3A_1392 = tpu.vector_load %arg11[%get3A_1390, %get3A_1391] {strides = array<i32>} : memref<64x128xf32, #tpu.memory_space<vmem>>, vector<16xf32>,
        %mul3A_1393 = arith.mulf %get3A_1389, %get3A_1392 : vector<16xf32>
        %mul3A_1394 = arith.mulf %mul3A_1393, %get3A_1386 : vector<16xf32>
        %add3A_1395 = arith.addf %add3A_1382, %mul3A_1394 : vector<16xf32>
        %add3A_1396 = arith.constant 112 : i32
        %add3A_1397 = arith.addi %mul3A_1305, %add3A_1396 : i32
        %get3A_1398 = arith.index_cast %add3A_1397 : i32 to index
        %get3A_1399 = tpu.vector_load %arg12[%get3A_1398] {strides = array<i32>} : memref<768xf32, #tpu.memory_space<vmem>>, vector<16xf32>,
        %get3A_1400 = arith.index_cast %add3A_1301 : i32 to index
        %get3A_1401 = arith.constant 112 : index
        %get3A_1402 = tpu.vector_load %arg10[%get3A_1400, %get3A_1401] {strides = array<i32>} : memref<64x128xf32, #tpu.memory_space<vmem>>, vector<16xf32>,
        %get3A_1403 = arith.index_cast %add3A_1301 : i32 to index
        %get3A_1404 = arith.constant 112 : index
        %get3A_1405 = tpu.vector_load %arg11[%get3A_1403, %get3A_1404] {strides = array<i32>} : memref<64x128xf32, #tpu.memory_space<vmem>>, vector<16xf32>,
        %mul3A_1406 = arith.mulf %get3A_1402, %get3A_1405 : vector<16xf32>
        %mul3A_1407 = arith.mulf %mul3A_1406, %get3A_1399 : vector<16xf32>
        %add3A_1408 = arith.addf %add3A_1395, %mul3A_1407 : vector<16xf32>
        %swap3A_1409 = arith.constant 10 : i32
        %swap3A_1410 = arith.index_cast %swap3A_1409 : i32 to index
        %swap3A_1411 = arith.constant 0 : index
        %swap3A_1412 = tpu.vector_load %arg13[%swap3A_1410, %swap3A_1411] {strides = array<i32>} : memref<16x17xf32, #tpu.memory_space<vmem>>, vector<16xf32>,
        tpu.vector_store %arg13[%swap3A_1410, %swap3A_1411], %add3A_1408 {strides = array<i32>} : memref<16x17xf32, #tpu.memory_space<vmem>>, vector<16xf32>,
        %mul3A_1413 = arith.constant 16 : i32
        %mul3A_1414 = arith.muli %scan3A_144, %mul3A_1413 : i32
        %add3A_1415 = arith.constant 11 : i32
        %add3A_1416 = arith.addi %mul3A_1414, %add3A_1415 : i32
        %slice3A_1417 = vector.extract_strided_slice %get3A_150 {offsets = [11], sizes = [1], strides = [1]} : vector<16xi32> to vector<1xi32>
        %squeeze3A_1418 = vector.extract %slice3A_1417[0] : i32 from vector<1xi32>
        %mul3A_1419 = arith.constant 128 : i32
        %mul3A_1420 = arith.muli %squeeze3A_1418, %mul3A_1419 : i32
        %add3A_1421 = arith.constant 0 : i32
        %add3A_1422 = arith.addi %mul3A_1420, %add3A_1421 : i32
        %get3A_1423 = arith.index_cast %add3A_1422 : i32 to index
        %get3A_1424 = tpu.vector_load %arg12[%get3A_1423] {strides = array<i32>} : memref<768xf32, #tpu.memory_space<vmem>>, vector<16xf32>,
        %get3A_1425 = arith.index_cast %add3A_1416 : i32 to index
        %get3A_1426 = arith.constant 0 : index
        %get3A_1427 = tpu.vector_load %arg10[%get3A_1425, %get3A_1426] {strides = array<i32>} : memref<64x128xf32, #tpu.memory_space<vmem>>, vector<16xf32>,
        %get3A_1428 = arith.index_cast %add3A_1416 : i32 to index
        %get3A_1429 = arith.constant 0 : index
        %get3A_1430 = tpu.vector_load %arg11[%get3A_1428, %get3A_1429] {strides = array<i32>} : memref<64x128xf32, #tpu.memory_space<vmem>>, vector<16xf32>,
        %mul3A_1431 = arith.mulf %get3A_1427, %get3A_1430 : vector<16xf32>
        %mul3A_1432 = arith.mulf %mul3A_1431, %get3A_1424 : vector<16xf32>
        %add3A_1433 = arith.constant 16 : i32
        %add3A_1434 = arith.addi %mul3A_1420, %add3A_1433 : i32
        %get3A_1435 = arith.index_cast %add3A_1434 : i32 to index
        %get3A_1436 = tpu.vector_load %arg12[%get3A_1435] {strides = array<i32>} : memref<768xf32, #tpu.memory_space<vmem>>, vector<16xf32>,
        %get3A_1437 = arith.index_cast %add3A_1416 : i32 to index
        %get3A_1438 = arith.constant 16 : index
        %get3A_1439 = tpu.vector_load %arg10[%get3A_1437, %get3A_1438] {strides = array<i32>} : memref<64x128xf32, #tpu.memory_space<vmem>>, vector<16xf32>,
        %get3A_1440 = arith.index_cast %add3A_1416 : i32 to index
        %get3A_1441 = arith.constant 16 : index
        %get3A_1442 = tpu.vector_load %arg11[%get3A_1440, %get3A_1441] {strides = array<i32>} : memref<64x128xf32, #tpu.memory_space<vmem>>, vector<16xf32>,
        %mul3A_1443 = arith.mulf %get3A_1439, %get3A_1442 : vector<16xf32>
        %mul3A_1444 = arith.mulf %mul3A_1443, %get3A_1436 : vector<16xf32>
        %add3A_1445 = arith.addf %mul3A_1432, %mul3A_1444 : vector<16xf32>
        %add3A_1446 = arith.constant 32 : i32
        %add3A_1447 = arith.addi %mul3A_1420, %add3A_1446 : i32
        %get3A_1448 = arith.index_cast %add3A_1447 : i32 to index
        %get3A_1449 = tpu.vector_load %arg12[%get3A_1448] {strides = array<i32>} : memref<768xf32, #tpu.memory_space<vmem>>, vector<16xf32>,
        %get3A_1450 = arith.index_cast %add3A_1416 : i32 to index
        %get3A_1451 = arith.constant 32 : index
        %get3A_1452 = tpu.vector_load %arg10[%get3A_1450, %get3A_1451] {strides = array<i32>} : memref<64x128xf32, #tpu.memory_space<vmem>>, vector<16xf32>,
        %get3A_1453 = arith.index_cast %add3A_1416 : i32 to index
        %get3A_1454 = arith.constant 32 : index
        %get3A_1455 = tpu.vector_load %arg11[%get3A_1453, %get3A_1454] {strides = array<i32>} : memref<64x128xf32, #tpu.memory_space<vmem>>, vector<16xf32>,
        %mul3A_1456 = arith.mulf %get3A_1452, %get3A_1455 : vector<16xf32>
        %mul3A_1457 = arith.mulf %mul3A_1456, %get3A_1449 : vector<16xf32>
        %add3A_1458 = arith.addf %add3A_1445, %mul3A_1457 : vector<16xf32>
        %add3A_1459 = arith.constant 48 : i32
        %add3A_1460 = arith.addi %mul3A_1420, %add3A_1459 : i32
        %get3A_1461 = arith.index_cast %add3A_1460 : i32 to index
        %get3A_1462 = tpu.vector_load %arg12[%get3A_1461] {strides = array<i32>} : memref<768xf32, #tpu.memory_space<vmem>>, vector<16xf32>,
        %get3A_1463 = arith.index_cast %add3A_1416 : i32 to index
        %get3A_1464 = arith.constant 48 : index
        %get3A_1465 = tpu.vector_load %arg10[%get3A_1463, %get3A_1464] {strides = array<i32>} : memref<64x128xf32, #tpu.memory_space<vmem>>, vector<16xf32>,
        %get3A_1466 = arith.index_cast %add3A_1416 : i32 to index
        %get3A_1467 = arith.constant 48 : index
        %get3A_1468 = tpu.vector_load %arg11[%get3A_1466, %get3A_1467] {strides = array<i32>} : memref<64x128xf32, #tpu.memory_space<vmem>>, vector<16xf32>,
        %mul3A_1469 = arith.mulf %get3A_1465, %get3A_1468 : vector<16xf32>
        %mul3A_1470 = arith.mulf %mul3A_1469, %get3A_1462 : vector<16xf32>
        %add3A_1471 = arith.addf %add3A_1458, %mul3A_1470 : vector<16xf32>
        %add3A_1472 = arith.constant 64 : i32
        %add3A_1473 = arith.addi %mul3A_1420, %add3A_1472 : i32
        %get3A_1474 = arith.index_cast %add3A_1473 : i32 to index
        %get3A_1475 = tpu.vector_load %arg12[%get3A_1474] {strides = array<i32>} : memref<768xf32, #tpu.memory_space<vmem>>, vector<16xf32>,
        %get3A_1476 = arith.index_cast %add3A_1416 : i32 to index
        %get3A_1477 = arith.constant 64 : index
        %get3A_1478 = tpu.vector_load %arg10[%get3A_1476, %get3A_1477] {strides = array<i32>} : memref<64x128xf32, #tpu.memory_space<vmem>>, vector<16xf32>,
        %get3A_1479 = arith.index_cast %add3A_1416 : i32 to index
        %get3A_1480 = arith.constant 64 : index
        %get3A_1481 = tpu.vector_load %arg11[%get3A_1479, %get3A_1480] {strides = array<i32>} : memref<64x128xf32, #tpu.memory_space<vmem>>, vector<16xf32>,
        %mul3A_1482 = arith.mulf %get3A_1478, %get3A_1481 : vector<16xf32>
        %mul3A_1483 = arith.mulf %mul3A_1482, %get3A_1475 : vector<16xf32>
        %add3A_1484 = arith.addf %add3A_1471, %mul3A_1483 : vector<16xf32>
        %add3A_1485 = arith.constant 80 : i32
        %add3A_1486 = arith.addi %mul3A_1420, %add3A_1485 : i32
        %get3A_1487 = arith.index_cast %add3A_1486 : i32 to index
        %get3A_1488 = tpu.vector_load %arg12[%get3A_1487] {strides = array<i32>} : memref<768xf32, #tpu.memory_space<vmem>>, vector<16xf32>,
        %get3A_1489 = arith.index_cast %add3A_1416 : i32 to index
        %get3A_1490 = arith.constant 80 : index
        %get3A_1491 = tpu.vector_load %arg10[%get3A_1489, %get3A_1490] {strides = array<i32>} : memref<64x128xf32, #tpu.memory_space<vmem>>, vector<16xf32>,
        %get3A_1492 = arith.index_cast %add3A_1416 : i32 to index
        %get3A_1493 = arith.constant 80 : index
        %get3A_1494 = tpu.vector_load %arg11[%get3A_1492, %get3A_1493] {strides = array<i32>} : memref<64x128xf32, #tpu.memory_space<vmem>>, vector<16xf32>,
        %mul3A_1495 = arith.mulf %get3A_1491, %get3A_1494 : vector<16xf32>
        %mul3A_1496 = arith.mulf %mul3A_1495, %get3A_1488 : vector<16xf32>
        %add3A_1497 = arith.addf %add3A_1484, %mul3A_1496 : vector<16xf32>
        %add3A_1498 = arith.constant 96 : i32
        %add3A_1499 = arith.addi %mul3A_1420, %add3A_1498 : i32
        %get3A_1500 = arith.index_cast %add3A_1499 : i32 to index
        %get3A_1501 = tpu.vector_load %arg12[%get3A_1500] {strides = array<i32>} : memref<768xf32, #tpu.memory_space<vmem>>, vector<16xf32>,
        %get3A_1502 = arith.index_cast %add3A_1416 : i32 to index
        %get3A_1503 = arith.constant 96 : index
        %get3A_1504 = tpu.vector_load %arg10[%get3A_1502, %get3A_1503] {strides = array<i32>} : memref<64x128xf32, #tpu.memory_space<vmem>>, vector<16xf32>,
        %get3A_1505 = arith.index_cast %add3A_1416 : i32 to index
        %get3A_1506 = arith.constant 96 : index
        %get3A_1507 = tpu.vector_load %arg11[%get3A_1505, %get3A_1506] {strides = array<i32>} : memref<64x128xf32, #tpu.memory_space<vmem>>, vector<16xf32>,
        %mul3A_1508 = arith.mulf %get3A_1504, %get3A_1507 : vector<16xf32>
        %mul3A_1509 = arith.mulf %mul3A_1508, %get3A_1501 : vector<16xf32>
        %add3A_1510 = arith.addf %add3A_1497, %mul3A_1509 : vector<16xf32>
        %add3A_1511 = arith.constant 112 : i32
        %add3A_1512 = arith.addi %mul3A_1420, %add3A_1511 : i32
        %get3A_1513 = arith.index_cast %add3A_1512 : i32 to index
        %get3A_1514 = tpu.vector_load %arg12[%get3A_1513] {strides = array<i32>} : memref<768xf32, #tpu.memory_space<vmem>>, vector<16xf32>,
        %get3A_1515 = arith.index_cast %add3A_1416 : i32 to index
        %get3A_1516 = arith.constant 112 : index
        %get3A_1517 = tpu.vector_load %arg10[%get3A_1515, %get3A_1516] {strides = array<i32>} : memref<64x128xf32, #tpu.memory_space<vmem>>, vector<16xf32>,
        %get3A_1518 = arith.index_cast %add3A_1416 : i32 to index
        %get3A_1519 = arith.constant 112 : index
        %get3A_1520 = tpu.vector_load %arg11[%get3A_1518, %get3A_1519] {strides = array<i32>} : memref<64x128xf32, #tpu.memory_space<vmem>>, vector<16xf32>,
        %mul3A_1521 = arith.mulf %get3A_1517, %get3A_1520 : vector<16xf32>
        %mul3A_1522 = arith.mulf %mul3A_1521, %get3A_1514 : vector<16xf32>
        %add3A_1523 = arith.addf %add3A_1510, %mul3A_1522 : vector<16xf32>
        %swap3A_1524 = arith.constant 11 : i32
        %swap3A_1525 = arith.index_cast %swap3A_1524 : i32 to index
        %swap3A_1526 = arith.constant 0 : index
        %swap3A_1527 = tpu.vector_load %arg13[%swap3A_1525, %swap3A_1526] {strides = array<i32>} : memref<16x17xf32, #tpu.memory_space<vmem>>, vector<16xf32>,
        tpu.vector_store %arg13[%swap3A_1525, %swap3A_1526], %add3A_1523 {strides = array<i32>} : memref<16x17xf32, #tpu.memory_space<vmem>>, vector<16xf32>,
        %mul3A_1528 = arith.constant 16 : i32
        %mul3A_1529 = arith.muli %scan3A_144, %mul3A_1528 : i32
        %add3A_1530 = arith.constant 12 : i32
        %add3A_1531 = arith.addi %mul3A_1529, %add3A_1530 : i32
        %slice3A_1532 = vector.extract_strided_slice %get3A_150 {offsets = [12], sizes = [1], strides = [1]} : vector<16xi32> to vector<1xi32>
        %squeeze3A_1533 = vector.extract %slice3A_1532[0] : i32 from vector<1xi32>
        %mul3A_1534 = arith.constant 128 : i32
        %mul3A_1535 = arith.muli %squeeze3A_1533, %mul3A_1534 : i32
        %add3A_1536 = arith.constant 0 : i32
        %add3A_1537 = arith.addi %mul3A_1535, %add3A_1536 : i32
        %get3A_1538 = arith.index_cast %add3A_1537 : i32 to index
        %get3A_1539 = tpu.vector_load %arg12[%get3A_1538] {strides = array<i32>} : memref<768xf32, #tpu.memory_space<vmem>>, vector<16xf32>,
        %get3A_1540 = arith.index_cast %add3A_1531 : i32 to index
        %get3A_1541 = arith.constant 0 : index
        %get3A_1542 = tpu.vector_load %arg10[%get3A_1540, %get3A_1541] {strides = array<i32>} : memref<64x128xf32, #tpu.memory_space<vmem>>, vector<16xf32>,
        %get3A_1543 = arith.index_cast %add3A_1531 : i32 to index
        %get3A_1544 = arith.constant 0 : index
        %get3A_1545 = tpu.vector_load %arg11[%get3A_1543, %get3A_1544] {strides = array<i32>} : memref<64x128xf32, #tpu.memory_space<vmem>>, vector<16xf32>,
        %mul3A_1546 = arith.mulf %get3A_1542, %get3A_1545 : vector<16xf32>
        %mul3A_1547 = arith.mulf %mul3A_1546, %get3A_1539 : vector<16xf32>
        %add3A_1548 = arith.constant 16 : i32
        %add3A_1549 = arith.addi %mul3A_1535, %add3A_1548 : i32
        %get3A_1550 = arith.index_cast %add3A_1549 : i32 to index
        %get3A_1551 = tpu.vector_load %arg12[%get3A_1550] {strides = array<i32>} : memref<768xf32, #tpu.memory_space<vmem>>, vector<16xf32>,
        %get3A_1552 = arith.index_cast %add3A_1531 : i32 to index
        %get3A_1553 = arith.constant 16 : index
        %get3A_1554 = tpu.vector_load %arg10[%get3A_1552, %get3A_1553] {strides = array<i32>} : memref<64x128xf32, #tpu.memory_space<vmem>>, vector<16xf32>,
        %get3A_1555 = arith.index_cast %add3A_1531 : i32 to index
        %get3A_1556 = arith.constant 16 : index
        %get3A_1557 = tpu.vector_load %arg11[%get3A_1555, %get3A_1556] {strides = array<i32>} : memref<64x128xf32, #tpu.memory_space<vmem>>, vector<16xf32>,
        %mul3A_1558 = arith.mulf %get3A_1554, %get3A_1557 : vector<16xf32>
        %mul3A_1559 = arith.mulf %mul3A_1558, %get3A_1551 : vector<16xf32>
        %add3A_1560 = arith.addf %mul3A_1547, %mul3A_1559 : vector<16xf32>
        %add3A_1561 = arith.constant 32 : i32
        %add3A_1562 = arith.addi %mul3A_1535, %add3A_1561 : i32
        %get3A_1563 = arith.index_cast %add3A_1562 : i32 to index
        %get3A_1564 = tpu.vector_load %arg12[%get3A_1563] {strides = array<i32>} : memref<768xf32, #tpu.memory_space<vmem>>, vector<16xf32>,
        %get3A_1565 = arith.index_cast %add3A_1531 : i32 to index
        %get3A_1566 = arith.constant 32 : index
        %get3A_1567 = tpu.vector_load %arg10[%get3A_1565, %get3A_1566] {strides = array<i32>} : memref<64x128xf32, #tpu.memory_space<vmem>>, vector<16xf32>,
        %get3A_1568 = arith.index_cast %add3A_1531 : i32 to index
        %get3A_1569 = arith.constant 32 : index
        %get3A_1570 = tpu.vector_load %arg11[%get3A_1568, %get3A_1569] {strides = array<i32>} : memref<64x128xf32, #tpu.memory_space<vmem>>, vector<16xf32>,
        %mul3A_1571 = arith.mulf %get3A_1567, %get3A_1570 : vector<16xf32>
        %mul3A_1572 = arith.mulf %mul3A_1571, %get3A_1564 : vector<16xf32>
        %add3A_1573 = arith.addf %add3A_1560, %mul3A_1572 : vector<16xf32>
        %add3A_1574 = arith.constant 48 : i32
        %add3A_1575 = arith.addi %mul3A_1535, %add3A_1574 : i32
        %get3A_1576 = arith.index_cast %add3A_1575 : i32 to index
        %get3A_1577 = tpu.vector_load %arg12[%get3A_1576] {strides = array<i32>} : memref<768xf32, #tpu.memory_space<vmem>>, vector<16xf32>,
        %get3A_1578 = arith.index_cast %add3A_1531 : i32 to index
        %get3A_1579 = arith.constant 48 : index
        %get3A_1580 = tpu.vector_load %arg10[%get3A_1578, %get3A_1579] {strides = array<i32>} : memref<64x128xf32, #tpu.memory_space<vmem>>, vector<16xf32>,
        %get3A_1581 = arith.index_cast %add3A_1531 : i32 to index
        %get3A_1582 = arith.constant 48 : index
        %get3A_1583 = tpu.vector_load %arg11[%get3A_1581, %get3A_1582] {strides = array<i32>} : memref<64x128xf32, #tpu.memory_space<vmem>>, vector<16xf32>,
        %mul3A_1584 = arith.mulf %get3A_1580, %get3A_1583 : vector<16xf32>
        %mul3A_1585 = arith.mulf %mul3A_1584, %get3A_1577 : vector<16xf32>
        %add3A_1586 = arith.addf %add3A_1573, %mul3A_1585 : vector<16xf32>
        %add3A_1587 = arith.constant 64 : i32
        %add3A_1588 = arith.addi %mul3A_1535, %add3A_1587 : i32
        %get3A_1589 = arith.index_cast %add3A_1588 : i32 to index
        %get3A_1590 = tpu.vector_load %arg12[%get3A_1589] {strides = array<i32>} : memref<768xf32, #tpu.memory_space<vmem>>, vector<16xf32>,
        %get3A_1591 = arith.index_cast %add3A_1531 : i32 to index
        %get3A_1592 = arith.constant 64 : index
        %get3A_1593 = tpu.vector_load %arg10[%get3A_1591, %get3A_1592] {strides = array<i32>} : memref<64x128xf32, #tpu.memory_space<vmem>>, vector<16xf32>,
        %get3A_1594 = arith.index_cast %add3A_1531 : i32 to index
        %get3A_1595 = arith.constant 64 : index
        %get3A_1596 = tpu.vector_load %arg11[%get3A_1594, %get3A_1595] {strides = array<i32>} : memref<64x128xf32, #tpu.memory_space<vmem>>, vector<16xf32>,
        %mul3A_1597 = arith.mulf %get3A_1593, %get3A_1596 : vector<16xf32>
        %mul3A_1598 = arith.mulf %mul3A_1597, %get3A_1590 : vector<16xf32>
        %add3A_1599 = arith.addf %add3A_1586, %mul3A_1598 : vector<16xf32>
        %add3A_1600 = arith.constant 80 : i32
        %add3A_1601 = arith.addi %mul3A_1535, %add3A_1600 : i32
        %get3A_1602 = arith.index_cast %add3A_1601 : i32 to index
        %get3A_1603 = tpu.vector_load %arg12[%get3A_1602] {strides = array<i32>} : memref<768xf32, #tpu.memory_space<vmem>>, vector<16xf32>,
        %get3A_1604 = arith.index_cast %add3A_1531 : i32 to index
        %get3A_1605 = arith.constant 80 : index
        %get3A_1606 = tpu.vector_load %arg10[%get3A_1604, %get3A_1605] {strides = array<i32>} : memref<64x128xf32, #tpu.memory_space<vmem>>, vector<16xf32>,
        %get3A_1607 = arith.index_cast %add3A_1531 : i32 to index
        %get3A_1608 = arith.constant 80 : index
        %get3A_1609 = tpu.vector_load %arg11[%get3A_1607, %get3A_1608] {strides = array<i32>} : memref<64x128xf32, #tpu.memory_space<vmem>>, vector<16xf32>,
        %mul3A_1610 = arith.mulf %get3A_1606, %get3A_1609 : vector<16xf32>
        %mul3A_1611 = arith.mulf %mul3A_1610, %get3A_1603 : vector<16xf32>
        %add3A_1612 = arith.addf %add3A_1599, %mul3A_1611 : vector<16xf32>
        %add3A_1613 = arith.constant 96 : i32
        %add3A_1614 = arith.addi %mul3A_1535, %add3A_1613 : i32
        %get3A_1615 = arith.index_cast %add3A_1614 : i32 to index
        %get3A_1616 = tpu.vector_load %arg12[%get3A_1615] {strides = array<i32>} : memref<768xf32, #tpu.memory_space<vmem>>, vector<16xf32>,
        %get3A_1617 = arith.index_cast %add3A_1531 : i32 to index
        %get3A_1618 = arith.constant 96 : index
        %get3A_1619 = tpu.vector_load %arg10[%get3A_1617, %get3A_1618] {strides = array<i32>} : memref<64x128xf32, #tpu.memory_space<vmem>>, vector<16xf32>,
        %get3A_1620 = arith.index_cast %add3A_1531 : i32 to index
        %get3A_1621 = arith.constant 96 : index
        %get3A_1622 = tpu.vector_load %arg11[%get3A_1620, %get3A_1621] {strides = array<i32>} : memref<64x128xf32, #tpu.memory_space<vmem>>, vector<16xf32>,
        %mul3A_1623 = arith.mulf %get3A_1619, %get3A_1622 : vector<16xf32>
        %mul3A_1624 = arith.mulf %mul3A_1623, %get3A_1616 : vector<16xf32>
        %add3A_1625 = arith.addf %add3A_1612, %mul3A_1624 : vector<16xf32>
        %add3A_1626 = arith.constant 112 : i32
        %add3A_1627 = arith.addi %mul3A_1535, %add3A_1626 : i32
        %get3A_1628 = arith.index_cast %add3A_1627 : i32 to index
        %get3A_1629 = tpu.vector_load %arg12[%get3A_1628] {strides = array<i32>} : memref<768xf32, #tpu.memory_space<vmem>>, vector<16xf32>,
        %get3A_1630 = arith.index_cast %add3A_1531 : i32 to index
        %get3A_1631 = arith.constant 112 : index
        %get3A_1632 = tpu.vector_load %arg10[%get3A_1630, %get3A_1631] {strides = array<i32>} : memref<64x128xf32, #tpu.memory_space<vmem>>, vector<16xf32>,
        %get3A_1633 = arith.index_cast %add3A_1531 : i32 to index
        %get3A_1634 = arith.constant 112 : index
        %get3A_1635 = tpu.vector_load %arg11[%get3A_1633, %get3A_1634] {strides = array<i32>} : memref<64x128xf32, #tpu.memory_space<vmem>>, vector<16xf32>,
        %mul3A_1636 = arith.mulf %get3A_1632, %get3A_1635 : vector<16xf32>
        %mul3A_1637 = arith.mulf %mul3A_1636, %get3A_1629 : vector<16xf32>
        %add3A_1638 = arith.addf %add3A_1625, %mul3A_1637 : vector<16xf32>
        %swap3A_1639 = arith.constant 12 : i32
        %swap3A_1640 = arith.index_cast %swap3A_1639 : i32 to index
        %swap3A_1641 = arith.constant 0 : index
        %swap3A_1642 = tpu.vector_load %arg13[%swap3A_1640, %swap3A_1641] {strides = array<i32>} : memref<16x17xf32, #tpu.memory_space<vmem>>, vector<16xf32>,
        tpu.vector_store %arg13[%swap3A_1640, %swap3A_1641], %add3A_1638 {strides = array<i32>} : memref<16x17xf32, #tpu.memory_space<vmem>>, vector<16xf32>,
        %mul3A_1643 = arith.constant 16 : i32
        %mul3A_1644 = arith.muli %scan3A_144, %mul3A_1643 : i32
        %add3A_1645 = arith.constant 13 : i32
        %add3A_1646 = arith.addi %mul3A_1644, %add3A_1645 : i32
        %slice3A_1647 = vector.extract_strided_slice %get3A_150 {offsets = [13], sizes = [1], strides = [1]} : vector<16xi32> to vector<1xi32>
        %squeeze3A_1648 = vector.extract %slice3A_1647[0] : i32 from vector<1xi32>
        %mul3A_1649 = arith.constant 128 : i32
        %mul3A_1650 = arith.muli %squeeze3A_1648, %mul3A_1649 : i32
        %add3A_1651 = arith.constant 0 : i32
        %add3A_1652 = arith.addi %mul3A_1650, %add3A_1651 : i32
        %get3A_1653 = arith.index_cast %add3A_1652 : i32 to index
        %get3A_1654 = tpu.vector_load %arg12[%get3A_1653] {strides = array<i32>} : memref<768xf32, #tpu.memory_space<vmem>>, vector<16xf32>,
        %get3A_1655 = arith.index_cast %add3A_1646 : i32 to index
        %get3A_1656 = arith.constant 0 : index
        %get3A_1657 = tpu.vector_load %arg10[%get3A_1655, %get3A_1656] {strides = array<i32>} : memref<64x128xf32, #tpu.memory_space<vmem>>, vector<16xf32>,
        %get3A_1658 = arith.index_cast %add3A_1646 : i32 to index
        %get3A_1659 = arith.constant 0 : index
        %get3A_1660 = tpu.vector_load %arg11[%get3A_1658, %get3A_1659] {strides = array<i32>} : memref<64x128xf32, #tpu.memory_space<vmem>>, vector<16xf32>,
        %mul3A_1661 = arith.mulf %get3A_1657, %get3A_1660 : vector<16xf32>
        %mul3A_1662 = arith.mulf %mul3A_1661, %get3A_1654 : vector<16xf32>
        %add3A_1663 = arith.constant 16 : i32
        %add3A_1664 = arith.addi %mul3A_1650, %add3A_1663 : i32
        %get3A_1665 = arith.index_cast %add3A_1664 : i32 to index
        %get3A_1666 = tpu.vector_load %arg12[%get3A_1665] {strides = array<i32>} : memref<768xf32, #tpu.memory_space<vmem>>, vector<16xf32>,
        %get3A_1667 = arith.index_cast %add3A_1646 : i32 to index
        %get3A_1668 = arith.constant 16 : index
        %get3A_1669 = tpu.vector_load %arg10[%get3A_1667, %get3A_1668] {strides = array<i32>} : memref<64x128xf32, #tpu.memory_space<vmem>>, vector<16xf32>,
        %get3A_1670 = arith.index_cast %add3A_1646 : i32 to index
        %get3A_1671 = arith.constant 16 : index
        %get3A_1672 = tpu.vector_load %arg11[%get3A_1670, %get3A_1671] {strides = array<i32>} : memref<64x128xf32, #tpu.memory_space<vmem>>, vector<16xf32>,
        %mul3A_1673 = arith.mulf %get3A_1669, %get3A_1672 : vector<16xf32>
        %mul3A_1674 = arith.mulf %mul3A_1673, %get3A_1666 : vector<16xf32>
        %add3A_1675 = arith.addf %mul3A_1662, %mul3A_1674 : vector<16xf32>
        %add3A_1676 = arith.constant 32 : i32
        %add3A_1677 = arith.addi %mul3A_1650, %add3A_1676 : i32
        %get3A_1678 = arith.index_cast %add3A_1677 : i32 to index
        %get3A_1679 = tpu.vector_load %arg12[%get3A_1678] {strides = array<i32>} : memref<768xf32, #tpu.memory_space<vmem>>, vector<16xf32>,
        %get3A_1680 = arith.index_cast %add3A_1646 : i32 to index
        %get3A_1681 = arith.constant 32 : index
        %get3A_1682 = tpu.vector_load %arg10[%get3A_1680, %get3A_1681] {strides = array<i32>} : memref<64x128xf32, #tpu.memory_space<vmem>>, vector<16xf32>,
        %get3A_1683 = arith.index_cast %add3A_1646 : i32 to index
        %get3A_1684 = arith.constant 32 : index
        %get3A_1685 = tpu.vector_load %arg11[%get3A_1683, %get3A_1684] {strides = array<i32>} : memref<64x128xf32, #tpu.memory_space<vmem>>, vector<16xf32>,
        %mul3A_1686 = arith.mulf %get3A_1682, %get3A_1685 : vector<16xf32>
        %mul3A_1687 = arith.mulf %mul3A_1686, %get3A_1679 : vector<16xf32>
        %add3A_1688 = arith.addf %add3A_1675, %mul3A_1687 : vector<16xf32>
        %add3A_1689 = arith.constant 48 : i32
        %add3A_1690 = arith.addi %mul3A_1650, %add3A_1689 : i32
        %get3A_1691 = arith.index_cast %add3A_1690 : i32 to index
        %get3A_1692 = tpu.vector_load %arg12[%get3A_1691] {strides = array<i32>} : memref<768xf32, #tpu.memory_space<vmem>>, vector<16xf32>,
        %get3A_1693 = arith.index_cast %add3A_1646 : i32 to index
        %get3A_1694 = arith.constant 48 : index
        %get3A_1695 = tpu.vector_load %arg10[%get3A_1693, %get3A_1694] {strides = array<i32>} : memref<64x128xf32, #tpu.memory_space<vmem>>, vector<16xf32>,
        %get3A_1696 = arith.index_cast %add3A_1646 : i32 to index
        %get3A_1697 = arith.constant 48 : index
        %get3A_1698 = tpu.vector_load %arg11[%get3A_1696, %get3A_1697] {strides = array<i32>} : memref<64x128xf32, #tpu.memory_space<vmem>>, vector<16xf32>,
        %mul3A_1699 = arith.mulf %get3A_1695, %get3A_1698 : vector<16xf32>
        %mul3A_1700 = arith.mulf %mul3A_1699, %get3A_1692 : vector<16xf32>
        %add3A_1701 = arith.addf %add3A_1688, %mul3A_1700 : vector<16xf32>
        %add3A_1702 = arith.constant 64 : i32
        %add3A_1703 = arith.addi %mul3A_1650, %add3A_1702 : i32
        %get3A_1704 = arith.index_cast %add3A_1703 : i32 to index
        %get3A_1705 = tpu.vector_load %arg12[%get3A_1704] {strides = array<i32>} : memref<768xf32, #tpu.memory_space<vmem>>, vector<16xf32>,
        %get3A_1706 = arith.index_cast %add3A_1646 : i32 to index
        %get3A_1707 = arith.constant 64 : index
        %get3A_1708 = tpu.vector_load %arg10[%get3A_1706, %get3A_1707] {strides = array<i32>} : memref<64x128xf32, #tpu.memory_space<vmem>>, vector<16xf32>,
        %get3A_1709 = arith.index_cast %add3A_1646 : i32 to index
        %get3A_1710 = arith.constant 64 : index
        %get3A_1711 = tpu.vector_load %arg11[%get3A_1709, %get3A_1710] {strides = array<i32>} : memref<64x128xf32, #tpu.memory_space<vmem>>, vector<16xf32>,
        %mul3A_1712 = arith.mulf %get3A_1708, %get3A_1711 : vector<16xf32>
        %mul3A_1713 = arith.mulf %mul3A_1712, %get3A_1705 : vector<16xf32>
        %add3A_1714 = arith.addf %add3A_1701, %mul3A_1713 : vector<16xf32>
        %add3A_1715 = arith.constant 80 : i32
        %add3A_1716 = arith.addi %mul3A_1650, %add3A_1715 : i32
        %get3A_1717 = arith.index_cast %add3A_1716 : i32 to index
        %get3A_1718 = tpu.vector_load %arg12[%get3A_1717] {strides = array<i32>} : memref<768xf32, #tpu.memory_space<vmem>>, vector<16xf32>,
        %get3A_1719 = arith.index_cast %add3A_1646 : i32 to index
        %get3A_1720 = arith.constant 80 : index
        %get3A_1721 = tpu.vector_load %arg10[%get3A_1719, %get3A_1720] {strides = array<i32>} : memref<64x128xf32, #tpu.memory_space<vmem>>, vector<16xf32>,
        %get3A_1722 = arith.index_cast %add3A_1646 : i32 to index
        %get3A_1723 = arith.constant 80 : index
        %get3A_1724 = tpu.vector_load %arg11[%get3A_1722, %get3A_1723] {strides = array<i32>} : memref<64x128xf32, #tpu.memory_space<vmem>>, vector<16xf32>,
        %mul3A_1725 = arith.mulf %get3A_1721, %get3A_1724 : vector<16xf32>
        %mul3A_1726 = arith.mulf %mul3A_1725, %get3A_1718 : vector<16xf32>
        %add3A_1727 = arith.addf %add3A_1714, %mul3A_1726 : vector<16xf32>
        %add3A_1728 = arith.constant 96 : i32
        %add3A_1729 = arith.addi %mul3A_1650, %add3A_1728 : i32
        %get3A_1730 = arith.index_cast %add3A_1729 : i32 to index
        %get3A_1731 = tpu.vector_load %arg12[%get3A_1730] {strides = array<i32>} : memref<768xf32, #tpu.memory_space<vmem>>, vector<16xf32>,
        %get3A_1732 = arith.index_cast %add3A_1646 : i32 to index
        %get3A_1733 = arith.constant 96 : index
        %get3A_1734 = tpu.vector_load %arg10[%get3A_1732, %get3A_1733] {strides = array<i32>} : memref<64x128xf32, #tpu.memory_space<vmem>>, vector<16xf32>,
        %get3A_1735 = arith.index_cast %add3A_1646 : i32 to index
        %get3A_1736 = arith.constant 96 : index
        %get3A_1737 = tpu.vector_load %arg11[%get3A_1735, %get3A_1736] {strides = array<i32>} : memref<64x128xf32, #tpu.memory_space<vmem>>, vector<16xf32>,
        %mul3A_1738 = arith.mulf %get3A_1734, %get3A_1737 : vector<16xf32>
        %mul3A_1739 = arith.mulf %mul3A_1738, %get3A_1731 : vector<16xf32>
        %add3A_1740 = arith.addf %add3A_1727, %mul3A_1739 : vector<16xf32>
        %add3A_1741 = arith.constant 112 : i32
        %add3A_1742 = arith.addi %mul3A_1650, %add3A_1741 : i32
        %get3A_1743 = arith.index_cast %add3A_1742 : i32 to index
        %get3A_1744 = tpu.vector_load %arg12[%get3A_1743] {strides = array<i32>} : memref<768xf32, #tpu.memory_space<vmem>>, vector<16xf32>,
        %get3A_1745 = arith.index_cast %add3A_1646 : i32 to index
        %get3A_1746 = arith.constant 112 : index
        %get3A_1747 = tpu.vector_load %arg10[%get3A_1745, %get3A_1746] {strides = array<i32>} : memref<64x128xf32, #tpu.memory_space<vmem>>, vector<16xf32>,
        %get3A_1748 = arith.index_cast %add3A_1646 : i32 to index
        %get3A_1749 = arith.constant 112 : index
        %get3A_1750 = tpu.vector_load %arg11[%get3A_1748, %get3A_1749] {strides = array<i32>} : memref<64x128xf32, #tpu.memory_space<vmem>>, vector<16xf32>,
        %mul3A_1751 = arith.mulf %get3A_1747, %get3A_1750 : vector<16xf32>
        %mul3A_1752 = arith.mulf %mul3A_1751, %get3A_1744 : vector<16xf32>
        %add3A_1753 = arith.addf %add3A_1740, %mul3A_1752 : vector<16xf32>
        %swap3A_1754 = arith.constant 13 : i32
        %swap3A_1755 = arith.index_cast %swap3A_1754 : i32 to index
        %swap3A_1756 = arith.constant 0 : index
        %swap3A_1757 = tpu.vector_load %arg13[%swap3A_1755, %swap3A_1756] {strides = array<i32>} : memref<16x17xf32, #tpu.memory_space<vmem>>, vector<16xf32>,
        tpu.vector_store %arg13[%swap3A_1755, %swap3A_1756], %add3A_1753 {strides = array<i32>} : memref<16x17xf32, #tpu.memory_space<vmem>>, vector<16xf32>,
        %mul3A_1758 = arith.constant 16 : i32
        %mul3A_1759 = arith.muli %scan3A_144, %mul3A_1758 : i32
        %add3A_1760 = arith.constant 14 : i32
        %add3A_1761 = arith.addi %mul3A_1759, %add3A_1760 : i32
        %slice3A_1762 = vector.extract_strided_slice %get3A_150 {offsets = [14], sizes = [1], strides = [1]} : vector<16xi32> to vector<1xi32>
        %squeeze3A_1763 = vector.extract %slice3A_1762[0] : i32 from vector<1xi32>
        %mul3A_1764 = arith.constant 128 : i32
        %mul3A_1765 = arith.muli %squeeze3A_1763, %mul3A_1764 : i32
        %add3A_1766 = arith.constant 0 : i32
        %add3A_1767 = arith.addi %mul3A_1765, %add3A_1766 : i32
        %get3A_1768 = arith.index_cast %add3A_1767 : i32 to index
        %get3A_1769 = tpu.vector_load %arg12[%get3A_1768] {strides = array<i32>} : memref<768xf32, #tpu.memory_space<vmem>>, vector<16xf32>,
        %get3A_1770 = arith.index_cast %add3A_1761 : i32 to index
        %get3A_1771 = arith.constant 0 : index
        %get3A_1772 = tpu.vector_load %arg10[%get3A_1770, %get3A_1771] {strides = array<i32>} : memref<64x128xf32, #tpu.memory_space<vmem>>, vector<16xf32>,
        %get3A_1773 = arith.index_cast %add3A_1761 : i32 to index
        %get3A_1774 = arith.constant 0 : index
        %get3A_1775 = tpu.vector_load %arg11[%get3A_1773, %get3A_1774] {strides = array<i32>} : memref<64x128xf32, #tpu.memory_space<vmem>>, vector<16xf32>,
        %mul3A_1776 = arith.mulf %get3A_1772, %get3A_1775 : vector<16xf32>
        %mul3A_1777 = arith.mulf %mul3A_1776, %get3A_1769 : vector<16xf32>
        %add3A_1778 = arith.constant 16 : i32
        %add3A_1779 = arith.addi %mul3A_1765, %add3A_1778 : i32
        %get3A_1780 = arith.index_cast %add3A_1779 : i32 to index
        %get3A_1781 = tpu.vector_load %arg12[%get3A_1780] {strides = array<i32>} : memref<768xf32, #tpu.memory_space<vmem>>, vector<16xf32>,
        %get3A_1782 = arith.index_cast %add3A_1761 : i32 to index
        %get3A_1783 = arith.constant 16 : index
        %get3A_1784 = tpu.vector_load %arg10[%get3A_1782, %get3A_1783] {strides = array<i32>} : memref<64x128xf32, #tpu.memory_space<vmem>>, vector<16xf32>,
        %get3A_1785 = arith.index_cast %add3A_1761 : i32 to index
        %get3A_1786 = arith.constant 16 : index
        %get3A_1787 = tpu.vector_load %arg11[%get3A_1785, %get3A_1786] {strides = array<i32>} : memref<64x128xf32, #tpu.memory_space<vmem>>, vector<16xf32>,
        %mul3A_1788 = arith.mulf %get3A_1784, %get3A_1787 : vector<16xf32>
        %mul3A_1789 = arith.mulf %mul3A_1788, %get3A_1781 : vector<16xf32>
        %add3A_1790 = arith.addf %mul3A_1777, %mul3A_1789 : vector<16xf32>
        %add3A_1791 = arith.constant 32 : i32
        %add3A_1792 = arith.addi %mul3A_1765, %add3A_1791 : i32
        %get3A_1793 = arith.index_cast %add3A_1792 : i32 to index
        %get3A_1794 = tpu.vector_load %arg12[%get3A_1793] {strides = array<i32>} : memref<768xf32, #tpu.memory_space<vmem>>, vector<16xf32>,
        %get3A_1795 = arith.index_cast %add3A_1761 : i32 to index
        %get3A_1796 = arith.constant 32 : index
        %get3A_1797 = tpu.vector_load %arg10[%get3A_1795, %get3A_1796] {strides = array<i32>} : memref<64x128xf32, #tpu.memory_space<vmem>>, vector<16xf32>,
        %get3A_1798 = arith.index_cast %add3A_1761 : i32 to index
        %get3A_1799 = arith.constant 32 : index
        %get3A_1800 = tpu.vector_load %arg11[%get3A_1798, %get3A_1799] {strides = array<i32>} : memref<64x128xf32, #tpu.memory_space<vmem>>, vector<16xf32>,
        %mul3A_1801 = arith.mulf %get3A_1797, %get3A_1800 : vector<16xf32>
        %mul3A_1802 = arith.mulf %mul3A_1801, %get3A_1794 : vector<16xf32>
        %add3A_1803 = arith.addf %add3A_1790, %mul3A_1802 : vector<16xf32>
        %add3A_1804 = arith.constant 48 : i32
        %add3A_1805 = arith.addi %mul3A_1765, %add3A_1804 : i32
        %get3A_1806 = arith.index_cast %add3A_1805 : i32 to index
        %get3A_1807 = tpu.vector_load %arg12[%get3A_1806] {strides = array<i32>} : memref<768xf32, #tpu.memory_space<vmem>>, vector<16xf32>,
        %get3A_1808 = arith.index_cast %add3A_1761 : i32 to index
        %get3A_1809 = arith.constant 48 : index
        %get3A_1810 = tpu.vector_load %arg10[%get3A_1808, %get3A_1809] {strides = array<i32>} : memref<64x128xf32, #tpu.memory_space<vmem>>, vector<16xf32>,
        %get3A_1811 = arith.index_cast %add3A_1761 : i32 to index
        %get3A_1812 = arith.constant 48 : index
        %get3A_1813 = tpu.vector_load %arg11[%get3A_1811, %get3A_1812] {strides = array<i32>} : memref<64x128xf32, #tpu.memory_space<vmem>>, vector<16xf32>,
        %mul3A_1814 = arith.mulf %get3A_1810, %get3A_1813 : vector<16xf32>
        %mul3A_1815 = arith.mulf %mul3A_1814, %get3A_1807 : vector<16xf32>
        %add3A_1816 = arith.addf %add3A_1803, %mul3A_1815 : vector<16xf32>
        %add3A_1817 = arith.constant 64 : i32
        %add3A_1818 = arith.addi %mul3A_1765, %add3A_1817 : i32
        %get3A_1819 = arith.index_cast %add3A_1818 : i32 to index
        %get3A_1820 = tpu.vector_load %arg12[%get3A_1819] {strides = array<i32>} : memref<768xf32, #tpu.memory_space<vmem>>, vector<16xf32>,
        %get3A_1821 = arith.index_cast %add3A_1761 : i32 to index
        %get3A_1822 = arith.constant 64 : index
        %get3A_1823 = tpu.vector_load %arg10[%get3A_1821, %get3A_1822] {strides = array<i32>} : memref<64x128xf32, #tpu.memory_space<vmem>>, vector<16xf32>,
        %get3A_1824 = arith.index_cast %add3A_1761 : i32 to index
        %get3A_1825 = arith.constant 64 : index
        %get3A_1826 = tpu.vector_load %arg11[%get3A_1824, %get3A_1825] {strides = array<i32>} : memref<64x128xf32, #tpu.memory_space<vmem>>, vector<16xf32>,
        %mul3A_1827 = arith.mulf %get3A_1823, %get3A_1826 : vector<16xf32>
        %mul3A_1828 = arith.mulf %mul3A_1827, %get3A_1820 : vector<16xf32>
        %add3A_1829 = arith.addf %add3A_1816, %mul3A_1828 : vector<16xf32>
        %add3A_1830 = arith.constant 80 : i32
        %add3A_1831 = arith.addi %mul3A_1765, %add3A_1830 : i32
        %get3A_1832 = arith.index_cast %add3A_1831 : i32 to index
        %get3A_1833 = tpu.vector_load %arg12[%get3A_1832] {strides = array<i32>} : memref<768xf32, #tpu.memory_space<vmem>>, vector<16xf32>,
        %get3A_1834 = arith.index_cast %add3A_1761 : i32 to index
        %get3A_1835 = arith.constant 80 : index
        %get3A_1836 = tpu.vector_load %arg10[%get3A_1834, %get3A_1835] {strides = array<i32>} : memref<64x128xf32, #tpu.memory_space<vmem>>, vector<16xf32>,
        %get3A_1837 = arith.index_cast %add3A_1761 : i32 to index
        %get3A_1838 = arith.constant 80 : index
        %get3A_1839 = tpu.vector_load %arg11[%get3A_1837, %get3A_1838] {strides = array<i32>} : memref<64x128xf32, #tpu.memory_space<vmem>>, vector<16xf32>,
        %mul3A_1840 = arith.mulf %get3A_1836, %get3A_1839 : vector<16xf32>
        %mul3A_1841 = arith.mulf %mul3A_1840, %get3A_1833 : vector<16xf32>
        %add3A_1842 = arith.addf %add3A_1829, %mul3A_1841 : vector<16xf32>
        %add3A_1843 = arith.constant 96 : i32
        %add3A_1844 = arith.addi %mul3A_1765, %add3A_1843 : i32
        %get3A_1845 = arith.index_cast %add3A_1844 : i32 to index
        %get3A_1846 = tpu.vector_load %arg12[%get3A_1845] {strides = array<i32>} : memref<768xf32, #tpu.memory_space<vmem>>, vector<16xf32>,
        %get3A_1847 = arith.index_cast %add3A_1761 : i32 to index
        %get3A_1848 = arith.constant 96 : index
        %get3A_1849 = tpu.vector_load %arg10[%get3A_1847, %get3A_1848] {strides = array<i32>} : memref<64x128xf32, #tpu.memory_space<vmem>>, vector<16xf32>,
        %get3A_1850 = arith.index_cast %add3A_1761 : i32 to index
        %get3A_1851 = arith.constant 96 : index
        %get3A_1852 = tpu.vector_load %arg11[%get3A_1850, %get3A_1851] {strides = array<i32>} : memref<64x128xf32, #tpu.memory_space<vmem>>, vector<16xf32>,
        %mul3A_1853 = arith.mulf %get3A_1849, %get3A_1852 : vector<16xf32>
        %mul3A_1854 = arith.mulf %mul3A_1853, %get3A_1846 : vector<16xf32>
        %add3A_1855 = arith.addf %add3A_1842, %mul3A_1854 : vector<16xf32>
        %add3A_1856 = arith.constant 112 : i32
        %add3A_1857 = arith.addi %mul3A_1765, %add3A_1856 : i32
        %get3A_1858 = arith.index_cast %add3A_1857 : i32 to index
        %get3A_1859 = tpu.vector_load %arg12[%get3A_1858] {strides = array<i32>} : memref<768xf32, #tpu.memory_space<vmem>>, vector<16xf32>,
        %get3A_1860 = arith.index_cast %add3A_1761 : i32 to index
        %get3A_1861 = arith.constant 112 : index
        %get3A_1862 = tpu.vector_load %arg10[%get3A_1860, %get3A_1861] {strides = array<i32>} : memref<64x128xf32, #tpu.memory_space<vmem>>, vector<16xf32>,
        %get3A_1863 = arith.index_cast %add3A_1761 : i32 to index
        %get3A_1864 = arith.constant 112 : index
        %get3A_1865 = tpu.vector_load %arg11[%get3A_1863, %get3A_1864] {strides = array<i32>} : memref<64x128xf32, #tpu.memory_space<vmem>>, vector<16xf32>,
        %mul3A_1866 = arith.mulf %get3A_1862, %get3A_1865 : vector<16xf32>
        %mul3A_1867 = arith.mulf %mul3A_1866, %get3A_1859 : vector<16xf32>
        %add3A_1868 = arith.addf %add3A_1855, %mul3A_1867 : vector<16xf32>
        %swap3A_1869 = arith.constant 14 : i32
        %swap3A_1870 = arith.index_cast %swap3A_1869 : i32 to index
        %swap3A_1871 = arith.constant 0 : index
        %swap3A_1872 = tpu.vector_load %arg13[%swap3A_1870, %swap3A_1871] {strides = array<i32>} : memref<16x17xf32, #tpu.memory_space<vmem>>, vector<16xf32>,
        tpu.vector_store %arg13[%swap3A_1870, %swap3A_1871], %add3A_1868 {strides = array<i32>} : memref<16x17xf32, #tpu.memory_space<vmem>>, vector<16xf32>,
        %mul3A_1873 = arith.constant 16 : i32
        %mul3A_1874 = arith.muli %scan3A_144, %mul3A_1873 : i32
        %add3A_1875 = arith.constant 15 : i32
        %add3A_1876 = arith.addi %mul3A_1874, %add3A_1875 : i32
        %slice3A_1877 = vector.extract_strided_slice %get3A_150 {offsets = [15], sizes = [1], strides = [1]} : vector<16xi32> to vector<1xi32>
        %squeeze3A_1878 = vector.extract %slice3A_1877[0] : i32 from vector<1xi32>
        %mul3A_1879 = arith.constant 128 : i32
        %mul3A_1880 = arith.muli %squeeze3A_1878, %mul3A_1879 : i32
        %add3A_1881 = arith.constant 0 : i32
        %add3A_1882 = arith.addi %mul3A_1880, %add3A_1881 : i32
        %get3A_1883 = arith.index_cast %add3A_1882 : i32 to index
        %get3A_1884 = tpu.vector_load %arg12[%get3A_1883] {strides = array<i32>} : memref<768xf32, #tpu.memory_space<vmem>>, vector<16xf32>,
        %get3A_1885 = arith.index_cast %add3A_1876 : i32 to index
        %get3A_1886 = arith.constant 0 : index
        %get3A_1887 = tpu.vector_load %arg10[%get3A_1885, %get3A_1886] {strides = array<i32>} : memref<64x128xf32, #tpu.memory_space<vmem>>, vector<16xf32>,
        %get3A_1888 = arith.index_cast %add3A_1876 : i32 to index
        %get3A_1889 = arith.constant 0 : index
        %get3A_1890 = tpu.vector_load %arg11[%get3A_1888, %get3A_1889] {strides = array<i32>} : memref<64x128xf32, #tpu.memory_space<vmem>>, vector<16xf32>,
        %mul3A_1891 = arith.mulf %get3A_1887, %get3A_1890 : vector<16xf32>
        %mul3A_1892 = arith.mulf %mul3A_1891, %get3A_1884 : vector<16xf32>
        %add3A_1893 = arith.constant 16 : i32
        %add3A_1894 = arith.addi %mul3A_1880, %add3A_1893 : i32
        %get3A_1895 = arith.index_cast %add3A_1894 : i32 to index
        %get3A_1896 = tpu.vector_load %arg12[%get3A_1895] {strides = array<i32>} : memref<768xf32, #tpu.memory_space<vmem>>, vector<16xf32>,
        %get3A_1897 = arith.index_cast %add3A_1876 : i32 to index
        %get3A_1898 = arith.constant 16 : index
        %get3A_1899 = tpu.vector_load %arg10[%get3A_1897, %get3A_1898] {strides = array<i32>} : memref<64x128xf32, #tpu.memory_space<vmem>>, vector<16xf32>,
        %get3A_1900 = arith.index_cast %add3A_1876 : i32 to index
        %get3A_1901 = arith.constant 16 : index
        %get3A_1902 = tpu.vector_load %arg11[%get3A_1900, %get3A_1901] {strides = array<i32>} : memref<64x128xf32, #tpu.memory_space<vmem>>, vector<16xf32>,
        %mul3A_1903 = arith.mulf %get3A_1899, %get3A_1902 : vector<16xf32>
        %mul3A_1904 = arith.mulf %mul3A_1903, %get3A_1896 : vector<16xf32>
        %add3A_1905 = arith.addf %mul3A_1892, %mul3A_1904 : vector<16xf32>
        %add3A_1906 = arith.constant 32 : i32
        %add3A_1907 = arith.addi %mul3A_1880, %add3A_1906 : i32
        %get3A_1908 = arith.index_cast %add3A_1907 : i32 to index
        %get3A_1909 = tpu.vector_load %arg12[%get3A_1908] {strides = array<i32>} : memref<768xf32, #tpu.memory_space<vmem>>, vector<16xf32>,
        %get3A_1910 = arith.index_cast %add3A_1876 : i32 to index
        %get3A_1911 = arith.constant 32 : index
        %get3A_1912 = tpu.vector_load %arg10[%get3A_1910, %get3A_1911] {strides = array<i32>} : memref<64x128xf32, #tpu.memory_space<vmem>>, vector<16xf32>,
        %get3A_1913 = arith.index_cast %add3A_1876 : i32 to index
        %get3A_1914 = arith.constant 32 : index
        %get3A_1915 = tpu.vector_load %arg11[%get3A_1913, %get3A_1914] {strides = array<i32>} : memref<64x128xf32, #tpu.memory_space<vmem>>, vector<16xf32>,
        %mul3A_1916 = arith.mulf %get3A_1912, %get3A_1915 : vector<16xf32>
        %mul3A_1917 = arith.mulf %mul3A_1916, %get3A_1909 : vector<16xf32>
        %add3A_1918 = arith.addf %add3A_1905, %mul3A_1917 : vector<16xf32>
        %add3A_1919 = arith.constant 48 : i32
        %add3A_1920 = arith.addi %mul3A_1880, %add3A_1919 : i32
        %get3A_1921 = arith.index_cast %add3A_1920 : i32 to index
        %get3A_1922 = tpu.vector_load %arg12[%get3A_1921] {strides = array<i32>} : memref<768xf32, #tpu.memory_space<vmem>>, vector<16xf32>,
        %get3A_1923 = arith.index_cast %add3A_1876 : i32 to index
        %get3A_1924 = arith.constant 48 : index
        %get3A_1925 = tpu.vector_load %arg10[%get3A_1923, %get3A_1924] {strides = array<i32>} : memref<64x128xf32, #tpu.memory_space<vmem>>, vector<16xf32>,
        %get3A_1926 = arith.index_cast %add3A_1876 : i32 to index
        %get3A_1927 = arith.constant 48 : index
        %get3A_1928 = tpu.vector_load %arg11[%get3A_1926, %get3A_1927] {strides = array<i32>} : memref<64x128xf32, #tpu.memory_space<vmem>>, vector<16xf32>,
        %mul3A_1929 = arith.mulf %get3A_1925, %get3A_1928 : vector<16xf32>
        %mul3A_1930 = arith.mulf %mul3A_1929, %get3A_1922 : vector<16xf32>
        %add3A_1931 = arith.addf %add3A_1918, %mul3A_1930 : vector<16xf32>
        %add3A_1932 = arith.constant 64 : i32
        %add3A_1933 = arith.addi %mul3A_1880, %add3A_1932 : i32
        %get3A_1934 = arith.index_cast %add3A_1933 : i32 to index
        %get3A_1935 = tpu.vector_load %arg12[%get3A_1934] {strides = array<i32>} : memref<768xf32, #tpu.memory_space<vmem>>, vector<16xf32>,
        %get3A_1936 = arith.index_cast %add3A_1876 : i32 to index
        %get3A_1937 = arith.constant 64 : index
        %get3A_1938 = tpu.vector_load %arg10[%get3A_1936, %get3A_1937] {strides = array<i32>} : memref<64x128xf32, #tpu.memory_space<vmem>>, vector<16xf32>,
        %get3A_1939 = arith.index_cast %add3A_1876 : i32 to index
        %get3A_1940 = arith.constant 64 : index
        %get3A_1941 = tpu.vector_load %arg11[%get3A_1939, %get3A_1940] {strides = array<i32>} : memref<64x128xf32, #tpu.memory_space<vmem>>, vector<16xf32>,
        %mul3A_1942 = arith.mulf %get3A_1938, %get3A_1941 : vector<16xf32>
        %mul3A_1943 = arith.mulf %mul3A_1942, %get3A_1935 : vector<16xf32>
        %add3A_1944 = arith.addf %add3A_1931, %mul3A_1943 : vector<16xf32>
        %add3A_1945 = arith.constant 80 : i32
        %add3A_1946 = arith.addi %mul3A_1880, %add3A_1945 : i32
        %get3A_1947 = arith.index_cast %add3A_1946 : i32 to index
        %get3A_1948 = tpu.vector_load %arg12[%get3A_1947] {strides = array<i32>} : memref<768xf32, #tpu.memory_space<vmem>>, vector<16xf32>,
        %get3A_1949 = arith.index_cast %add3A_1876 : i32 to index
        %get3A_1950 = arith.constant 80 : index
        %get3A_1951 = tpu.vector_load %arg10[%get3A_1949, %get3A_1950] {strides = array<i32>} : memref<64x128xf32, #tpu.memory_space<vmem>>, vector<16xf32>,
        %get3A_1952 = arith.index_cast %add3A_1876 : i32 to index
        %get3A_1953 = arith.constant 80 : index
        %get3A_1954 = tpu.vector_load %arg11[%get3A_1952, %get3A_1953] {strides = array<i32>} : memref<64x128xf32, #tpu.memory_space<vmem>>, vector<16xf32>,
        %mul3A_1955 = arith.mulf %get3A_1951, %get3A_1954 : vector<16xf32>
        %mul3A_1956 = arith.mulf %mul3A_1955, %get3A_1948 : vector<16xf32>
        %add3A_1957 = arith.addf %add3A_1944, %mul3A_1956 : vector<16xf32>
        %add3A_1958 = arith.constant 96 : i32
        %add3A_1959 = arith.addi %mul3A_1880, %add3A_1958 : i32
        %get3A_1960 = arith.index_cast %add3A_1959 : i32 to index
        %get3A_1961 = tpu.vector_load %arg12[%get3A_1960] {strides = array<i32>} : memref<768xf32, #tpu.memory_space<vmem>>, vector<16xf32>,
        %get3A_1962 = arith.index_cast %add3A_1876 : i32 to index
        %get3A_1963 = arith.constant 96 : index
        %get3A_1964 = tpu.vector_load %arg10[%get3A_1962, %get3A_1963] {strides = array<i32>} : memref<64x128xf32, #tpu.memory_space<vmem>>, vector<16xf32>,
        %get3A_1965 = arith.index_cast %add3A_1876 : i32 to index
        %get3A_1966 = arith.constant 96 : index
        %get3A_1967 = tpu.vector_load %arg11[%get3A_1965, %get3A_1966] {strides = array<i32>} : memref<64x128xf32, #tpu.memory_space<vmem>>, vector<16xf32>,
        %mul3A_1968 = arith.mulf %get3A_1964, %get3A_1967 : vector<16xf32>
        %mul3A_1969 = arith.mulf %mul3A_1968, %get3A_1961 : vector<16xf32>
        %add3A_1970 = arith.addf %add3A_1957, %mul3A_1969 : vector<16xf32>
        %add3A_1971 = arith.constant 112 : i32
        %add3A_1972 = arith.addi %mul3A_1880, %add3A_1971 : i32
        %get3A_1973 = arith.index_cast %add3A_1972 : i32 to index
        %get3A_1974 = tpu.vector_load %arg12[%get3A_1973] {strides = array<i32>} : memref<768xf32, #tpu.memory_space<vmem>>, vector<16xf32>,
        %get3A_1975 = arith.index_cast %add3A_1876 : i32 to index
        %get3A_1976 = arith.constant 112 : index
        %get3A_1977 = tpu.vector_load %arg10[%get3A_1975, %get3A_1976] {strides = array<i32>} : memref<64x128xf32, #tpu.memory_space<vmem>>, vector<16xf32>,
        %get3A_1978 = arith.index_cast %add3A_1876 : i32 to index
        %get3A_1979 = arith.constant 112 : index
        %get3A_1980 = tpu.vector_load %arg11[%get3A_1978, %get3A_1979] {strides = array<i32>} : memref<64x128xf32, #tpu.memory_space<vmem>>, vector<16xf32>,
        %mul3A_1981 = arith.mulf %get3A_1977, %get3A_1980 : vector<16xf32>
        %mul3A_1982 = arith.mulf %mul3A_1981, %get3A_1974 : vector<16xf32>
        %add3A_1983 = arith.addf %add3A_1970, %mul3A_1982 : vector<16xf32>
        %swap3A_1984 = arith.constant 15 : i32
        %swap3A_1985 = arith.index_cast %swap3A_1984 : i32 to index
        %swap3A_1986 = arith.constant 0 : index
        %swap3A_1987 = tpu.vector_load %arg13[%swap3A_1985, %swap3A_1986] {strides = array<i32>} : memref<16x17xf32, #tpu.memory_space<vmem>>, vector<16xf32>,
        tpu.vector_store %arg13[%swap3A_1985, %swap3A_1986], %add3A_1983 {strides = array<i32>} : memref<16x17xf32, #tpu.memory_space<vmem>>, vector<16xf32>,
        %broadcast_in_dim3A = arith.constant 0 : i32
        %broadcast_in_dim3A_1988 = vector.broadcast %broadcast_in_dim3A : i32 to vector<16xi32>
        %gather3A = tpu.vector_load_idx %arg13[%iota3A, %broadcast_in_dim3A_1988] : memref<16x17xf32, #tpu.memory_space<vmem>>[vector<16xi32>, vector<16xi32>], vector<16xf32>,
        %broadcast_in_dim3A_1989 = arith.constant 1 : i32
        %broadcast_in_dim3A_1990 = vector.broadcast %broadcast_in_dim3A_1989 : i32 to vector<16xi32>
        %gather3A_1991 = tpu.vector_load_idx %arg13[%iota3A, %broadcast_in_dim3A_1990] : memref<16x17xf32, #tpu.memory_space<vmem>>[vector<16xi32>, vector<16xi32>], vector<16xf32>,
        %add3A_1992 = arith.addf %gather3A, %gather3A_1991 : vector<16xf32>
        %broadcast_in_dim3A_1993 = arith.constant 2 : i32
        %broadcast_in_dim3A_1994 = vector.broadcast %broadcast_in_dim3A_1993 : i32 to vector<16xi32>
        %gather3A_1995 = tpu.vector_load_idx %arg13[%iota3A, %broadcast_in_dim3A_1994] : memref<16x17xf32, #tpu.memory_space<vmem>>[vector<16xi32>, vector<16xi32>], vector<16xf32>,
        %add3A_1996 = arith.addf %add3A_1992, %gather3A_1995 : vector<16xf32>
        %broadcast_in_dim3A_1997 = arith.constant 3 : i32
        %broadcast_in_dim3A_1998 = vector.broadcast %broadcast_in_dim3A_1997 : i32 to vector<16xi32>
        %gather3A_1999 = tpu.vector_load_idx %arg13[%iota3A, %broadcast_in_dim3A_1998] : memref<16x17xf32, #tpu.memory_space<vmem>>[vector<16xi32>, vector<16xi32>], vector<16xf32>,
        %add3A_2000 = arith.addf %add3A_1996, %gather3A_1999 : vector<16xf32>
        %broadcast_in_dim3A_2001 = arith.constant 4 : i32
        %broadcast_in_dim3A_2002 = vector.broadcast %broadcast_in_dim3A_2001 : i32 to vector<16xi32>
        %gather3A_2003 = tpu.vector_load_idx %arg13[%iota3A, %broadcast_in_dim3A_2002] : memref<16x17xf32, #tpu.memory_space<vmem>>[vector<16xi32>, vector<16xi32>], vector<16xf32>,
        %add3A_2004 = arith.addf %add3A_2000, %gather3A_2003 : vector<16xf32>
        %broadcast_in_dim3A_2005 = arith.constant 5 : i32
        %broadcast_in_dim3A_2006 = vector.broadcast %broadcast_in_dim3A_2005 : i32 to vector<16xi32>
        %gather3A_2007 = tpu.vector_load_idx %arg13[%iota3A, %broadcast_in_dim3A_2006] : memref<16x17xf32, #tpu.memory_space<vmem>>[vector<16xi32>, vector<16xi32>], vector<16xf32>,
        %add3A_2008 = arith.addf %add3A_2004, %gather3A_2007 : vector<16xf32>
        %broadcast_in_dim3A_2009 = arith.constant 6 : i32
        %broadcast_in_dim3A_2010 = vector.broadcast %broadcast_in_dim3A_2009 : i32 to vector<16xi32>
        %gather3A_2011 = tpu.vector_load_idx %arg13[%iota3A, %broadcast_in_dim3A_2010] : memref<16x17xf32, #tpu.memory_space<vmem>>[vector<16xi32>, vector<16xi32>], vector<16xf32>,
        %add3A_2012 = arith.addf %add3A_2008, %gather3A_2011 : vector<16xf32>
        %broadcast_in_dim3A_2013 = arith.constant 7 : i32
        %broadcast_in_dim3A_2014 = vector.broadcast %broadcast_in_dim3A_2013 : i32 to vector<16xi32>
        %gather3A_2015 = tpu.vector_load_idx %arg13[%iota3A, %broadcast_in_dim3A_2014] : memref<16x17xf32, #tpu.memory_space<vmem>>[vector<16xi32>, vector<16xi32>], vector<16xf32>,
        %add3A_2016 = arith.addf %add3A_2012, %gather3A_2015 : vector<16xf32>
        %broadcast_in_dim3A_2017 = arith.constant 8 : i32
        %broadcast_in_dim3A_2018 = vector.broadcast %broadcast_in_dim3A_2017 : i32 to vector<16xi32>
        %gather3A_2019 = tpu.vector_load_idx %arg13[%iota3A, %broadcast_in_dim3A_2018] : memref<16x17xf32, #tpu.memory_space<vmem>>[vector<16xi32>, vector<16xi32>], vector<16xf32>,
        %add3A_2020 = arith.addf %add3A_2016, %gather3A_2019 : vector<16xf32>
        %broadcast_in_dim3A_2021 = arith.constant 9 : i32
        %broadcast_in_dim3A_2022 = vector.broadcast %broadcast_in_dim3A_2021 : i32 to vector<16xi32>
        %gather3A_2023 = tpu.vector_load_idx %arg13[%iota3A, %broadcast_in_dim3A_2022] : memref<16x17xf32, #tpu.memory_space<vmem>>[vector<16xi32>, vector<16xi32>], vector<16xf32>,
        %add3A_2024 = arith.addf %add3A_2020, %gather3A_2023 : vector<16xf32>
        %broadcast_in_dim3A_2025 = arith.constant 10 : i32
        %broadcast_in_dim3A_2026 = vector.broadcast %broadcast_in_dim3A_2025 : i32 to vector<16xi32>
        %gather3A_2027 = tpu.vector_load_idx %arg13[%iota3A, %broadcast_in_dim3A_2026] : memref<16x17xf32, #tpu.memory_space<vmem>>[vector<16xi32>, vector<16xi32>], vector<16xf32>,
        %add3A_2028 = arith.addf %add3A_2024, %gather3A_2027 : vector<16xf32>
        %broadcast_in_dim3A_2029 = arith.constant 11 : i32
        %broadcast_in_dim3A_2030 = vector.broadcast %broadcast_in_dim3A_2029 : i32 to vector<16xi32>
        %gather3A_2031 = tpu.vector_load_idx %arg13[%iota3A, %broadcast_in_dim3A_2030] : memref<16x17xf32, #tpu.memory_space<vmem>>[vector<16xi32>, vector<16xi32>], vector<16xf32>,
        %add3A_2032 = arith.addf %add3A_2028, %gather3A_2031 : vector<16xf32>
        %broadcast_in_dim3A_2033 = arith.constant 12 : i32
        %broadcast_in_dim3A_2034 = vector.broadcast %broadcast_in_dim3A_2033 : i32 to vector<16xi32>
        %gather3A_2035 = tpu.vector_load_idx %arg13[%iota3A, %broadcast_in_dim3A_2034] : memref<16x17xf32, #tpu.memory_space<vmem>>[vector<16xi32>, vector<16xi32>], vector<16xf32>,
        %add3A_2036 = arith.addf %add3A_2032, %gather3A_2035 : vector<16xf32>
        %broadcast_in_dim3A_2037 = arith.constant 13 : i32
        %broadcast_in_dim3A_2038 = vector.broadcast %broadcast_in_dim3A_2037 : i32 to vector<16xi32>
        %gather3A_2039 = tpu.vector_load_idx %arg13[%iota3A, %broadcast_in_dim3A_2038] : memref<16x17xf32, #tpu.memory_space<vmem>>[vector<16xi32>, vector<16xi32>], vector<16xf32>,
        %add3A_2040 = arith.addf %add3A_2036, %gather3A_2039 : vector<16xf32>
        %broadcast_in_dim3A_2041 = arith.constant 14 : i32
        %broadcast_in_dim3A_2042 = vector.broadcast %broadcast_in_dim3A_2041 : i32 to vector<16xi32>
        %gather3A_2043 = tpu.vector_load_idx %arg13[%iota3A, %broadcast_in_dim3A_2042] : memref<16x17xf32, #tpu.memory_space<vmem>>[vector<16xi32>, vector<16xi32>], vector<16xf32>,
        %add3A_2044 = arith.addf %add3A_2040, %gather3A_2043 : vector<16xf32>
        %broadcast_in_dim3A_2045 = arith.constant 15 : i32
        %broadcast_in_dim3A_2046 = vector.broadcast %broadcast_in_dim3A_2045 : i32 to vector<16xi32>
        %gather3A_2047 = tpu.vector_load_idx %arg13[%iota3A, %broadcast_in_dim3A_2046] : memref<16x17xf32, #tpu.memory_space<vmem>>[vector<16xi32>, vector<16xi32>], vector<16xf32>,
        %add3A_2048 = arith.addf %add3A_2044, %gather3A_2047 : vector<16xf32>
        %neg3A = arith.constant 0.000000e+00 : f32
        %neg3A_2049 = vector.broadcast %neg3A : f32 to vector<16xf32>
        %neg3A_2050 = arith.subf %neg3A_2049, %add3A_2048 : vector<16xf32>
        %exp3A = math.exp %neg3A_2050 : vector<16xf32>
        %add3A_2051 = arith.constant 1.000000e+00 : f32
        %add3A_2052 = vector.broadcast %add3A_2051 : f32 to vector<16xf32>
        %add3A_2053 = arith.addf %add3A_2052, %exp3A : vector<16xf32>
        %div3A = arith.constant 1.000000e+00 : f32
        %div3A_2054 = vector.broadcast %div3A : f32 to vector<16xf32>
        %div3A_2055 = arith.divf %div3A_2054, %add3A_2053 : vector<16xf32>
        %mul3A_2056 = arith.constant 16 : i32
        %mul3A_2057 = arith.muli %scan3A_144, %mul3A_2056 : i32
        %swap3A_2058 = arith.index_cast %mul3A_2057 : i32 to index
        %swap3A_2059 = tpu.vector_load %arg15[%swap3A_2058] {strides = array<i32>} : memref<64xf32, #tpu.memory_space<vmem>>, vector<16xf32>,
        tpu.vector_store %arg15[%swap3A_2058], %div3A_2055 {strides = array<i32>} : memref<64xf32, #tpu.memory_space<vmem>>, vector<16xf32>,
        %scan3A_2060 = arith.constant 0 : i32
        scf.yield %scan3A_2060 : i32
      }
      %scan3A_114 = arith.constant 4 : i32
      %add3A_115 = arith.constant 1 : i32
      %add3A_116 = arith.addi %mul3A_60, %add3A_115 : i32
      %mul3A_117 = arith.constant 64 : i32
      %mul3A_118 = arith.muli %add3A_116, %mul3A_117 : i32
      %add3A_119 = arith.addi %mul3A_2, %mul3A_118 : i32
      %dma_start3A_120 = tpu.memref_slice %arg5[%add3A_119] : memref<323584xf32, #tpu.memory_space<hbm>> -> memref<64xf32, #tpu.memory_space<hbm>>
      %dma_start3A_121 = tpu.memref_slice %arg5[%add3A_119] : memref<323584xf32, #tpu.memory_space<hbm>> -> memref<64xf32, #tpu.memory_space<hbm>>
      tpu.enqueue_dma source(%arg15 : memref<64xf32, #tpu.memory_space<vmem>>) target(%dma_start3A_121 : memref<64xf32, #tpu.memory_space<hbm>>) target_semaphore(%arg21 : memref<!tpu.dma_semaphore, #tpu.memory_space<semaphore_mem>>)
      %add3A_122 = arith.constant 3 : i32
      %add3A_123 = arith.addi %mul3A_60, %add3A_122 : i32
      %lt3A_124 = arith.constant 158 : i32
      %lt3A_125 = arith.cmpi slt, %add3A_123, %lt3A_124 : i32
      %convert_element_type3A_126 = arith.extui %lt3A_125 : i1 to i32
      %cond3A_127 = arith.constant 0 : i32
      %cond3A_128 = arith.cmpi ne, %convert_element_type3A_126, %cond3A_127 : i32
      scf.if %cond3A_128 {
        %add3A_144 = arith.constant 3 : i32
        %add3A_145 = arith.addi %mul3A_60, %add3A_144 : i32
        %mul3A_146 = arith.constant 192 : i32
        %mul3A_147 = arith.muli %add3A_145, %mul3A_146 : i32
        %add3A_148 = arith.addi %mul3A_6, %mul3A_147 : i32
        %dma_start3A_149 = tpu.memref_slice %arg3[%add3A_148] : memref<970752xi32, #tpu.memory_space<hbm>> -> memref<192xi32, #tpu.memory_space<hbm>>
        %dma_start3A_150 = tpu.memref_slice %arg3[%add3A_148] : memref<970752xi32, #tpu.memory_space<hbm>> -> memref<192xi32, #tpu.memory_space<hbm>>
        tpu.enqueue_dma source(%dma_start3A_150 : memref<192xi32, #tpu.memory_space<hbm>>) target(%arg7 : memref<192xi32, #tpu.memory_space<vmem>>) target_semaphore(%arg19 : memref<!tpu.dma_semaphore, #tpu.memory_space<semaphore_mem>>)
      } else {
      }
      %add3A_129 = arith.constant 2 : i32
      %add3A_130 = arith.addi %mul3A_60, %add3A_129 : i32
      %lt3A_131 = arith.constant 158 : i32
      %lt3A_132 = arith.cmpi slt, %add3A_130, %lt3A_131 : i32
      %convert_element_type3A_133 = arith.extui %lt3A_132 : i1 to i32
      %cond3A_134 = arith.constant 0 : i32
      %cond3A_135 = arith.cmpi ne, %convert_element_type3A_133, %cond3A_134 : i32
      scf.if %cond3A_135 {
        %dma_wait3A_144 = arith.constant 0 : i32
        %dma_wait3A_145 = tpu.memref_slice %arg3[%dma_wait3A_144] : memref<970752xi32, #tpu.memory_space<hbm>> -> memref<192xi32, #tpu.memory_space<hbm>>
        %dma_wait3A_146 = arith.constant 0 : i32
        %dma_wait3A_147 = tpu.memref_slice %arg3[%dma_wait3A_146] : memref<970752xi32, #tpu.memory_space<hbm>> -> memref<192xi32, #tpu.memory_space<hbm>>
        tpu.wait_dma2 semaphore(%arg18 : memref<!tpu.dma_semaphore, #tpu.memory_space<semaphore_mem>>) src(%dma_wait3A_147 : memref<192xi32, #tpu.memory_space<hbm>>) dst(%arg6 : memref<192xi32, #tpu.memory_space<vmem>>)
        %dma_start3A_148 = arith.constant 0 : i32
        %dma_start3A_149 = tpu.memref_slice %arg6[%dma_start3A_148] : memref<192xi32, #tpu.memory_space<vmem>> -> memref<64xi32, #tpu.memory_space<vmem>>
        %dma_start3A_150 = arith.constant 0 : i32
        %dma_start3A_151 = arith.constant 0 : i32
        %dma_start3A_152 = tpu.memref_slice %arg22[%dma_start3A_150, %dma_start3A_151] : memref<10000x128xf32, #tpu.memory_space<vmem_shared>> -> memref<10000x128xf32, #tpu.memory_space<vmem_shared>>
        tpu.enqueue_indirect_dma source(%dma_start3A_152 : memref<10000x128xf32, #tpu.memory_space<vmem_shared>>) target(%arg8 : memref<64x128xf32, #tpu.memory_space<vmem>>) offsets(%dma_start3A_149 : memref<64xi32, #tpu.memory_space<vmem>>) semaphore(%arg16 : memref<!tpu.dma_semaphore, #tpu.memory_space<semaphore_mem>>)
        %dma_start3A_153 = arith.constant 64 : i32
        %dma_start3A_154 = tpu.memref_slice %arg6[%dma_start3A_153] : memref<192xi32, #tpu.memory_space<vmem>> -> memref<64xi32, #tpu.memory_space<vmem>>
        %dma_start3A_155 = arith.constant 0 : i32
        %dma_start3A_156 = arith.constant 0 : i32
        %dma_start3A_157 = tpu.memref_slice %arg22[%dma_start3A_155, %dma_start3A_156] : memref<10000x128xf32, #tpu.memory_space<vmem_shared>> -> memref<10000x128xf32, #tpu.memory_space<vmem_shared>>
        tpu.enqueue_indirect_dma source(%dma_start3A_157 : memref<10000x128xf32, #tpu.memory_space<vmem_shared>>) target(%arg9 : memref<64x128xf32, #tpu.memory_space<vmem>>) offsets(%dma_start3A_154 : memref<64xi32, #tpu.memory_space<vmem>>) semaphore(%arg16 : memref<!tpu.dma_semaphore, #tpu.memory_space<semaphore_mem>>)
      } else {
      }
      %add3A_136 = arith.constant 3 : i32
      %add3A_137 = arith.addi %mul3A_60, %add3A_136 : i32
      %lt3A_138 = arith.constant 158 : i32
      %lt3A_139 = arith.cmpi slt, %add3A_137, %lt3A_138 : i32
      %convert_element_type3A_140 = arith.extui %lt3A_139 : i1 to i32
      %cond3A_141 = arith.constant 0 : i32
      %cond3A_142 = arith.cmpi ne, %convert_element_type3A_140, %cond3A_141 : i32
      scf.if %cond3A_142 {
        %dma_wait3A_144 = arith.constant 0 : i32
        %dma_wait3A_145 = tpu.memref_slice %arg3[%dma_wait3A_144] : memref<970752xi32, #tpu.memory_space<hbm>> -> memref<192xi32, #tpu.memory_space<hbm>>
        %dma_wait3A_146 = arith.constant 0 : i32
        %dma_wait3A_147 = tpu.memref_slice %arg3[%dma_wait3A_146] : memref<970752xi32, #tpu.memory_space<hbm>> -> memref<192xi32, #tpu.memory_space<hbm>>
        tpu.wait_dma2 semaphore(%arg19 : memref<!tpu.dma_semaphore, #tpu.memory_space<semaphore_mem>>) src(%dma_wait3A_147 : memref<192xi32, #tpu.memory_space<hbm>>) dst(%arg7 : memref<192xi32, #tpu.memory_space<vmem>>)
        %dma_start3A_148 = arith.constant 0 : i32
        %dma_start3A_149 = tpu.memref_slice %arg7[%dma_start3A_148] : memref<192xi32, #tpu.memory_space<vmem>> -> memref<64xi32, #tpu.memory_space<vmem>>
        %dma_start3A_150 = arith.constant 0 : i32
        %dma_start3A_151 = arith.constant 0 : i32
        %dma_start3A_152 = tpu.memref_slice %arg22[%dma_start3A_150, %dma_start3A_151] : memref<10000x128xf32, #tpu.memory_space<vmem_shared>> -> memref<10000x128xf32, #tpu.memory_space<vmem_shared>>
        tpu.enqueue_indirect_dma source(%dma_start3A_152 : memref<10000x128xf32, #tpu.memory_space<vmem_shared>>) target(%arg10 : memref<64x128xf32, #tpu.memory_space<vmem>>) offsets(%dma_start3A_149 : memref<64xi32, #tpu.memory_space<vmem>>) semaphore(%arg17 : memref<!tpu.dma_semaphore, #tpu.memory_space<semaphore_mem>>)
        %dma_start3A_153 = arith.constant 64 : i32
        %dma_start3A_154 = tpu.memref_slice %arg7[%dma_start3A_153] : memref<192xi32, #tpu.memory_space<vmem>> -> memref<64xi32, #tpu.memory_space<vmem>>
        %dma_start3A_155 = arith.constant 0 : i32
        %dma_start3A_156 = arith.constant 0 : i32
        %dma_start3A_157 = tpu.memref_slice %arg22[%dma_start3A_155, %dma_start3A_156] : memref<10000x128xf32, #tpu.memory_space<vmem_shared>> -> memref<10000x128xf32, #tpu.memory_space<vmem_shared>>
        tpu.enqueue_indirect_dma source(%dma_start3A_157 : memref<10000x128xf32, #tpu.memory_space<vmem_shared>>) target(%arg11 : memref<64x128xf32, #tpu.memory_space<vmem>>) offsets(%dma_start3A_154 : memref<64xi32, #tpu.memory_space<vmem>>) semaphore(%arg17 : memref<!tpu.dma_semaphore, #tpu.memory_space<semaphore_mem>>)
      } else {
      }
      %scan3A_143 = arith.constant 0 : i32
      scf.yield %scan3A_143 : i32
    }
    %scan3A_48 = arith.constant 79 : i32
    %dma_wait3A_49 = arith.constant 0 : i32
    %dma_wait3A_50 = tpu.memref_slice %arg5[%dma_wait3A_49] : memref<323584xf32, #tpu.memory_space<hbm>> -> memref<64xf32, #tpu.memory_space<hbm>>
    %dma_wait3A_51 = arith.constant 0 : i32
    %dma_wait3A_52 = tpu.memref_slice %arg5[%dma_wait3A_51] : memref<323584xf32, #tpu.memory_space<hbm>> -> memref<64xf32, #tpu.memory_space<hbm>>
    tpu.wait_dma2 semaphore(%arg20 : memref<!tpu.dma_semaphore, #tpu.memory_space<semaphore_mem>>) src(%arg14 : memref<64xf32, #tpu.memory_space<vmem>>) dst(%dma_wait3A_52 : memref<64xf32, #tpu.memory_space<hbm>>)
    %dma_wait3A_53 = arith.constant 0 : i32
    %dma_wait3A_54 = tpu.memref_slice %arg5[%dma_wait3A_53] : memref<323584xf32, #tpu.memory_space<hbm>> -> memref<64xf32, #tpu.memory_space<hbm>>
    %dma_wait3A_55 = arith.constant 0 : i32
    %dma_wait3A_56 = tpu.memref_slice %arg5[%dma_wait3A_55] : memref<323584xf32, #tpu.memory_space<hbm>> -> memref<64xf32, #tpu.memory_space<hbm>>
    tpu.wait_dma2 semaphore(%arg21 : memref<!tpu.dma_semaphore, #tpu.memory_space<semaphore_mem>>) src(%arg15 : memref<64xf32, #tpu.memory_space<vmem>>) dst(%dma_wait3A_56 : memref<64xf32, #tpu.memory_space<hbm>>)
    return
  }
}

</mosaic_0001>

<sc_bundles>
// kernel: kernel.3.cloned.1.call-start
scs
__scs_entry_jumppad:
0x0: {  	(pc) =	sbr.rel $0x88, $3  }
0x1: {  	(tag) =	ssettag $0x0;
	lr =	simm.s32 $0x1  }
0x2: {  	[smem:$0x3F9D] =	sst lr;
	_ =	strace $0xD0000000  }
0x3: {  	_ = 	snop  }
0x4: {  	_ = 	snop  }
0x5: {  	_ = 	snop  }
0x6: {  	_ = 	snop  }
0x7: {  	_ = 	snop  }
__scs_overlays_trampoline_lowered:
0x8: {  	[smem:$0x3FAC] =	sst s0  }
0x9: {  	[smem:$0x3FAD] =	sst s1  }
0xa: {  	[smem:$0x3FAE] =	sst s2  }
0xb: {  	[smem:$0x3FAF] =	sst s3  }
0xc: {  	[smem:$0x3FB0] =	sst s4  }
0xd: {  	[smem:$0x3FB1] =	sst s5  }
0xe: {  	[smem:$0x3FB2] =	sst s6  }
0xf: {  	[smem:$0x3FB3] =	sst s7  }
0x10: {  	[smem:$0x3FB4] =	sst s8  }
0x11: {  	[smem:$0x3FB5] =	sst s9;
	s0 =	simm.s32 @!p0 $0x0  }
0x12: {  	s1 =	sld [smem:$0x3F9B];
	s0 =	simm.s32 @p0 $0x1  }
0x13: {  	[smem:$0x3FB6] =	sst s0;
	s0 =	simm.s32 @!p1 $0x0  }
0x14: {  	s2 =	sld [smem:$0x3F9A];
	s0 =	simm.s32 @p1 $0x1  }
0x15: {  	[smem:$0x3FB7] =	sst s0;
	s0 =	simm.s32 @!p2 $0x0  }
0x16: {  	s3 =	sld [smem:$0x3FDB];
	s0 =	simm.s32 @p2 $0x1  }
0x17: {  	s4 =	simm.s32 $0x1BF5;
	[smem:$0x3FB9] =	sst s0  }
0x18: {  	s0 =	sld [smem:$0x3F9C];
	_ =	swait.ge [sflag:s4], $0x0  }
0x19: {  	s7 =	sld [smem:$0x3F9D]  }
0x1a: {  	s8 =	sadd.s32 $0xFFFFE003, lr  }
0x1b: {  	s9 =	sadd.s32 $0xFFFFFEF7, lr;
	s5 =	simm.s32 $0xFFFFFFFF;
	p2 =	slt.u32 s8, $0xFFFFF086  }
0x1c: {  	p1 =	slt.u32 s9, $0xF7A;
	s5 =	simm.s32 @!p2 $0x0  }
0x1d: {  	s5 =	simm.s32 @p1 $0x1;
	p0 =	seq.s32 s7, s2  }
0x1e: {  	s7 =	smul.u32 @!p0 $0xF7A, s2;
	p2 =	seq.s32 @!p0 s5, $0x0  }
0x1f: {  	s9 =	smul.u32 $0xF7A, s1;
	s8 =	simm.s32 @!p0 $0x1BF5;
	p2 =	por !p2, p0  }
0x20: {  	[sflag:s8] =	ssyncset.s32 @!p0 $0xFFFFF086;
	s6 =	sadd.s32 @!p0 s3, s7;
	s7 =	simm.s32 @!p0 $0x108  }
0x21: {  	s3 =	sadd.s32 s3, s9;
	s6 =	sadd.s32 @!p0 $0x88, s6;
	s7 =	simm.s32 @p2 $0x1082  }
0x22: {  	[simem:s7], [sflag:s8] =	dma.local @!p0 [hbm:s6], $0xF7A  }
0x23: {  	s9 =	sor.u32 $0xD0000000, s2;
	s6 =	simm.s32 $0x108;
	_ =	swait.ge @!p0 [sflag:s8], $0x0  }
0x24: {  	s3 =	sadd.s32 $0x88, s3;
	s6 =	simm.s32 @!p1 $0x1082;
	[sflag:s4] =	ssyncset.s32 $0xFFFFF086  }
0x25: {  	[simem:s6], [sflag:s4] =	dma.local [hbm:s3], $0xF7A  }
0x26: {  	[smem:$0x3F9D] =	sst s1;
	(tag) =	ssettag s2;
	_ =	strace s9  }
0x27: {  	s1 =	sld [smem:$0x3FAD]  }
0x28: {  	s2 =	sld [smem:$0x3FAE]  }
0x29: {  	s4 =	sld [smem:$0x3FB0]  }
0x2a: {  	p0 =	seq.s32 s5, $0x0;
	s5 =	sld [smem:$0x3FB1]  }
0x2b: {  	s6 =	sld [smem:$0x3FB2]  }
0x2c: {  	s7 =	sld [smem:$0x3FB3]  }
0x2d: {  	s3 =	simm.s32 $0x108;
	s8 =	sld [smem:$0x3FB4]  }
0x2e: {  	s3 =	simm.s32 @!p0 $0x1082;
	s9 =	sld [smem:$0x3FB5]  }
0x2f: {  	lr =	sadd.s32 s0, s3;
	s0 =	sld [smem:$0x3FAC]  }
0x30: {  	s3 =	sld [smem:$0x3FAF]  }
0x31: {  	[smem:$0x3FB8] =	sst s10  }
0x32: {  	s10 =	sld [smem:$0x3FB6];
	_ =	sdelay $0x3  }
0x33: {  	p0 =	seq.s32 s10, $0x1;
	s10 =	sld [smem:$0x3FB8];
	_ =	sdelay $0x3  }
0x34: {  	[smem:$0x3FB8] =	sst s10  }
0x35: {  	s10 =	sld [smem:$0x3FB7];
	_ =	sdelay $0x3  }
0x36: {  	p1 =	seq.s32 s10, $0x1;
	s10 =	sld [smem:$0x3FB8];
	_ =	sdelay $0x3  }
0x37: {  	[smem:$0x3FB8] =	sst s10  }
0x38: {  	s10 =	sld [smem:$0x3FB9]  }
0x39: {  	_ = 	snop;
	(pc) =	sbr.ind lr, $3  }
0x3a: {  	_ = 	snop  }
0x3b: {  	_ = 	snop  }
0x3c: {  	p2 =	seq.s32 s10, $0x1;
	s10 =	sld [smem:$0x3FB8]  }
0x3d: {  	_ =	shalt  }
0x3e: {  	_ =	shalt  }
0x3f: {  	_ =	shalt  }
0x40: {  	_ =	shalt  }
0x41: {  	_ =	shalt  }
0x42: {  	_ =	shalt  }
0x43: {  	_ =	shalt  }
0x44: {  	_ =	shalt  }
0x45: {  	_ =	shalt  }
0x46: {  	_ =	shalt  }
0x47: {  	_ =	shalt  }
0x48: {  	_ =	shalt  }
0x49: {  	_ =	shalt  }
0x4a: {  	_ =	shalt  }
0x4b: {  	_ =	shalt  }
0x4c: {  	_ =	shalt  }
0x4d: {  	_ =	shalt  }
0x4e: {  	_ =	shalt  }
0x4f: {  	_ =	shalt  }
0x50: {  	_ =	shalt  }
0x51: {  	_ =	shalt  }
0x52: {  	_ =	shalt  }
0x53: {  	_ =	shalt  }
0x54: {  	_ =	shalt  }
0x55: {  	_ =	shalt  }
0x56: {  	_ =	shalt  }
0x57: {  	_ =	shalt  }
0x58: {  	_ =	shalt  }
0x59: {  	_ =	shalt  }
0x5a: {  	_ =	shalt  }
0x5b: {  	_ =	shalt  }
0x5c: {  	_ =	shalt  }
0x5d: {  	_ =	shalt  }
0x5e: {  	_ =	shalt  }
0x5f: {  	_ =	shalt  }
0x60: {  	_ =	shalt  }
0x61: {  	_ =	shalt  }
0x62: {  	_ =	shalt  }
0x63: {  	_ =	shalt  }
0x64: {  	_ =	shalt  }
0x65: {  	_ =	shalt  }
0x66: {  	_ =	shalt  }
0x67: {  	_ =	shalt  }
0x68: {  	_ =	shalt  }
0x69: {  	_ =	shalt  }
0x6a: {  	_ =	shalt  }
0x6b: {  	_ =	shalt  }
0x6c: {  	_ =	shalt  }
0x6d: {  	_ =	shalt  }
0x6e: {  	_ =	shalt  }
0x6f: {  	_ =	shalt  }
0x70: {  	_ =	shalt  }
0x71: {  	_ =	shalt  }
0x72: {  	_ =	shalt  }
0x73: {  	_ =	shalt  }
0x74: {  	_ =	shalt  }
0x75: {  	_ =	shalt  }
0x76: {  	_ =	shalt  }
0x77: {  	_ =	shalt  }
0x78: {  	_ =	shalt  }
0x79: {  	_ =	shalt  }
0x7a: {  	_ =	shalt  }
0x7b: {  	_ =	shalt  }
0x7c: {  	_ =	shalt  }
0x7d: {  	_ =	shalt  }
0x7e: {  	_ =	shalt  }
0x7f: {  	_ =	shalt  }
0x80: {  	_ =	shalt  }
0x81: {  	_ =	shalt  }
0x82: {  	_ =	shalt  }
0x83: {  	_ =	shalt  }
0x84: {  	_ =	shalt  }
0x85: {  	_ =	shalt  }
0x86: {  	_ =	shalt  }
0x87: {  	_ =	shalt  }
.Lfunc_end0:
.L_simem_size_0:
called_computation_lowered:
.L_overlay_start_0:
0x88: {  	s2 =	sld [smem:$0x3FD9]  }
0x89: {  	s3 =	sld [smem:$0x3FFE];
	_ =	sdelay $0x1  }
0x8a: {  	s1 =	srdreg.scid  }
0x8b: {  	s0 =	sand.u32 $0x1, s1  }
0x8c: {  	s17 =	sshll.u32 s0, $0xA;
	s2 =	sadd.s32 s3, s2  }
0x8d: {  	s2 =	sadd.s32 s2, s17  }
0x8e: {  	[smem:$0x3FC4] =	sst s2  }
0x8f: {  	_ = 	snop  }
0x90: {  	s2 =	sld [smem:$0x3FC9]  }
0x91: {  	s18 =	sld [smem:$0x3FC6];
	(tm) =	ssettm $0x1  }
0x92: {  	s4 =	sld [smem:$0x3FFB];
	_ =	sdelay $0x3  }
0x93: {  	_ =	strace s4  }
0x94: {  	s4 =	sld [smem:$0x3FFC];
	_ =	sdelay $0x3  }
0x95: {  	_ =	strace s4  }
0x96: {  	s4 =	sld [smem:$0x3FFD];
	_ =	sdelay $0x3  }
0x97: {  	_ =	strace s4  }
0x98: {  	_ =	strace $0x8FFFFFFF  }
0x99: {  	s19 =	sld [smem:$0x3FDB];
	_ =	sdelay $0x1  }
0x9a: {  	s5 =	simm.s32 $_scs_section_size  }
0x9b: {  	s6 =	simm.s32 $_size__tile_overlayer_lowered;
	s7 =	simm.s32 $_tile_overlayer_lowered  }
0x9c: {  	s22 =	simm.s32 $0x1BFF;
	s21 =	sshll.u32 s7, $0x1;
	s4 =	sadd.s32 s5, s19  }
0x9d: {  	s8 =	simm.s32 $0x0;
	s20 =	sshll.u32 s6, $0x1;
	s6 =	sadd.s32 s21, s4  }
0x9e: {  	[timem:s8], [sflag:s22] =	dma.local [hbm:s6], s20  }
0x9f: {  	_ =	swait.ge [sflag:s22], s20  }
0xa0: {  	s5 =	ssub.s32 $0x0, s20;
	[sflag:s22] =	ssyncset.done $0x0  }
0xa1: {  	[sflag:s22] =	ssyncadd.s32 s5;
	_ =	sdelay $0x1  }
0xa2: {  	s23 =	simm.s32 $0x1B8B  }
0xa3: {  	_ =	swait.ge [sflag:s23], $0x1  }
0xa4: {  	[sflag:s23] =	ssyncset.done $0x0  }
0xa5: {  	s25 =	simm.s32 $0x1B8E;
	s24 =	sld [smem:$0x3FFE];
	[sflag:s23] =	ssyncadd.s32 $0xFFFFFFFF  }
0xa6: {  	s26 =	simm.s32 $execute0_lowered;
	[smem:$0x3FD2] =	sst s25  }
0xa7: {  	s6 =	sshll.u32 s26, $0x1;
	_ =	strace $0x80000046;
	[dreg:$0x1] =	wrdreg $0xFFFFFFFF  }
0xa8: {  	s28 =	simm.s32 $_size_execute0_lowered;
	s4 =	sadd.s32 s4, s6;
	[dreg:$0x0] =	wrdreg $0x0  }
0xa9: {  	s6 =	sshll.u32 s28, $0x1;
	[dreg:$0x2] =	wrdreg s4  }
0xaa: {  	[dreg:$0x3] =	wrdreg s6  }
0xab: {  	[dreg:$0x4] =	wrdreg $0xC0  }
0xac: {  	_ =	task [dreg:s8], $0x5FFFF  }
0xad: {  	[dreg:$0x1] =	wrdreg $0xFFFFFFFF  }
0xae: {  	[dreg:$0x0] =	wrdreg $0x60  }
0xaf: {  	[dreg:$0x2] =	wrdreg s2  }
0xb0: {  	[dreg:$0x3] =	wrdreg s24  }
0xb1: {  	[dreg:$0x4] =	wrdreg s18  }
0xb2: {  	[dreg:$0x5] =	wrdreg $0x8E000  }
0xb3: {  	[dreg:$0x6] =	wrdreg $0x9  }
0xb4: {  	_ =	task.clear_ibuf [dreg:s8], $0x7FFFF;
	_ =	strace $0x90000046  }
0xb5: {  	s29 =	simm.s32 $0x9;
	_ =	strace $0x80000048  }
0xb6: {  	_ =	swait.ge [sflag:s29], $0x1  }
0xb7: {  	[sflag:s29] =	ssyncadd.s32 $0xFFFFFFFF  }
0xb8: {  	_ =	strace $0x90000048  }
0xb9: {  	_ =	sfence  }
0xba: {  	s30 =	sld [smem:$0x0];
	_ =	sdelay $0x2  }
0xbb: {  	s31 =	sshll.u32 s1, $0xD;
	s1 =	sshrl.u32 s1, $0x2  }
0xbc: {  	s3 =	sand.u32 $0x4000, s31;
	s1 =	sadd.s32 s1, s30  }
0xbd: {  	s0 =	sor.u32 s3, s0;
	s1 =	sshll.u32 s1, $0x11  }
0xbe: {  	s0 =	sor.u32 s1, s0  }
0xbf: {  	s0 =	sadd.s32 $0x8F2B, s0  }
0xc0: {  	[sflag:s0] =	ssyncadd.remote.s32 $0x1  }
0xc1: {  	_ =	sfence.sel $0xFFFF  }
0xc2: {  	[dreg:$0x0] =	wrdreg $0xFFFFFFFF;
	(pc) =	sbr.abs _section_cstart, $3  }
0xc3: {  	[dreg:$0x1] =	wrdreg $0xFFFFFFFF  }
0xc4: {  	_ =	task.clear_ibuf [dreg:s8], $0x2FFFF;
	_ =	strace $0x9FFFFFFF  }
0xc5: {  	(tm) =	ssettm $0x7FFFFFFF  }
tec
execute0_lowered:
.L_overlay_start_1:
0x0: {  	(tag) =	ssettag $0x1  }
0x1: {  	s1 =	rddreg [dreg:$0x1];
	s0 =	srdreg.scid  }
0x2: {  	s2 =	stileid.u32;
	s4 =	rddreg [dreg:$0x3];
	s5 =	simm.s32 $0x0  }
0x3: {  	s17 =	simm.s32 $0x100;
	s18 =	simm.s32 $0x3;
	s19 =	simm.s32 $0x40  }
0x4: {  	s20 =	simm.s32 $0x200;
	s21 =	simm.s32 $0x2200;
	s22 =	simm.s32 $0x4  }
0x5: {  	s23 =	simm.s32 $0x4200;
	s24 =	simm.s32 $0x140;
	s25 =	simm.s32 $0x6200  }
0x6: {  	s28 =	simm.s32 $0x8500;
	s29 =	simm.s32 $0x8D00;
	s30 =	simm.s32 $0x2  }
0x7: {  	s31 =	simm.s32 $0x8D80;
	s0 =	sand.u32 $0x1, s0;
	s3 =	sshll.u32 s2, $0x1  }
0x8: {  	[smem:$0x7FF] =	sst s5;
	s6 =	sadd.s32 $0x1DA00, s1;
	s3 =	sor.u32 s0, s3  }
0x9: {  	v0 =	vlaneseq.u32;
	p0 =	sne.s32 s2, $0x0;
	s0 =	ssub.s32 $0x2, s0;
	s8 =	smul.u32 $0x7680, s3  }
0xa: {  	v0 =	vmul.u32 $0x80, v0;
	s2 =	simm.s32 $0x0;
	_ =	strace $0x80000047;
	s10 =	sshrl.u32 s0, $0x1  }
0xb: {  	s7 =	smul.u32 $0x2780, s3;
	s0 =	ssub.s32 s0, s10;
	s9 =	sshrl.u32 s8, $0x3  }
.Ltmp0:
0xc: {  	v1 =	vor.u32 $0x1, v0;
	v2 =	vor.u32 $0x2, v0;
	v3 =	vor.u32 $0x3, v0;
	s10 =	sadd.s32 $0x180, s8;
	s0 =	smax.u32 s0, $0x1;
	(pc) =	sbr.rel .LBB2_1-.Ltmp0, $4  }
0xd: {  	v4 =	vor.u32 $0x4, v0;
	v5 =	vor.u32 $0x5, v0;
	v6 =	vor.u32 $0x6, v0;
	s11 =	sor.u32 $0x40, s7;
	s26 =	sadd.s32 s1, s9;
	[dreg:$0x7] =	wrdreg s0  }
0xe: {  	v7 =	vor.u32 $0x7, v0;
	v8 =	vor.u32 $0x8, v0;
	v9 =	vor.u32 $0x9, v0;
	s12 =	sadd.s32 $0x240, s8;
	s0 =	sshrl.u32 @!p0 s4, $0x3;
	[dreg:$0x5] =	wrdreg s26  }
0xf: {  	v10 =	vor.u32 $0xA, v0;
	v11 =	vor.u32 $0xB, v0;
	v12 =	vor.u32 $0xC, v0;
	s3 =	sadd.s32 $0x18, s26;
	[dreg:$0x8] =	wrdreg s0;
	s26 =	simm.s32 $0x1  }
0x10: {  	v13 =	vor.u32 $0xD, v0;
	v14 =	vor.u32 $0xE, v0;
	v15 =	vor.u32 $0xF, v0;
	s0 =	simm.s32 $0x6;
	[dreg:$0x6] =	wrdreg s3;
	s3 =	simm.s32 $0x5  }
.LBB2_8:
0x11: {  	_ =	swait.ge [sflag:s3], $0x40  }
0x12: {  	[sflag:s3] =	ssyncset.done $0x0  }
0x13: {  	[sflag:s3] =	ssyncadd.s32 $0xFFFFFFC0  }
0x14: {  	_ =	swait.ge [sflag:s0], $0x40  }
0x15: {  	s2 =	sadd.s32 $0x1, s2;
	s8 =	rddreg [dreg:$0x7]  }
0x16: {  	p1 =	sne.s32 s2, s8  }
.Ltmp1:
0x17: {  	_ = 	snop;
	(pc) =	sbr.rel @!p1 .LBB2_9-.Ltmp1, $3  }
0x18: {  	_ =	sdelay $0x1  }
0x19: {  	[sflag:s0] =	ssyncset.done $0x0  }
0x1a: {  	[sflag:s0] =	ssyncadd.s32 $0xFFFFFFC0  }
.LBB2_1:
0x1b: {  	s8 =	rddreg [dreg:$0x2];
	s9 =	simm.s32 $0x8200;
	s14 =	simm.s32 $0x7  }
0x1c: {  	[tilespmem:s9], [sflag:$0x7] =	stream.linear.gather [hbm4b:s8+s5], $0x300, $0x38;
	[tilespmem:$0x1C680] =	vst v63  }
0x1d: {  	_ =	swait.ge [sflag:s14], $0x300  }
0x1e: {  	[sflag:s14] =	ssyncset.done $0x0  }
0x1f: {  	s13 =	rddreg [dreg:$0x8];
	[sflag:s14] =	ssyncadd.s32 $0xFFFFFD00  }
0x20: {  	s8 =	simm.s32 @!p0 $0x1C07;
	s9 =	rddreg [dreg:$0x0]  }
0x21: {  	[spmem:s13], [sflag:s8] =	dma.local @!p0 [hbm:s9], $0x27100  }
0x22: {  	s8 =	simm.s32 @!p0 $0x7  }
0x23: {  	_ =	swait.ge @!p0 [sflag:s8], $0x27100  }
0x24: {  	[sflag:s8] =	ssyncset.done @!p0 $0x0  }
0x25: {  	[sflag:s8] =	ssyncadd.s32 @!p0 $0xFFFD8F00  }
0x26: {  	[bflag:$0x0] =	sbarrier.arrive $0xFFFF  }
0x27: {  	s15 =	rddreg [dreg:$0x5]  }
0x28: {  	[tilespmem:s5], [sflag:$0x3] =	stream.linear.gather [hbm4b:s15+s5], $0xC0, $0x38;
	[tilespmem:$0x1C680] =	vst v63  }
0x29: {  	s16 =	rddreg [dreg:$0x6]  }
0x2a: {  	[tilespmem:s17], [sflag:$0x4] =	stream.linear.gather [hbm4b:s16+s5], $0xC0, $0x38;
	[tilespmem:$0x1C680] =	vst v63  }
0x2b: {  	_ =	swait.ge [sflag:s18], $0xC0  }
0x2c: {  	[sflag:s18] =	ssyncset.done $0x0  }
0x2d: {  	[sflag:s18] =	ssyncadd.s32 $0xFFFFFF40  }
0x2e: {  	[tilespmem:s20], [sflag:$0x1] =	stream.indirect.gather [spmem:s4], $0x80, s5, s19, $0xb8;
	[tilespmem:$0x1C680] =	vst v63  }
0x2f: {  	_ = 	snop  }
0x30: {  	[tilespmem:s21], [sflag:$0x1] =	stream.indirect.gather [spmem:s4], $0x80, s19, s19, $0xb8;
	[tilespmem:$0x1C680] =	vst v63  }
0x31: {  	_ =	swait.ge [sflag:s22], $0xC0  }
0x32: {  	[sflag:s22] =	ssyncset.done $0x0  }
0x33: {  	[sflag:s22] =	ssyncadd.s32 $0xFFFFFF40  }
0x34: {  	[tilespmem:s23], [sflag:$0x2] =	stream.indirect.gather [spmem:s4], $0x80, s17, s19, $0xb8;
	[tilespmem:$0x1C680] =	vst v63  }
0x35: {  	s14 =	simm.s32 $0x0  }
0x36: {  	[tilespmem:s25], [sflag:$0x2] =	stream.indirect.gather [spmem:s4], $0x80, s24, s19, $0xb8;
	[tilespmem:$0x1C680] =	vst v63  }
.LBB2_2:
0x37: {  	_ =	swait.ge [sflag:s26], $0x2000  }
0x38: {  	[sflag:s26] =	ssyncset.done $0x0  }
0x39: {  	[sflag:s26] =	ssyncadd.s32 $0xFFFFE000  }
0x3a: {  	_ =	swait.ge [sflag:s26], $0x2000  }
0x3b: {  	p1 =	seq.s32 s14, $0x0;
	[sflag:s26] =	ssyncset.done $0x0  }
0x3c: {  	s8 =	simm.s32 @!p1 $0x5;
	[sflag:s26] =	ssyncadd.s32 $0xFFFFE000  }
0x3d: {  	_ =	swait.ge @!p1 [sflag:s8], $0x40  }
0x3e: {  	[sflag:s8] =	ssyncset.done @!p1 $0x0  }
0x3f: {  	s9 =	simm.s32 $0x0;
	[sflag:s8] =	ssyncadd.s32 @!p1 $0xFFFFFFC0  }
.LBB2_3:
0x40: {  	s13 =	sshll.u32 s9, $0x4  }
0x41: {  	v16 =	vld [tilespmem:s13+$0x80];
	_ =	sdelay $0x4  }
0x42: {  	v16 =	vshll.u32 v16, $0x9  }
0x43: {  	v16 =	vshra.s32 v16, $0x2  }
0x44: {  	(v2sf) =	vpush v16, $0x0;
	_ =	sdelay $0x3  }
0x45: {  	s16 =	sshll.u32 s9, $0xB  }
0x46: {  	v18 =	vld [tilespmem:s16+$0x200]  }
0x47: {  	v19 =	vld [tilespmem:s16+$0x2200]  }
0x48: {  	v21 =	vld [tilespmem:s16+$0x210]  }
0x49: {  	v22 =	vld [tilespmem:s16+$0x2210]  }
0x4a: {  	v24 =	vld [tilespmem:s16+$0x220]  }
0x4b: {  	v25 =	vld [tilespmem:s16+$0x2220]  }
0x4c: {  	v27 =	vld [tilespmem:s16+$0x230]  }
0x4d: {  	v28 =	vld [tilespmem:s16+$0x2230]  }
0x4e: {  	v30 =	vld [tilespmem:s16+$0x240]  }
0x4f: {  	v44 =	vld [tilespmem:s16+$0x2240]  }
0x50: {  	v46 =	vld [tilespmem:s16+$0x250];
	s8 =	spop (v2sf)  }
0x51: {  	v17 =	vld [tilespmem:s8+$0x8200]  }
0x52: {  	v20 =	vld [tilespmem:s8+$0x8210]  }
0x53: {  	v48 =	vld [tilespmem:s16+$0x2250]  }
0x54: {  	v23 =	vld [tilespmem:s8+$0x8220]  }
0x55: {  	v52 =	vld [tilespmem:s16+$0x260];
	v18 =	vmul.f32 v19, v18;
	v21 =	vmul.f32 v22, v21  }
0x56: {  	v47 =	vmul.f32 v25, v24;
	v26 =	vld [tilespmem:s8+$0x8230]  }
0x57: {  	v53 =	vld [tilespmem:s16+$0x2260];
	v17 =	vmul.f32 v18, v17;
	v20 =	vmul.f32 v21, v20  }
0x58: {  	(v2sf) =	vpush v16, $0x1;
	v29 =	vld [tilespmem:s8+$0x8240]  }
0x59: {  	v55 =	vld [tilespmem:s16+$0x270];
	v51 =	vmul.f32 v28, v27;
	v50 =	vmul.f32 v47, v23;
	v17 =	vadd.f32 v20, v17  }
0x5a: {  	v45 =	vld [tilespmem:s8+$0x8250]  }
0x5b: {  	v56 =	vld [tilespmem:s16+$0x2270];
	v19 =	vmul.f32 v44, v30;
	v54 =	vmul.f32 v51, v26;
	v17 =	vadd.f32 v50, v17  }
0x5c: {  	v49 =	vld [tilespmem:s8+$0x8260]  }
0x5d: {  	v19 =	vmul.f32 v19, v29;
	v18 =	vmul.f32 v48, v46;
	v17 =	vadd.f32 v54, v17  }
0x5e: {  	v57 =	vld [tilespmem:s8+$0x8270]  }
0x5f: {  	v58 =	vmul.f32 v53, v52;
	v18 =	vmul.f32 v18, v45;
	v17 =	vadd.f32 v19, v17;
	_ =	sdelay $0x1  }
0x60: {  	v60 =	vmul.f32 v56, v55;
	v59 =	vmul.f32 v58, v49;
	v17 =	vadd.f32 v18, v17;
	_ =	sdelay $0x1  }
0x61: {  	v61 =	vmul.f32 v60, v57;
	v17 =	vadd.f32 v59, v17;
	_ =	sdelay $0x1  }
0x62: {  	v17 =	vadd.f32 v61, v17;
	_ =	sdelay $0x1  }
0x63: {  	s15 =	spop (v2sf);
	[tilespmem:$0x8500] =	vst v17  }
0x64: {  	v17 =	vld [tilespmem:s15+$0x8200]  }
0x65: {  	v62 =	vld [tilespmem:s16+$0x280]  }
0x66: {  	v63 =	vld [tilespmem:s16+$0x2280]  }
0x67: {  	v33 =	vld [tilespmem:s15+$0x8210]  }
0x68: {  	v34 =	vld [tilespmem:s16+$0x290]  }
0x69: {  	v35 =	vld [tilespmem:s16+$0x2290]  }
0x6a: {  	v36 =	vld [tilespmem:s15+$0x8220]  }
0x6b: {  	v37 =	vld [tilespmem:s16+$0x2A0]  }
0x6c: {  	v38 =	vld [tilespmem:s16+$0x22A0]  }
0x6d: {  	v39 =	vld [tilespmem:s15+$0x8230]  }
0x6e: {  	v40 =	vld [tilespmem:s16+$0x2B0]  }
0x6f: {  	v41 =	vld [tilespmem:s16+$0x22B0]  }
0x70: {  	v42 =	vld [tilespmem:s15+$0x8240]  }
0x71: {  	v43 =	vld [tilespmem:s16+$0x2C0]  }
0x72: {  	v44 =	vld [tilespmem:s16+$0x22C0]  }
0x73: {  	v45 =	vld [tilespmem:s15+$0x8250];
	v18 =	vmul.f32 v63, v62;
	v21 =	vmul.f32 v35, v34  }
0x74: {  	v46 =	vld [tilespmem:s16+$0x2D0];
	v47 =	vmul.f32 v38, v37  }
0x75: {  	v48 =	vld [tilespmem:s16+$0x22D0];
	v17 =	vmul.f32 v18, v17;
	v20 =	vmul.f32 v21, v33  }
0x76: {  	(v2sf) =	vpush v16, $0x2;
	v49 =	vld [tilespmem:s15+$0x8260]  }
0x77: {  	v52 =	vld [tilespmem:s16+$0x2E0];
	v51 =	vmul.f32 v41, v40;
	v50 =	vmul.f32 v47, v36;
	v17 =	vadd.f32 v20, v17  }
0x78: {  	v53 =	vld [tilespmem:s16+$0x22E0]  }
0x79: {  	v55 =	vld [tilespmem:s16+$0x2F0];
	v19 =	vmul.f32 v44, v43;
	v54 =	vmul.f32 v51, v39;
	v17 =	vadd.f32 v50, v17  }
0x7a: {  	v56 =	vld [tilespmem:s16+$0x22F0]  }
0x7b: {  	v19 =	vmul.f32 v19, v42;
	v18 =	vmul.f32 v48, v46;
	v17 =	vadd.f32 v54, v17  }
0x7c: {  	v57 =	vld [tilespmem:s15+$0x8270]  }
0x7d: {  	v58 =	vmul.f32 v53, v52;
	v18 =	vmul.f32 v18, v45;
	v17 =	vadd.f32 v19, v17;
	_ =	sdelay $0x1  }
0x7e: {  	v60 =	vmul.f32 v56, v55;
	v59 =	vmul.f32 v58, v49;
	v17 =	vadd.f32 v18, v17;
	_ =	sdelay $0x1  }
0x7f: {  	v61 =	vmul.f32 v60, v57;
	v17 =	vadd.f32 v59, v17;
	_ =	sdelay $0x1  }
0x80: {  	v17 =	vadd.f32 v61, v17;
	_ =	sdelay $0x1  }
0x81: {  	s15 =	spop (v2sf);
	[tilespmem:$0x8580] =	vst v17  }
0x82: {  	v17 =	vld [tilespmem:s15+$0x8200]  }
0x83: {  	v62 =	vld [tilespmem:s16+$0x300]  }
0x84: {  	v63 =	vld [tilespmem:s16+$0x2300]  }
0x85: {  	v33 =	vld [tilespmem:s15+$0x8210]  }
0x86: {  	v34 =	vld [tilespmem:s16+$0x310]  }
0x87: {  	v35 =	vld [tilespmem:s16+$0x2310]  }
0x88: {  	v36 =	vld [tilespmem:s15+$0x8220]  }
0x89: {  	v37 =	vld [tilespmem:s16+$0x320]  }
0x8a: {  	v38 =	vld [tilespmem:s16+$0x2320]  }
0x8b: {  	v39 =	vld [tilespmem:s15+$0x8230]  }
0x8c: {  	v40 =	vld [tilespmem:s16+$0x330]  }
0x8d: {  	v41 =	vld [tilespmem:s16+$0x2330]  }
0x8e: {  	v42 =	vld [tilespmem:s15+$0x8240]  }
0x8f: {  	v43 =	vld [tilespmem:s16+$0x340]  }
0x90: {  	v44 =	vld [tilespmem:s16+$0x2340]  }
0x91: {  	v45 =	vld [tilespmem:s15+$0x8250];
	v18 =	vmul.f32 v63, v62;
	v21 =	vmul.f32 v35, v34  }
0x92: {  	v46 =	vld [tilespmem:s16+$0x350];
	v47 =	vmul.f32 v38, v37  }
0x93: {  	v48 =	vld [tilespmem:s16+$0x2350];
	v17 =	vmul.f32 v18, v17;
	v20 =	vmul.f32 v21, v33  }
0x94: {  	(v2sf) =	vpush v16, $0x3;
	v49 =	vld [tilespmem:s15+$0x8260]  }
0x95: {  	v52 =	vld [tilespmem:s16+$0x360];
	v51 =	vmul.f32 v41, v40;
	v50 =	vmul.f32 v47, v36;
	v17 =	vadd.f32 v20, v17  }
0x96: {  	v53 =	vld [tilespmem:s16+$0x2360]  }
0x97: {  	v55 =	vld [tilespmem:s16+$0x370];
	v19 =	vmul.f32 v44, v43;
	v54 =	vmul.f32 v51, v39;
	v17 =	vadd.f32 v50, v17  }
0x98: {  	v56 =	vld [tilespmem:s16+$0x2370]  }
0x99: {  	v19 =	vmul.f32 v19, v42;
	v18 =	vmul.f32 v48, v46;
	v17 =	vadd.f32 v54, v17  }
0x9a: {  	v57 =	vld [tilespmem:s15+$0x8270]  }
0x9b: {  	v58 =	vmul.f32 v53, v52;
	v18 =	vmul.f32 v18, v45;
	v17 =	vadd.f32 v19, v17;
	_ =	sdelay $0x1  }
0x9c: {  	v60 =	vmul.f32 v56, v55;
	v59 =	vmul.f32 v58, v49;
	v17 =	vadd.f32 v18, v17;
	_ =	sdelay $0x1  }
0x9d: {  	v61 =	vmul.f32 v60, v57;
	v17 =	vadd.f32 v59, v17;
	_ =	sdelay $0x1  }
0x9e: {  	v17 =	vadd.f32 v61, v17;
	_ =	sdelay $0x1  }
0x9f: {  	s15 =	spop (v2sf);
	[tilespmem:$0x8600] =	vst v17  }
0xa0: {  	v17 =	vld [tilespmem:s15+$0x8200]  }
0xa1: {  	v62 =	vld [tilespmem:s16+$0x380]  }
0xa2: {  	v63 =	vld [tilespmem:s16+$0x2380]  }
0xa3: {  	v33 =	vld [tilespmem:s15+$0x8210]  }
0xa4: {  	v34 =	vld [tilespmem:s16+$0x390]  }
0xa5: {  	v35 =	vld [tilespmem:s16+$0x2390]  }
0xa6: {  	v36 =	vld [tilespmem:s15+$0x8220]  }
0xa7: {  	v37 =	vld [tilespmem:s16+$0x3A0]  }
0xa8: {  	v38 =	vld [tilespmem:s16+$0x23A0]  }
0xa9: {  	v39 =	vld [tilespmem:s15+$0x8230]  }
0xaa: {  	v40 =	vld [tilespmem:s16+$0x3B0]  }
0xab: {  	v41 =	vld [tilespmem:s16+$0x23B0]  }
0xac: {  	v42 =	vld [tilespmem:s15+$0x8240]  }
0xad: {  	v43 =	vld [tilespmem:s16+$0x3C0]  }
0xae: {  	v44 =	vld [tilespmem:s16+$0x23C0]  }
0xaf: {  	v45 =	vld [tilespmem:s15+$0x8250];
	v18 =	vmul.f32 v63, v62;
	v21 =	vmul.f32 v35, v34  }
0xb0: {  	v46 =	vld [tilespmem:s16+$0x3D0];
	v47 =	vmul.f32 v38, v37  }
0xb1: {  	v48 =	vld [tilespmem:s16+$0x23D0];
	v17 =	vmul.f32 v18, v17;
	v20 =	vmul.f32 v21, v33  }
0xb2: {  	(v2sf) =	vpush v16, $0x4;
	v49 =	vld [tilespmem:s15+$0x8260]  }
0xb3: {  	v52 =	vld [tilespmem:s16+$0x3E0];
	v51 =	vmul.f32 v41, v40;
	v50 =	vmul.f32 v47, v36;
	v17 =	vadd.f32 v20, v17  }
0xb4: {  	v53 =	vld [tilespmem:s16+$0x23E0]  }
0xb5: {  	v55 =	vld [tilespmem:s16+$0x3F0];
	v19 =	vmul.f32 v44, v43;
	v54 =	vmul.f32 v51, v39;
	v17 =	vadd.f32 v50, v17  }
0xb6: {  	v56 =	vld [tilespmem:s16+$0x23F0]  }
0xb7: {  	v19 =	vmul.f32 v19, v42;
	v18 =	vmul.f32 v48, v46;
	v17 =	vadd.f32 v54, v17  }
0xb8: {  	v57 =	vld [tilespmem:s15+$0x8270]  }
0xb9: {  	v58 =	vmul.f32 v53, v52;
	v18 =	vmul.f32 v18, v45;
	v17 =	vadd.f32 v19, v17;
	_ =	sdelay $0x1  }
0xba: {  	v60 =	vmul.f32 v56, v55;
	v59 =	vmul.f32 v58, v49;
	v17 =	vadd.f32 v18, v17;
	_ =	sdelay $0x1  }
0xbb: {  	v61 =	vmul.f32 v60, v57;
	v17 =	vadd.f32 v59, v17;
	_ =	sdelay $0x1  }
0xbc: {  	v17 =	vadd.f32 v61, v17;
	_ =	sdelay $0x1  }
0xbd: {  	s15 =	spop (v2sf);
	[tilespmem:$0x8680] =	vst v17  }
0xbe: {  	v17 =	vld [tilespmem:s15+$0x8200]  }
0xbf: {  	v62 =	vld [tilespmem:s16+$0x400]  }
0xc0: {  	v63 =	vld [tilespmem:s16+$0x2400]  }
0xc1: {  	v33 =	vld [tilespmem:s15+$0x8210]  }
0xc2: {  	v34 =	vld [tilespmem:s16+$0x410]  }
0xc3: {  	v35 =	vld [tilespmem:s16+$0x2410]  }
0xc4: {  	v36 =	vld [tilespmem:s15+$0x8220]  }
0xc5: {  	v37 =	vld [tilespmem:s16+$0x420]  }
0xc6: {  	v38 =	vld [tilespmem:s16+$0x2420]  }
0xc7: {  	v39 =	vld [tilespmem:s15+$0x8230]  }
0xc8: {  	v40 =	vld [tilespmem:s16+$0x430]  }
0xc9: {  	v41 =	vld [tilespmem:s16+$0x2430]  }
0xca: {  	v42 =	vld [tilespmem:s15+$0x8240]  }
0xcb: {  	v43 =	vld [tilespmem:s16+$0x440]  }
0xcc: {  	v44 =	vld [tilespmem:s16+$0x2440]  }
0xcd: {  	v45 =	vld [tilespmem:s15+$0x8250];
	v18 =	vmul.f32 v63, v62;
	v21 =	vmul.f32 v35, v34  }
0xce: {  	v46 =	vld [tilespmem:s16+$0x450];
	v47 =	vmul.f32 v38, v37  }
0xcf: {  	v48 =	vld [tilespmem:s16+$0x2450];
	v17 =	vmul.f32 v18, v17;
	v20 =	vmul.f32 v21, v33  }
0xd0: {  	(v2sf) =	vpush v16, $0x5;
	v49 =	vld [tilespmem:s15+$0x8260]  }
0xd1: {  	v52 =	vld [tilespmem:s16+$0x460];
	v51 =	vmul.f32 v41, v40;
	v50 =	vmul.f32 v47, v36;
	v17 =	vadd.f32 v20, v17  }
0xd2: {  	v53 =	vld [tilespmem:s16+$0x2460]  }
0xd3: {  	v55 =	vld [tilespmem:s16+$0x470];
	v19 =	vmul.f32 v44, v43;
	v54 =	vmul.f32 v51, v39;
	v17 =	vadd.f32 v50, v17  }
0xd4: {  	v56 =	vld [tilespmem:s16+$0x2470]  }
0xd5: {  	v19 =	vmul.f32 v19, v42;
	v18 =	vmul.f32 v48, v46;
	v17 =	vadd.f32 v54, v17  }
0xd6: {  	v57 =	vld [tilespmem:s15+$0x8270]  }
0xd7: {  	v58 =	vmul.f32 v53, v52;
	v18 =	vmul.f32 v18, v45;
	v17 =	vadd.f32 v19, v17;
	_ =	sdelay $0x1  }
0xd8: {  	v60 =	vmul.f32 v56, v55;
	v59 =	vmul.f32 v58, v49;
	v17 =	vadd.f32 v18, v17;
	_ =	sdelay $0x1  }
0xd9: {  	v61 =	vmul.f32 v60, v57;
	v17 =	vadd.f32 v59, v17;
	_ =	sdelay $0x1  }
0xda: {  	v17 =	vadd.f32 v61, v17;
	_ =	sdelay $0x1  }
0xdb: {  	s15 =	spop (v2sf);
	[tilespmem:$0x8700] =	vst v17  }
0xdc: {  	v17 =	vld [tilespmem:s15+$0x8200]  }
0xdd: {  	v62 =	vld [tilespmem:s16+$0x480]  }
0xde: {  	v63 =	vld [tilespmem:s16+$0x2480]  }
0xdf: {  	v33 =	vld [tilespmem:s15+$0x8210]  }
0xe0: {  	v34 =	vld [tilespmem:s16+$0x490]  }
0xe1: {  	v35 =	vld [tilespmem:s16+$0x2490]  }
0xe2: {  	v36 =	vld [tilespmem:s15+$0x8220]  }
0xe3: {  	v37 =	vld [tilespmem:s16+$0x4A0]  }
0xe4: {  	v38 =	vld [tilespmem:s16+$0x24A0]  }
0xe5: {  	v39 =	vld [tilespmem:s15+$0x8230]  }
0xe6: {  	v40 =	vld [tilespmem:s16+$0x4B0]  }
0xe7: {  	v41 =	vld [tilespmem:s16+$0x24B0]  }
0xe8: {  	v42 =	vld [tilespmem:s15+$0x8240]  }
0xe9: {  	v43 =	vld [tilespmem:s16+$0x4C0]  }
0xea: {  	v44 =	vld [tilespmem:s16+$0x24C0]  }
0xeb: {  	v45 =	vld [tilespmem:s15+$0x8250];
	v18 =	vmul.f32 v63, v62;
	v21 =	vmul.f32 v35, v34  }
0xec: {  	v46 =	vld [tilespmem:s16+$0x4D0];
	v47 =	vmul.f32 v38, v37  }
0xed: {  	v48 =	vld [tilespmem:s16+$0x24D0];
	v17 =	vmul.f32 v18, v17;
	v20 =	vmul.f32 v21, v33  }
0xee: {  	(v2sf) =	vpush v16, $0x6;
	v49 =	vld [tilespmem:s15+$0x8260]  }
0xef: {  	v52 =	vld [tilespmem:s16+$0x4E0];
	v51 =	vmul.f32 v41, v40;
	v50 =	vmul.f32 v47, v36;
	v17 =	vadd.f32 v20, v17  }
0xf0: {  	v53 =	vld [tilespmem:s16+$0x24E0]  }
0xf1: {  	v55 =	vld [tilespmem:s16+$0x4F0];
	v19 =	vmul.f32 v44, v43;
	v54 =	vmul.f32 v51, v39;
	v17 =	vadd.f32 v50, v17  }
0xf2: {  	v56 =	vld [tilespmem:s16+$0x24F0]  }
0xf3: {  	v19 =	vmul.f32 v19, v42;
	v18 =	vmul.f32 v48, v46;
	v17 =	vadd.f32 v54, v17  }
0xf4: {  	v57 =	vld [tilespmem:s15+$0x8270]  }
0xf5: {  	v58 =	vmul.f32 v53, v52;
	v18 =	vmul.f32 v18, v45;
	v17 =	vadd.f32 v19, v17;
	_ =	sdelay $0x1  }
0xf6: {  	v60 =	vmul.f32 v56, v55;
	v59 =	vmul.f32 v58, v49;
	v17 =	vadd.f32 v18, v17;
	_ =	sdelay $0x1  }
0xf7: {  	v61 =	vmul.f32 v60, v57;
	v17 =	vadd.f32 v59, v17;
	_ =	sdelay $0x1  }
0xf8: {  	v17 =	vadd.f32 v61, v17;
	_ =	sdelay $0x1  }
0xf9: {  	s15 =	spop (v2sf);
	[tilespmem:$0x8780] =	vst v17  }
0xfa: {  	v17 =	vld [tilespmem:s15+$0x8200]  }
0xfb: {  	v62 =	vld [tilespmem:s16+$0x500]  }
0xfc: {  	v63 =	vld [tilespmem:s16+$0x2500]  }
0xfd: {  	v33 =	vld [tilespmem:s15+$0x8210]  }
0xfe: {  	v34 =	vld [tilespmem:s16+$0x510]  }
0xff: {  	v35 =	vld [tilespmem:s16+$0x2510]  }
0x100: {  	v36 =	vld [tilespmem:s15+$0x8220]  }
0x101: {  	v37 =	vld [tilespmem:s16+$0x520]  }
0x102: {  	v38 =	vld [tilespmem:s16+$0x2520]  }
0x103: {  	v39 =	vld [tilespmem:s15+$0x8230]  }
0x104: {  	v40 =	vld [tilespmem:s16+$0x530]  }
0x105: {  	v41 =	vld [tilespmem:s16+$0x2530]  }
0x106: {  	v42 =	vld [tilespmem:s15+$0x8240]  }
0x107: {  	v43 =	vld [tilespmem:s16+$0x540]  }
0x108: {  	v44 =	vld [tilespmem:s16+$0x2540]  }
0x109: {  	v45 =	vld [tilespmem:s15+$0x8250];
	v18 =	vmul.f32 v63, v62;
	v21 =	vmul.f32 v35, v34  }
0x10a: {  	v46 =	vld [tilespmem:s16+$0x550];
	v47 =	vmul.f32 v38, v37  }
0x10b: {  	v48 =	vld [tilespmem:s16+$0x2550];
	v17 =	vmul.f32 v18, v17;
	v20 =	vmul.f32 v21, v33  }
0x10c: {  	(v2sf) =	vpush v16, $0x7;
	v49 =	vld [tilespmem:s15+$0x8260]  }
0x10d: {  	v52 =	vld [tilespmem:s16+$0x560];
	v51 =	vmul.f32 v41, v40;
	v50 =	vmul.f32 v47, v36;
	v17 =	vadd.f32 v20, v17  }
0x10e: {  	v53 =	vld [tilespmem:s16+$0x2560]  }
0x10f: {  	v55 =	vld [tilespmem:s16+$0x570];
	v19 =	vmul.f32 v44, v43;
	v54 =	vmul.f32 v51, v39;
	v17 =	vadd.f32 v50, v17  }
0x110: {  	v56 =	vld [tilespmem:s16+$0x2570]  }
0x111: {  	v19 =	vmul.f32 v19, v42;
	v18 =	vmul.f32 v48, v46;
	v17 =	vadd.f32 v54, v17  }
0x112: {  	v57 =	vld [tilespmem:s15+$0x8270]  }
0x113: {  	v58 =	vmul.f32 v53, v52;
	v18 =	vmul.f32 v18, v45;
	v17 =	vadd.f32 v19, v17;
	_ =	sdelay $0x1  }
0x114: {  	v60 =	vmul.f32 v56, v55;
	v59 =	vmul.f32 v58, v49;
	v17 =	vadd.f32 v18, v17;
	_ =	sdelay $0x1  }
0x115: {  	v61 =	vmul.f32 v60, v57;
	v17 =	vadd.f32 v59, v17;
	_ =	sdelay $0x1  }
0x116: {  	v17 =	vadd.f32 v61, v17;
	_ =	sdelay $0x1  }
0x117: {  	s15 =	spop (v2sf);
	[tilespmem:$0x8800] =	vst v17  }
0x118: {  	v17 =	vld [tilespmem:s15+$0x8200]  }
0x119: {  	v62 =	vld [tilespmem:s16+$0x580]  }
0x11a: {  	v63 =	vld [tilespmem:s16+$0x2580]  }
0x11b: {  	v33 =	vld [tilespmem:s15+$0x8210]  }
0x11c: {  	v34 =	vld [tilespmem:s16+$0x590]  }
0x11d: {  	v35 =	vld [tilespmem:s16+$0x2590]  }
0x11e: {  	v36 =	vld [tilespmem:s15+$0x8220]  }
0x11f: {  	v37 =	vld [tilespmem:s16+$0x5A0]  }
0x120: {  	v38 =	vld [tilespmem:s16+$0x25A0]  }
0x121: {  	v39 =	vld [tilespmem:s15+$0x8230]  }
0x122: {  	v40 =	vld [tilespmem:s16+$0x5B0]  }
0x123: {  	v41 =	vld [tilespmem:s16+$0x25B0]  }
0x124: {  	v42 =	vld [tilespmem:s15+$0x8240]  }
0x125: {  	v43 =	vld [tilespmem:s16+$0x5C0]  }
0x126: {  	v44 =	vld [tilespmem:s16+$0x25C0]  }
0x127: {  	v45 =	vld [tilespmem:s15+$0x8250];
	v18 =	vmul.f32 v63, v62;
	v21 =	vmul.f32 v35, v34  }
0x128: {  	v46 =	vld [tilespmem:s16+$0x5D0];
	v47 =	vmul.f32 v38, v37  }
0x129: {  	v48 =	vld [tilespmem:s16+$0x25D0];
	v17 =	vmul.f32 v18, v17;
	v20 =	vmul.f32 v21, v33  }
0x12a: {  	(v2sf) =	vpush v16, $0x8;
	v49 =	vld [tilespmem:s15+$0x8260]  }
0x12b: {  	v52 =	vld [tilespmem:s16+$0x5E0];
	v51 =	vmul.f32 v41, v40;
	v50 =	vmul.f32 v47, v36;
	v17 =	vadd.f32 v20, v17  }
0x12c: {  	v53 =	vld [tilespmem:s16+$0x25E0]  }
0x12d: {  	v55 =	vld [tilespmem:s16+$0x5F0];
	v19 =	vmul.f32 v44, v43;
	v54 =	vmul.f32 v51, v39;
	v17 =	vadd.f32 v50, v17  }
0x12e: {  	v56 =	vld [tilespmem:s16+$0x25F0]  }
0x12f: {  	v19 =	vmul.f32 v19, v42;
	v18 =	vmul.f32 v48, v46;
	v17 =	vadd.f32 v54, v17  }
0x130: {  	v57 =	vld [tilespmem:s15+$0x8270]  }
0x131: {  	v58 =	vmul.f32 v53, v52;
	v18 =	vmul.f32 v18, v45;
	v17 =	vadd.f32 v19, v17;
	_ =	sdelay $0x1  }
0x132: {  	v60 =	vmul.f32 v56, v55;
	v59 =	vmul.f32 v58, v49;
	v17 =	vadd.f32 v18, v17;
	_ =	sdelay $0x1  }
0x133: {  	v61 =	vmul.f32 v60, v57;
	v17 =	vadd.f32 v59, v17;
	_ =	sdelay $0x1  }
0x134: {  	v17 =	vadd.f32 v61, v17;
	_ =	sdelay $0x1  }
0x135: {  	s15 =	spop (v2sf);
	[tilespmem:$0x8880] =	vst v17  }
0x136: {  	v17 =	vld [tilespmem:s15+$0x8200]  }
0x137: {  	v62 =	vld [tilespmem:s16+$0x600]  }
0x138: {  	v63 =	vld [tilespmem:s16+$0x2600]  }
0x139: {  	v33 =	vld [tilespmem:s15+$0x8210]  }
0x13a: {  	v34 =	vld [tilespmem:s16+$0x610]  }
0x13b: {  	v35 =	vld [tilespmem:s16+$0x2610]  }
0x13c: {  	v36 =	vld [tilespmem:s15+$0x8220]  }
0x13d: {  	v37 =	vld [tilespmem:s16+$0x620]  }
0x13e: {  	v38 =	vld [tilespmem:s16+$0x2620]  }
0x13f: {  	v39 =	vld [tilespmem:s15+$0x8230]  }
0x140: {  	v40 =	vld [tilespmem:s16+$0x630]  }
0x141: {  	v41 =	vld [tilespmem:s16+$0x2630]  }
0x142: {  	v42 =	vld [tilespmem:s15+$0x8240]  }
0x143: {  	v43 =	vld [tilespmem:s16+$0x640]  }
0x144: {  	v44 =	vld [tilespmem:s16+$0x2640]  }
0x145: {  	v45 =	vld [tilespmem:s15+$0x8250];
	v18 =	vmul.f32 v63, v62;
	v21 =	vmul.f32 v35, v34  }
0x146: {  	v46 =	vld [tilespmem:s16+$0x650];
	v47 =	vmul.f32 v38, v37  }
0x147: {  	v48 =	vld [tilespmem:s16+$0x2650];
	v17 =	vmul.f32 v18, v17;
	v20 =	vmul.f32 v21, v33  }
0x148: {  	(v2sf) =	vpush v16, $0x9;
	v49 =	vld [tilespmem:s15+$0x8260]  }
0x149: {  	v52 =	vld [tilespmem:s16+$0x660];
	v51 =	vmul.f32 v41, v40;
	v50 =	vmul.f32 v47, v36;
	v17 =	vadd.f32 v20, v17  }
0x14a: {  	v53 =	vld [tilespmem:s16+$0x2660]  }
0x14b: {  	v55 =	vld [tilespmem:s16+$0x670];
	v19 =	vmul.f32 v44, v43;
	v54 =	vmul.f32 v51, v39;
	v17 =	vadd.f32 v50, v17  }
0x14c: {  	v56 =	vld [tilespmem:s16+$0x2670]  }
0x14d: {  	v19 =	vmul.f32 v19, v42;
	v18 =	vmul.f32 v48, v46;
	v17 =	vadd.f32 v54, v17  }
0x14e: {  	v57 =	vld [tilespmem:s15+$0x8270]  }
0x14f: {  	v58 =	vmul.f32 v53, v52;
	v18 =	vmul.f32 v18, v45;
	v17 =	vadd.f32 v19, v17;
	_ =	sdelay $0x1  }
0x150: {  	v60 =	vmul.f32 v56, v55;
	v59 =	vmul.f32 v58, v49;
	v17 =	vadd.f32 v18, v17;
	_ =	sdelay $0x1  }
0x151: {  	v61 =	vmul.f32 v60, v57;
	v17 =	vadd.f32 v59, v17;
	_ =	sdelay $0x1  }
0x152: {  	v17 =	vadd.f32 v61, v17;
	_ =	sdelay $0x1  }
0x153: {  	s15 =	spop (v2sf);
	[tilespmem:$0x8900] =	vst v17  }
0x154: {  	v17 =	vld [tilespmem:s15+$0x8200]  }
0x155: {  	v62 =	vld [tilespmem:s16+$0x680]  }
0x156: {  	v63 =	vld [tilespmem:s16+$0x2680]  }
0x157: {  	v33 =	vld [tilespmem:s15+$0x8210]  }
0x158: {  	v34 =	vld [tilespmem:s16+$0x690]  }
0x159: {  	v35 =	vld [tilespmem:s16+$0x2690]  }
0x15a: {  	v36 =	vld [tilespmem:s15+$0x8220]  }
0x15b: {  	v37 =	vld [tilespmem:s16+$0x6A0]  }
0x15c: {  	v38 =	vld [tilespmem:s16+$0x26A0]  }
0x15d: {  	v39 =	vld [tilespmem:s15+$0x8230]  }
0x15e: {  	v40 =	vld [tilespmem:s16+$0x6B0]  }
0x15f: {  	v41 =	vld [tilespmem:s16+$0x26B0]  }
0x160: {  	v42 =	vld [tilespmem:s15+$0x8240]  }
0x161: {  	v43 =	vld [tilespmem:s16+$0x6C0]  }
0x162: {  	v44 =	vld [tilespmem:s16+$0x26C0]  }
0x163: {  	v45 =	vld [tilespmem:s15+$0x8250];
	v18 =	vmul.f32 v63, v62;
	v21 =	vmul.f32 v35, v34  }
0x164: {  	v46 =	vld [tilespmem:s16+$0x6D0];
	v47 =	vmul.f32 v38, v37  }
0x165: {  	v48 =	vld [tilespmem:s16+$0x26D0];
	v17 =	vmul.f32 v18, v17;
	v20 =	vmul.f32 v21, v33  }
0x166: {  	(v2sf) =	vpush v16, $0xA;
	v49 =	vld [tilespmem:s15+$0x8260]  }
0x167: {  	v52 =	vld [tilespmem:s16+$0x6E0];
	v51 =	vmul.f32 v41, v40;
	v50 =	vmul.f32 v47, v36;
	v17 =	vadd.f32 v20, v17  }
0x168: {  	v53 =	vld [tilespmem:s16+$0x26E0]  }
0x169: {  	v55 =	vld [tilespmem:s16+$0x6F0];
	v19 =	vmul.f32 v44, v43;
	v54 =	vmul.f32 v51, v39;
	v17 =	vadd.f32 v50, v17  }
0x16a: {  	v56 =	vld [tilespmem:s16+$0x26F0]  }
0x16b: {  	v19 =	vmul.f32 v19, v42;
	v18 =	vmul.f32 v48, v46;
	v17 =	vadd.f32 v54, v17  }
0x16c: {  	v57 =	vld [tilespmem:s15+$0x8270]  }
0x16d: {  	v58 =	vmul.f32 v53, v52;
	v18 =	vmul.f32 v18, v45;
	v17 =	vadd.f32 v19, v17;
	_ =	sdelay $0x1  }
0x16e: {  	v60 =	vmul.f32 v56, v55;
	v59 =	vmul.f32 v58, v49;
	v17 =	vadd.f32 v18, v17;
	_ =	sdelay $0x1  }
0x16f: {  	v61 =	vmul.f32 v60, v57;
	v17 =	vadd.f32 v59, v17;
	_ =	sdelay $0x1  }
0x170: {  	v17 =	vadd.f32 v61, v17;
	_ =	sdelay $0x1  }
0x171: {  	s15 =	spop (v2sf);
	[tilespmem:$0x8980] =	vst v17  }
0x172: {  	v17 =	vld [tilespmem:s15+$0x8200]  }
0x173: {  	v62 =	vld [tilespmem:s16+$0x700]  }
0x174: {  	v63 =	vld [tilespmem:s16+$0x2700]  }
0x175: {  	v33 =	vld [tilespmem:s15+$0x8210]  }
0x176: {  	v34 =	vld [tilespmem:s16+$0x710]  }
0x177: {  	v35 =	vld [tilespmem:s16+$0x2710]  }
0x178: {  	v36 =	vld [tilespmem:s15+$0x8220]  }
0x179: {  	v37 =	vld [tilespmem:s16+$0x720]  }
0x17a: {  	v38 =	vld [tilespmem:s16+$0x2720]  }
0x17b: {  	v39 =	vld [tilespmem:s15+$0x8230]  }
0x17c: {  	v40 =	vld [tilespmem:s16+$0x730]  }
0x17d: {  	v41 =	vld [tilespmem:s16+$0x2730]  }
0x17e: {  	v42 =	vld [tilespmem:s15+$0x8240]  }
0x17f: {  	v43 =	vld [tilespmem:s16+$0x740]  }
0x180: {  	v44 =	vld [tilespmem:s16+$0x2740]  }
0x181: {  	v45 =	vld [tilespmem:s15+$0x8250];
	v18 =	vmul.f32 v63, v62;
	v21 =	vmul.f32 v35, v34  }
0x182: {  	v46 =	vld [tilespmem:s16+$0x750];
	v47 =	vmul.f32 v38, v37  }
0x183: {  	v48 =	vld [tilespmem:s16+$0x2750];
	v17 =	vmul.f32 v18, v17;
	v20 =	vmul.f32 v21, v33  }
0x184: {  	(v2sf) =	vpush v16, $0xB;
	v49 =	vld [tilespmem:s15+$0x8260]  }
0x185: {  	v52 =	vld [tilespmem:s16+$0x760];
	v51 =	vmul.f32 v41, v40;
	v50 =	vmul.f32 v47, v36;
	v17 =	vadd.f32 v20, v17  }
0x186: {  	v53 =	vld [tilespmem:s16+$0x2760]  }
0x187: {  	v55 =	vld [tilespmem:s16+$0x770];
	v19 =	vmul.f32 v44, v43;
	v54 =	vmul.f32 v51, v39;
	v17 =	vadd.f32 v50, v17  }
0x188: {  	v56 =	vld [tilespmem:s16+$0x2770]  }
0x189: {  	v19 =	vmul.f32 v19, v42;
	v18 =	vmul.f32 v48, v46;
	v17 =	vadd.f32 v54, v17  }
0x18a: {  	v57 =	vld [tilespmem:s15+$0x8270]  }
0x18b: {  	v58 =	vmul.f32 v53, v52;
	v18 =	vmul.f32 v18, v45;
	v17 =	vadd.f32 v19, v17;
	_ =	sdelay $0x1  }
0x18c: {  	v60 =	vmul.f32 v56, v55;
	v59 =	vmul.f32 v58, v49;
	v17 =	vadd.f32 v18, v17;
	_ =	sdelay $0x1  }
0x18d: {  	v61 =	vmul.f32 v60, v57;
	v17 =	vadd.f32 v59, v17;
	_ =	sdelay $0x1  }
0x18e: {  	v17 =	vadd.f32 v61, v17;
	_ =	sdelay $0x1  }
0x18f: {  	s15 =	spop (v2sf);
	[tilespmem:$0x8A00] =	vst v17  }
0x190: {  	v17 =	vld [tilespmem:s15+$0x8200]  }
0x191: {  	v62 =	vld [tilespmem:s16+$0x780]  }
0x192: {  	v63 =	vld [tilespmem:s16+$0x2780]  }
0x193: {  	v33 =	vld [tilespmem:s15+$0x8210]  }
0x194: {  	v34 =	vld [tilespmem:s16+$0x790]  }
0x195: {  	v35 =	vld [tilespmem:s16+$0x2790]  }
0x196: {  	v36 =	vld [tilespmem:s15+$0x8220]  }
0x197: {  	v37 =	vld [tilespmem:s16+$0x7A0]  }
0x198: {  	v38 =	vld [tilespmem:s16+$0x27A0]  }
0x199: {  	v39 =	vld [tilespmem:s15+$0x8230]  }
0x19a: {  	v40 =	vld [tilespmem:s16+$0x7B0]  }
0x19b: {  	v41 =	vld [tilespmem:s16+$0x27B0]  }
0x19c: {  	v42 =	vld [tilespmem:s15+$0x8240]  }
0x19d: {  	v43 =	vld [tilespmem:s16+$0x7C0]  }
0x19e: {  	v44 =	vld [tilespmem:s16+$0x27C0]  }
0x19f: {  	v45 =	vld [tilespmem:s15+$0x8250];
	v18 =	vmul.f32 v63, v62;
	v21 =	vmul.f32 v35, v34  }
0x1a0: {  	v46 =	vld [tilespmem:s16+$0x7D0];
	v47 =	vmul.f32 v38, v37  }
0x1a1: {  	v48 =	vld [tilespmem:s16+$0x27D0];
	v17 =	vmul.f32 v18, v17;
	v20 =	vmul.f32 v21, v33  }
0x1a2: {  	(v2sf) =	vpush v16, $0xC;
	v49 =	vld [tilespmem:s15+$0x8260]  }
0x1a3: {  	v52 =	vld [tilespmem:s16+$0x7E0];
	v51 =	vmul.f32 v41, v40;
	v50 =	vmul.f32 v47, v36;
	v17 =	vadd.f32 v20, v17  }
0x1a4: {  	v53 =	vld [tilespmem:s16+$0x27E0]  }
0x1a5: {  	v55 =	vld [tilespmem:s16+$0x7F0];
	v19 =	vmul.f32 v44, v43;
	v54 =	vmul.f32 v51, v39;
	v17 =	vadd.f32 v50, v17  }
0x1a6: {  	v56 =	vld [tilespmem:s16+$0x27F0]  }
0x1a7: {  	v19 =	vmul.f32 v19, v42;
	v18 =	vmul.f32 v48, v46;
	v17 =	vadd.f32 v54, v17  }
0x1a8: {  	v57 =	vld [tilespmem:s15+$0x8270]  }
0x1a9: {  	v58 =	vmul.f32 v53, v52;
	v18 =	vmul.f32 v18, v45;
	v17 =	vadd.f32 v19, v17;
	_ =	sdelay $0x1  }
0x1aa: {  	v60 =	vmul.f32 v56, v55;
	v59 =	vmul.f32 v58, v49;
	v17 =	vadd.f32 v18, v17;
	_ =	sdelay $0x1  }
0x1ab: {  	v61 =	vmul.f32 v60, v57;
	v17 =	vadd.f32 v59, v17;
	_ =	sdelay $0x1  }
0x1ac: {  	v17 =	vadd.f32 v61, v17;
	_ =	sdelay $0x1  }
0x1ad: {  	s15 =	spop (v2sf);
	[tilespmem:$0x8A80] =	vst v17  }
0x1ae: {  	v17 =	vld [tilespmem:s15+$0x8200]  }
0x1af: {  	v62 =	vld [tilespmem:s16+$0x800]  }
0x1b0: {  	v63 =	vld [tilespmem:s16+$0x2800]  }
0x1b1: {  	v33 =	vld [tilespmem:s15+$0x8210]  }
0x1b2: {  	v34 =	vld [tilespmem:s16+$0x810]  }
0x1b3: {  	v35 =	vld [tilespmem:s16+$0x2810]  }
0x1b4: {  	v36 =	vld [tilespmem:s15+$0x8220]  }
0x1b5: {  	v37 =	vld [tilespmem:s16+$0x820]  }
0x1b6: {  	v38 =	vld [tilespmem:s16+$0x2820]  }
0x1b7: {  	v39 =	vld [tilespmem:s15+$0x8230]  }
0x1b8: {  	v40 =	vld [tilespmem:s16+$0x830]  }
0x1b9: {  	v41 =	vld [tilespmem:s16+$0x2830]  }
0x1ba: {  	v42 =	vld [tilespmem:s15+$0x8240]  }
0x1bb: {  	v43 =	vld [tilespmem:s16+$0x840]  }
0x1bc: {  	v44 =	vld [tilespmem:s16+$0x2840]  }
0x1bd: {  	v45 =	vld [tilespmem:s15+$0x8250];
	v18 =	vmul.f32 v63, v62;
	v21 =	vmul.f32 v35, v34  }
0x1be: {  	v46 =	vld [tilespmem:s16+$0x850];
	v47 =	vmul.f32 v38, v37  }
0x1bf: {  	v48 =	vld [tilespmem:s16+$0x2850];
	v17 =	vmul.f32 v18, v17;
	v20 =	vmul.f32 v21, v33  }
0x1c0: {  	(v2sf) =	vpush v16, $0xD;
	v49 =	vld [tilespmem:s15+$0x8260]  }
0x1c1: {  	v52 =	vld [tilespmem:s16+$0x860];
	v51 =	vmul.f32 v41, v40;
	v50 =	vmul.f32 v47, v36;
	v17 =	vadd.f32 v20, v17  }
0x1c2: {  	v53 =	vld [tilespmem:s16+$0x2860]  }
0x1c3: {  	v55 =	vld [tilespmem:s16+$0x870];
	v19 =	vmul.f32 v44, v43;
	v54 =	vmul.f32 v51, v39;
	v17 =	vadd.f32 v50, v17  }
0x1c4: {  	v56 =	vld [tilespmem:s16+$0x2870]  }
0x1c5: {  	v19 =	vmul.f32 v19, v42;
	v18 =	vmul.f32 v48, v46;
	v17 =	vadd.f32 v54, v17  }
0x1c6: {  	v57 =	vld [tilespmem:s15+$0x8270]  }
0x1c7: {  	v58 =	vmul.f32 v53, v52;
	v18 =	vmul.f32 v18, v45;
	v17 =	vadd.f32 v19, v17;
	_ =	sdelay $0x1  }
0x1c8: {  	v60 =	vmul.f32 v56, v55;
	v59 =	vmul.f32 v58, v49;
	v17 =	vadd.f32 v18, v17;
	_ =	sdelay $0x1  }
0x1c9: {  	v61 =	vmul.f32 v60, v57;
	v17 =	vadd.f32 v59, v17;
	_ =	sdelay $0x1  }
0x1ca: {  	v17 =	vadd.f32 v61, v17;
	_ =	sdelay $0x1  }
0x1cb: {  	s15 =	spop (v2sf);
	[tilespmem:$0x8B00] =	vst v17  }
0x1cc: {  	v17 =	vld [tilespmem:s15+$0x8200]  }
0x1cd: {  	v62 =	vld [tilespmem:s16+$0x880]  }
0x1ce: {  	v63 =	vld [tilespmem:s16+$0x2880]  }
0x1cf: {  	v33 =	vld [tilespmem:s15+$0x8210]  }
0x1d0: {  	v34 =	vld [tilespmem:s16+$0x890]  }
0x1d1: {  	v35 =	vld [tilespmem:s16+$0x2890]  }
0x1d2: {  	v36 =	vld [tilespmem:s15+$0x8220]  }
0x1d3: {  	v37 =	vld [tilespmem:s16+$0x8A0]  }
0x1d4: {  	v38 =	vld [tilespmem:s16+$0x28A0]  }
0x1d5: {  	v39 =	vld [tilespmem:s15+$0x8230]  }
0x1d6: {  	v40 =	vld [tilespmem:s16+$0x8B0]  }
0x1d7: {  	v41 =	vld [tilespmem:s16+$0x28B0]  }
0x1d8: {  	v42 =	vld [tilespmem:s15+$0x8240]  }
0x1d9: {  	v43 =	vld [tilespmem:s16+$0x8C0]  }
0x1da: {  	v44 =	vld [tilespmem:s16+$0x28C0]  }
0x1db: {  	v45 =	vld [tilespmem:s15+$0x8250];
	v18 =	vmul.f32 v63, v62;
	v21 =	vmul.f32 v35, v34  }
0x1dc: {  	v46 =	vld [tilespmem:s16+$0x8D0];
	v47 =	vmul.f32 v38, v37  }
0x1dd: {  	v48 =	vld [tilespmem:s16+$0x28D0];
	v17 =	vmul.f32 v18, v17;
	v20 =	vmul.f32 v21, v33  }
0x1de: {  	(v2sf) =	vpush v16, $0xE;
	v49 =	vld [tilespmem:s15+$0x8260]  }
0x1df: {  	v52 =	vld [tilespmem:s16+$0x8E0];
	v51 =	vmul.f32 v41, v40;
	v50 =	vmul.f32 v47, v36;
	v17 =	vadd.f32 v20, v17  }
0x1e0: {  	v53 =	vld [tilespmem:s16+$0x28E0]  }
0x1e1: {  	v55 =	vld [tilespmem:s16+$0x8F0];
	v19 =	vmul.f32 v44, v43;
	v54 =	vmul.f32 v51, v39;
	v17 =	vadd.f32 v50, v17  }
0x1e2: {  	v56 =	vld [tilespmem:s16+$0x28F0]  }
0x1e3: {  	v19 =	vmul.f32 v19, v42;
	v18 =	vmul.f32 v48, v46;
	v17 =	vadd.f32 v54, v17  }
0x1e4: {  	v57 =	vld [tilespmem:s15+$0x8270]  }
0x1e5: {  	v58 =	vmul.f32 v53, v52;
	v18 =	vmul.f32 v18, v45;
	v17 =	vadd.f32 v19, v17;
	_ =	sdelay $0x1  }
0x1e6: {  	v60 =	vmul.f32 v56, v55;
	v59 =	vmul.f32 v58, v49;
	v17 =	vadd.f32 v18, v17;
	_ =	sdelay $0x1  }
0x1e7: {  	v61 =	vmul.f32 v60, v57;
	v17 =	vadd.f32 v59, v17;
	_ =	sdelay $0x1  }
0x1e8: {  	v17 =	vadd.f32 v61, v17;
	_ =	sdelay $0x1  }
0x1e9: {  	s15 =	spop (v2sf);
	[tilespmem:$0x8B80] =	vst v17  }
0x1ea: {  	v17 =	vld [tilespmem:s15+$0x8200]  }
0x1eb: {  	v62 =	vld [tilespmem:s16+$0x900]  }
0x1ec: {  	v63 =	vld [tilespmem:s16+$0x2900]  }
0x1ed: {  	v33 =	vld [tilespmem:s15+$0x8210]  }
0x1ee: {  	v34 =	vld [tilespmem:s16+$0x910]  }
0x1ef: {  	v35 =	vld [tilespmem:s16+$0x2910]  }
0x1f0: {  	v36 =	vld [tilespmem:s15+$0x8220]  }
0x1f1: {  	v37 =	vld [tilespmem:s16+$0x920]  }
0x1f2: {  	v38 =	vld [tilespmem:s16+$0x2920]  }
0x1f3: {  	v39 =	vld [tilespmem:s15+$0x8230]  }
0x1f4: {  	v40 =	vld [tilespmem:s16+$0x930]  }
0x1f5: {  	v41 =	vld [tilespmem:s16+$0x2930]  }
0x1f6: {  	v42 =	vld [tilespmem:s15+$0x8240]  }
0x1f7: {  	v43 =	vld [tilespmem:s16+$0x940]  }
0x1f8: {  	v44 =	vld [tilespmem:s16+$0x2940]  }
0x1f9: {  	v45 =	vld [tilespmem:s15+$0x8250];
	v18 =	vmul.f32 v63, v62;
	v21 =	vmul.f32 v35, v34  }
0x1fa: {  	v46 =	vld [tilespmem:s16+$0x950];
	v47 =	vmul.f32 v38, v37  }
0x1fb: {  	v48 =	vld [tilespmem:s16+$0x2950];
	v17 =	vmul.f32 v18, v17;
	v20 =	vmul.f32 v21, v33  }
0x1fc: {  	(v2sf) =	vpush v16, $0xF;
	v16 =	vld [tilespmem:s15+$0x8260]  }
0x1fd: {  	v51 =	vld [tilespmem:s16+$0x960];
	v50 =	vmul.f32 v41, v40;
	v49 =	vmul.f32 v47, v36;
	v17 =	vadd.f32 v20, v17  }
0x1fe: {  	v52 =	vld [tilespmem:s16+$0x2960]  }
0x1ff: {  	v54 =	vld [tilespmem:s16+$0x970];
	v19 =	vmul.f32 v44, v43;
	v53 =	vmul.f32 v50, v39;
	v17 =	vadd.f32 v49, v17  }
0x200: {  	v55 =	vld [tilespmem:s16+$0x2970]  }
0x201: {  	v19 =	vmul.f32 v19, v42;
	v18 =	vmul.f32 v48, v46;
	v17 =	vadd.f32 v53, v17  }
0x202: {  	v56 =	vld [tilespmem:s15+$0x8270]  }
0x203: {  	v57 =	vmul.f32 v52, v51;
	v18 =	vmul.f32 v18, v45;
	v17 =	vadd.f32 v19, v17;
	_ =	sdelay $0x1  }
0x204: {  	v58 =	vmul.f32 v55, v54;
	v16 =	vmul.f32 v57, v16;
	v17 =	vadd.f32 v18, v17;
	_ =	sdelay $0x1  }
0x205: {  	v16 =	vadd.f32 v16, v17;
	v17 =	vmul.f32 v58, v56;
	_ =	sdelay $0x1  }
0x206: {  	v16 =	vadd.f32 v17, v16;
	_ =	sdelay $0x1  }
0x207: {  	s15 =	spop (v2sf);
	[tilespmem:$0x8C00] =	vst v16  }
0x208: {  	v16 =	vld [tilespmem:s15+$0x8200]  }
0x209: {  	v17 =	vld [tilespmem:s16+$0x980]  }
0x20a: {  	v59 =	vld [tilespmem:s16+$0x2980]  }
0x20b: {  	v60 =	vld [tilespmem:s15+$0x8210]  }
0x20c: {  	v61 =	vld [tilespmem:s16+$0x990]  }
0x20d: {  	v62 =	vld [tilespmem:s16+$0x2990]  }
0x20e: {  	v63 =	vld [tilespmem:s15+$0x8220]  }
0x20f: {  	v32 =	vld [tilespmem:s16+$0x9A0]  }
0x210: {  	v33 =	vld [tilespmem:s16+$0x29A0]  }
0x211: {  	v34 =	vld [tilespmem:s15+$0x8230]  }
0x212: {  	v35 =	vld [tilespmem:s16+$0x9B0]  }
0x213: {  	v36 =	vld [tilespmem:s16+$0x29B0]  }
0x214: {  	v37 =	vld [tilespmem:s15+$0x8240]  }
0x215: {  	v38 =	vld [tilespmem:s16+$0x9C0]  }
0x216: {  	v39 =	vld [tilespmem:s16+$0x29C0]  }
0x217: {  	v40 =	vld [tilespmem:s15+$0x8250];
	v17 =	vmul.f32 v59, v17;
	v20 =	vmul.f32 v62, v61  }
0x218: {  	v42 =	vld [tilespmem:s16+$0x29D0];
	v41 =	vmul.f32 v33, v32  }
0x219: {  	v43 =	vld [tilespmem:s15+$0x8260];
	v16 =	vmul.f32 v17, v16;
	v19 =	vmul.f32 v20, v60  }
0x21a: {  	v17 =	vld [tilespmem:s16+$0x9D0]  }
0x21b: {  	v46 =	vld [tilespmem:s16+$0x9E0];
	v45 =	vmul.f32 v36, v35;
	v44 =	vmul.f32 v41, v63;
	v16 =	vadd.f32 v19, v16  }
0x21c: {  	v47 =	vld [tilespmem:s16+$0x29E0]  }
0x21d: {  	v49 =	vld [tilespmem:s16+$0x9F0];
	v18 =	vmul.f32 v39, v38;
	v48 =	vmul.f32 v45, v34;
	v16 =	vadd.f32 v44, v16  }
0x21e: {  	v50 =	vld [tilespmem:s16+$0x29F0]  }
0x21f: {  	v18 =	vmul.f32 v18, v37;
	v17 =	vmul.f32 v42, v17;
	v16 =	vadd.f32 v48, v16  }
0x220: {  	v51 =	vld [tilespmem:s15+$0x8270]  }
0x221: {  	v52 =	vmul.f32 v47, v46;
	v17 =	vmul.f32 v17, v40;
	v16 =	vadd.f32 v18, v16;
	_ =	sdelay $0x1  }
0x222: {  	v53 =	vmul.f32 v50, v49;
	v16 =	vadd.f32 v17, v16;
	v17 =	vmul.f32 v52, v43;
	_ =	sdelay $0x1  }
0x223: {  	v16 =	vadd.f32 v17, v16;
	v17 =	vmul.f32 v53, v51;
	_ =	sdelay $0x1  }
0x224: {  	v16 =	vadd.f32 v17, v16;
	_ =	sdelay $0x1  }
0x225: {  	[tilespmem:$0x8C80] =	vst v16  }
0x226: {  	v16 =	vld.idx.msk [tilespmem:v0+s28+$0x0], $0xffff  }
0x227: {  	v17 =	vld.idx.msk [tilespmem:v1+s28+$0x0], $0xffff;
	_ =	sdelay $0x1  }
0x228: {  	v54 =	vld.idx.msk [tilespmem:v2+s28+$0x0], $0xffff;
	_ =	sdelay $0x1  }
0x229: {  	v55 =	vld.idx.msk [tilespmem:v3+s28+$0x0], $0xffff  }
0x22a: {  	v16 =	vadd.f32 v17, v16  }
0x22b: {  	v17 =	vld.idx.msk [tilespmem:v4+s28+$0x0], $0xffff  }
0x22c: {  	v16 =	vadd.f32 v54, v16  }
0x22d: {  	v56 =	vld.idx.msk [tilespmem:v5+s28+$0x0], $0xffff  }
0x22e: {  	v16 =	vadd.f32 v55, v16  }
0x22f: {  	v57 =	vld.idx.msk [tilespmem:v6+s28+$0x0], $0xffff  }
0x230: {  	v16 =	vadd.f32 v17, v16  }
0x231: {  	v17 =	vld.idx.msk [tilespmem:v7+s28+$0x0], $0xffff  }
0x232: {  	v16 =	vadd.f32 v56, v16  }
0x233: {  	v58 =	vld.idx.msk [tilespmem:v8+s28+$0x0], $0xffff  }
0x234: {  	v16 =	vadd.f32 v57, v16  }
0x235: {  	v59 =	vld.idx.msk [tilespmem:v9+s28+$0x0], $0xffff  }
0x236: {  	v16 =	vadd.f32 v17, v16  }
0x237: {  	v17 =	vld.idx.msk [tilespmem:v10+s28+$0x0], $0xffff  }
0x238: {  	v16 =	vadd.f32 v58, v16  }
0x239: {  	v60 =	vld.idx.msk [tilespmem:v11+s28+$0x0], $0xffff  }
0x23a: {  	v16 =	vadd.f32 v59, v16  }
0x23b: {  	v61 =	vld.idx.msk [tilespmem:v12+s28+$0x0], $0xffff  }
0x23c: {  	v16 =	vadd.f32 v17, v16  }
0x23d: {  	v17 =	vld.idx.msk [tilespmem:v13+s28+$0x0], $0xffff  }
0x23e: {  	v16 =	vadd.f32 v60, v16  }
0x23f: {  	v62 =	vld.idx.msk [tilespmem:v14+s28+$0x0], $0xffff  }
0x240: {  	v16 =	vadd.f32 v61, v16  }
0x241: {  	v63 =	vld.idx.msk [tilespmem:v15+s28+$0x0], $0xffff  }
0x242: {  	v16 =	vadd.f32 v17, v16;
	_ =	sdelay $0x1  }
0x243: {  	v16 =	vadd.f32 v62, v16;
	_ =	sdelay $0x1  }
0x244: {  	v16 =	vadd.f32 v63, v16;
	_ =	sdelay $0x1  }
0x245: {  	v16 =	vsub.f32 $0.0e+00, v16;
	_ =	sdelay $0x1  }
0x246: {  	v16 =	vmul.f32 $1.442695020e+00, v16;
	_ =	sdelay $0x1  }
0x247: {  	(erf) = vpow2.f32 v16;
	_ =	sdelay $0x8  }
0x248: {  	v16 =	vpop (erf)  }
0x249: {  	v16 =	vadd.f32 $1.000000000e+00, v16;
	_ =	sdelay $0x1  }
0x24a: {  	(erf) = vrcp.f32 v16;
	_ =	sdelay $0x4  }
0x24b: {  	p2 =	sne.s32 s9, $0x3  }
.Ltmp2:
0x24c: {  	_ = 	snop;
	(pc) =	sbr.rel @p2 .LBB2_3-.Ltmp2, $3  }
0x24d: {  	_ =	sdelay $0x1  }
0x24e: {  	v16 =	vpop (erf)  }
0x24f: {  	s9 =	sadd.s32 $0x1, s9;
	[tilespmem:s13+$0x8D00] =	vst v16  }
0x250: {  	s9 =	sshll.u32 s14, $0x7  }
0x251: {  	s8 =	sadd.s32 s7, s9  }
0x252: {  	p2 =	seq.s32 s14, $0x4E;
	s8 =	sshrl.u32 s8, $0x3  }
0x253: {  	s13 =	smul.u32 @!p2 $0x180, s14;
	s8 =	sadd.s32 s6, s8  }
0x254: {  	[hbm4b:s8+s5] =	stream.linear.scatter [tilespmem:s29], [sflag:$0x5], $0x40, $0x38;
	[tilespmem:$0x1C680] =	vst v63  }
0x255: {  	s8 =	sadd.s32 @!p2 s13, s10  }
0x256: {  	s8 =	sshrl.u32 @!p2 s8, $0x3  }
0x257: {  	s13 =	simm.s32 @!p2 $0x0;
	s8 =	sadd.s32 @!p2 s1, s8  }
0x258: {  	[tilespmem:s13], [sflag:$0x3] =	stream.linear.gather @!p2 [hbm4b:s8+s13], $0xC0, $0x38;
	[tilespmem:$0x1C680] =	vst v63  }
0x259: {  	_ =	swait.ge [sflag:s30], $0x2000  }
0x25a: {  	[sflag:s30] =	ssyncset.done $0x0  }
0x25b: {  	[sflag:s30] =	ssyncadd.s32 $0xFFFFE000  }
0x25c: {  	_ =	swait.ge [sflag:s30], $0x2000  }
0x25d: {  	[sflag:s30] =	ssyncset.done $0x0  }
0x25e: {  	s8 =	simm.s32 @!p1 $0x6;
	[sflag:s30] =	ssyncadd.s32 $0xFFFFE000  }
0x25f: {  	_ =	swait.ge @!p1 [sflag:s8], $0x40  }
0x260: {  	[sflag:s8] =	ssyncset.done @!p1 $0x0  }
0x261: {  	s13 =	simm.s32 $0x0;
	[sflag:s8] =	ssyncadd.s32 @!p1 $0xFFFFFFC0  }
.LBB2_5:
0x262: {  	s16 =	sshll.u32 s13, $0x4  }
0x263: {  	v16 =	vld [tilespmem:s16+$0x180];
	_ =	sdelay $0x4  }
0x264: {  	v16 =	vshll.u32 v16, $0x9  }
0x265: {  	v16 =	vshra.s32 v16, $0x2  }
0x266: {  	(v2sf) =	vpush v16, $0x0;
	_ =	sdelay $0x3  }
0x267: {  	s8 =	sshll.u32 s13, $0xB  }
0x268: {  	v18 =	vld [tilespmem:s8+$0x4200]  }
0x269: {  	v19 =	vld [tilespmem:s8+$0x6200]  }
0x26a: {  	v21 =	vld [tilespmem:s8+$0x4210]  }
0x26b: {  	v22 =	vld [tilespmem:s8+$0x6210]  }
0x26c: {  	v24 =	vld [tilespmem:s8+$0x4220]  }
0x26d: {  	v25 =	vld [tilespmem:s8+$0x6220]  }
0x26e: {  	v27 =	vld [tilespmem:s8+$0x4230]  }
0x26f: {  	v28 =	vld [tilespmem:s8+$0x6230]  }
0x270: {  	v30 =	vld [tilespmem:s8+$0x4240]  }
0x271: {  	v44 =	vld [tilespmem:s8+$0x6240]  }
0x272: {  	v46 =	vld [tilespmem:s8+$0x4250];
	s15 =	spop (v2sf)  }
0x273: {  	v17 =	vld [tilespmem:s15+$0x8200]  }
0x274: {  	v20 =	vld [tilespmem:s15+$0x8210]  }
0x275: {  	v48 =	vld [tilespmem:s8+$0x6250]  }
0x276: {  	v23 =	vld [tilespmem:s15+$0x8220]  }
0x277: {  	v52 =	vld [tilespmem:s8+$0x4260];
	v18 =	vmul.f32 v19, v18;
	v21 =	vmul.f32 v22, v21  }
0x278: {  	v47 =	vmul.f32 v25, v24;
	v26 =	vld [tilespmem:s15+$0x8230]  }
0x279: {  	v53 =	vld [tilespmem:s8+$0x6260];
	v17 =	vmul.f32 v18, v17;
	v20 =	vmul.f32 v21, v20  }
0x27a: {  	(v2sf) =	vpush v16, $0x1;
	v29 =	vld [tilespmem:s15+$0x8240]  }
0x27b: {  	v55 =	vld [tilespmem:s8+$0x4270];
	v51 =	vmul.f32 v28, v27;
	v50 =	vmul.f32 v47, v23;
	v17 =	vadd.f32 v20, v17  }
0x27c: {  	v45 =	vld [tilespmem:s15+$0x8250]  }
0x27d: {  	v56 =	vld [tilespmem:s8+$0x6270];
	v19 =	vmul.f32 v44, v30;
	v54 =	vmul.f32 v51, v26;
	v17 =	vadd.f32 v50, v17  }
0x27e: {  	v49 =	vld [tilespmem:s15+$0x8260]  }
0x27f: {  	v19 =	vmul.f32 v19, v29;
	v18 =	vmul.f32 v48, v46;
	v17 =	vadd.f32 v54, v17  }
0x280: {  	v57 =	vld [tilespmem:s15+$0x8270]  }
0x281: {  	v58 =	vmul.f32 v53, v52;
	v18 =	vmul.f32 v18, v45;
	v17 =	vadd.f32 v19, v17;
	_ =	sdelay $0x1  }
0x282: {  	v60 =	vmul.f32 v56, v55;
	v59 =	vmul.f32 v58, v49;
	v17 =	vadd.f32 v18, v17;
	_ =	sdelay $0x1  }
0x283: {  	v61 =	vmul.f32 v60, v57;
	v17 =	vadd.f32 v59, v17;
	_ =	sdelay $0x1  }
0x284: {  	v17 =	vadd.f32 v61, v17;
	_ =	sdelay $0x1  }
0x285: {  	s15 =	spop (v2sf);
	[tilespmem:$0x8500] =	vst v17  }
0x286: {  	v17 =	vld [tilespmem:s15+$0x8200]  }
0x287: {  	v62 =	vld [tilespmem:s8+$0x4280]  }
0x288: {  	v63 =	vld [tilespmem:s8+$0x6280]  }
0x289: {  	v33 =	vld [tilespmem:s15+$0x8210]  }
0x28a: {  	v34 =	vld [tilespmem:s8+$0x4290]  }
0x28b: {  	v35 =	vld [tilespmem:s8+$0x6290]  }
0x28c: {  	v36 =	vld [tilespmem:s15+$0x8220]  }
0x28d: {  	v37 =	vld [tilespmem:s8+$0x42A0]  }
0x28e: {  	v38 =	vld [tilespmem:s8+$0x62A0]  }
0x28f: {  	v39 =	vld [tilespmem:s15+$0x8230]  }
0x290: {  	v40 =	vld [tilespmem:s8+$0x42B0]  }
0x291: {  	v41 =	vld [tilespmem:s8+$0x62B0]  }
0x292: {  	v42 =	vld [tilespmem:s15+$0x8240]  }
0x293: {  	v43 =	vld [tilespmem:s8+$0x42C0]  }
0x294: {  	v44 =	vld [tilespmem:s8+$0x62C0]  }
0x295: {  	v45 =	vld [tilespmem:s15+$0x8250];
	v18 =	vmul.f32 v63, v62;
	v21 =	vmul.f32 v35, v34  }
0x296: {  	v46 =	vld [tilespmem:s8+$0x42D0];
	v47 =	vmul.f32 v38, v37  }
0x297: {  	v48 =	vld [tilespmem:s8+$0x62D0];
	v17 =	vmul.f32 v18, v17;
	v20 =	vmul.f32 v21, v33  }
0x298: {  	(v2sf) =	vpush v16, $0x2;
	v49 =	vld [tilespmem:s15+$0x8260]  }
0x299: {  	v52 =	vld [tilespmem:s8+$0x42E0];
	v51 =	vmul.f32 v41, v40;
	v50 =	vmul.f32 v47, v36;
	v17 =	vadd.f32 v20, v17  }
0x29a: {  	v53 =	vld [tilespmem:s8+$0x62E0]  }
0x29b: {  	v55 =	vld [tilespmem:s8+$0x42F0];
	v19 =	vmul.f32 v44, v43;
	v54 =	vmul.f32 v51, v39;
	v17 =	vadd.f32 v50, v17  }
0x29c: {  	v56 =	vld [tilespmem:s8+$0x62F0]  }
0x29d: {  	v19 =	vmul.f32 v19, v42;
	v18 =	vmul.f32 v48, v46;
	v17 =	vadd.f32 v54, v17  }
0x29e: {  	v57 =	vld [tilespmem:s15+$0x8270]  }
0x29f: {  	v58 =	vmul.f32 v53, v52;
	v18 =	vmul.f32 v18, v45;
	v17 =	vadd.f32 v19, v17;
	_ =	sdelay $0x1  }
0x2a0: {  	v60 =	vmul.f32 v56, v55;
	v59 =	vmul.f32 v58, v49;
	v17 =	vadd.f32 v18, v17;
	_ =	sdelay $0x1  }
0x2a1: {  	v61 =	vmul.f32 v60, v57;
	v17 =	vadd.f32 v59, v17;
	_ =	sdelay $0x1  }
0x2a2: {  	v17 =	vadd.f32 v61, v17;
	_ =	sdelay $0x1  }
0x2a3: {  	s15 =	spop (v2sf);
	[tilespmem:$0x8580] =	vst v17  }
0x2a4: {  	v17 =	vld [tilespmem:s15+$0x8200]  }
0x2a5: {  	v62 =	vld [tilespmem:s8+$0x4300]  }
0x2a6: {  	v63 =	vld [tilespmem:s8+$0x6300]  }
0x2a7: {  	v33 =	vld [tilespmem:s15+$0x8210]  }
0x2a8: {  	v34 =	vld [tilespmem:s8+$0x4310]  }
0x2a9: {  	v35 =	vld [tilespmem:s8+$0x6310]  }
0x2aa: {  	v36 =	vld [tilespmem:s15+$0x8220]  }
0x2ab: {  	v37 =	vld [tilespmem:s8+$0x4320]  }
0x2ac: {  	v38 =	vld [tilespmem:s8+$0x6320]  }
0x2ad: {  	v39 =	vld [tilespmem:s15+$0x8230]  }
0x2ae: {  	v40 =	vld [tilespmem:s8+$0x4330]  }
0x2af: {  	v41 =	vld [tilespmem:s8+$0x6330]  }
0x2b0: {  	v42 =	vld [tilespmem:s15+$0x8240]  }
0x2b1: {  	v43 =	vld [tilespmem:s8+$0x4340]  }
0x2b2: {  	v44 =	vld [tilespmem:s8+$0x6340]  }
0x2b3: {  	v45 =	vld [tilespmem:s15+$0x8250];
	v18 =	vmul.f32 v63, v62;
	v21 =	vmul.f32 v35, v34  }
0x2b4: {  	v46 =	vld [tilespmem:s8+$0x4350];
	v47 =	vmul.f32 v38, v37  }
0x2b5: {  	v48 =	vld [tilespmem:s8+$0x6350];
	v17 =	vmul.f32 v18, v17;
	v20 =	vmul.f32 v21, v33  }
0x2b6: {  	(v2sf) =	vpush v16, $0x3;
	v49 =	vld [tilespmem:s15+$0x8260]  }
0x2b7: {  	v52 =	vld [tilespmem:s8+$0x4360];
	v51 =	vmul.f32 v41, v40;
	v50 =	vmul.f32 v47, v36;
	v17 =	vadd.f32 v20, v17  }
0x2b8: {  	v53 =	vld [tilespmem:s8+$0x6360]  }
0x2b9: {  	v55 =	vld [tilespmem:s8+$0x4370];
	v19 =	vmul.f32 v44, v43;
	v54 =	vmul.f32 v51, v39;
	v17 =	vadd.f32 v50, v17  }
0x2ba: {  	v56 =	vld [tilespmem:s8+$0x6370]  }
0x2bb: {  	v19 =	vmul.f32 v19, v42;
	v18 =	vmul.f32 v48, v46;
	v17 =	vadd.f32 v54, v17  }
0x2bc: {  	v57 =	vld [tilespmem:s15+$0x8270]  }
0x2bd: {  	v58 =	vmul.f32 v53, v52;
	v18 =	vmul.f32 v18, v45;
	v17 =	vadd.f32 v19, v17;
	_ =	sdelay $0x1  }
0x2be: {  	v60 =	vmul.f32 v56, v55;
	v59 =	vmul.f32 v58, v49;
	v17 =	vadd.f32 v18, v17;
	_ =	sdelay $0x1  }
0x2bf: {  	v61 =	vmul.f32 v60, v57;
	v17 =	vadd.f32 v59, v17;
	_ =	sdelay $0x1  }
0x2c0: {  	v17 =	vadd.f32 v61, v17;
	_ =	sdelay $0x1  }
0x2c1: {  	s15 =	spop (v2sf);
	[tilespmem:$0x8600] =	vst v17  }
0x2c2: {  	v17 =	vld [tilespmem:s15+$0x8200]  }
0x2c3: {  	v62 =	vld [tilespmem:s8+$0x4380]  }
0x2c4: {  	v63 =	vld [tilespmem:s8+$0x6380]  }
0x2c5: {  	v33 =	vld [tilespmem:s15+$0x8210]  }
0x2c6: {  	v34 =	vld [tilespmem:s8+$0x4390]  }
0x2c7: {  	v35 =	vld [tilespmem:s8+$0x6390]  }
0x2c8: {  	v36 =	vld [tilespmem:s15+$0x8220]  }
0x2c9: {  	v37 =	vld [tilespmem:s8+$0x43A0]  }
0x2ca: {  	v38 =	vld [tilespmem:s8+$0x63A0]  }
0x2cb: {  	v39 =	vld [tilespmem:s15+$0x8230]  }
0x2cc: {  	v40 =	vld [tilespmem:s8+$0x43B0]  }
0x2cd: {  	v41 =	vld [tilespmem:s8+$0x63B0]  }
0x2ce: {  	v42 =	vld [tilespmem:s15+$0x8240]  }
0x2cf: {  	v43 =	vld [tilespmem:s8+$0x43C0]  }
0x2d0: {  	v44 =	vld [tilespmem:s8+$0x63C0]  }
0x2d1: {  	v45 =	vld [tilespmem:s15+$0x8250];
	v18 =	vmul.f32 v63, v62;
	v21 =	vmul.f32 v35, v34  }
0x2d2: {  	v46 =	vld [tilespmem:s8+$0x43D0];
	v47 =	vmul.f32 v38, v37  }
0x2d3: {  	v48 =	vld [tilespmem:s8+$0x63D0];
	v17 =	vmul.f32 v18, v17;
	v20 =	vmul.f32 v21, v33  }
0x2d4: {  	(v2sf) =	vpush v16, $0x4;
	v49 =	vld [tilespmem:s15+$0x8260]  }
0x2d5: {  	v52 =	vld [tilespmem:s8+$0x43E0];
	v51 =	vmul.f32 v41, v40;
	v50 =	vmul.f32 v47, v36;
	v17 =	vadd.f32 v20, v17  }
0x2d6: {  	v53 =	vld [tilespmem:s8+$0x63E0]  }
0x2d7: {  	v55 =	vld [tilespmem:s8+$0x43F0];
	v19 =	vmul.f32 v44, v43;
	v54 =	vmul.f32 v51, v39;
	v17 =	vadd.f32 v50, v17  }
0x2d8: {  	v56 =	vld [tilespmem:s8+$0x63F0]  }
0x2d9: {  	v19 =	vmul.f32 v19, v42;
	v18 =	vmul.f32 v48, v46;
	v17 =	vadd.f32 v54, v17  }
0x2da: {  	v57 =	vld [tilespmem:s15+$0x8270]  }
0x2db: {  	v58 =	vmul.f32 v53, v52;
	v18 =	vmul.f32 v18, v45;
	v17 =	vadd.f32 v19, v17;
	_ =	sdelay $0x1  }
0x2dc: {  	v60 =	vmul.f32 v56, v55;
	v59 =	vmul.f32 v58, v49;
	v17 =	vadd.f32 v18, v17;
	_ =	sdelay $0x1  }
0x2dd: {  	v61 =	vmul.f32 v60, v57;
	v17 =	vadd.f32 v59, v17;
	_ =	sdelay $0x1  }
0x2de: {  	v17 =	vadd.f32 v61, v17;
	_ =	sdelay $0x1  }
0x2df: {  	s15 =	spop (v2sf);
	[tilespmem:$0x8680] =	vst v17  }
0x2e0: {  	v17 =	vld [tilespmem:s15+$0x8200]  }
0x2e1: {  	v62 =	vld [tilespmem:s8+$0x4400]  }
0x2e2: {  	v63 =	vld [tilespmem:s8+$0x6400]  }
0x2e3: {  	v33 =	vld [tilespmem:s15+$0x8210]  }
0x2e4: {  	v34 =	vld [tilespmem:s8+$0x4410]  }
0x2e5: {  	v35 =	vld [tilespmem:s8+$0x6410]  }
0x2e6: {  	v36 =	vld [tilespmem:s15+$0x8220]  }
0x2e7: {  	v37 =	vld [tilespmem:s8+$0x4420]  }
0x2e8: {  	v38 =	vld [tilespmem:s8+$0x6420]  }
0x2e9: {  	v39 =	vld [tilespmem:s15+$0x8230]  }
0x2ea: {  	v40 =	vld [tilespmem:s8+$0x4430]  }
0x2eb: {  	v41 =	vld [tilespmem:s8+$0x6430]  }
0x2ec: {  	v42 =	vld [tilespmem:s15+$0x8240]  }
0x2ed: {  	v43 =	vld [tilespmem:s8+$0x4440]  }
0x2ee: {  	v44 =	vld [tilespmem:s8+$0x6440]  }
0x2ef: {  	v45 =	vld [tilespmem:s15+$0x8250];
	v18 =	vmul.f32 v63, v62;
	v21 =	vmul.f32 v35, v34  }
0x2f0: {  	v46 =	vld [tilespmem:s8+$0x4450];
	v47 =	vmul.f32 v38, v37  }
0x2f1: {  	v48 =	vld [tilespmem:s8+$0x6450];
	v17 =	vmul.f32 v18, v17;
	v20 =	vmul.f32 v21, v33  }
0x2f2: {  	(v2sf) =	vpush v16, $0x5;
	v49 =	vld [tilespmem:s15+$0x8260]  }
0x2f3: {  	v52 =	vld [tilespmem:s8+$0x4460];
	v51 =	vmul.f32 v41, v40;
	v50 =	vmul.f32 v47, v36;
	v17 =	vadd.f32 v20, v17  }
0x2f4: {  	v53 =	vld [tilespmem:s8+$0x6460]  }
0x2f5: {  	v55 =	vld [tilespmem:s8+$0x4470];
	v19 =	vmul.f32 v44, v43;
	v54 =	vmul.f32 v51, v39;
	v17 =	vadd.f32 v50, v17  }
0x2f6: {  	v56 =	vld [tilespmem:s8+$0x6470]  }
0x2f7: {  	v19 =	vmul.f32 v19, v42;
	v18 =	vmul.f32 v48, v46;
	v17 =	vadd.f32 v54, v17  }
0x2f8: {  	v57 =	vld [tilespmem:s15+$0x8270]  }
0x2f9: {  	v58 =	vmul.f32 v53, v52;
	v18 =	vmul.f32 v18, v45;
	v17 =	vadd.f32 v19, v17;
	_ =	sdelay $0x1  }
0x2fa: {  	v60 =	vmul.f32 v56, v55;
	v59 =	vmul.f32 v58, v49;
	v17 =	vadd.f32 v18, v17;
	_ =	sdelay $0x1  }
0x2fb: {  	v61 =	vmul.f32 v60, v57;
	v17 =	vadd.f32 v59, v17;
	_ =	sdelay $0x1  }
0x2fc: {  	v17 =	vadd.f32 v61, v17;
	_ =	sdelay $0x1  }
0x2fd: {  	s15 =	spop (v2sf);
	[tilespmem:$0x8700] =	vst v17  }
0x2fe: {  	v17 =	vld [tilespmem:s15+$0x8200]  }
0x2ff: {  	v62 =	vld [tilespmem:s8+$0x4480]  }
0x300: {  	v63 =	vld [tilespmem:s8+$0x6480]  }
0x301: {  	v33 =	vld [tilespmem:s15+$0x8210]  }
0x302: {  	v34 =	vld [tilespmem:s8+$0x4490]  }
0x303: {  	v35 =	vld [tilespmem:s8+$0x6490]  }
0x304: {  	v36 =	vld [tilespmem:s15+$0x8220]  }
0x305: {  	v37 =	vld [tilespmem:s8+$0x44A0]  }
0x306: {  	v38 =	vld [tilespmem:s8+$0x64A0]  }
0x307: {  	v39 =	vld [tilespmem:s15+$0x8230]  }
0x308: {  	v40 =	vld [tilespmem:s8+$0x44B0]  }
0x309: {  	v41 =	vld [tilespmem:s8+$0x64B0]  }
0x30a: {  	v42 =	vld [tilespmem:s15+$0x8240]  }
0x30b: {  	v43 =	vld [tilespmem:s8+$0x44C0]  }
0x30c: {  	v44 =	vld [tilespmem:s8+$0x64C0]  }
0x30d: {  	v45 =	vld [tilespmem:s15+$0x8250];
	v18 =	vmul.f32 v63, v62;
	v21 =	vmul.f32 v35, v34  }
0x30e: {  	v46 =	vld [tilespmem:s8+$0x44D0];
	v47 =	vmul.f32 v38, v37  }
0x30f: {  	v48 =	vld [tilespmem:s8+$0x64D0];
	v17 =	vmul.f32 v18, v17;
	v20 =	vmul.f32 v21, v33  }
0x310: {  	(v2sf) =	vpush v16, $0x6;
	v49 =	vld [tilespmem:s15+$0x8260]  }
0x311: {  	v52 =	vld [tilespmem:s8+$0x44E0];
	v51 =	vmul.f32 v41, v40;
	v50 =	vmul.f32 v47, v36;
	v17 =	vadd.f32 v20, v17  }
0x312: {  	v53 =	vld [tilespmem:s8+$0x64E0]  }
0x313: {  	v55 =	vld [tilespmem:s8+$0x44F0];
	v19 =	vmul.f32 v44, v43;
	v54 =	vmul.f32 v51, v39;
	v17 =	vadd.f32 v50, v17  }
0x314: {  	v56 =	vld [tilespmem:s8+$0x64F0]  }
0x315: {  	v19 =	vmul.f32 v19, v42;
	v18 =	vmul.f32 v48, v46;
	v17 =	vadd.f32 v54, v17  }
0x316: {  	v57 =	vld [tilespmem:s15+$0x8270]  }
0x317: {  	v58 =	vmul.f32 v53, v52;
	v18 =	vmul.f32 v18, v45;
	v17 =	vadd.f32 v19, v17;
	_ =	sdelay $0x1  }
0x318: {  	v60 =	vmul.f32 v56, v55;
	v59 =	vmul.f32 v58, v49;
	v17 =	vadd.f32 v18, v17;
	_ =	sdelay $0x1  }
0x319: {  	v61 =	vmul.f32 v60, v57;
	v17 =	vadd.f32 v59, v17;
	_ =	sdelay $0x1  }
0x31a: {  	v17 =	vadd.f32 v61, v17;
	_ =	sdelay $0x1  }
0x31b: {  	s15 =	spop (v2sf);
	[tilespmem:$0x8780] =	vst v17  }
0x31c: {  	v17 =	vld [tilespmem:s15+$0x8200]  }
0x31d: {  	v62 =	vld [tilespmem:s8+$0x4500]  }
0x31e: {  	v63 =	vld [tilespmem:s8+$0x6500]  }
0x31f: {  	v33 =	vld [tilespmem:s15+$0x8210]  }
0x320: {  	v34 =	vld [tilespmem:s8+$0x4510]  }
0x321: {  	v35 =	vld [tilespmem:s8+$0x6510]  }
0x322: {  	v36 =	vld [tilespmem:s15+$0x8220]  }
0x323: {  	v37 =	vld [tilespmem:s8+$0x4520]  }
0x324: {  	v38 =	vld [tilespmem:s8+$0x6520]  }
0x325: {  	v39 =	vld [tilespmem:s15+$0x8230]  }
0x326: {  	v40 =	vld [tilespmem:s8+$0x4530]  }
0x327: {  	v41 =	vld [tilespmem:s8+$0x6530]  }
0x328: {  	v42 =	vld [tilespmem:s15+$0x8240]  }
0x329: {  	v43 =	vld [tilespmem:s8+$0x4540]  }
0x32a: {  	v44 =	vld [tilespmem:s8+$0x6540]  }
0x32b: {  	v45 =	vld [tilespmem:s15+$0x8250];
	v18 =	vmul.f32 v63, v62;
	v21 =	vmul.f32 v35, v34  }
0x32c: {  	v46 =	vld [tilespmem:s8+$0x4550];
	v47 =	vmul.f32 v38, v37  }
0x32d: {  	v48 =	vld [tilespmem:s8+$0x6550];
	v17 =	vmul.f32 v18, v17;
	v20 =	vmul.f32 v21, v33  }
0x32e: {  	(v2sf) =	vpush v16, $0x7;
	v49 =	vld [tilespmem:s15+$0x8260]  }
0x32f: {  	v52 =	vld [tilespmem:s8+$0x4560];
	v51 =	vmul.f32 v41, v40;
	v50 =	vmul.f32 v47, v36;
	v17 =	vadd.f32 v20, v17  }
0x330: {  	v53 =	vld [tilespmem:s8+$0x6560]  }
0x331: {  	v55 =	vld [tilespmem:s8+$0x4570];
	v19 =	vmul.f32 v44, v43;
	v54 =	vmul.f32 v51, v39;
	v17 =	vadd.f32 v50, v17  }
0x332: {  	v56 =	vld [tilespmem:s8+$0x6570]  }
0x333: {  	v19 =	vmul.f32 v19, v42;
	v18 =	vmul.f32 v48, v46;
	v17 =	vadd.f32 v54, v17  }
0x334: {  	v57 =	vld [tilespmem:s15+$0x8270]  }
0x335: {  	v58 =	vmul.f32 v53, v52;
	v18 =	vmul.f32 v18, v45;
	v17 =	vadd.f32 v19, v17;
	_ =	sdelay $0x1  }
0x336: {  	v60 =	vmul.f32 v56, v55;
	v59 =	vmul.f32 v58, v49;
	v17 =	vadd.f32 v18, v17;
	_ =	sdelay $0x1  }
0x337: {  	v61 =	vmul.f32 v60, v57;
	v17 =	vadd.f32 v59, v17;
	_ =	sdelay $0x1  }
0x338: {  	v17 =	vadd.f32 v61, v17;
	_ =	sdelay $0x1  }
0x339: {  	s15 =	spop (v2sf);
	[tilespmem:$0x8800] =	vst v17  }
0x33a: {  	v17 =	vld [tilespmem:s15+$0x8200]  }
0x33b: {  	v62 =	vld [tilespmem:s8+$0x4580]  }
0x33c: {  	v63 =	vld [tilespmem:s8+$0x6580]  }
0x33d: {  	v33 =	vld [tilespmem:s15+$0x8210]  }
0x33e: {  	v34 =	vld [tilespmem:s8+$0x4590]  }
0x33f: {  	v35 =	vld [tilespmem:s8+$0x6590]  }
0x340: {  	v36 =	vld [tilespmem:s15+$0x8220]  }
0x341: {  	v37 =	vld [tilespmem:s8+$0x45A0]  }
0x342: {  	v38 =	vld [tilespmem:s8+$0x65A0]  }
0x343: {  	v39 =	vld [tilespmem:s15+$0x8230]  }
0x344: {  	v40 =	vld [tilespmem:s8+$0x45B0]  }
0x345: {  	v41 =	vld [tilespmem:s8+$0x65B0]  }
0x346: {  	v42 =	vld [tilespmem:s15+$0x8240]  }
0x347: {  	v43 =	vld [tilespmem:s8+$0x45C0]  }
0x348: {  	v44 =	vld [tilespmem:s8+$0x65C0]  }
0x349: {  	v45 =	vld [tilespmem:s15+$0x8250];
	v18 =	vmul.f32 v63, v62;
	v21 =	vmul.f32 v35, v34  }
0x34a: {  	v46 =	vld [tilespmem:s8+$0x45D0];
	v47 =	vmul.f32 v38, v37  }
0x34b: {  	v48 =	vld [tilespmem:s8+$0x65D0];
	v17 =	vmul.f32 v18, v17;
	v20 =	vmul.f32 v21, v33  }
0x34c: {  	(v2sf) =	vpush v16, $0x8;
	v49 =	vld [tilespmem:s15+$0x8260]  }
0x34d: {  	v52 =	vld [tilespmem:s8+$0x45E0];
	v51 =	vmul.f32 v41, v40;
	v50 =	vmul.f32 v47, v36;
	v17 =	vadd.f32 v20, v17  }
0x34e: {  	v53 =	vld [tilespmem:s8+$0x65E0]  }
0x34f: {  	v55 =	vld [tilespmem:s8+$0x45F0];
	v19 =	vmul.f32 v44, v43;
	v54 =	vmul.f32 v51, v39;
	v17 =	vadd.f32 v50, v17  }
0x350: {  	v56 =	vld [tilespmem:s8+$0x65F0]  }
0x351: {  	v19 =	vmul.f32 v19, v42;
	v18 =	vmul.f32 v48, v46;
	v17 =	vadd.f32 v54, v17  }
0x352: {  	v57 =	vld [tilespmem:s15+$0x8270]  }
0x353: {  	v58 =	vmul.f32 v53, v52;
	v18 =	vmul.f32 v18, v45;
	v17 =	vadd.f32 v19, v17;
	_ =	sdelay $0x1  }
0x354: {  	v60 =	vmul.f32 v56, v55;
	v59 =	vmul.f32 v58, v49;
	v17 =	vadd.f32 v18, v17;
	_ =	sdelay $0x1  }
0x355: {  	v61 =	vmul.f32 v60, v57;
	v17 =	vadd.f32 v59, v17;
	_ =	sdelay $0x1  }
0x356: {  	v17 =	vadd.f32 v61, v17;
	_ =	sdelay $0x1  }
0x357: {  	s15 =	spop (v2sf);
	[tilespmem:$0x8880] =	vst v17  }
0x358: {  	v17 =	vld [tilespmem:s15+$0x8200]  }
0x359: {  	v62 =	vld [tilespmem:s8+$0x4600]  }
0x35a: {  	v63 =	vld [tilespmem:s8+$0x6600]  }
0x35b: {  	v33 =	vld [tilespmem:s15+$0x8210]  }
0x35c: {  	v34 =	vld [tilespmem:s8+$0x4610]  }
0x35d: {  	v35 =	vld [tilespmem:s8+$0x6610]  }
0x35e: {  	v36 =	vld [tilespmem:s15+$0x8220]  }
0x35f: {  	v37 =	vld [tilespmem:s8+$0x4620]  }
0x360: {  	v38 =	vld [tilespmem:s8+$0x6620]  }
0x361: {  	v39 =	vld [tilespmem:s15+$0x8230]  }
0x362: {  	v40 =	vld [tilespmem:s8+$0x4630]  }
0x363: {  	v41 =	vld [tilespmem:s8+$0x6630]  }
0x364: {  	v42 =	vld [tilespmem:s15+$0x8240]  }
0x365: {  	v43 =	vld [tilespmem:s8+$0x4640]  }
0x366: {  	v44 =	vld [tilespmem:s8+$0x6640]  }
0x367: {  	v45 =	vld [tilespmem:s15+$0x8250];
	v18 =	vmul.f32 v63, v62;
	v21 =	vmul.f32 v35, v34  }
0x368: {  	v46 =	vld [tilespmem:s8+$0x4650];
	v47 =	vmul.f32 v38, v37  }
0x369: {  	v48 =	vld [tilespmem:s8+$0x6650];
	v17 =	vmul.f32 v18, v17;
	v20 =	vmul.f32 v21, v33  }
0x36a: {  	(v2sf) =	vpush v16, $0x9;
	v49 =	vld [tilespmem:s15+$0x8260]  }
0x36b: {  	v52 =	vld [tilespmem:s8+$0x4660];
	v51 =	vmul.f32 v41, v40;
	v50 =	vmul.f32 v47, v36;
	v17 =	vadd.f32 v20, v17  }
0x36c: {  	v53 =	vld [tilespmem:s8+$0x6660]  }
0x36d: {  	v55 =	vld [tilespmem:s8+$0x4670];
	v19 =	vmul.f32 v44, v43;
	v54 =	vmul.f32 v51, v39;
	v17 =	vadd.f32 v50, v17  }
0x36e: {  	v56 =	vld [tilespmem:s8+$0x6670]  }
0x36f: {  	v19 =	vmul.f32 v19, v42;
	v18 =	vmul.f32 v48, v46;
	v17 =	vadd.f32 v54, v17  }
0x370: {  	v57 =	vld [tilespmem:s15+$0x8270]  }
0x371: {  	v58 =	vmul.f32 v53, v52;
	v18 =	vmul.f32 v18, v45;
	v17 =	vadd.f32 v19, v17;
	_ =	sdelay $0x1  }
0x372: {  	v60 =	vmul.f32 v56, v55;
	v59 =	vmul.f32 v58, v49;
	v17 =	vadd.f32 v18, v17;
	_ =	sdelay $0x1  }
0x373: {  	v61 =	vmul.f32 v60, v57;
	v17 =	vadd.f32 v59, v17;
	_ =	sdelay $0x1  }
0x374: {  	v17 =	vadd.f32 v61, v17;
	_ =	sdelay $0x1  }
0x375: {  	s15 =	spop (v2sf);
	[tilespmem:$0x8900] =	vst v17  }
0x376: {  	v17 =	vld [tilespmem:s15+$0x8200]  }
0x377: {  	v62 =	vld [tilespmem:s8+$0x4680]  }
0x378: {  	v63 =	vld [tilespmem:s8+$0x6680]  }
0x379: {  	v33 =	vld [tilespmem:s15+$0x8210]  }
0x37a: {  	v34 =	vld [tilespmem:s8+$0x4690]  }
0x37b: {  	v35 =	vld [tilespmem:s8+$0x6690]  }
0x37c: {  	v36 =	vld [tilespmem:s15+$0x8220]  }
0x37d: {  	v37 =	vld [tilespmem:s8+$0x46A0]  }
0x37e: {  	v38 =	vld [tilespmem:s8+$0x66A0]  }
0x37f: {  	v39 =	vld [tilespmem:s15+$0x8230]  }
0x380: {  	v40 =	vld [tilespmem:s8+$0x46B0]  }
0x381: {  	v41 =	vld [tilespmem:s8+$0x66B0]  }
0x382: {  	v42 =	vld [tilespmem:s15+$0x8240]  }
0x383: {  	v43 =	vld [tilespmem:s8+$0x46C0]  }
0x384: {  	v44 =	vld [tilespmem:s8+$0x66C0]  }
0x385: {  	v45 =	vld [tilespmem:s15+$0x8250];
	v18 =	vmul.f32 v63, v62;
	v21 =	vmul.f32 v35, v34  }
0x386: {  	v46 =	vld [tilespmem:s8+$0x46D0];
	v47 =	vmul.f32 v38, v37  }
0x387: {  	v48 =	vld [tilespmem:s8+$0x66D0];
	v17 =	vmul.f32 v18, v17;
	v20 =	vmul.f32 v21, v33  }
0x388: {  	(v2sf) =	vpush v16, $0xA;
	v49 =	vld [tilespmem:s15+$0x8260]  }
0x389: {  	v52 =	vld [tilespmem:s8+$0x46E0];
	v51 =	vmul.f32 v41, v40;
	v50 =	vmul.f32 v47, v36;
	v17 =	vadd.f32 v20, v17  }
0x38a: {  	v53 =	vld [tilespmem:s8+$0x66E0]  }
0x38b: {  	v55 =	vld [tilespmem:s8+$0x46F0];
	v19 =	vmul.f32 v44, v43;
	v54 =	vmul.f32 v51, v39;
	v17 =	vadd.f32 v50, v17  }
0x38c: {  	v56 =	vld [tilespmem:s8+$0x66F0]  }
0x38d: {  	v19 =	vmul.f32 v19, v42;
	v18 =	vmul.f32 v48, v46;
	v17 =	vadd.f32 v54, v17  }
0x38e: {  	v57 =	vld [tilespmem:s15+$0x8270]  }
0x38f: {  	v58 =	vmul.f32 v53, v52;
	v18 =	vmul.f32 v18, v45;
	v17 =	vadd.f32 v19, v17;
	_ =	sdelay $0x1  }
0x390: {  	v60 =	vmul.f32 v56, v55;
	v59 =	vmul.f32 v58, v49;
	v17 =	vadd.f32 v18, v17;
	_ =	sdelay $0x1  }
0x391: {  	v61 =	vmul.f32 v60, v57;
	v17 =	vadd.f32 v59, v17;
	_ =	sdelay $0x1  }
0x392: {  	v17 =	vadd.f32 v61, v17;
	_ =	sdelay $0x1  }
0x393: {  	s15 =	spop (v2sf);
	[tilespmem:$0x8980] =	vst v17  }
0x394: {  	v17 =	vld [tilespmem:s15+$0x8200]  }
0x395: {  	v62 =	vld [tilespmem:s8+$0x4700]  }
0x396: {  	v63 =	vld [tilespmem:s8+$0x6700]  }
0x397: {  	v33 =	vld [tilespmem:s15+$0x8210]  }
0x398: {  	v34 =	vld [tilespmem:s8+$0x4710]  }
0x399: {  	v35 =	vld [tilespmem:s8+$0x6710]  }
0x39a: {  	v36 =	vld [tilespmem:s15+$0x8220]  }
0x39b: {  	v37 =	vld [tilespmem:s8+$0x4720]  }
0x39c: {  	v38 =	vld [tilespmem:s8+$0x6720]  }
0x39d: {  	v39 =	vld [tilespmem:s15+$0x8230]  }
0x39e: {  	v40 =	vld [tilespmem:s8+$0x4730]  }
0x39f: {  	v41 =	vld [tilespmem:s8+$0x6730]  }
0x3a0: {  	v42 =	vld [tilespmem:s15+$0x8240]  }
0x3a1: {  	v43 =	vld [tilespmem:s8+$0x4740]  }
0x3a2: {  	v44 =	vld [tilespmem:s8+$0x6740]  }
0x3a3: {  	v45 =	vld [tilespmem:s15+$0x8250];
	v18 =	vmul.f32 v63, v62;
	v21 =	vmul.f32 v35, v34  }
0x3a4: {  	v46 =	vld [tilespmem:s8+$0x4750];
	v47 =	vmul.f32 v38, v37  }
0x3a5: {  	v48 =	vld [tilespmem:s8+$0x6750];
	v17 =	vmul.f32 v18, v17;
	v20 =	vmul.f32 v21, v33  }
0x3a6: {  	(v2sf) =	vpush v16, $0xB;
	v49 =	vld [tilespmem:s15+$0x8260]  }
0x3a7: {  	v52 =	vld [tilespmem:s8+$0x4760];
	v51 =	vmul.f32 v41, v40;
	v50 =	vmul.f32 v47, v36;
	v17 =	vadd.f32 v20, v17  }
0x3a8: {  	v53 =	vld [tilespmem:s8+$0x6760]  }
0x3a9: {  	v55 =	vld [tilespmem:s8+$0x4770];
	v19 =	vmul.f32 v44, v43;
	v54 =	vmul.f32 v51, v39;
	v17 =	vadd.f32 v50, v17  }
0x3aa: {  	v56 =	vld [tilespmem:s8+$0x6770]  }
0x3ab: {  	v19 =	vmul.f32 v19, v42;
	v18 =	vmul.f32 v48, v46;
	v17 =	vadd.f32 v54, v17  }
0x3ac: {  	v57 =	vld [tilespmem:s15+$0x8270]  }
0x3ad: {  	v58 =	vmul.f32 v53, v52;
	v18 =	vmul.f32 v18, v45;
	v17 =	vadd.f32 v19, v17;
	_ =	sdelay $0x1  }
0x3ae: {  	v60 =	vmul.f32 v56, v55;
	v59 =	vmul.f32 v58, v49;
	v17 =	vadd.f32 v18, v17;
	_ =	sdelay $0x1  }
0x3af: {  	v61 =	vmul.f32 v60, v57;
	v17 =	vadd.f32 v59, v17;
	_ =	sdelay $0x1  }
0x3b0: {  	v17 =	vadd.f32 v61, v17;
	_ =	sdelay $0x1  }
0x3b1: {  	s15 =	spop (v2sf);
	[tilespmem:$0x8A00] =	vst v17  }
0x3b2: {  	v17 =	vld [tilespmem:s15+$0x8200]  }
0x3b3: {  	v62 =	vld [tilespmem:s8+$0x4780]  }
0x3b4: {  	v63 =	vld [tilespmem:s8+$0x6780]  }
0x3b5: {  	v33 =	vld [tilespmem:s15+$0x8210]  }
0x3b6: {  	v34 =	vld [tilespmem:s8+$0x4790]  }
0x3b7: {  	v35 =	vld [tilespmem:s8+$0x6790]  }
0x3b8: {  	v36 =	vld [tilespmem:s15+$0x8220]  }
0x3b9: {  	v37 =	vld [tilespmem:s8+$0x47A0]  }
0x3ba: {  	v38 =	vld [tilespmem:s8+$0x67A0]  }
0x3bb: {  	v39 =	vld [tilespmem:s15+$0x8230]  }
0x3bc: {  	v40 =	vld [tilespmem:s8+$0x47B0]  }
0x3bd: {  	v41 =	vld [tilespmem:s8+$0x67B0]  }
0x3be: {  	v42 =	vld [tilespmem:s15+$0x8240]  }
0x3bf: {  	v43 =	vld [tilespmem:s8+$0x47C0]  }
0x3c0: {  	v44 =	vld [tilespmem:s8+$0x67C0]  }
0x3c1: {  	v45 =	vld [tilespmem:s15+$0x8250];
	v18 =	vmul.f32 v63, v62;
	v21 =	vmul.f32 v35, v34  }
0x3c2: {  	v46 =	vld [tilespmem:s8+$0x47D0];
	v47 =	vmul.f32 v38, v37  }
0x3c3: {  	v48 =	vld [tilespmem:s8+$0x67D0];
	v17 =	vmul.f32 v18, v17;
	v20 =	vmul.f32 v21, v33  }
0x3c4: {  	(v2sf) =	vpush v16, $0xC;
	v49 =	vld [tilespmem:s15+$0x8260]  }
0x3c5: {  	v52 =	vld [tilespmem:s8+$0x47E0];
	v51 =	vmul.f32 v41, v40;
	v50 =	vmul.f32 v47, v36;
	v17 =	vadd.f32 v20, v17  }
0x3c6: {  	v53 =	vld [tilespmem:s8+$0x67E0]  }
0x3c7: {  	v55 =	vld [tilespmem:s8+$0x47F0];
	v19 =	vmul.f32 v44, v43;
	v54 =	vmul.f32 v51, v39;
	v17 =	vadd.f32 v50, v17  }
0x3c8: {  	v56 =	vld [tilespmem:s8+$0x67F0]  }
0x3c9: {  	v19 =	vmul.f32 v19, v42;
	v18 =	vmul.f32 v48, v46;
	v17 =	vadd.f32 v54, v17  }
0x3ca: {  	v57 =	vld [tilespmem:s15+$0x8270]  }
0x3cb: {  	v58 =	vmul.f32 v53, v52;
	v18 =	vmul.f32 v18, v45;
	v17 =	vadd.f32 v19, v17;
	_ =	sdelay $0x1  }
0x3cc: {  	v60 =	vmul.f32 v56, v55;
	v59 =	vmul.f32 v58, v49;
	v17 =	vadd.f32 v18, v17;
	_ =	sdelay $0x1  }
0x3cd: {  	v61 =	vmul.f32 v60, v57;
	v17 =	vadd.f32 v59, v17;
	_ =	sdelay $0x1  }
0x3ce: {  	v17 =	vadd.f32 v61, v17;
	_ =	sdelay $0x1  }
0x3cf: {  	s15 =	spop (v2sf);
	[tilespmem:$0x8A80] =	vst v17  }
0x3d0: {  	v17 =	vld [tilespmem:s15+$0x8200]  }
0x3d1: {  	v62 =	vld [tilespmem:s8+$0x4800]  }
0x3d2: {  	v63 =	vld [tilespmem:s8+$0x6800]  }
0x3d3: {  	v33 =	vld [tilespmem:s15+$0x8210]  }
0x3d4: {  	v34 =	vld [tilespmem:s8+$0x4810]  }
0x3d5: {  	v35 =	vld [tilespmem:s8+$0x6810]  }
0x3d6: {  	v36 =	vld [tilespmem:s15+$0x8220]  }
0x3d7: {  	v37 =	vld [tilespmem:s8+$0x4820]  }
0x3d8: {  	v38 =	vld [tilespmem:s8+$0x6820]  }
0x3d9: {  	v39 =	vld [tilespmem:s15+$0x8230]  }
0x3da: {  	v40 =	vld [tilespmem:s8+$0x4830]  }
0x3db: {  	v41 =	vld [tilespmem:s8+$0x6830]  }
0x3dc: {  	v42 =	vld [tilespmem:s15+$0x8240]  }
0x3dd: {  	v43 =	vld [tilespmem:s8+$0x4840]  }
0x3de: {  	v44 =	vld [tilespmem:s8+$0x6840]  }
0x3df: {  	v45 =	vld [tilespmem:s15+$0x8250];
	v18 =	vmul.f32 v63, v62;
	v21 =	vmul.f32 v35, v34  }
0x3e0: {  	v46 =	vld [tilespmem:s8+$0x4850];
	v47 =	vmul.f32 v38, v37  }
0x3e1: {  	v48 =	vld [tilespmem:s8+$0x6850];
	v17 =	vmul.f32 v18, v17;
	v20 =	vmul.f32 v21, v33  }
0x3e2: {  	(v2sf) =	vpush v16, $0xD;
	v49 =	vld [tilespmem:s15+$0x8260]  }
0x3e3: {  	v52 =	vld [tilespmem:s8+$0x4860];
	v51 =	vmul.f32 v41, v40;
	v50 =	vmul.f32 v47, v36;
	v17 =	vadd.f32 v20, v17  }
0x3e4: {  	v53 =	vld [tilespmem:s8+$0x6860]  }
0x3e5: {  	v55 =	vld [tilespmem:s8+$0x4870];
	v19 =	vmul.f32 v44, v43;
	v54 =	vmul.f32 v51, v39;
	v17 =	vadd.f32 v50, v17  }
0x3e6: {  	v56 =	vld [tilespmem:s8+$0x6870]  }
0x3e7: {  	v19 =	vmul.f32 v19, v42;
	v18 =	vmul.f32 v48, v46;
	v17 =	vadd.f32 v54, v17  }
0x3e8: {  	v57 =	vld [tilespmem:s15+$0x8270]  }
0x3e9: {  	v58 =	vmul.f32 v53, v52;
	v18 =	vmul.f32 v18, v45;
	v17 =	vadd.f32 v19, v17;
	_ =	sdelay $0x1  }
0x3ea: {  	v60 =	vmul.f32 v56, v55;
	v59 =	vmul.f32 v58, v49;
	v17 =	vadd.f32 v18, v17;
	_ =	sdelay $0x1  }
0x3eb: {  	v61 =	vmul.f32 v60, v57;
	v17 =	vadd.f32 v59, v17;
	_ =	sdelay $0x1  }
0x3ec: {  	v17 =	vadd.f32 v61, v17;
	_ =	sdelay $0x1  }
0x3ed: {  	s15 =	spop (v2sf);
	[tilespmem:$0x8B00] =	vst v17  }
0x3ee: {  	v17 =	vld [tilespmem:s15+$0x8200]  }
0x3ef: {  	v62 =	vld [tilespmem:s8+$0x4880]  }
0x3f0: {  	v63 =	vld [tilespmem:s8+$0x6880]  }
0x3f1: {  	v33 =	vld [tilespmem:s15+$0x8210]  }
0x3f2: {  	v34 =	vld [tilespmem:s8+$0x4890]  }
0x3f3: {  	v35 =	vld [tilespmem:s8+$0x6890]  }
0x3f4: {  	v36 =	vld [tilespmem:s15+$0x8220]  }
0x3f5: {  	v37 =	vld [tilespmem:s8+$0x48A0]  }
0x3f6: {  	v38 =	vld [tilespmem:s8+$0x68A0]  }
0x3f7: {  	v39 =	vld [tilespmem:s15+$0x8230]  }
0x3f8: {  	v40 =	vld [tilespmem:s8+$0x48B0]  }
0x3f9: {  	v41 =	vld [tilespmem:s8+$0x68B0]  }
0x3fa: {  	v42 =	vld [tilespmem:s15+$0x8240]  }
0x3fb: {  	v43 =	vld [tilespmem:s8+$0x48C0]  }
0x3fc: {  	v44 =	vld [tilespmem:s8+$0x68C0]  }
0x3fd: {  	v45 =	vld [tilespmem:s15+$0x8250];
	v18 =	vmul.f32 v63, v62;
	v21 =	vmul.f32 v35, v34  }
0x3fe: {  	v46 =	vld [tilespmem:s8+$0x48D0];
	v47 =	vmul.f32 v38, v37  }
0x3ff: {  	v48 =	vld [tilespmem:s8+$0x68D0];
	v17 =	vmul.f32 v18, v17;
	v20 =	vmul.f32 v21, v33  }
0x400: {  	(v2sf) =	vpush v16, $0xE;
	v49 =	vld [tilespmem:s15+$0x8260]  }
0x401: {  	v52 =	vld [tilespmem:s8+$0x48E0];
	v51 =	vmul.f32 v41, v40;
	v50 =	vmul.f32 v47, v36;
	v17 =	vadd.f32 v20, v17  }
0x402: {  	v53 =	vld [tilespmem:s8+$0x68E0]  }
0x403: {  	v55 =	vld [tilespmem:s8+$0x48F0];
	v19 =	vmul.f32 v44, v43;
	v54 =	vmul.f32 v51, v39;
	v17 =	vadd.f32 v50, v17  }
0x404: {  	v56 =	vld [tilespmem:s8+$0x68F0]  }
0x405: {  	v19 =	vmul.f32 v19, v42;
	v18 =	vmul.f32 v48, v46;
	v17 =	vadd.f32 v54, v17  }
0x406: {  	v57 =	vld [tilespmem:s15+$0x8270]  }
0x407: {  	v58 =	vmul.f32 v53, v52;
	v18 =	vmul.f32 v18, v45;
	v17 =	vadd.f32 v19, v17;
	_ =	sdelay $0x1  }
0x408: {  	v60 =	vmul.f32 v56, v55;
	v59 =	vmul.f32 v58, v49;
	v17 =	vadd.f32 v18, v17;
	_ =	sdelay $0x1  }
0x409: {  	v61 =	vmul.f32 v60, v57;
	v17 =	vadd.f32 v59, v17;
	_ =	sdelay $0x1  }
0x40a: {  	v17 =	vadd.f32 v61, v17;
	_ =	sdelay $0x1  }
0x40b: {  	s15 =	spop (v2sf);
	[tilespmem:$0x8B80] =	vst v17  }
0x40c: {  	v17 =	vld [tilespmem:s15+$0x8200]  }
0x40d: {  	v62 =	vld [tilespmem:s8+$0x4900]  }
0x40e: {  	v63 =	vld [tilespmem:s8+$0x6900]  }
0x40f: {  	v33 =	vld [tilespmem:s15+$0x8210]  }
0x410: {  	v34 =	vld [tilespmem:s8+$0x4910]  }
0x411: {  	v35 =	vld [tilespmem:s8+$0x6910]  }
0x412: {  	v36 =	vld [tilespmem:s15+$0x8220]  }
0x413: {  	v37 =	vld [tilespmem:s8+$0x4920]  }
0x414: {  	v38 =	vld [tilespmem:s8+$0x6920]  }
0x415: {  	v39 =	vld [tilespmem:s15+$0x8230]  }
0x416: {  	v40 =	vld [tilespmem:s8+$0x4930]  }
0x417: {  	v41 =	vld [tilespmem:s8+$0x6930]  }
0x418: {  	v42 =	vld [tilespmem:s15+$0x8240]  }
0x419: {  	v43 =	vld [tilespmem:s8+$0x4940]  }
0x41a: {  	v44 =	vld [tilespmem:s8+$0x6940]  }
0x41b: {  	v45 =	vld [tilespmem:s15+$0x8250];
	v18 =	vmul.f32 v63, v62;
	v21 =	vmul.f32 v35, v34  }
0x41c: {  	v46 =	vld [tilespmem:s8+$0x4950];
	v47 =	vmul.f32 v38, v37  }
0x41d: {  	v48 =	vld [tilespmem:s8+$0x6950];
	v17 =	vmul.f32 v18, v17;
	v20 =	vmul.f32 v21, v33  }
0x41e: {  	(v2sf) =	vpush v16, $0xF;
	v16 =	vld [tilespmem:s15+$0x8260]  }
0x41f: {  	v51 =	vld [tilespmem:s8+$0x4960];
	v50 =	vmul.f32 v41, v40;
	v49 =	vmul.f32 v47, v36;
	v17 =	vadd.f32 v20, v17  }
0x420: {  	v52 =	vld [tilespmem:s8+$0x6960]  }
0x421: {  	v54 =	vld [tilespmem:s8+$0x4970];
	v19 =	vmul.f32 v44, v43;
	v53 =	vmul.f32 v50, v39;
	v17 =	vadd.f32 v49, v17  }
0x422: {  	v55 =	vld [tilespmem:s8+$0x6970]  }
0x423: {  	v19 =	vmul.f32 v19, v42;
	v18 =	vmul.f32 v48, v46;
	v17 =	vadd.f32 v53, v17  }
0x424: {  	v56 =	vld [tilespmem:s15+$0x8270]  }
0x425: {  	v57 =	vmul.f32 v52, v51;
	v18 =	vmul.f32 v18, v45;
	v17 =	vadd.f32 v19, v17;
	_ =	sdelay $0x1  }
0x426: {  	v58 =	vmul.f32 v55, v54;
	v16 =	vmul.f32 v57, v16;
	v17 =	vadd.f32 v18, v17;
	_ =	sdelay $0x1  }
0x427: {  	v16 =	vadd.f32 v16, v17;
	v17 =	vmul.f32 v58, v56;
	_ =	sdelay $0x1  }
0x428: {  	v16 =	vadd.f32 v17, v16;
	_ =	sdelay $0x1  }
0x429: {  	s15 =	spop (v2sf);
	[tilespmem:$0x8C00] =	vst v16  }
0x42a: {  	v16 =	vld [tilespmem:s15+$0x8200]  }
0x42b: {  	v17 =	vld [tilespmem:s8+$0x4980]  }
0x42c: {  	v59 =	vld [tilespmem:s8+$0x6980]  }
0x42d: {  	v60 =	vld [tilespmem:s15+$0x8210]  }
0x42e: {  	v61 =	vld [tilespmem:s8+$0x4990]  }
0x42f: {  	v62 =	vld [tilespmem:s8+$0x6990]  }
0x430: {  	v63 =	vld [tilespmem:s15+$0x8220]  }
0x431: {  	v32 =	vld [tilespmem:s8+$0x49A0]  }
0x432: {  	v33 =	vld [tilespmem:s8+$0x69A0]  }
0x433: {  	v34 =	vld [tilespmem:s15+$0x8230]  }
0x434: {  	v35 =	vld [tilespmem:s8+$0x49B0]  }
0x435: {  	v36 =	vld [tilespmem:s8+$0x69B0]  }
0x436: {  	v37 =	vld [tilespmem:s15+$0x8240]  }
0x437: {  	v38 =	vld [tilespmem:s8+$0x49C0]  }
0x438: {  	v39 =	vld [tilespmem:s8+$0x69C0]  }
0x439: {  	v40 =	vld [tilespmem:s15+$0x8250];
	v17 =	vmul.f32 v59, v17;
	v20 =	vmul.f32 v62, v61  }
0x43a: {  	v42 =	vld [tilespmem:s8+$0x69D0];
	v41 =	vmul.f32 v33, v32  }
0x43b: {  	v43 =	vld [tilespmem:s15+$0x8260];
	v16 =	vmul.f32 v17, v16;
	v19 =	vmul.f32 v20, v60  }
0x43c: {  	v17 =	vld [tilespmem:s8+$0x49D0]  }
0x43d: {  	v46 =	vld [tilespmem:s8+$0x49E0];
	v45 =	vmul.f32 v36, v35;
	v44 =	vmul.f32 v41, v63;
	v16 =	vadd.f32 v19, v16  }
0x43e: {  	v47 =	vld [tilespmem:s8+$0x69E0]  }
0x43f: {  	v49 =	vld [tilespmem:s8+$0x49F0];
	v18 =	vmul.f32 v39, v38;
	v48 =	vmul.f32 v45, v34;
	v16 =	vadd.f32 v44, v16  }
0x440: {  	v50 =	vld [tilespmem:s8+$0x69F0]  }
0x441: {  	v18 =	vmul.f32 v18, v37;
	v17 =	vmul.f32 v42, v17;
	v16 =	vadd.f32 v48, v16  }
0x442: {  	v51 =	vld [tilespmem:s15+$0x8270]  }
0x443: {  	v52 =	vmul.f32 v47, v46;
	v17 =	vmul.f32 v17, v40;
	v16 =	vadd.f32 v18, v16;
	_ =	sdelay $0x1  }
0x444: {  	v53 =	vmul.f32 v50, v49;
	v16 =	vadd.f32 v17, v16;
	v17 =	vmul.f32 v52, v43;
	_ =	sdelay $0x1  }
0x445: {  	v16 =	vadd.f32 v17, v16;
	v17 =	vmul.f32 v53, v51;
	_ =	sdelay $0x1  }
0x446: {  	v16 =	vadd.f32 v17, v16;
	_ =	sdelay $0x1  }
0x447: {  	[tilespmem:$0x8C80] =	vst v16  }
0x448: {  	v16 =	vld.idx.msk [tilespmem:v0+s28+$0x0], $0xffff  }
0x449: {  	v17 =	vld.idx.msk [tilespmem:v1+s28+$0x0], $0xffff;
	_ =	sdelay $0x1  }
0x44a: {  	v54 =	vld.idx.msk [tilespmem:v2+s28+$0x0], $0xffff;
	_ =	sdelay $0x1  }
0x44b: {  	v55 =	vld.idx.msk [tilespmem:v3+s28+$0x0], $0xffff  }
0x44c: {  	v16 =	vadd.f32 v17, v16  }
0x44d: {  	v17 =	vld.idx.msk [tilespmem:v4+s28+$0x0], $0xffff  }
0x44e: {  	v16 =	vadd.f32 v54, v16  }
0x44f: {  	v56 =	vld.idx.msk [tilespmem:v5+s28+$0x0], $0xffff  }
0x450: {  	v16 =	vadd.f32 v55, v16  }
0x451: {  	v57 =	vld.idx.msk [tilespmem:v6+s28+$0x0], $0xffff  }
0x452: {  	v16 =	vadd.f32 v17, v16  }
0x453: {  	v17 =	vld.idx.msk [tilespmem:v7+s28+$0x0], $0xffff  }
0x454: {  	v16 =	vadd.f32 v56, v16  }
0x455: {  	v58 =	vld.idx.msk [tilespmem:v8+s28+$0x0], $0xffff  }
0x456: {  	v16 =	vadd.f32 v57, v16  }
0x457: {  	v59 =	vld.idx.msk [tilespmem:v9+s28+$0x0], $0xffff  }
0x458: {  	v16 =	vadd.f32 v17, v16  }
0x459: {  	v17 =	vld.idx.msk [tilespmem:v10+s28+$0x0], $0xffff  }
0x45a: {  	v16 =	vadd.f32 v58, v16  }
0x45b: {  	v60 =	vld.idx.msk [tilespmem:v11+s28+$0x0], $0xffff  }
0x45c: {  	v16 =	vadd.f32 v59, v16  }
0x45d: {  	v61 =	vld.idx.msk [tilespmem:v12+s28+$0x0], $0xffff  }
0x45e: {  	v16 =	vadd.f32 v17, v16  }
0x45f: {  	v17 =	vld.idx.msk [tilespmem:v13+s28+$0x0], $0xffff  }
0x460: {  	v16 =	vadd.f32 v60, v16  }
0x461: {  	v62 =	vld.idx.msk [tilespmem:v14+s28+$0x0], $0xffff  }
0x462: {  	v16 =	vadd.f32 v61, v16  }
0x463: {  	v63 =	vld.idx.msk [tilespmem:v15+s28+$0x0], $0xffff  }
0x464: {  	v16 =	vadd.f32 v17, v16;
	_ =	sdelay $0x1  }
0x465: {  	v16 =	vadd.f32 v62, v16;
	_ =	sdelay $0x1  }
0x466: {  	v16 =	vadd.f32 v63, v16;
	_ =	sdelay $0x1  }
0x467: {  	v16 =	vsub.f32 $0.0e+00, v16;
	_ =	sdelay $0x1  }
0x468: {  	v16 =	vmul.f32 $1.442695020e+00, v16;
	_ =	sdelay $0x1  }
0x469: {  	(erf) = vpow2.f32 v16;
	_ =	sdelay $0x8  }
0x46a: {  	v16 =	vpop (erf)  }
0x46b: {  	v16 =	vadd.f32 $1.000000000e+00, v16;
	_ =	sdelay $0x1  }
0x46c: {  	(erf) = vrcp.f32 v16;
	_ =	sdelay $0x4  }
0x46d: {  	p1 =	sne.s32 s13, $0x3  }
.Ltmp3:
0x46e: {  	_ = 	snop;
	(pc) =	sbr.rel @p1 .LBB2_5-.Ltmp3, $3  }
0x46f: {  	_ =	sdelay $0x1  }
0x470: {  	v16 =	vpop (erf)  }
0x471: {  	s13 =	sadd.s32 $0x1, s13;
	[tilespmem:s16+$0x8D80] =	vst v16  }
.Ltmp4:
0x472: {  	(pc) =	sbr.rel @p2 .LBB2_8-.Ltmp4, $4  }
0x473: {  	s8 =	sadd.s32 s9, s11  }
0x474: {  	s8 =	sshrl.u32 s8, $0x3  }
0x475: {  	s8 =	sadd.s32 s6, s8  }
0x476: {  	[hbm4b:s8+s5] =	stream.linear.scatter [tilespmem:s31], [sflag:$0x6], $0x40, $0x38;
	[tilespmem:$0x1C680] =	vst v63  }
0x477: {  	s8 =	smul.u32 $0x180, s14;
	_ =	sdelay $0x1  }
0x478: {  	s8 =	sadd.s32 s8, s12  }
0x479: {  	s8 =	sshrl.u32 s8, $0x3  }
0x47a: {  	s8 =	sadd.s32 s1, s8  }
0x47b: {  	[tilespmem:s17], [sflag:$0x4] =	stream.linear.gather [hbm4b:s8+s5], $0xC0, $0x38;
	[tilespmem:$0x1C680] =	vst v63  }
0x47c: {  	_ =	swait.ge [sflag:s18], $0xC0  }
0x47d: {  	[sflag:s18] =	ssyncset.done $0x0  }
0x47e: {  	[sflag:s18] =	ssyncadd.s32 $0xFFFFFF40  }
0x47f: {  	[tilespmem:s20], [sflag:$0x1] =	stream.indirect.gather [spmem:s4], $0x80, s5, s19, $0xb8;
	[tilespmem:$0x1C680] =	vst v63  }
0x480: {  	_ = 	snop  }
0x481: {  	[tilespmem:s21], [sflag:$0x1] =	stream.indirect.gather [spmem:s4], $0x80, s19, s19, $0xb8;
	[tilespmem:$0x1C680] =	vst v63  }
0x482: {  	_ =	swait.ge [sflag:s22], $0xC0  }
.Ltmp5:
0x483: {  	[sflag:s22] =	ssyncset.done $0x0;
	(pc) =	sbr.rel .LBB2_2-.Ltmp5, $4  }
0x484: {  	[sflag:s22] =	ssyncadd.s32 $0xFFFFFF40  }
0x485: {  	[tilespmem:s23], [sflag:$0x2] =	stream.indirect.gather [spmem:s4], $0x80, s17, s19, $0xb8;
	[tilespmem:$0x1C680] =	vst v63  }
0x486: {  	s14 =	sadd.s32 $0x1, s14  }
0x487: {  	[tilespmem:s25], [sflag:$0x2] =	stream.indirect.gather [spmem:s4], $0x80, s24, s19, $0xb8;
	[tilespmem:$0x1C680] =	vst v63  }
.LBB2_9:
0x488: {  	_ =	sfence.sel $0x180000  }
0x489: {  	[bflag:$0x0] =	sbarrier.arrive $0xFFFF  }
0x48a: {  	_ =	strace $0x90000047  }
0x48b: {  	[bflag:$0x2] =	sbarrier.arrive $0xFFFF  }
0x48c: {  	s0 =	rddreg [dreg:$0x4]  }
0x48d: {  	s0 =	sadd.s32 @!p0 $0x100000, s0  }
0x48e: {  	[sflag:s0] =	ssyncadd.tile.s32 @!p0 $0x1;
	_ =	shalt  }
.Lfunc_end2:
_tile_overlayer_lowered:
.L_overlay_start_2:
0x48f: {  	(tag) =	ssettag $0x2  }
0x490: {  	s0 =	rddreg [dreg:$0x0];
	s2 =	stileid.u32  }
0x491: {  	s1 =	rddreg [dreg:$0x1];
	p0 =	sne.s32 s2, $0x0  }
0x492: {  	s3 =	rddreg [dreg:$0x2];
	[bflag:$0x3] =	sbarrier.arrive $0xFFFF;
	s2 =	simm.s32 @!p0 $0x1C07  }
0x493: {  	[timem:s3], [sflag:s2] =	dma.local @!p0 [hbm:s0], s1  }
0x494: {  	s0 =	simm.s32 @!p0 $0x7  }
0x495: {  	_ =	swait.ge @!p0 [sflag:s0], s1  }
0x496: {  	s1 =	ssub.s32 @!p0 $0x0, s1;
	[sflag:s0] =	ssyncset.done @!p0 $0x0  }
0x497: {  	[sflag:s0] =	ssyncadd.s32 @!p0 s1  }
0x498: {  	[bflag:$0x3] =	sbarrier.arrive $0xFFFF  }
0x499: {  	_ =	shalt  }

</sc_bundles>
